<compile_context>
chip_gen: v7x
topology: tpu7x:2x2x1
jax: 0.10.2.dev20260603
libtpu: 0.0.44.dev20260713+nightly
codegen_flags: <defaults>
</compile_context>

<pallas_src>
import functools

import jax
import jax.numpy as jnp
from jax import lax
from jax.experimental import pallas as pl
from jax.experimental.pallas import tpu as pltpu
from jax.experimental.pallas import tpu_sc as plsc

B = 16384
E = 64
A = 18
V = 1000000
CB = 32768
VPAD = ((V + CB - 1) // CB) * CB
CHUNK = 128


def _sc_info():
    try:
        info = plsc.get_sparse_core_info()
        return info.num_cores, info.num_subcores
    except Exception:
        return 2, 16


def _tc_ptable(embed_t, W, b):

    def mk(w_ref, b_ref, e_ref, *o_refs):
        e = e_ref[...].astype(jnp.bfloat16)
        w = w_ref[...].astype(jnp.bfloat16)
        m = lax.dot_general(
            w, e,
            (((1,), (0,)), ((), ())),
            preferred_element_type=jnp.float32,
        ) + b_ref[...]
        for a in range(A):
            o_refs[a][...] = m[a:a + 1, :].reshape(CB)

    return pl.pallas_call(
        mk,
        grid=(VPAD // CB,),
        in_specs=[
            pl.BlockSpec((A, E), lambda i: (0, 0)),
            pl.BlockSpec((A, 1), lambda i: (0, 0)),
            pl.BlockSpec((E, CB), lambda i: (0, i)),
        ],
        out_specs=[pl.BlockSpec((CB,), lambda i: (i,)) for _ in range(A)],
        out_shape=[jax.ShapeDtypeStruct((VPAD,), jnp.float32) for _ in range(A)],
    )(W, b.reshape(A, 1), embed_t)


def _sc_plookup(s0, s1, s2, ptabs):
    NC, NS = _sc_info()
    NW = NC * NS
    bpw = B // NW
    nch = bpw // CHUNK
    mesh = plsc.VectorSubcoreMesh(core_axis_name="c", subcore_axis_name="s")

    @functools.partial(
        pl.kernel,
        out_type=jax.ShapeDtypeStruct((A * B,), jnp.float32),
        mesh=mesh,
        scratch_types=[
            pltpu.VMEM((bpw,), jnp.int32),
            pltpu.VMEM((bpw,), jnp.int32),
            pltpu.VMEM((bpw,), jnp.int32),
            pltpu.VMEM((nch, CHUNK), jnp.int32),
            pltpu.VMEM((A * bpw,), jnp.float32),
            pltpu.SemaphoreType.DMA,
        ],
        compiler_params=pltpu.CompilerParams(use_tc_tiling_on_sc=False),
    )
    def lookup_kernel(s0_hbm, s1_hbm, s2_hbm, *rest):
        p_hbm = rest[:A]
        out = rest[A]
        s0_v, s1_v, s2_v, ids_v, g_v, sem = rest[A + 1:]
        wid = lax.axis_index("s") * NC + lax.axis_index("c")
        base = wid * bpw
        pltpu.sync_copy(s0_hbm.at[pl.ds(base, bpw)], s0_v)
        pltpu.sync_copy(s1_hbm.at[pl.ds(base, bpw)], s1_v)
        pltpu.sync_copy(s2_hbm.at[pl.ds(base, bpw)], s2_v)
        for g in range(bpw // 16):
            sl = pl.ds(g * 16, 16)
            ids = s0_v[sl] * 10000 + s1_v[sl] * 100 + s2_v[sl]
            ids_v[(g * 16) // CHUNK, pl.ds((g * 16) % CHUNK, 16)] = ids
        copies = [
            pltpu.async_copy(
                p_hbm[a].at[ids_v.at[j]],
                g_v.at[pl.ds(a * bpw + j * CHUNK, CHUNK)],
                sem,
            )
            for j in range(nch)
            for a in range(A)
        ]
        for cpy in copies:
            cpy.wait()
        for a in range(A):
            pltpu.sync_copy(
                g_v.at[pl.ds(a * bpw, bpw)],
                out.at[pl.ds(a * B + base, bpw)],
            )

    return lookup_kernel(s0, s1, s2, *ptabs)


def kernel(state, embed, W, b):
    s0, s1, s2 = state[:, 0], state[:, 1], state[:, 2]
    ptabs = _tc_ptable(embed.T, W, b)
    flat = _sc_plookup(s0, s1, s2, ptabs)
    return flat.reshape(A, B).T

# --- scband reference (transcript-rebuilt; emitter-appended) ---
"""Pipeline reference for scband-embedding-agent-77618648973795 (READ-ONLY COPY).

The authoritative reference and input builder live on the scoring server;
editing this copy changes nothing except your own understanding.
"""

import jax, jax.numpy as jnp
import numpy as np

FACTORS = (100, 100, 100)
S_N = 100 * 100 * 100  # 1,000,000
E_DIM = 64
A_N = 18
B = 16384


def setup_inputs(seed: int = 0) -> dict:
    key = jax.random.key(seed)
    k1, k2, k3 = jax.random.split(key, 3)
    # state factors: each column i in [0, FACTORS[i])
    state = jax.random.randint(k1, (B, 3), 0, 100, dtype=jnp.int32)
    # learned parameters per init_kwargs
    embed = jax.random.normal(k2, (S_N, E_DIM), dtype=jnp.float32) * 0.02
    W = jax.random.normal(k3, (A_N, E_DIM), dtype=jnp.float32) * (1.0 / np.sqrt(E_DIM))
    b = jnp.zeros((A_N,), dtype=jnp.float32)
    return {"state": state, "embed": embed, "W": W, "b": b}


def reference(state, embed, W, b):
    # State2ID: mixed-radix flattening of factored state into a single index,
    # strides = [prod(FACTORS[1:]), prod(FACTORS[2:]), 1] = [10000, 100, 1]
    strides = jnp.array([100 * 100, 100, 1], dtype=jnp.int32)
    ids = jnp.sum(state * strides[None, :], axis=-1)  # int32[B]
    # nn.Embedding lookup (gather)
    e = jnp.take(embed, ids, axis=0)  # [B, E_DIM]
    # nn.Linear(e_dim, a_n): x @ W^T + b
    logits = e @ W.T + b[None, :]  # [B, A_N]
    return logits

if __name__ == "__main__":
    import jax
    _d = setup_inputs()
    print(jax.jit(kernel)(*tuple(_d.values())))

</pallas_src>

<mosaic_0001>
#map = affine_map<(d0, d1) -> (0)>
module attributes {stable_mosaic.version = 14 : i64} {
  func.func @lookup_kernel(%arg0: i32, %arg1: i32, %arg2: memref<16384xi32, #tpu.memory_space<hbm>>, %arg3: memref<16384xi32, #tpu.memory_space<hbm>>, %arg4: memref<16384xi32, #tpu.memory_space<hbm>>, %arg5: memref<1015808xf32, #tpu.memory_space<hbm>>, %arg6: memref<1015808xf32, #tpu.memory_space<hbm>>, %arg7: memref<1015808xf32, #tpu.memory_space<hbm>>, %arg8: memref<1015808xf32, #tpu.memory_space<hbm>>, %arg9: memref<1015808xf32, #tpu.memory_space<hbm>>, %arg10: memref<1015808xf32, #tpu.memory_space<hbm>>, %arg11: memref<1015808xf32, #tpu.memory_space<hbm>>, %arg12: memref<1015808xf32, #tpu.memory_space<hbm>>, %arg13: memref<1015808xf32, #tpu.memory_space<hbm>>, %arg14: memref<1015808xf32, #tpu.memory_space<hbm>>, %arg15: memref<1015808xf32, #tpu.memory_space<hbm>>, %arg16: memref<1015808xf32, #tpu.memory_space<hbm>>, %arg17: memref<1015808xf32, #tpu.memory_space<hbm>>, %arg18: memref<1015808xf32, #tpu.memory_space<hbm>>, %arg19: memref<1015808xf32, #tpu.memory_space<hbm>>, %arg20: memref<1015808xf32, #tpu.memory_space<hbm>>, %arg21: memref<1015808xf32, #tpu.memory_space<hbm>>, %arg22: memref<1015808xf32, #tpu.memory_space<hbm>>, %arg23: memref<294912xf32, #tpu.memory_space<hbm>>, %arg24: memref<512xi32, #tpu.memory_space<vmem>>, %arg25: memref<512xi32, #tpu.memory_space<vmem>>, %arg26: memref<512xi32, #tpu.memory_space<vmem>>, %arg27: memref<4x128xi32, #tpu.memory_space<vmem>>, %arg28: memref<9216xf32, #tpu.memory_space<vmem>>, %arg29: memref<!tpu.dma_semaphore, #tpu.memory_space<semaphore_mem>>) attributes {dimension_semantics = [#tpu.dimension_semantics<core_parallel>, #tpu.dimension_semantics<subcore_parallel>], iteration_bounds = array<i64: 2, 16>, scalar_prefetch = 0 : i64, scratch_operands = 6 : i64, tpu.core_type = #tpu.core_type<sc_vector_subcore>, window_params = [{transform_indices = #map}, {transform_indices = #map}, {transform_indices = #map}, {transform_indices = #map}, {transform_indices = #map}, {transform_indices = #map}, {transform_indices = #map}, {transform_indices = #map}, {transform_indices = #map}, {transform_indices = #map}, {transform_indices = #map}, {transform_indices = #map}, {transform_indices = #map}, {transform_indices = #map}, {transform_indices = #map}, {transform_indices = #map}, {transform_indices = #map}, {transform_indices = #map}, {transform_indices = #map}, {transform_indices = #map}, {transform_indices = #map}, {transform_indices = #map}]} {
    %mul3A = arith.constant 2 : i32
    %mul3A_0 = arith.muli %arg1, %mul3A : i32
    %add3A = arith.addi %mul3A_0, %arg0 : i32
    %mul3A_1 = arith.constant 512 : i32
    %mul3A_2 = arith.muli %add3A, %mul3A_1 : i32
    "tpu.region"() ({
      %run_scoped3A = tpu.sem_alloc : memref<!tpu.dma_semaphore, #tpu.memory_space<semaphore_mem>>
      %dma_start3A_1923 = tpu.memref_slice %arg2[%mul3A_2] : memref<16384xi32, #tpu.memory_space<hbm>> -> memref<512xi32, #tpu.memory_space<hbm>>
      %dma_start3A_1924 = tpu.memref_slice %arg2[%mul3A_2] : memref<16384xi32, #tpu.memory_space<hbm>> -> memref<512xi32, #tpu.memory_space<hbm>>
      tpu.enqueue_dma source(%dma_start3A_1924 : memref<512xi32, #tpu.memory_space<hbm>>) target(%arg24 : memref<512xi32, #tpu.memory_space<vmem>>) target_semaphore(%run_scoped3A : memref<!tpu.dma_semaphore, #tpu.memory_space<semaphore_mem>>)
      %dma_wait3A_1925 = tpu.memref_slice %arg2[%mul3A_2] : memref<16384xi32, #tpu.memory_space<hbm>> -> memref<512xi32, #tpu.memory_space<hbm>>
      %dma_wait3A_1926 = tpu.memref_slice %arg2[%mul3A_2] : memref<16384xi32, #tpu.memory_space<hbm>> -> memref<512xi32, #tpu.memory_space<hbm>>
      tpu.wait_dma2 semaphore(%run_scoped3A : memref<!tpu.dma_semaphore, #tpu.memory_space<semaphore_mem>>) src(%dma_wait3A_1926 : memref<512xi32, #tpu.memory_space<hbm>>) dst(%arg24 : memref<512xi32, #tpu.memory_space<vmem>>)
      tpu.yield
    }) : () -> ()
    "tpu.region"() ({
      %run_scoped3A = tpu.sem_alloc : memref<!tpu.dma_semaphore, #tpu.memory_space<semaphore_mem>>
      %dma_start3A_1923 = tpu.memref_slice %arg3[%mul3A_2] : memref<16384xi32, #tpu.memory_space<hbm>> -> memref<512xi32, #tpu.memory_space<hbm>>
      %dma_start3A_1924 = tpu.memref_slice %arg3[%mul3A_2] : memref<16384xi32, #tpu.memory_space<hbm>> -> memref<512xi32, #tpu.memory_space<hbm>>
      tpu.enqueue_dma source(%dma_start3A_1924 : memref<512xi32, #tpu.memory_space<hbm>>) target(%arg25 : memref<512xi32, #tpu.memory_space<vmem>>) target_semaphore(%run_scoped3A : memref<!tpu.dma_semaphore, #tpu.memory_space<semaphore_mem>>)
      %dma_wait3A_1925 = tpu.memref_slice %arg3[%mul3A_2] : memref<16384xi32, #tpu.memory_space<hbm>> -> memref<512xi32, #tpu.memory_space<hbm>>
      %dma_wait3A_1926 = tpu.memref_slice %arg3[%mul3A_2] : memref<16384xi32, #tpu.memory_space<hbm>> -> memref<512xi32, #tpu.memory_space<hbm>>
      tpu.wait_dma2 semaphore(%run_scoped3A : memref<!tpu.dma_semaphore, #tpu.memory_space<semaphore_mem>>) src(%dma_wait3A_1926 : memref<512xi32, #tpu.memory_space<hbm>>) dst(%arg25 : memref<512xi32, #tpu.memory_space<vmem>>)
      tpu.yield
    }) : () -> ()
    "tpu.region"() ({
      %run_scoped3A = tpu.sem_alloc : memref<!tpu.dma_semaphore, #tpu.memory_space<semaphore_mem>>
      %dma_start3A_1923 = tpu.memref_slice %arg4[%mul3A_2] : memref<16384xi32, #tpu.memory_space<hbm>> -> memref<512xi32, #tpu.memory_space<hbm>>
      %dma_start3A_1924 = tpu.memref_slice %arg4[%mul3A_2] : memref<16384xi32, #tpu.memory_space<hbm>> -> memref<512xi32, #tpu.memory_space<hbm>>
      tpu.enqueue_dma source(%dma_start3A_1924 : memref<512xi32, #tpu.memory_space<hbm>>) target(%arg26 : memref<512xi32, #tpu.memory_space<vmem>>) target_semaphore(%run_scoped3A : memref<!tpu.dma_semaphore, #tpu.memory_space<semaphore_mem>>)
      %dma_wait3A_1925 = tpu.memref_slice %arg4[%mul3A_2] : memref<16384xi32, #tpu.memory_space<hbm>> -> memref<512xi32, #tpu.memory_space<hbm>>
      %dma_wait3A_1926 = tpu.memref_slice %arg4[%mul3A_2] : memref<16384xi32, #tpu.memory_space<hbm>> -> memref<512xi32, #tpu.memory_space<hbm>>
      tpu.wait_dma2 semaphore(%run_scoped3A : memref<!tpu.dma_semaphore, #tpu.memory_space<semaphore_mem>>) src(%dma_wait3A_1926 : memref<512xi32, #tpu.memory_space<hbm>>) dst(%arg26 : memref<512xi32, #tpu.memory_space<vmem>>)
      tpu.yield
    }) : () -> ()
    %get3A = arith.constant 0 : index
    %get3A_3 = tpu.vector_load %arg24[%get3A] {strides = array<i32>} : memref<512xi32, #tpu.memory_space<vmem>>, vector<16xi32>,
    %get3A_4 = vector.shape_cast %get3A_3 : vector<16xi32> to vector<16xi32>
    %mul3A_5 = arith.constant 10000 : i32
    %mul3A_6 = vector.broadcast %mul3A_5 : i32 to vector<16xi32>
    %mul3A_7 = arith.muli %get3A_4, %mul3A_6 : vector<16xi32>
    %get3A_8 = arith.constant 0 : index
    %get3A_9 = tpu.vector_load %arg25[%get3A_8] {strides = array<i32>} : memref<512xi32, #tpu.memory_space<vmem>>, vector<16xi32>,
    %get3A_10 = vector.shape_cast %get3A_9 : vector<16xi32> to vector<16xi32>
    %mul3A_11 = arith.constant 100 : i32
    %mul3A_12 = vector.broadcast %mul3A_11 : i32 to vector<16xi32>
    %mul3A_13 = arith.muli %get3A_10, %mul3A_12 : vector<16xi32>
    %add3A_14 = arith.addi %mul3A_7, %mul3A_13 : vector<16xi32>
    %get3A_15 = arith.constant 0 : index
    %get3A_16 = tpu.vector_load %arg26[%get3A_15] {strides = array<i32>} : memref<512xi32, #tpu.memory_space<vmem>>, vector<16xi32>,
    %get3A_17 = vector.shape_cast %get3A_16 : vector<16xi32> to vector<16xi32>
    %add3A_18 = arith.addi %add3A_14, %get3A_17 : vector<16xi32>
    %swap3A = arith.constant 0 : i32
    %swap3A_19 = arith.index_cast %swap3A : i32 to index
    %swap3A_20 = arith.constant 0 : index
    %swap3A_21 = tpu.vector_load %arg27[%swap3A_19, %swap3A_20] {strides = array<i32>} : memref<4x128xi32, #tpu.memory_space<vmem>>, vector<1x16xi32>,
    %swap3A_22 = vector.shape_cast %swap3A_21 : vector<1x16xi32> to vector<16xi32>
    %swap3A_23 = vector.shape_cast %add3A_18 : vector<16xi32> to vector<1x16xi32>
    tpu.vector_store %arg27[%swap3A_19, %swap3A_20], %swap3A_23 {strides = array<i32>} : memref<4x128xi32, #tpu.memory_space<vmem>>, vector<1x16xi32>,
    %get3A_24 = arith.constant 16 : index
    %get3A_25 = tpu.vector_load %arg24[%get3A_24] {strides = array<i32>} : memref<512xi32, #tpu.memory_space<vmem>>, vector<16xi32>,
    %get3A_26 = vector.shape_cast %get3A_25 : vector<16xi32> to vector<16xi32>
    %mul3A_27 = arith.constant 10000 : i32
    %mul3A_28 = vector.broadcast %mul3A_27 : i32 to vector<16xi32>
    %mul3A_29 = arith.muli %get3A_26, %mul3A_28 : vector<16xi32>
    %get3A_30 = arith.constant 16 : index
    %get3A_31 = tpu.vector_load %arg25[%get3A_30] {strides = array<i32>} : memref<512xi32, #tpu.memory_space<vmem>>, vector<16xi32>,
    %get3A_32 = vector.shape_cast %get3A_31 : vector<16xi32> to vector<16xi32>
    %mul3A_33 = arith.constant 100 : i32
    %mul3A_34 = vector.broadcast %mul3A_33 : i32 to vector<16xi32>
    %mul3A_35 = arith.muli %get3A_32, %mul3A_34 : vector<16xi32>
    %add3A_36 = arith.addi %mul3A_29, %mul3A_35 : vector<16xi32>
    %get3A_37 = arith.constant 16 : index
    %get3A_38 = tpu.vector_load %arg26[%get3A_37] {strides = array<i32>} : memref<512xi32, #tpu.memory_space<vmem>>, vector<16xi32>,
    %get3A_39 = vector.shape_cast %get3A_38 : vector<16xi32> to vector<16xi32>
    %add3A_40 = arith.addi %add3A_36, %get3A_39 : vector<16xi32>
    %swap3A_41 = arith.constant 0 : i32
    %swap3A_42 = arith.index_cast %swap3A_41 : i32 to index
    %swap3A_43 = arith.constant 16 : index
    %swap3A_44 = tpu.vector_load %arg27[%swap3A_42, %swap3A_43] {strides = array<i32>} : memref<4x128xi32, #tpu.memory_space<vmem>>, vector<1x16xi32>,
    %swap3A_45 = vector.shape_cast %swap3A_44 : vector<1x16xi32> to vector<16xi32>
    %swap3A_46 = vector.shape_cast %add3A_40 : vector<16xi32> to vector<1x16xi32>
    tpu.vector_store %arg27[%swap3A_42, %swap3A_43], %swap3A_46 {strides = array<i32>} : memref<4x128xi32, #tpu.memory_space<vmem>>, vector<1x16xi32>,
    %get3A_47 = arith.constant 32 : index
    %get3A_48 = tpu.vector_load %arg24[%get3A_47] {strides = array<i32>} : memref<512xi32, #tpu.memory_space<vmem>>, vector<16xi32>,
    %get3A_49 = vector.shape_cast %get3A_48 : vector<16xi32> to vector<16xi32>
    %mul3A_50 = arith.constant 10000 : i32
    %mul3A_51 = vector.broadcast %mul3A_50 : i32 to vector<16xi32>
    %mul3A_52 = arith.muli %get3A_49, %mul3A_51 : vector<16xi32>
    %get3A_53 = arith.constant 32 : index
    %get3A_54 = tpu.vector_load %arg25[%get3A_53] {strides = array<i32>} : memref<512xi32, #tpu.memory_space<vmem>>, vector<16xi32>,
    %get3A_55 = vector.shape_cast %get3A_54 : vector<16xi32> to vector<16xi32>
    %mul3A_56 = arith.constant 100 : i32
    %mul3A_57 = vector.broadcast %mul3A_56 : i32 to vector<16xi32>
    %mul3A_58 = arith.muli %get3A_55, %mul3A_57 : vector<16xi32>
    %add3A_59 = arith.addi %mul3A_52, %mul3A_58 : vector<16xi32>
    %get3A_60 = arith.constant 32 : index
    %get3A_61 = tpu.vector_load %arg26[%get3A_60] {strides = array<i32>} : memref<512xi32, #tpu.memory_space<vmem>>, vector<16xi32>,
    %get3A_62 = vector.shape_cast %get3A_61 : vector<16xi32> to vector<16xi32>
    %add3A_63 = arith.addi %add3A_59, %get3A_62 : vector<16xi32>
    %swap3A_64 = arith.constant 0 : i32
    %swap3A_65 = arith.index_cast %swap3A_64 : i32 to index
    %swap3A_66 = arith.constant 32 : index
    %swap3A_67 = tpu.vector_load %arg27[%swap3A_65, %swap3A_66] {strides = array<i32>} : memref<4x128xi32, #tpu.memory_space<vmem>>, vector<1x16xi32>,
    %swap3A_68 = vector.shape_cast %swap3A_67 : vector<1x16xi32> to vector<16xi32>
    %swap3A_69 = vector.shape_cast %add3A_63 : vector<16xi32> to vector<1x16xi32>
    tpu.vector_store %arg27[%swap3A_65, %swap3A_66], %swap3A_69 {strides = array<i32>} : memref<4x128xi32, #tpu.memory_space<vmem>>, vector<1x16xi32>,
    %get3A_70 = arith.constant 48 : index
    %get3A_71 = tpu.vector_load %arg24[%get3A_70] {strides = array<i32>} : memref<512xi32, #tpu.memory_space<vmem>>, vector<16xi32>,
    %get3A_72 = vector.shape_cast %get3A_71 : vector<16xi32> to vector<16xi32>
    %mul3A_73 = arith.constant 10000 : i32
    %mul3A_74 = vector.broadcast %mul3A_73 : i32 to vector<16xi32>
    %mul3A_75 = arith.muli %get3A_72, %mul3A_74 : vector<16xi32>
    %get3A_76 = arith.constant 48 : index
    %get3A_77 = tpu.vector_load %arg25[%get3A_76] {strides = array<i32>} : memref<512xi32, #tpu.memory_space<vmem>>, vector<16xi32>,
    %get3A_78 = vector.shape_cast %get3A_77 : vector<16xi32> to vector<16xi32>
    %mul3A_79 = arith.constant 100 : i32
    %mul3A_80 = vector.broadcast %mul3A_79 : i32 to vector<16xi32>
    %mul3A_81 = arith.muli %get3A_78, %mul3A_80 : vector<16xi32>
    %add3A_82 = arith.addi %mul3A_75, %mul3A_81 : vector<16xi32>
    %get3A_83 = arith.constant 48 : index
    %get3A_84 = tpu.vector_load %arg26[%get3A_83] {strides = array<i32>} : memref<512xi32, #tpu.memory_space<vmem>>, vector<16xi32>,
    %get3A_85 = vector.shape_cast %get3A_84 : vector<16xi32> to vector<16xi32>
    %add3A_86 = arith.addi %add3A_82, %get3A_85 : vector<16xi32>
    %swap3A_87 = arith.constant 0 : i32
    %swap3A_88 = arith.index_cast %swap3A_87 : i32 to index
    %swap3A_89 = arith.constant 48 : index
    %swap3A_90 = tpu.vector_load %arg27[%swap3A_88, %swap3A_89] {strides = array<i32>} : memref<4x128xi32, #tpu.memory_space<vmem>>, vector<1x16xi32>,
    %swap3A_91 = vector.shape_cast %swap3A_90 : vector<1x16xi32> to vector<16xi32>
    %swap3A_92 = vector.shape_cast %add3A_86 : vector<16xi32> to vector<1x16xi32>
    tpu.vector_store %arg27[%swap3A_88, %swap3A_89], %swap3A_92 {strides = array<i32>} : memref<4x128xi32, #tpu.memory_space<vmem>>, vector<1x16xi32>,
    %get3A_93 = arith.constant 64 : index
    %get3A_94 = tpu.vector_load %arg24[%get3A_93] {strides = array<i32>} : memref<512xi32, #tpu.memory_space<vmem>>, vector<16xi32>,
    %get3A_95 = vector.shape_cast %get3A_94 : vector<16xi32> to vector<16xi32>
    %mul3A_96 = arith.constant 10000 : i32
    %mul3A_97 = vector.broadcast %mul3A_96 : i32 to vector<16xi32>
    %mul3A_98 = arith.muli %get3A_95, %mul3A_97 : vector<16xi32>
    %get3A_99 = arith.constant 64 : index
    %get3A_100 = tpu.vector_load %arg25[%get3A_99] {strides = array<i32>} : memref<512xi32, #tpu.memory_space<vmem>>, vector<16xi32>,
    %get3A_101 = vector.shape_cast %get3A_100 : vector<16xi32> to vector<16xi32>
    %mul3A_102 = arith.constant 100 : i32
    %mul3A_103 = vector.broadcast %mul3A_102 : i32 to vector<16xi32>
    %mul3A_104 = arith.muli %get3A_101, %mul3A_103 : vector<16xi32>
    %add3A_105 = arith.addi %mul3A_98, %mul3A_104 : vector<16xi32>
    %get3A_106 = arith.constant 64 : index
    %get3A_107 = tpu.vector_load %arg26[%get3A_106] {strides = array<i32>} : memref<512xi32, #tpu.memory_space<vmem>>, vector<16xi32>,
    %get3A_108 = vector.shape_cast %get3A_107 : vector<16xi32> to vector<16xi32>
    %add3A_109 = arith.addi %add3A_105, %get3A_108 : vector<16xi32>
    %swap3A_110 = arith.constant 0 : i32
    %swap3A_111 = arith.index_cast %swap3A_110 : i32 to index
    %swap3A_112 = arith.constant 64 : index
    %swap3A_113 = tpu.vector_load %arg27[%swap3A_111, %swap3A_112] {strides = array<i32>} : memref<4x128xi32, #tpu.memory_space<vmem>>, vector<1x16xi32>,
    %swap3A_114 = vector.shape_cast %swap3A_113 : vector<1x16xi32> to vector<16xi32>
    %swap3A_115 = vector.shape_cast %add3A_109 : vector<16xi32> to vector<1x16xi32>
    tpu.vector_store %arg27[%swap3A_111, %swap3A_112], %swap3A_115 {strides = array<i32>} : memref<4x128xi32, #tpu.memory_space<vmem>>, vector<1x16xi32>,
    %get3A_116 = arith.constant 80 : index
    %get3A_117 = tpu.vector_load %arg24[%get3A_116] {strides = array<i32>} : memref<512xi32, #tpu.memory_space<vmem>>, vector<16xi32>,
    %get3A_118 = vector.shape_cast %get3A_117 : vector<16xi32> to vector<16xi32>
    %mul3A_119 = arith.constant 10000 : i32
    %mul3A_120 = vector.broadcast %mul3A_119 : i32 to vector<16xi32>
    %mul3A_121 = arith.muli %get3A_118, %mul3A_120 : vector<16xi32>
    %get3A_122 = arith.constant 80 : index
    %get3A_123 = tpu.vector_load %arg25[%get3A_122] {strides = array<i32>} : memref<512xi32, #tpu.memory_space<vmem>>, vector<16xi32>,
    %get3A_124 = vector.shape_cast %get3A_123 : vector<16xi32> to vector<16xi32>
    %mul3A_125 = arith.constant 100 : i32
    %mul3A_126 = vector.broadcast %mul3A_125 : i32 to vector<16xi32>
    %mul3A_127 = arith.muli %get3A_124, %mul3A_126 : vector<16xi32>
    %add3A_128 = arith.addi %mul3A_121, %mul3A_127 : vector<16xi32>
    %get3A_129 = arith.constant 80 : index
    %get3A_130 = tpu.vector_load %arg26[%get3A_129] {strides = array<i32>} : memref<512xi32, #tpu.memory_space<vmem>>, vector<16xi32>,
    %get3A_131 = vector.shape_cast %get3A_130 : vector<16xi32> to vector<16xi32>
    %add3A_132 = arith.addi %add3A_128, %get3A_131 : vector<16xi32>
    %swap3A_133 = arith.constant 0 : i32
    %swap3A_134 = arith.index_cast %swap3A_133 : i32 to index
    %swap3A_135 = arith.constant 80 : index
    %swap3A_136 = tpu.vector_load %arg27[%swap3A_134, %swap3A_135] {strides = array<i32>} : memref<4x128xi32, #tpu.memory_space<vmem>>, vector<1x16xi32>,
    %swap3A_137 = vector.shape_cast %swap3A_136 : vector<1x16xi32> to vector<16xi32>
    %swap3A_138 = vector.shape_cast %add3A_132 : vector<16xi32> to vector<1x16xi32>
    tpu.vector_store %arg27[%swap3A_134, %swap3A_135], %swap3A_138 {strides = array<i32>} : memref<4x128xi32, #tpu.memory_space<vmem>>, vector<1x16xi32>,
    %get3A_139 = arith.constant 96 : index
    %get3A_140 = tpu.vector_load %arg24[%get3A_139] {strides = array<i32>} : memref<512xi32, #tpu.memory_space<vmem>>, vector<16xi32>,
    %get3A_141 = vector.shape_cast %get3A_140 : vector<16xi32> to vector<16xi32>
    %mul3A_142 = arith.constant 10000 : i32
    %mul3A_143 = vector.broadcast %mul3A_142 : i32 to vector<16xi32>
    %mul3A_144 = arith.muli %get3A_141, %mul3A_143 : vector<16xi32>
    %get3A_145 = arith.constant 96 : index
    %get3A_146 = tpu.vector_load %arg25[%get3A_145] {strides = array<i32>} : memref<512xi32, #tpu.memory_space<vmem>>, vector<16xi32>,
    %get3A_147 = vector.shape_cast %get3A_146 : vector<16xi32> to vector<16xi32>
    %mul3A_148 = arith.constant 100 : i32
    %mul3A_149 = vector.broadcast %mul3A_148 : i32 to vector<16xi32>
    %mul3A_150 = arith.muli %get3A_147, %mul3A_149 : vector<16xi32>
    %add3A_151 = arith.addi %mul3A_144, %mul3A_150 : vector<16xi32>
    %get3A_152 = arith.constant 96 : index
    %get3A_153 = tpu.vector_load %arg26[%get3A_152] {strides = array<i32>} : memref<512xi32, #tpu.memory_space<vmem>>, vector<16xi32>,
    %get3A_154 = vector.shape_cast %get3A_153 : vector<16xi32> to vector<16xi32>
    %add3A_155 = arith.addi %add3A_151, %get3A_154 : vector<16xi32>
    %swap3A_156 = arith.constant 0 : i32
    %swap3A_157 = arith.index_cast %swap3A_156 : i32 to index
    %swap3A_158 = arith.constant 96 : index
    %swap3A_159 = tpu.vector_load %arg27[%swap3A_157, %swap3A_158] {strides = array<i32>} : memref<4x128xi32, #tpu.memory_space<vmem>>, vector<1x16xi32>,
    %swap3A_160 = vector.shape_cast %swap3A_159 : vector<1x16xi32> to vector<16xi32>
    %swap3A_161 = vector.shape_cast %add3A_155 : vector<16xi32> to vector<1x16xi32>
    tpu.vector_store %arg27[%swap3A_157, %swap3A_158], %swap3A_161 {strides = array<i32>} : memref<4x128xi32, #tpu.memory_space<vmem>>, vector<1x16xi32>,
    %get3A_162 = arith.constant 112 : index
    %get3A_163 = tpu.vector_load %arg24[%get3A_162] {strides = array<i32>} : memref<512xi32, #tpu.memory_space<vmem>>, vector<16xi32>,
    %get3A_164 = vector.shape_cast %get3A_163 : vector<16xi32> to vector<16xi32>
    %mul3A_165 = arith.constant 10000 : i32
    %mul3A_166 = vector.broadcast %mul3A_165 : i32 to vector<16xi32>
    %mul3A_167 = arith.muli %get3A_164, %mul3A_166 : vector<16xi32>
    %get3A_168 = arith.constant 112 : index
    %get3A_169 = tpu.vector_load %arg25[%get3A_168] {strides = array<i32>} : memref<512xi32, #tpu.memory_space<vmem>>, vector<16xi32>,
    %get3A_170 = vector.shape_cast %get3A_169 : vector<16xi32> to vector<16xi32>
    %mul3A_171 = arith.constant 100 : i32
    %mul3A_172 = vector.broadcast %mul3A_171 : i32 to vector<16xi32>
    %mul3A_173 = arith.muli %get3A_170, %mul3A_172 : vector<16xi32>
    %add3A_174 = arith.addi %mul3A_167, %mul3A_173 : vector<16xi32>
    %get3A_175 = arith.constant 112 : index
    %get3A_176 = tpu.vector_load %arg26[%get3A_175] {strides = array<i32>} : memref<512xi32, #tpu.memory_space<vmem>>, vector<16xi32>,
    %get3A_177 = vector.shape_cast %get3A_176 : vector<16xi32> to vector<16xi32>
    %add3A_178 = arith.addi %add3A_174, %get3A_177 : vector<16xi32>
    %swap3A_179 = arith.constant 0 : i32
    %swap3A_180 = arith.index_cast %swap3A_179 : i32 to index
    %swap3A_181 = arith.constant 112 : index
    %swap3A_182 = tpu.vector_load %arg27[%swap3A_180, %swap3A_181] {strides = array<i32>} : memref<4x128xi32, #tpu.memory_space<vmem>>, vector<1x16xi32>,
    %swap3A_183 = vector.shape_cast %swap3A_182 : vector<1x16xi32> to vector<16xi32>
    %swap3A_184 = vector.shape_cast %add3A_178 : vector<16xi32> to vector<1x16xi32>
    tpu.vector_store %arg27[%swap3A_180, %swap3A_181], %swap3A_184 {strides = array<i32>} : memref<4x128xi32, #tpu.memory_space<vmem>>, vector<1x16xi32>,
    %get3A_185 = arith.constant 128 : index
    %get3A_186 = tpu.vector_load %arg24[%get3A_185] {strides = array<i32>} : memref<512xi32, #tpu.memory_space<vmem>>, vector<16xi32>,
    %get3A_187 = vector.shape_cast %get3A_186 : vector<16xi32> to vector<16xi32>
    %mul3A_188 = arith.constant 10000 : i32
    %mul3A_189 = vector.broadcast %mul3A_188 : i32 to vector<16xi32>
    %mul3A_190 = arith.muli %get3A_187, %mul3A_189 : vector<16xi32>
    %get3A_191 = arith.constant 128 : index
    %get3A_192 = tpu.vector_load %arg25[%get3A_191] {strides = array<i32>} : memref<512xi32, #tpu.memory_space<vmem>>, vector<16xi32>,
    %get3A_193 = vector.shape_cast %get3A_192 : vector<16xi32> to vector<16xi32>
    %mul3A_194 = arith.constant 100 : i32
    %mul3A_195 = vector.broadcast %mul3A_194 : i32 to vector<16xi32>
    %mul3A_196 = arith.muli %get3A_193, %mul3A_195 : vector<16xi32>
    %add3A_197 = arith.addi %mul3A_190, %mul3A_196 : vector<16xi32>
    %get3A_198 = arith.constant 128 : index
    %get3A_199 = tpu.vector_load %arg26[%get3A_198] {strides = array<i32>} : memref<512xi32, #tpu.memory_space<vmem>>, vector<16xi32>,
    %get3A_200 = vector.shape_cast %get3A_199 : vector<16xi32> to vector<16xi32>
    %add3A_201 = arith.addi %add3A_197, %get3A_200 : vector<16xi32>
    %swap3A_202 = arith.constant 1 : i32
    %swap3A_203 = arith.index_cast %swap3A_202 : i32 to index
    %swap3A_204 = arith.constant 0 : index
    %swap3A_205 = tpu.vector_load %arg27[%swap3A_203, %swap3A_204] {strides = array<i32>} : memref<4x128xi32, #tpu.memory_space<vmem>>, vector<1x16xi32>,
    %swap3A_206 = vector.shape_cast %swap3A_205 : vector<1x16xi32> to vector<16xi32>
    %swap3A_207 = vector.shape_cast %add3A_201 : vector<16xi32> to vector<1x16xi32>
    tpu.vector_store %arg27[%swap3A_203, %swap3A_204], %swap3A_207 {strides = array<i32>} : memref<4x128xi32, #tpu.memory_space<vmem>>, vector<1x16xi32>,
    %get3A_208 = arith.constant 144 : index
    %get3A_209 = tpu.vector_load %arg24[%get3A_208] {strides = array<i32>} : memref<512xi32, #tpu.memory_space<vmem>>, vector<16xi32>,
    %get3A_210 = vector.shape_cast %get3A_209 : vector<16xi32> to vector<16xi32>
    %mul3A_211 = arith.constant 10000 : i32
    %mul3A_212 = vector.broadcast %mul3A_211 : i32 to vector<16xi32>
    %mul3A_213 = arith.muli %get3A_210, %mul3A_212 : vector<16xi32>
    %get3A_214 = arith.constant 144 : index
    %get3A_215 = tpu.vector_load %arg25[%get3A_214] {strides = array<i32>} : memref<512xi32, #tpu.memory_space<vmem>>, vector<16xi32>,
    %get3A_216 = vector.shape_cast %get3A_215 : vector<16xi32> to vector<16xi32>
    %mul3A_217 = arith.constant 100 : i32
    %mul3A_218 = vector.broadcast %mul3A_217 : i32 to vector<16xi32>
    %mul3A_219 = arith.muli %get3A_216, %mul3A_218 : vector<16xi32>
    %add3A_220 = arith.addi %mul3A_213, %mul3A_219 : vector<16xi32>
    %get3A_221 = arith.constant 144 : index
    %get3A_222 = tpu.vector_load %arg26[%get3A_221] {strides = array<i32>} : memref<512xi32, #tpu.memory_space<vmem>>, vector<16xi32>,
    %get3A_223 = vector.shape_cast %get3A_222 : vector<16xi32> to vector<16xi32>
    %add3A_224 = arith.addi %add3A_220, %get3A_223 : vector<16xi32>
    %swap3A_225 = arith.constant 1 : i32
    %swap3A_226 = arith.index_cast %swap3A_225 : i32 to index
    %swap3A_227 = arith.constant 16 : index
    %swap3A_228 = tpu.vector_load %arg27[%swap3A_226, %swap3A_227] {strides = array<i32>} : memref<4x128xi32, #tpu.memory_space<vmem>>, vector<1x16xi32>,
    %swap3A_229 = vector.shape_cast %swap3A_228 : vector<1x16xi32> to vector<16xi32>
    %swap3A_230 = vector.shape_cast %add3A_224 : vector<16xi32> to vector<1x16xi32>
    tpu.vector_store %arg27[%swap3A_226, %swap3A_227], %swap3A_230 {strides = array<i32>} : memref<4x128xi32, #tpu.memory_space<vmem>>, vector<1x16xi32>,
    %get3A_231 = arith.constant 160 : index
    %get3A_232 = tpu.vector_load %arg24[%get3A_231] {strides = array<i32>} : memref<512xi32, #tpu.memory_space<vmem>>, vector<16xi32>,
    %get3A_233 = vector.shape_cast %get3A_232 : vector<16xi32> to vector<16xi32>
    %mul3A_234 = arith.constant 10000 : i32
    %mul3A_235 = vector.broadcast %mul3A_234 : i32 to vector<16xi32>
    %mul3A_236 = arith.muli %get3A_233, %mul3A_235 : vector<16xi32>
    %get3A_237 = arith.constant 160 : index
    %get3A_238 = tpu.vector_load %arg25[%get3A_237] {strides = array<i32>} : memref<512xi32, #tpu.memory_space<vmem>>, vector<16xi32>,
    %get3A_239 = vector.shape_cast %get3A_238 : vector<16xi32> to vector<16xi32>
    %mul3A_240 = arith.constant 100 : i32
    %mul3A_241 = vector.broadcast %mul3A_240 : i32 to vector<16xi32>
    %mul3A_242 = arith.muli %get3A_239, %mul3A_241 : vector<16xi32>
    %add3A_243 = arith.addi %mul3A_236, %mul3A_242 : vector<16xi32>
    %get3A_244 = arith.constant 160 : index
    %get3A_245 = tpu.vector_load %arg26[%get3A_244] {strides = array<i32>} : memref<512xi32, #tpu.memory_space<vmem>>, vector<16xi32>,
    %get3A_246 = vector.shape_cast %get3A_245 : vector<16xi32> to vector<16xi32>
    %add3A_247 = arith.addi %add3A_243, %get3A_246 : vector<16xi32>
    %swap3A_248 = arith.constant 1 : i32
    %swap3A_249 = arith.index_cast %swap3A_248 : i32 to index
    %swap3A_250 = arith.constant 32 : index
    %swap3A_251 = tpu.vector_load %arg27[%swap3A_249, %swap3A_250] {strides = array<i32>} : memref<4x128xi32, #tpu.memory_space<vmem>>, vector<1x16xi32>,
    %swap3A_252 = vector.shape_cast %swap3A_251 : vector<1x16xi32> to vector<16xi32>
    %swap3A_253 = vector.shape_cast %add3A_247 : vector<16xi32> to vector<1x16xi32>
    tpu.vector_store %arg27[%swap3A_249, %swap3A_250], %swap3A_253 {strides = array<i32>} : memref<4x128xi32, #tpu.memory_space<vmem>>, vector<1x16xi32>,
    %get3A_254 = arith.constant 176 : index
    %get3A_255 = tpu.vector_load %arg24[%get3A_254] {strides = array<i32>} : memref<512xi32, #tpu.memory_space<vmem>>, vector<16xi32>,
    %get3A_256 = vector.shape_cast %get3A_255 : vector<16xi32> to vector<16xi32>
    %mul3A_257 = arith.constant 10000 : i32
    %mul3A_258 = vector.broadcast %mul3A_257 : i32 to vector<16xi32>
    %mul3A_259 = arith.muli %get3A_256, %mul3A_258 : vector<16xi32>
    %get3A_260 = arith.constant 176 : index
    %get3A_261 = tpu.vector_load %arg25[%get3A_260] {strides = array<i32>} : memref<512xi32, #tpu.memory_space<vmem>>, vector<16xi32>,
    %get3A_262 = vector.shape_cast %get3A_261 : vector<16xi32> to vector<16xi32>
    %mul3A_263 = arith.constant 100 : i32
    %mul3A_264 = vector.broadcast %mul3A_263 : i32 to vector<16xi32>
    %mul3A_265 = arith.muli %get3A_262, %mul3A_264 : vector<16xi32>
    %add3A_266 = arith.addi %mul3A_259, %mul3A_265 : vector<16xi32>
    %get3A_267 = arith.constant 176 : index
    %get3A_268 = tpu.vector_load %arg26[%get3A_267] {strides = array<i32>} : memref<512xi32, #tpu.memory_space<vmem>>, vector<16xi32>,
    %get3A_269 = vector.shape_cast %get3A_268 : vector<16xi32> to vector<16xi32>
    %add3A_270 = arith.addi %add3A_266, %get3A_269 : vector<16xi32>
    %swap3A_271 = arith.constant 1 : i32
    %swap3A_272 = arith.index_cast %swap3A_271 : i32 to index
    %swap3A_273 = arith.constant 48 : index
    %swap3A_274 = tpu.vector_load %arg27[%swap3A_272, %swap3A_273] {strides = array<i32>} : memref<4x128xi32, #tpu.memory_space<vmem>>, vector<1x16xi32>,
    %swap3A_275 = vector.shape_cast %swap3A_274 : vector<1x16xi32> to vector<16xi32>
    %swap3A_276 = vector.shape_cast %add3A_270 : vector<16xi32> to vector<1x16xi32>
    tpu.vector_store %arg27[%swap3A_272, %swap3A_273], %swap3A_276 {strides = array<i32>} : memref<4x128xi32, #tpu.memory_space<vmem>>, vector<1x16xi32>,
    %get3A_277 = arith.constant 192 : index
    %get3A_278 = tpu.vector_load %arg24[%get3A_277] {strides = array<i32>} : memref<512xi32, #tpu.memory_space<vmem>>, vector<16xi32>,
    %get3A_279 = vector.shape_cast %get3A_278 : vector<16xi32> to vector<16xi32>
    %mul3A_280 = arith.constant 10000 : i32
    %mul3A_281 = vector.broadcast %mul3A_280 : i32 to vector<16xi32>
    %mul3A_282 = arith.muli %get3A_279, %mul3A_281 : vector<16xi32>
    %get3A_283 = arith.constant 192 : index
    %get3A_284 = tpu.vector_load %arg25[%get3A_283] {strides = array<i32>} : memref<512xi32, #tpu.memory_space<vmem>>, vector<16xi32>,
    %get3A_285 = vector.shape_cast %get3A_284 : vector<16xi32> to vector<16xi32>
    %mul3A_286 = arith.constant 100 : i32
    %mul3A_287 = vector.broadcast %mul3A_286 : i32 to vector<16xi32>
    %mul3A_288 = arith.muli %get3A_285, %mul3A_287 : vector<16xi32>
    %add3A_289 = arith.addi %mul3A_282, %mul3A_288 : vector<16xi32>
    %get3A_290 = arith.constant 192 : index
    %get3A_291 = tpu.vector_load %arg26[%get3A_290] {strides = array<i32>} : memref<512xi32, #tpu.memory_space<vmem>>, vector<16xi32>,
    %get3A_292 = vector.shape_cast %get3A_291 : vector<16xi32> to vector<16xi32>
    %add3A_293 = arith.addi %add3A_289, %get3A_292 : vector<16xi32>
    %swap3A_294 = arith.constant 1 : i32
    %swap3A_295 = arith.index_cast %swap3A_294 : i32 to index
    %swap3A_296 = arith.constant 64 : index
    %swap3A_297 = tpu.vector_load %arg27[%swap3A_295, %swap3A_296] {strides = array<i32>} : memref<4x128xi32, #tpu.memory_space<vmem>>, vector<1x16xi32>,
    %swap3A_298 = vector.shape_cast %swap3A_297 : vector<1x16xi32> to vector<16xi32>
    %swap3A_299 = vector.shape_cast %add3A_293 : vector<16xi32> to vector<1x16xi32>
    tpu.vector_store %arg27[%swap3A_295, %swap3A_296], %swap3A_299 {strides = array<i32>} : memref<4x128xi32, #tpu.memory_space<vmem>>, vector<1x16xi32>,
    %get3A_300 = arith.constant 208 : index
    %get3A_301 = tpu.vector_load %arg24[%get3A_300] {strides = array<i32>} : memref<512xi32, #tpu.memory_space<vmem>>, vector<16xi32>,
    %get3A_302 = vector.shape_cast %get3A_301 : vector<16xi32> to vector<16xi32>
    %mul3A_303 = arith.constant 10000 : i32
    %mul3A_304 = vector.broadcast %mul3A_303 : i32 to vector<16xi32>
    %mul3A_305 = arith.muli %get3A_302, %mul3A_304 : vector<16xi32>
    %get3A_306 = arith.constant 208 : index
    %get3A_307 = tpu.vector_load %arg25[%get3A_306] {strides = array<i32>} : memref<512xi32, #tpu.memory_space<vmem>>, vector<16xi32>,
    %get3A_308 = vector.shape_cast %get3A_307 : vector<16xi32> to vector<16xi32>
    %mul3A_309 = arith.constant 100 : i32
    %mul3A_310 = vector.broadcast %mul3A_309 : i32 to vector<16xi32>
    %mul3A_311 = arith.muli %get3A_308, %mul3A_310 : vector<16xi32>
    %add3A_312 = arith.addi %mul3A_305, %mul3A_311 : vector<16xi32>
    %get3A_313 = arith.constant 208 : index
    %get3A_314 = tpu.vector_load %arg26[%get3A_313] {strides = array<i32>} : memref<512xi32, #tpu.memory_space<vmem>>, vector<16xi32>,
    %get3A_315 = vector.shape_cast %get3A_314 : vector<16xi32> to vector<16xi32>
    %add3A_316 = arith.addi %add3A_312, %get3A_315 : vector<16xi32>
    %swap3A_317 = arith.constant 1 : i32
    %swap3A_318 = arith.index_cast %swap3A_317 : i32 to index
    %swap3A_319 = arith.constant 80 : index
    %swap3A_320 = tpu.vector_load %arg27[%swap3A_318, %swap3A_319] {strides = array<i32>} : memref<4x128xi32, #tpu.memory_space<vmem>>, vector<1x16xi32>,
    %swap3A_321 = vector.shape_cast %swap3A_320 : vector<1x16xi32> to vector<16xi32>
    %swap3A_322 = vector.shape_cast %add3A_316 : vector<16xi32> to vector<1x16xi32>
    tpu.vector_store %arg27[%swap3A_318, %swap3A_319], %swap3A_322 {strides = array<i32>} : memref<4x128xi32, #tpu.memory_space<vmem>>, vector<1x16xi32>,
    %get3A_323 = arith.constant 224 : index
    %get3A_324 = tpu.vector_load %arg24[%get3A_323] {strides = array<i32>} : memref<512xi32, #tpu.memory_space<vmem>>, vector<16xi32>,
    %get3A_325 = vector.shape_cast %get3A_324 : vector<16xi32> to vector<16xi32>
    %mul3A_326 = arith.constant 10000 : i32
    %mul3A_327 = vector.broadcast %mul3A_326 : i32 to vector<16xi32>
    %mul3A_328 = arith.muli %get3A_325, %mul3A_327 : vector<16xi32>
    %get3A_329 = arith.constant 224 : index
    %get3A_330 = tpu.vector_load %arg25[%get3A_329] {strides = array<i32>} : memref<512xi32, #tpu.memory_space<vmem>>, vector<16xi32>,
    %get3A_331 = vector.shape_cast %get3A_330 : vector<16xi32> to vector<16xi32>
    %mul3A_332 = arith.constant 100 : i32
    %mul3A_333 = vector.broadcast %mul3A_332 : i32 to vector<16xi32>
    %mul3A_334 = arith.muli %get3A_331, %mul3A_333 : vector<16xi32>
    %add3A_335 = arith.addi %mul3A_328, %mul3A_334 : vector<16xi32>
    %get3A_336 = arith.constant 224 : index
    %get3A_337 = tpu.vector_load %arg26[%get3A_336] {strides = array<i32>} : memref<512xi32, #tpu.memory_space<vmem>>, vector<16xi32>,
    %get3A_338 = vector.shape_cast %get3A_337 : vector<16xi32> to vector<16xi32>
    %add3A_339 = arith.addi %add3A_335, %get3A_338 : vector<16xi32>
    %swap3A_340 = arith.constant 1 : i32
    %swap3A_341 = arith.index_cast %swap3A_340 : i32 to index
    %swap3A_342 = arith.constant 96 : index
    %swap3A_343 = tpu.vector_load %arg27[%swap3A_341, %swap3A_342] {strides = array<i32>} : memref<4x128xi32, #tpu.memory_space<vmem>>, vector<1x16xi32>,
    %swap3A_344 = vector.shape_cast %swap3A_343 : vector<1x16xi32> to vector<16xi32>
    %swap3A_345 = vector.shape_cast %add3A_339 : vector<16xi32> to vector<1x16xi32>
    tpu.vector_store %arg27[%swap3A_341, %swap3A_342], %swap3A_345 {strides = array<i32>} : memref<4x128xi32, #tpu.memory_space<vmem>>, vector<1x16xi32>,
    %get3A_346 = arith.constant 240 : index
    %get3A_347 = tpu.vector_load %arg24[%get3A_346] {strides = array<i32>} : memref<512xi32, #tpu.memory_space<vmem>>, vector<16xi32>,
    %get3A_348 = vector.shape_cast %get3A_347 : vector<16xi32> to vector<16xi32>
    %mul3A_349 = arith.constant 10000 : i32
    %mul3A_350 = vector.broadcast %mul3A_349 : i32 to vector<16xi32>
    %mul3A_351 = arith.muli %get3A_348, %mul3A_350 : vector<16xi32>
    %get3A_352 = arith.constant 240 : index
    %get3A_353 = tpu.vector_load %arg25[%get3A_352] {strides = array<i32>} : memref<512xi32, #tpu.memory_space<vmem>>, vector<16xi32>,
    %get3A_354 = vector.shape_cast %get3A_353 : vector<16xi32> to vector<16xi32>
    %mul3A_355 = arith.constant 100 : i32
    %mul3A_356 = vector.broadcast %mul3A_355 : i32 to vector<16xi32>
    %mul3A_357 = arith.muli %get3A_354, %mul3A_356 : vector<16xi32>
    %add3A_358 = arith.addi %mul3A_351, %mul3A_357 : vector<16xi32>
    %get3A_359 = arith.constant 240 : index
    %get3A_360 = tpu.vector_load %arg26[%get3A_359] {strides = array<i32>} : memref<512xi32, #tpu.memory_space<vmem>>, vector<16xi32>,
    %get3A_361 = vector.shape_cast %get3A_360 : vector<16xi32> to vector<16xi32>
    %add3A_362 = arith.addi %add3A_358, %get3A_361 : vector<16xi32>
    %swap3A_363 = arith.constant 1 : i32
    %swap3A_364 = arith.index_cast %swap3A_363 : i32 to index
    %swap3A_365 = arith.constant 112 : index
    %swap3A_366 = tpu.vector_load %arg27[%swap3A_364, %swap3A_365] {strides = array<i32>} : memref<4x128xi32, #tpu.memory_space<vmem>>, vector<1x16xi32>,
    %swap3A_367 = vector.shape_cast %swap3A_366 : vector<1x16xi32> to vector<16xi32>
    %swap3A_368 = vector.shape_cast %add3A_362 : vector<16xi32> to vector<1x16xi32>
    tpu.vector_store %arg27[%swap3A_364, %swap3A_365], %swap3A_368 {strides = array<i32>} : memref<4x128xi32, #tpu.memory_space<vmem>>, vector<1x16xi32>,
    %get3A_369 = arith.constant 256 : index
    %get3A_370 = tpu.vector_load %arg24[%get3A_369] {strides = array<i32>} : memref<512xi32, #tpu.memory_space<vmem>>, vector<16xi32>,
    %get3A_371 = vector.shape_cast %get3A_370 : vector<16xi32> to vector<16xi32>
    %mul3A_372 = arith.constant 10000 : i32
    %mul3A_373 = vector.broadcast %mul3A_372 : i32 to vector<16xi32>
    %mul3A_374 = arith.muli %get3A_371, %mul3A_373 : vector<16xi32>
    %get3A_375 = arith.constant 256 : index
    %get3A_376 = tpu.vector_load %arg25[%get3A_375] {strides = array<i32>} : memref<512xi32, #tpu.memory_space<vmem>>, vector<16xi32>,
    %get3A_377 = vector.shape_cast %get3A_376 : vector<16xi32> to vector<16xi32>
    %mul3A_378 = arith.constant 100 : i32
    %mul3A_379 = vector.broadcast %mul3A_378 : i32 to vector<16xi32>
    %mul3A_380 = arith.muli %get3A_377, %mul3A_379 : vector<16xi32>
    %add3A_381 = arith.addi %mul3A_374, %mul3A_380 : vector<16xi32>
    %get3A_382 = arith.constant 256 : index
    %get3A_383 = tpu.vector_load %arg26[%get3A_382] {strides = array<i32>} : memref<512xi32, #tpu.memory_space<vmem>>, vector<16xi32>,
    %get3A_384 = vector.shape_cast %get3A_383 : vector<16xi32> to vector<16xi32>
    %add3A_385 = arith.addi %add3A_381, %get3A_384 : vector<16xi32>
    %swap3A_386 = arith.constant 2 : i32
    %swap3A_387 = arith.index_cast %swap3A_386 : i32 to index
    %swap3A_388 = arith.constant 0 : index
    %swap3A_389 = tpu.vector_load %arg27[%swap3A_387, %swap3A_388] {strides = array<i32>} : memref<4x128xi32, #tpu.memory_space<vmem>>, vector<1x16xi32>,
    %swap3A_390 = vector.shape_cast %swap3A_389 : vector<1x16xi32> to vector<16xi32>
    %swap3A_391 = vector.shape_cast %add3A_385 : vector<16xi32> to vector<1x16xi32>
    tpu.vector_store %arg27[%swap3A_387, %swap3A_388], %swap3A_391 {strides = array<i32>} : memref<4x128xi32, #tpu.memory_space<vmem>>, vector<1x16xi32>,
    %get3A_392 = arith.constant 272 : index
    %get3A_393 = tpu.vector_load %arg24[%get3A_392] {strides = array<i32>} : memref<512xi32, #tpu.memory_space<vmem>>, vector<16xi32>,
    %get3A_394 = vector.shape_cast %get3A_393 : vector<16xi32> to vector<16xi32>
    %mul3A_395 = arith.constant 10000 : i32
    %mul3A_396 = vector.broadcast %mul3A_395 : i32 to vector<16xi32>
    %mul3A_397 = arith.muli %get3A_394, %mul3A_396 : vector<16xi32>
    %get3A_398 = arith.constant 272 : index
    %get3A_399 = tpu.vector_load %arg25[%get3A_398] {strides = array<i32>} : memref<512xi32, #tpu.memory_space<vmem>>, vector<16xi32>,
    %get3A_400 = vector.shape_cast %get3A_399 : vector<16xi32> to vector<16xi32>
    %mul3A_401 = arith.constant 100 : i32
    %mul3A_402 = vector.broadcast %mul3A_401 : i32 to vector<16xi32>
    %mul3A_403 = arith.muli %get3A_400, %mul3A_402 : vector<16xi32>
    %add3A_404 = arith.addi %mul3A_397, %mul3A_403 : vector<16xi32>
    %get3A_405 = arith.constant 272 : index
    %get3A_406 = tpu.vector_load %arg26[%get3A_405] {strides = array<i32>} : memref<512xi32, #tpu.memory_space<vmem>>, vector<16xi32>,
    %get3A_407 = vector.shape_cast %get3A_406 : vector<16xi32> to vector<16xi32>
    %add3A_408 = arith.addi %add3A_404, %get3A_407 : vector<16xi32>
    %swap3A_409 = arith.constant 2 : i32
    %swap3A_410 = arith.index_cast %swap3A_409 : i32 to index
    %swap3A_411 = arith.constant 16 : index
    %swap3A_412 = tpu.vector_load %arg27[%swap3A_410, %swap3A_411] {strides = array<i32>} : memref<4x128xi32, #tpu.memory_space<vmem>>, vector<1x16xi32>,
    %swap3A_413 = vector.shape_cast %swap3A_412 : vector<1x16xi32> to vector<16xi32>
    %swap3A_414 = vector.shape_cast %add3A_408 : vector<16xi32> to vector<1x16xi32>
    tpu.vector_store %arg27[%swap3A_410, %swap3A_411], %swap3A_414 {strides = array<i32>} : memref<4x128xi32, #tpu.memory_space<vmem>>, vector<1x16xi32>,
    %get3A_415 = arith.constant 288 : index
    %get3A_416 = tpu.vector_load %arg24[%get3A_415] {strides = array<i32>} : memref<512xi32, #tpu.memory_space<vmem>>, vector<16xi32>,
    %get3A_417 = vector.shape_cast %get3A_416 : vector<16xi32> to vector<16xi32>
    %mul3A_418 = arith.constant 10000 : i32
    %mul3A_419 = vector.broadcast %mul3A_418 : i32 to vector<16xi32>
    %mul3A_420 = arith.muli %get3A_417, %mul3A_419 : vector<16xi32>
    %get3A_421 = arith.constant 288 : index
    %get3A_422 = tpu.vector_load %arg25[%get3A_421] {strides = array<i32>} : memref<512xi32, #tpu.memory_space<vmem>>, vector<16xi32>,
    %get3A_423 = vector.shape_cast %get3A_422 : vector<16xi32> to vector<16xi32>
    %mul3A_424 = arith.constant 100 : i32
    %mul3A_425 = vector.broadcast %mul3A_424 : i32 to vector<16xi32>
    %mul3A_426 = arith.muli %get3A_423, %mul3A_425 : vector<16xi32>
    %add3A_427 = arith.addi %mul3A_420, %mul3A_426 : vector<16xi32>
    %get3A_428 = arith.constant 288 : index
    %get3A_429 = tpu.vector_load %arg26[%get3A_428] {strides = array<i32>} : memref<512xi32, #tpu.memory_space<vmem>>, vector<16xi32>,
    %get3A_430 = vector.shape_cast %get3A_429 : vector<16xi32> to vector<16xi32>
    %add3A_431 = arith.addi %add3A_427, %get3A_430 : vector<16xi32>
    %swap3A_432 = arith.constant 2 : i32
    %swap3A_433 = arith.index_cast %swap3A_432 : i32 to index
    %swap3A_434 = arith.constant 32 : index
    %swap3A_435 = tpu.vector_load %arg27[%swap3A_433, %swap3A_434] {strides = array<i32>} : memref<4x128xi32, #tpu.memory_space<vmem>>, vector<1x16xi32>,
    %swap3A_436 = vector.shape_cast %swap3A_435 : vector<1x16xi32> to vector<16xi32>
    %swap3A_437 = vector.shape_cast %add3A_431 : vector<16xi32> to vector<1x16xi32>
    tpu.vector_store %arg27[%swap3A_433, %swap3A_434], %swap3A_437 {strides = array<i32>} : memref<4x128xi32, #tpu.memory_space<vmem>>, vector<1x16xi32>,
    %get3A_438 = arith.constant 304 : index
    %get3A_439 = tpu.vector_load %arg24[%get3A_438] {strides = array<i32>} : memref<512xi32, #tpu.memory_space<vmem>>, vector<16xi32>,
    %get3A_440 = vector.shape_cast %get3A_439 : vector<16xi32> to vector<16xi32>
    %mul3A_441 = arith.constant 10000 : i32
    %mul3A_442 = vector.broadcast %mul3A_441 : i32 to vector<16xi32>
    %mul3A_443 = arith.muli %get3A_440, %mul3A_442 : vector<16xi32>
    %get3A_444 = arith.constant 304 : index
    %get3A_445 = tpu.vector_load %arg25[%get3A_444] {strides = array<i32>} : memref<512xi32, #tpu.memory_space<vmem>>, vector<16xi32>,
    %get3A_446 = vector.shape_cast %get3A_445 : vector<16xi32> to vector<16xi32>
    %mul3A_447 = arith.constant 100 : i32
    %mul3A_448 = vector.broadcast %mul3A_447 : i32 to vector<16xi32>
    %mul3A_449 = arith.muli %get3A_446, %mul3A_448 : vector<16xi32>
    %add3A_450 = arith.addi %mul3A_443, %mul3A_449 : vector<16xi32>
    %get3A_451 = arith.constant 304 : index
    %get3A_452 = tpu.vector_load %arg26[%get3A_451] {strides = array<i32>} : memref<512xi32, #tpu.memory_space<vmem>>, vector<16xi32>,
    %get3A_453 = vector.shape_cast %get3A_452 : vector<16xi32> to vector<16xi32>
    %add3A_454 = arith.addi %add3A_450, %get3A_453 : vector<16xi32>
    %swap3A_455 = arith.constant 2 : i32
    %swap3A_456 = arith.index_cast %swap3A_455 : i32 to index
    %swap3A_457 = arith.constant 48 : index
    %swap3A_458 = tpu.vector_load %arg27[%swap3A_456, %swap3A_457] {strides = array<i32>} : memref<4x128xi32, #tpu.memory_space<vmem>>, vector<1x16xi32>,
    %swap3A_459 = vector.shape_cast %swap3A_458 : vector<1x16xi32> to vector<16xi32>
    %swap3A_460 = vector.shape_cast %add3A_454 : vector<16xi32> to vector<1x16xi32>
    tpu.vector_store %arg27[%swap3A_456, %swap3A_457], %swap3A_460 {strides = array<i32>} : memref<4x128xi32, #tpu.memory_space<vmem>>, vector<1x16xi32>,
    %get3A_461 = arith.constant 320 : index
    %get3A_462 = tpu.vector_load %arg24[%get3A_461] {strides = array<i32>} : memref<512xi32, #tpu.memory_space<vmem>>, vector<16xi32>,
    %get3A_463 = vector.shape_cast %get3A_462 : vector<16xi32> to vector<16xi32>
    %mul3A_464 = arith.constant 10000 : i32
    %mul3A_465 = vector.broadcast %mul3A_464 : i32 to vector<16xi32>
    %mul3A_466 = arith.muli %get3A_463, %mul3A_465 : vector<16xi32>
    %get3A_467 = arith.constant 320 : index
    %get3A_468 = tpu.vector_load %arg25[%get3A_467] {strides = array<i32>} : memref<512xi32, #tpu.memory_space<vmem>>, vector<16xi32>,
    %get3A_469 = vector.shape_cast %get3A_468 : vector<16xi32> to vector<16xi32>
    %mul3A_470 = arith.constant 100 : i32
    %mul3A_471 = vector.broadcast %mul3A_470 : i32 to vector<16xi32>
    %mul3A_472 = arith.muli %get3A_469, %mul3A_471 : vector<16xi32>
    %add3A_473 = arith.addi %mul3A_466, %mul3A_472 : vector<16xi32>
    %get3A_474 = arith.constant 320 : index
    %get3A_475 = tpu.vector_load %arg26[%get3A_474] {strides = array<i32>} : memref<512xi32, #tpu.memory_space<vmem>>, vector<16xi32>,
    %get3A_476 = vector.shape_cast %get3A_475 : vector<16xi32> to vector<16xi32>
    %add3A_477 = arith.addi %add3A_473, %get3A_476 : vector<16xi32>
    %swap3A_478 = arith.constant 2 : i32
    %swap3A_479 = arith.index_cast %swap3A_478 : i32 to index
    %swap3A_480 = arith.constant 64 : index
    %swap3A_481 = tpu.vector_load %arg27[%swap3A_479, %swap3A_480] {strides = array<i32>} : memref<4x128xi32, #tpu.memory_space<vmem>>, vector<1x16xi32>,
    %swap3A_482 = vector.shape_cast %swap3A_481 : vector<1x16xi32> to vector<16xi32>
    %swap3A_483 = vector.shape_cast %add3A_477 : vector<16xi32> to vector<1x16xi32>
    tpu.vector_store %arg27[%swap3A_479, %swap3A_480], %swap3A_483 {strides = array<i32>} : memref<4x128xi32, #tpu.memory_space<vmem>>, vector<1x16xi32>,
    %get3A_484 = arith.constant 336 : index
    %get3A_485 = tpu.vector_load %arg24[%get3A_484] {strides = array<i32>} : memref<512xi32, #tpu.memory_space<vmem>>, vector<16xi32>,
    %get3A_486 = vector.shape_cast %get3A_485 : vector<16xi32> to vector<16xi32>
    %mul3A_487 = arith.constant 10000 : i32
    %mul3A_488 = vector.broadcast %mul3A_487 : i32 to vector<16xi32>
    %mul3A_489 = arith.muli %get3A_486, %mul3A_488 : vector<16xi32>
    %get3A_490 = arith.constant 336 : index
    %get3A_491 = tpu.vector_load %arg25[%get3A_490] {strides = array<i32>} : memref<512xi32, #tpu.memory_space<vmem>>, vector<16xi32>,
    %get3A_492 = vector.shape_cast %get3A_491 : vector<16xi32> to vector<16xi32>
    %mul3A_493 = arith.constant 100 : i32
    %mul3A_494 = vector.broadcast %mul3A_493 : i32 to vector<16xi32>
    %mul3A_495 = arith.muli %get3A_492, %mul3A_494 : vector<16xi32>
    %add3A_496 = arith.addi %mul3A_489, %mul3A_495 : vector<16xi32>
    %get3A_497 = arith.constant 336 : index
    %get3A_498 = tpu.vector_load %arg26[%get3A_497] {strides = array<i32>} : memref<512xi32, #tpu.memory_space<vmem>>, vector<16xi32>,
    %get3A_499 = vector.shape_cast %get3A_498 : vector<16xi32> to vector<16xi32>
    %add3A_500 = arith.addi %add3A_496, %get3A_499 : vector<16xi32>
    %swap3A_501 = arith.constant 2 : i32
    %swap3A_502 = arith.index_cast %swap3A_501 : i32 to index
    %swap3A_503 = arith.constant 80 : index
    %swap3A_504 = tpu.vector_load %arg27[%swap3A_502, %swap3A_503] {strides = array<i32>} : memref<4x128xi32, #tpu.memory_space<vmem>>, vector<1x16xi32>,
    %swap3A_505 = vector.shape_cast %swap3A_504 : vector<1x16xi32> to vector<16xi32>
    %swap3A_506 = vector.shape_cast %add3A_500 : vector<16xi32> to vector<1x16xi32>
    tpu.vector_store %arg27[%swap3A_502, %swap3A_503], %swap3A_506 {strides = array<i32>} : memref<4x128xi32, #tpu.memory_space<vmem>>, vector<1x16xi32>,
    %get3A_507 = arith.constant 352 : index
    %get3A_508 = tpu.vector_load %arg24[%get3A_507] {strides = array<i32>} : memref<512xi32, #tpu.memory_space<vmem>>, vector<16xi32>,
    %get3A_509 = vector.shape_cast %get3A_508 : vector<16xi32> to vector<16xi32>
    %mul3A_510 = arith.constant 10000 : i32
    %mul3A_511 = vector.broadcast %mul3A_510 : i32 to vector<16xi32>
    %mul3A_512 = arith.muli %get3A_509, %mul3A_511 : vector<16xi32>
    %get3A_513 = arith.constant 352 : index
    %get3A_514 = tpu.vector_load %arg25[%get3A_513] {strides = array<i32>} : memref<512xi32, #tpu.memory_space<vmem>>, vector<16xi32>,
    %get3A_515 = vector.shape_cast %get3A_514 : vector<16xi32> to vector<16xi32>
    %mul3A_516 = arith.constant 100 : i32
    %mul3A_517 = vector.broadcast %mul3A_516 : i32 to vector<16xi32>
    %mul3A_518 = arith.muli %get3A_515, %mul3A_517 : vector<16xi32>
    %add3A_519 = arith.addi %mul3A_512, %mul3A_518 : vector<16xi32>
    %get3A_520 = arith.constant 352 : index
    %get3A_521 = tpu.vector_load %arg26[%get3A_520] {strides = array<i32>} : memref<512xi32, #tpu.memory_space<vmem>>, vector<16xi32>,
    %get3A_522 = vector.shape_cast %get3A_521 : vector<16xi32> to vector<16xi32>
    %add3A_523 = arith.addi %add3A_519, %get3A_522 : vector<16xi32>
    %swap3A_524 = arith.constant 2 : i32
    %swap3A_525 = arith.index_cast %swap3A_524 : i32 to index
    %swap3A_526 = arith.constant 96 : index
    %swap3A_527 = tpu.vector_load %arg27[%swap3A_525, %swap3A_526] {strides = array<i32>} : memref<4x128xi32, #tpu.memory_space<vmem>>, vector<1x16xi32>,
    %swap3A_528 = vector.shape_cast %swap3A_527 : vector<1x16xi32> to vector<16xi32>
    %swap3A_529 = vector.shape_cast %add3A_523 : vector<16xi32> to vector<1x16xi32>
    tpu.vector_store %arg27[%swap3A_525, %swap3A_526], %swap3A_529 {strides = array<i32>} : memref<4x128xi32, #tpu.memory_space<vmem>>, vector<1x16xi32>,
    %get3A_530 = arith.constant 368 : index
    %get3A_531 = tpu.vector_load %arg24[%get3A_530] {strides = array<i32>} : memref<512xi32, #tpu.memory_space<vmem>>, vector<16xi32>,
    %get3A_532 = vector.shape_cast %get3A_531 : vector<16xi32> to vector<16xi32>
    %mul3A_533 = arith.constant 10000 : i32
    %mul3A_534 = vector.broadcast %mul3A_533 : i32 to vector<16xi32>
    %mul3A_535 = arith.muli %get3A_532, %mul3A_534 : vector<16xi32>
    %get3A_536 = arith.constant 368 : index
    %get3A_537 = tpu.vector_load %arg25[%get3A_536] {strides = array<i32>} : memref<512xi32, #tpu.memory_space<vmem>>, vector<16xi32>,
    %get3A_538 = vector.shape_cast %get3A_537 : vector<16xi32> to vector<16xi32>
    %mul3A_539 = arith.constant 100 : i32
    %mul3A_540 = vector.broadcast %mul3A_539 : i32 to vector<16xi32>
    %mul3A_541 = arith.muli %get3A_538, %mul3A_540 : vector<16xi32>
    %add3A_542 = arith.addi %mul3A_535, %mul3A_541 : vector<16xi32>
    %get3A_543 = arith.constant 368 : index
    %get3A_544 = tpu.vector_load %arg26[%get3A_543] {strides = array<i32>} : memref<512xi32, #tpu.memory_space<vmem>>, vector<16xi32>,
    %get3A_545 = vector.shape_cast %get3A_544 : vector<16xi32> to vector<16xi32>
    %add3A_546 = arith.addi %add3A_542, %get3A_545 : vector<16xi32>
    %swap3A_547 = arith.constant 2 : i32
    %swap3A_548 = arith.index_cast %swap3A_547 : i32 to index
    %swap3A_549 = arith.constant 112 : index
    %swap3A_550 = tpu.vector_load %arg27[%swap3A_548, %swap3A_549] {strides = array<i32>} : memref<4x128xi32, #tpu.memory_space<vmem>>, vector<1x16xi32>,
    %swap3A_551 = vector.shape_cast %swap3A_550 : vector<1x16xi32> to vector<16xi32>
    %swap3A_552 = vector.shape_cast %add3A_546 : vector<16xi32> to vector<1x16xi32>
    tpu.vector_store %arg27[%swap3A_548, %swap3A_549], %swap3A_552 {strides = array<i32>} : memref<4x128xi32, #tpu.memory_space<vmem>>, vector<1x16xi32>,
    %get3A_553 = arith.constant 384 : index
    %get3A_554 = tpu.vector_load %arg24[%get3A_553] {strides = array<i32>} : memref<512xi32, #tpu.memory_space<vmem>>, vector<16xi32>,
    %get3A_555 = vector.shape_cast %get3A_554 : vector<16xi32> to vector<16xi32>
    %mul3A_556 = arith.constant 10000 : i32
    %mul3A_557 = vector.broadcast %mul3A_556 : i32 to vector<16xi32>
    %mul3A_558 = arith.muli %get3A_555, %mul3A_557 : vector<16xi32>
    %get3A_559 = arith.constant 384 : index
    %get3A_560 = tpu.vector_load %arg25[%get3A_559] {strides = array<i32>} : memref<512xi32, #tpu.memory_space<vmem>>, vector<16xi32>,
    %get3A_561 = vector.shape_cast %get3A_560 : vector<16xi32> to vector<16xi32>
    %mul3A_562 = arith.constant 100 : i32
    %mul3A_563 = vector.broadcast %mul3A_562 : i32 to vector<16xi32>
    %mul3A_564 = arith.muli %get3A_561, %mul3A_563 : vector<16xi32>
    %add3A_565 = arith.addi %mul3A_558, %mul3A_564 : vector<16xi32>
    %get3A_566 = arith.constant 384 : index
    %get3A_567 = tpu.vector_load %arg26[%get3A_566] {strides = array<i32>} : memref<512xi32, #tpu.memory_space<vmem>>, vector<16xi32>,
    %get3A_568 = vector.shape_cast %get3A_567 : vector<16xi32> to vector<16xi32>
    %add3A_569 = arith.addi %add3A_565, %get3A_568 : vector<16xi32>
    %swap3A_570 = arith.constant 3 : i32
    %swap3A_571 = arith.index_cast %swap3A_570 : i32 to index
    %swap3A_572 = arith.constant 0 : index
    %swap3A_573 = tpu.vector_load %arg27[%swap3A_571, %swap3A_572] {strides = array<i32>} : memref<4x128xi32, #tpu.memory_space<vmem>>, vector<1x16xi32>,
    %swap3A_574 = vector.shape_cast %swap3A_573 : vector<1x16xi32> to vector<16xi32>
    %swap3A_575 = vector.shape_cast %add3A_569 : vector<16xi32> to vector<1x16xi32>
    tpu.vector_store %arg27[%swap3A_571, %swap3A_572], %swap3A_575 {strides = array<i32>} : memref<4x128xi32, #tpu.memory_space<vmem>>, vector<1x16xi32>,
    %get3A_576 = arith.constant 400 : index
    %get3A_577 = tpu.vector_load %arg24[%get3A_576] {strides = array<i32>} : memref<512xi32, #tpu.memory_space<vmem>>, vector<16xi32>,
    %get3A_578 = vector.shape_cast %get3A_577 : vector<16xi32> to vector<16xi32>
    %mul3A_579 = arith.constant 10000 : i32
    %mul3A_580 = vector.broadcast %mul3A_579 : i32 to vector<16xi32>
    %mul3A_581 = arith.muli %get3A_578, %mul3A_580 : vector<16xi32>
    %get3A_582 = arith.constant 400 : index
    %get3A_583 = tpu.vector_load %arg25[%get3A_582] {strides = array<i32>} : memref<512xi32, #tpu.memory_space<vmem>>, vector<16xi32>,
    %get3A_584 = vector.shape_cast %get3A_583 : vector<16xi32> to vector<16xi32>
    %mul3A_585 = arith.constant 100 : i32
    %mul3A_586 = vector.broadcast %mul3A_585 : i32 to vector<16xi32>
    %mul3A_587 = arith.muli %get3A_584, %mul3A_586 : vector<16xi32>
    %add3A_588 = arith.addi %mul3A_581, %mul3A_587 : vector<16xi32>
    %get3A_589 = arith.constant 400 : index
    %get3A_590 = tpu.vector_load %arg26[%get3A_589] {strides = array<i32>} : memref<512xi32, #tpu.memory_space<vmem>>, vector<16xi32>,
    %get3A_591 = vector.shape_cast %get3A_590 : vector<16xi32> to vector<16xi32>
    %add3A_592 = arith.addi %add3A_588, %get3A_591 : vector<16xi32>
    %swap3A_593 = arith.constant 3 : i32
    %swap3A_594 = arith.index_cast %swap3A_593 : i32 to index
    %swap3A_595 = arith.constant 16 : index
    %swap3A_596 = tpu.vector_load %arg27[%swap3A_594, %swap3A_595] {strides = array<i32>} : memref<4x128xi32, #tpu.memory_space<vmem>>, vector<1x16xi32>,
    %swap3A_597 = vector.shape_cast %swap3A_596 : vector<1x16xi32> to vector<16xi32>
    %swap3A_598 = vector.shape_cast %add3A_592 : vector<16xi32> to vector<1x16xi32>
    tpu.vector_store %arg27[%swap3A_594, %swap3A_595], %swap3A_598 {strides = array<i32>} : memref<4x128xi32, #tpu.memory_space<vmem>>, vector<1x16xi32>,
    %get3A_599 = arith.constant 416 : index
    %get3A_600 = tpu.vector_load %arg24[%get3A_599] {strides = array<i32>} : memref<512xi32, #tpu.memory_space<vmem>>, vector<16xi32>,
    %get3A_601 = vector.shape_cast %get3A_600 : vector<16xi32> to vector<16xi32>
    %mul3A_602 = arith.constant 10000 : i32
    %mul3A_603 = vector.broadcast %mul3A_602 : i32 to vector<16xi32>
    %mul3A_604 = arith.muli %get3A_601, %mul3A_603 : vector<16xi32>
    %get3A_605 = arith.constant 416 : index
    %get3A_606 = tpu.vector_load %arg25[%get3A_605] {strides = array<i32>} : memref<512xi32, #tpu.memory_space<vmem>>, vector<16xi32>,
    %get3A_607 = vector.shape_cast %get3A_606 : vector<16xi32> to vector<16xi32>
    %mul3A_608 = arith.constant 100 : i32
    %mul3A_609 = vector.broadcast %mul3A_608 : i32 to vector<16xi32>
    %mul3A_610 = arith.muli %get3A_607, %mul3A_609 : vector<16xi32>
    %add3A_611 = arith.addi %mul3A_604, %mul3A_610 : vector<16xi32>
    %get3A_612 = arith.constant 416 : index
    %get3A_613 = tpu.vector_load %arg26[%get3A_612] {strides = array<i32>} : memref<512xi32, #tpu.memory_space<vmem>>, vector<16xi32>,
    %get3A_614 = vector.shape_cast %get3A_613 : vector<16xi32> to vector<16xi32>
    %add3A_615 = arith.addi %add3A_611, %get3A_614 : vector<16xi32>
    %swap3A_616 = arith.constant 3 : i32
    %swap3A_617 = arith.index_cast %swap3A_616 : i32 to index
    %swap3A_618 = arith.constant 32 : index
    %swap3A_619 = tpu.vector_load %arg27[%swap3A_617, %swap3A_618] {strides = array<i32>} : memref<4x128xi32, #tpu.memory_space<vmem>>, vector<1x16xi32>,
    %swap3A_620 = vector.shape_cast %swap3A_619 : vector<1x16xi32> to vector<16xi32>
    %swap3A_621 = vector.shape_cast %add3A_615 : vector<16xi32> to vector<1x16xi32>
    tpu.vector_store %arg27[%swap3A_617, %swap3A_618], %swap3A_621 {strides = array<i32>} : memref<4x128xi32, #tpu.memory_space<vmem>>, vector<1x16xi32>,
    %get3A_622 = arith.constant 432 : index
    %get3A_623 = tpu.vector_load %arg24[%get3A_622] {strides = array<i32>} : memref<512xi32, #tpu.memory_space<vmem>>, vector<16xi32>,
    %get3A_624 = vector.shape_cast %get3A_623 : vector<16xi32> to vector<16xi32>
    %mul3A_625 = arith.constant 10000 : i32
    %mul3A_626 = vector.broadcast %mul3A_625 : i32 to vector<16xi32>
    %mul3A_627 = arith.muli %get3A_624, %mul3A_626 : vector<16xi32>
    %get3A_628 = arith.constant 432 : index
    %get3A_629 = tpu.vector_load %arg25[%get3A_628] {strides = array<i32>} : memref<512xi32, #tpu.memory_space<vmem>>, vector<16xi32>,
    %get3A_630 = vector.shape_cast %get3A_629 : vector<16xi32> to vector<16xi32>
    %mul3A_631 = arith.constant 100 : i32
    %mul3A_632 = vector.broadcast %mul3A_631 : i32 to vector<16xi32>
    %mul3A_633 = arith.muli %get3A_630, %mul3A_632 : vector<16xi32>
    %add3A_634 = arith.addi %mul3A_627, %mul3A_633 : vector<16xi32>
    %get3A_635 = arith.constant 432 : index
    %get3A_636 = tpu.vector_load %arg26[%get3A_635] {strides = array<i32>} : memref<512xi32, #tpu.memory_space<vmem>>, vector<16xi32>,
    %get3A_637 = vector.shape_cast %get3A_636 : vector<16xi32> to vector<16xi32>
    %add3A_638 = arith.addi %add3A_634, %get3A_637 : vector<16xi32>
    %swap3A_639 = arith.constant 3 : i32
    %swap3A_640 = arith.index_cast %swap3A_639 : i32 to index
    %swap3A_641 = arith.constant 48 : index
    %swap3A_642 = tpu.vector_load %arg27[%swap3A_640, %swap3A_641] {strides = array<i32>} : memref<4x128xi32, #tpu.memory_space<vmem>>, vector<1x16xi32>,
    %swap3A_643 = vector.shape_cast %swap3A_642 : vector<1x16xi32> to vector<16xi32>
    %swap3A_644 = vector.shape_cast %add3A_638 : vector<16xi32> to vector<1x16xi32>
    tpu.vector_store %arg27[%swap3A_640, %swap3A_641], %swap3A_644 {strides = array<i32>} : memref<4x128xi32, #tpu.memory_space<vmem>>, vector<1x16xi32>,
    %get3A_645 = arith.constant 448 : index
    %get3A_646 = tpu.vector_load %arg24[%get3A_645] {strides = array<i32>} : memref<512xi32, #tpu.memory_space<vmem>>, vector<16xi32>,
    %get3A_647 = vector.shape_cast %get3A_646 : vector<16xi32> to vector<16xi32>
    %mul3A_648 = arith.constant 10000 : i32
    %mul3A_649 = vector.broadcast %mul3A_648 : i32 to vector<16xi32>
    %mul3A_650 = arith.muli %get3A_647, %mul3A_649 : vector<16xi32>
    %get3A_651 = arith.constant 448 : index
    %get3A_652 = tpu.vector_load %arg25[%get3A_651] {strides = array<i32>} : memref<512xi32, #tpu.memory_space<vmem>>, vector<16xi32>,
    %get3A_653 = vector.shape_cast %get3A_652 : vector<16xi32> to vector<16xi32>
    %mul3A_654 = arith.constant 100 : i32
    %mul3A_655 = vector.broadcast %mul3A_654 : i32 to vector<16xi32>
    %mul3A_656 = arith.muli %get3A_653, %mul3A_655 : vector<16xi32>
    %add3A_657 = arith.addi %mul3A_650, %mul3A_656 : vector<16xi32>
    %get3A_658 = arith.constant 448 : index
    %get3A_659 = tpu.vector_load %arg26[%get3A_658] {strides = array<i32>} : memref<512xi32, #tpu.memory_space<vmem>>, vector<16xi32>,
    %get3A_660 = vector.shape_cast %get3A_659 : vector<16xi32> to vector<16xi32>
    %add3A_661 = arith.addi %add3A_657, %get3A_660 : vector<16xi32>
    %swap3A_662 = arith.constant 3 : i32
    %swap3A_663 = arith.index_cast %swap3A_662 : i32 to index
    %swap3A_664 = arith.constant 64 : index
    %swap3A_665 = tpu.vector_load %arg27[%swap3A_663, %swap3A_664] {strides = array<i32>} : memref<4x128xi32, #tpu.memory_space<vmem>>, vector<1x16xi32>,
    %swap3A_666 = vector.shape_cast %swap3A_665 : vector<1x16xi32> to vector<16xi32>
    %swap3A_667 = vector.shape_cast %add3A_661 : vector<16xi32> to vector<1x16xi32>
    tpu.vector_store %arg27[%swap3A_663, %swap3A_664], %swap3A_667 {strides = array<i32>} : memref<4x128xi32, #tpu.memory_space<vmem>>, vector<1x16xi32>,
    %get3A_668 = arith.constant 464 : index
    %get3A_669 = tpu.vector_load %arg24[%get3A_668] {strides = array<i32>} : memref<512xi32, #tpu.memory_space<vmem>>, vector<16xi32>,
    %get3A_670 = vector.shape_cast %get3A_669 : vector<16xi32> to vector<16xi32>
    %mul3A_671 = arith.constant 10000 : i32
    %mul3A_672 = vector.broadcast %mul3A_671 : i32 to vector<16xi32>
    %mul3A_673 = arith.muli %get3A_670, %mul3A_672 : vector<16xi32>
    %get3A_674 = arith.constant 464 : index
    %get3A_675 = tpu.vector_load %arg25[%get3A_674] {strides = array<i32>} : memref<512xi32, #tpu.memory_space<vmem>>, vector<16xi32>,
    %get3A_676 = vector.shape_cast %get3A_675 : vector<16xi32> to vector<16xi32>
    %mul3A_677 = arith.constant 100 : i32
    %mul3A_678 = vector.broadcast %mul3A_677 : i32 to vector<16xi32>
    %mul3A_679 = arith.muli %get3A_676, %mul3A_678 : vector<16xi32>
    %add3A_680 = arith.addi %mul3A_673, %mul3A_679 : vector<16xi32>
    %get3A_681 = arith.constant 464 : index
    %get3A_682 = tpu.vector_load %arg26[%get3A_681] {strides = array<i32>} : memref<512xi32, #tpu.memory_space<vmem>>, vector<16xi32>,
    %get3A_683 = vector.shape_cast %get3A_682 : vector<16xi32> to vector<16xi32>
    %add3A_684 = arith.addi %add3A_680, %get3A_683 : vector<16xi32>
    %swap3A_685 = arith.constant 3 : i32
    %swap3A_686 = arith.index_cast %swap3A_685 : i32 to index
    %swap3A_687 = arith.constant 80 : index
    %swap3A_688 = tpu.vector_load %arg27[%swap3A_686, %swap3A_687] {strides = array<i32>} : memref<4x128xi32, #tpu.memory_space<vmem>>, vector<1x16xi32>,
    %swap3A_689 = vector.shape_cast %swap3A_688 : vector<1x16xi32> to vector<16xi32>
    %swap3A_690 = vector.shape_cast %add3A_684 : vector<16xi32> to vector<1x16xi32>
    tpu.vector_store %arg27[%swap3A_686, %swap3A_687], %swap3A_690 {strides = array<i32>} : memref<4x128xi32, #tpu.memory_space<vmem>>, vector<1x16xi32>,
    %get3A_691 = arith.constant 480 : index
    %get3A_692 = tpu.vector_load %arg24[%get3A_691] {strides = array<i32>} : memref<512xi32, #tpu.memory_space<vmem>>, vector<16xi32>,
    %get3A_693 = vector.shape_cast %get3A_692 : vector<16xi32> to vector<16xi32>
    %mul3A_694 = arith.constant 10000 : i32
    %mul3A_695 = vector.broadcast %mul3A_694 : i32 to vector<16xi32>
    %mul3A_696 = arith.muli %get3A_693, %mul3A_695 : vector<16xi32>
    %get3A_697 = arith.constant 480 : index
    %get3A_698 = tpu.vector_load %arg25[%get3A_697] {strides = array<i32>} : memref<512xi32, #tpu.memory_space<vmem>>, vector<16xi32>,
    %get3A_699 = vector.shape_cast %get3A_698 : vector<16xi32> to vector<16xi32>
    %mul3A_700 = arith.constant 100 : i32
    %mul3A_701 = vector.broadcast %mul3A_700 : i32 to vector<16xi32>
    %mul3A_702 = arith.muli %get3A_699, %mul3A_701 : vector<16xi32>
    %add3A_703 = arith.addi %mul3A_696, %mul3A_702 : vector<16xi32>
    %get3A_704 = arith.constant 480 : index
    %get3A_705 = tpu.vector_load %arg26[%get3A_704] {strides = array<i32>} : memref<512xi32, #tpu.memory_space<vmem>>, vector<16xi32>,
    %get3A_706 = vector.shape_cast %get3A_705 : vector<16xi32> to vector<16xi32>
    %add3A_707 = arith.addi %add3A_703, %get3A_706 : vector<16xi32>
    %swap3A_708 = arith.constant 3 : i32
    %swap3A_709 = arith.index_cast %swap3A_708 : i32 to index
    %swap3A_710 = arith.constant 96 : index
    %swap3A_711 = tpu.vector_load %arg27[%swap3A_709, %swap3A_710] {strides = array<i32>} : memref<4x128xi32, #tpu.memory_space<vmem>>, vector<1x16xi32>,
    %swap3A_712 = vector.shape_cast %swap3A_711 : vector<1x16xi32> to vector<16xi32>
    %swap3A_713 = vector.shape_cast %add3A_707 : vector<16xi32> to vector<1x16xi32>
    tpu.vector_store %arg27[%swap3A_709, %swap3A_710], %swap3A_713 {strides = array<i32>} : memref<4x128xi32, #tpu.memory_space<vmem>>, vector<1x16xi32>,
    %get3A_714 = arith.constant 496 : index
    %get3A_715 = tpu.vector_load %arg24[%get3A_714] {strides = array<i32>} : memref<512xi32, #tpu.memory_space<vmem>>, vector<16xi32>,
    %get3A_716 = vector.shape_cast %get3A_715 : vector<16xi32> to vector<16xi32>
    %mul3A_717 = arith.constant 10000 : i32
    %mul3A_718 = vector.broadcast %mul3A_717 : i32 to vector<16xi32>
    %mul3A_719 = arith.muli %get3A_716, %mul3A_718 : vector<16xi32>
    %get3A_720 = arith.constant 496 : index
    %get3A_721 = tpu.vector_load %arg25[%get3A_720] {strides = array<i32>} : memref<512xi32, #tpu.memory_space<vmem>>, vector<16xi32>,
    %get3A_722 = vector.shape_cast %get3A_721 : vector<16xi32> to vector<16xi32>
    %mul3A_723 = arith.constant 100 : i32
    %mul3A_724 = vector.broadcast %mul3A_723 : i32 to vector<16xi32>
    %mul3A_725 = arith.muli %get3A_722, %mul3A_724 : vector<16xi32>
    %add3A_726 = arith.addi %mul3A_719, %mul3A_725 : vector<16xi32>
    %get3A_727 = arith.constant 496 : index
    %get3A_728 = tpu.vector_load %arg26[%get3A_727] {strides = array<i32>} : memref<512xi32, #tpu.memory_space<vmem>>, vector<16xi32>,
    %get3A_729 = vector.shape_cast %get3A_728 : vector<16xi32> to vector<16xi32>
    %add3A_730 = arith.addi %add3A_726, %get3A_729 : vector<16xi32>
    %swap3A_731 = arith.constant 3 : i32
    %swap3A_732 = arith.index_cast %swap3A_731 : i32 to index
    %swap3A_733 = arith.constant 112 : index
    %swap3A_734 = tpu.vector_load %arg27[%swap3A_732, %swap3A_733] {strides = array<i32>} : memref<4x128xi32, #tpu.memory_space<vmem>>, vector<1x16xi32>,
    %swap3A_735 = vector.shape_cast %swap3A_734 : vector<1x16xi32> to vector<16xi32>
    %swap3A_736 = vector.shape_cast %add3A_730 : vector<16xi32> to vector<1x16xi32>
    tpu.vector_store %arg27[%swap3A_732, %swap3A_733], %swap3A_736 {strides = array<i32>} : memref<4x128xi32, #tpu.memory_space<vmem>>, vector<1x16xi32>,
    %dma_start3A = arith.constant 0 : i32
    %dma_start3A_737 = arith.constant 0 : i32
    %dma_start3A_738 = tpu.memref_slice %arg28[%dma_start3A_737] : memref<9216xf32, #tpu.memory_space<vmem>> -> memref<128xf32, #tpu.memory_space<vmem>>
    %dma_start3A_739 = arith.constant 0 : i32
    %dma_start3A_740 = tpu.memref_slice %arg27[%dma_start3A, %dma_start3A_739] : memref<4x128xi32, #tpu.memory_space<vmem>> -> memref<1x128xi32, #tpu.memory_space<vmem>>
    %dma_start3A_741 = tpu.memref_squeeze %dma_start3A_740 : memref<1x128xi32, #tpu.memory_space<vmem>> -> memref<128xi32, #tpu.memory_space<vmem>>
    %dma_start3A_742 = arith.constant 0 : i32
    %dma_start3A_743 = tpu.memref_slice %arg5[%dma_start3A_742] : memref<1015808xf32, #tpu.memory_space<hbm>> -> memref<1015808xf32, #tpu.memory_space<hbm>>
    tpu.enqueue_indirect_dma source(%dma_start3A_743 : memref<1015808xf32, #tpu.memory_space<hbm>>) target(%dma_start3A_738 : memref<128xf32, #tpu.memory_space<vmem>>) offsets(%dma_start3A_741 : memref<128xi32, #tpu.memory_space<vmem>>) semaphore(%arg29 : memref<!tpu.dma_semaphore, #tpu.memory_space<semaphore_mem>>)
    %dma_start3A_744 = arith.constant 0 : i32
    %dma_start3A_745 = arith.constant 512 : i32
    %dma_start3A_746 = tpu.memref_slice %arg28[%dma_start3A_745] : memref<9216xf32, #tpu.memory_space<vmem>> -> memref<128xf32, #tpu.memory_space<vmem>>
    %dma_start3A_747 = arith.constant 0 : i32
    %dma_start3A_748 = tpu.memref_slice %arg27[%dma_start3A_744, %dma_start3A_747] : memref<4x128xi32, #tpu.memory_space<vmem>> -> memref<1x128xi32, #tpu.memory_space<vmem>>
    %dma_start3A_749 = tpu.memref_squeeze %dma_start3A_748 : memref<1x128xi32, #tpu.memory_space<vmem>> -> memref<128xi32, #tpu.memory_space<vmem>>
    %dma_start3A_750 = arith.constant 0 : i32
    %dma_start3A_751 = tpu.memref_slice %arg6[%dma_start3A_750] : memref<1015808xf32, #tpu.memory_space<hbm>> -> memref<1015808xf32, #tpu.memory_space<hbm>>
    tpu.enqueue_indirect_dma source(%dma_start3A_751 : memref<1015808xf32, #tpu.memory_space<hbm>>) target(%dma_start3A_746 : memref<128xf32, #tpu.memory_space<vmem>>) offsets(%dma_start3A_749 : memref<128xi32, #tpu.memory_space<vmem>>) semaphore(%arg29 : memref<!tpu.dma_semaphore, #tpu.memory_space<semaphore_mem>>)
    %dma_start3A_752 = arith.constant 0 : i32
    %dma_start3A_753 = arith.constant 1024 : i32
    %dma_start3A_754 = tpu.memref_slice %arg28[%dma_start3A_753] : memref<9216xf32, #tpu.memory_space<vmem>> -> memref<128xf32, #tpu.memory_space<vmem>>
    %dma_start3A_755 = arith.constant 0 : i32
    %dma_start3A_756 = tpu.memref_slice %arg27[%dma_start3A_752, %dma_start3A_755] : memref<4x128xi32, #tpu.memory_space<vmem>> -> memref<1x128xi32, #tpu.memory_space<vmem>>
    %dma_start3A_757 = tpu.memref_squeeze %dma_start3A_756 : memref<1x128xi32, #tpu.memory_space<vmem>> -> memref<128xi32, #tpu.memory_space<vmem>>
    %dma_start3A_758 = arith.constant 0 : i32
    %dma_start3A_759 = tpu.memref_slice %arg7[%dma_start3A_758] : memref<1015808xf32, #tpu.memory_space<hbm>> -> memref<1015808xf32, #tpu.memory_space<hbm>>
    tpu.enqueue_indirect_dma source(%dma_start3A_759 : memref<1015808xf32, #tpu.memory_space<hbm>>) target(%dma_start3A_754 : memref<128xf32, #tpu.memory_space<vmem>>) offsets(%dma_start3A_757 : memref<128xi32, #tpu.memory_space<vmem>>) semaphore(%arg29 : memref<!tpu.dma_semaphore, #tpu.memory_space<semaphore_mem>>)
    %dma_start3A_760 = arith.constant 0 : i32
    %dma_start3A_761 = arith.constant 1536 : i32
    %dma_start3A_762 = tpu.memref_slice %arg28[%dma_start3A_761] : memref<9216xf32, #tpu.memory_space<vmem>> -> memref<128xf32, #tpu.memory_space<vmem>>
    %dma_start3A_763 = arith.constant 0 : i32
    %dma_start3A_764 = tpu.memref_slice %arg27[%dma_start3A_760, %dma_start3A_763] : memref<4x128xi32, #tpu.memory_space<vmem>> -> memref<1x128xi32, #tpu.memory_space<vmem>>
    %dma_start3A_765 = tpu.memref_squeeze %dma_start3A_764 : memref<1x128xi32, #tpu.memory_space<vmem>> -> memref<128xi32, #tpu.memory_space<vmem>>
    %dma_start3A_766 = arith.constant 0 : i32
    %dma_start3A_767 = tpu.memref_slice %arg8[%dma_start3A_766] : memref<1015808xf32, #tpu.memory_space<hbm>> -> memref<1015808xf32, #tpu.memory_space<hbm>>
    tpu.enqueue_indirect_dma source(%dma_start3A_767 : memref<1015808xf32, #tpu.memory_space<hbm>>) target(%dma_start3A_762 : memref<128xf32, #tpu.memory_space<vmem>>) offsets(%dma_start3A_765 : memref<128xi32, #tpu.memory_space<vmem>>) semaphore(%arg29 : memref<!tpu.dma_semaphore, #tpu.memory_space<semaphore_mem>>)
    %dma_start3A_768 = arith.constant 0 : i32
    %dma_start3A_769 = arith.constant 2048 : i32
    %dma_start3A_770 = tpu.memref_slice %arg28[%dma_start3A_769] : memref<9216xf32, #tpu.memory_space<vmem>> -> memref<128xf32, #tpu.memory_space<vmem>>
    %dma_start3A_771 = arith.constant 0 : i32
    %dma_start3A_772 = tpu.memref_slice %arg27[%dma_start3A_768, %dma_start3A_771] : memref<4x128xi32, #tpu.memory_space<vmem>> -> memref<1x128xi32, #tpu.memory_space<vmem>>
    %dma_start3A_773 = tpu.memref_squeeze %dma_start3A_772 : memref<1x128xi32, #tpu.memory_space<vmem>> -> memref<128xi32, #tpu.memory_space<vmem>>
    %dma_start3A_774 = arith.constant 0 : i32
    %dma_start3A_775 = tpu.memref_slice %arg9[%dma_start3A_774] : memref<1015808xf32, #tpu.memory_space<hbm>> -> memref<1015808xf32, #tpu.memory_space<hbm>>
    tpu.enqueue_indirect_dma source(%dma_start3A_775 : memref<1015808xf32, #tpu.memory_space<hbm>>) target(%dma_start3A_770 : memref<128xf32, #tpu.memory_space<vmem>>) offsets(%dma_start3A_773 : memref<128xi32, #tpu.memory_space<vmem>>) semaphore(%arg29 : memref<!tpu.dma_semaphore, #tpu.memory_space<semaphore_mem>>)
    %dma_start3A_776 = arith.constant 0 : i32
    %dma_start3A_777 = arith.constant 2560 : i32
    %dma_start3A_778 = tpu.memref_slice %arg28[%dma_start3A_777] : memref<9216xf32, #tpu.memory_space<vmem>> -> memref<128xf32, #tpu.memory_space<vmem>>
    %dma_start3A_779 = arith.constant 0 : i32
    %dma_start3A_780 = tpu.memref_slice %arg27[%dma_start3A_776, %dma_start3A_779] : memref<4x128xi32, #tpu.memory_space<vmem>> -> memref<1x128xi32, #tpu.memory_space<vmem>>
    %dma_start3A_781 = tpu.memref_squeeze %dma_start3A_780 : memref<1x128xi32, #tpu.memory_space<vmem>> -> memref<128xi32, #tpu.memory_space<vmem>>
    %dma_start3A_782 = arith.constant 0 : i32
    %dma_start3A_783 = tpu.memref_slice %arg10[%dma_start3A_782] : memref<1015808xf32, #tpu.memory_space<hbm>> -> memref<1015808xf32, #tpu.memory_space<hbm>>
    tpu.enqueue_indirect_dma source(%dma_start3A_783 : memref<1015808xf32, #tpu.memory_space<hbm>>) target(%dma_start3A_778 : memref<128xf32, #tpu.memory_space<vmem>>) offsets(%dma_start3A_781 : memref<128xi32, #tpu.memory_space<vmem>>) semaphore(%arg29 : memref<!tpu.dma_semaphore, #tpu.memory_space<semaphore_mem>>)
    %dma_start3A_784 = arith.constant 0 : i32
    %dma_start3A_785 = arith.constant 3072 : i32
    %dma_start3A_786 = tpu.memref_slice %arg28[%dma_start3A_785] : memref<9216xf32, #tpu.memory_space<vmem>> -> memref<128xf32, #tpu.memory_space<vmem>>
    %dma_start3A_787 = arith.constant 0 : i32
    %dma_start3A_788 = tpu.memref_slice %arg27[%dma_start3A_784, %dma_start3A_787] : memref<4x128xi32, #tpu.memory_space<vmem>> -> memref<1x128xi32, #tpu.memory_space<vmem>>
    %dma_start3A_789 = tpu.memref_squeeze %dma_start3A_788 : memref<1x128xi32, #tpu.memory_space<vmem>> -> memref<128xi32, #tpu.memory_space<vmem>>
    %dma_start3A_790 = arith.constant 0 : i32
    %dma_start3A_791 = tpu.memref_slice %arg11[%dma_start3A_790] : memref<1015808xf32, #tpu.memory_space<hbm>> -> memref<1015808xf32, #tpu.memory_space<hbm>>
    tpu.enqueue_indirect_dma source(%dma_start3A_791 : memref<1015808xf32, #tpu.memory_space<hbm>>) target(%dma_start3A_786 : memref<128xf32, #tpu.memory_space<vmem>>) offsets(%dma_start3A_789 : memref<128xi32, #tpu.memory_space<vmem>>) semaphore(%arg29 : memref<!tpu.dma_semaphore, #tpu.memory_space<semaphore_mem>>)
    %dma_start3A_792 = arith.constant 0 : i32
    %dma_start3A_793 = arith.constant 3584 : i32
    %dma_start3A_794 = tpu.memref_slice %arg28[%dma_start3A_793] : memref<9216xf32, #tpu.memory_space<vmem>> -> memref<128xf32, #tpu.memory_space<vmem>>
    %dma_start3A_795 = arith.constant 0 : i32
    %dma_start3A_796 = tpu.memref_slice %arg27[%dma_start3A_792, %dma_start3A_795] : memref<4x128xi32, #tpu.memory_space<vmem>> -> memref<1x128xi32, #tpu.memory_space<vmem>>
    %dma_start3A_797 = tpu.memref_squeeze %dma_start3A_796 : memref<1x128xi32, #tpu.memory_space<vmem>> -> memref<128xi32, #tpu.memory_space<vmem>>
    %dma_start3A_798 = arith.constant 0 : i32
    %dma_start3A_799 = tpu.memref_slice %arg12[%dma_start3A_798] : memref<1015808xf32, #tpu.memory_space<hbm>> -> memref<1015808xf32, #tpu.memory_space<hbm>>
    tpu.enqueue_indirect_dma source(%dma_start3A_799 : memref<1015808xf32, #tpu.memory_space<hbm>>) target(%dma_start3A_794 : memref<128xf32, #tpu.memory_space<vmem>>) offsets(%dma_start3A_797 : memref<128xi32, #tpu.memory_space<vmem>>) semaphore(%arg29 : memref<!tpu.dma_semaphore, #tpu.memory_space<semaphore_mem>>)
    %dma_start3A_800 = arith.constant 0 : i32
    %dma_start3A_801 = arith.constant 4096 : i32
    %dma_start3A_802 = tpu.memref_slice %arg28[%dma_start3A_801] : memref<9216xf32, #tpu.memory_space<vmem>> -> memref<128xf32, #tpu.memory_space<vmem>>
    %dma_start3A_803 = arith.constant 0 : i32
    %dma_start3A_804 = tpu.memref_slice %arg27[%dma_start3A_800, %dma_start3A_803] : memref<4x128xi32, #tpu.memory_space<vmem>> -> memref<1x128xi32, #tpu.memory_space<vmem>>
    %dma_start3A_805 = tpu.memref_squeeze %dma_start3A_804 : memref<1x128xi32, #tpu.memory_space<vmem>> -> memref<128xi32, #tpu.memory_space<vmem>>
    %dma_start3A_806 = arith.constant 0 : i32
    %dma_start3A_807 = tpu.memref_slice %arg13[%dma_start3A_806] : memref<1015808xf32, #tpu.memory_space<hbm>> -> memref<1015808xf32, #tpu.memory_space<hbm>>
    tpu.enqueue_indirect_dma source(%dma_start3A_807 : memref<1015808xf32, #tpu.memory_space<hbm>>) target(%dma_start3A_802 : memref<128xf32, #tpu.memory_space<vmem>>) offsets(%dma_start3A_805 : memref<128xi32, #tpu.memory_space<vmem>>) semaphore(%arg29 : memref<!tpu.dma_semaphore, #tpu.memory_space<semaphore_mem>>)
    %dma_start3A_808 = arith.constant 0 : i32
    %dma_start3A_809 = arith.constant 4608 : i32
    %dma_start3A_810 = tpu.memref_slice %arg28[%dma_start3A_809] : memref<9216xf32, #tpu.memory_space<vmem>> -> memref<128xf32, #tpu.memory_space<vmem>>
    %dma_start3A_811 = arith.constant 0 : i32
    %dma_start3A_812 = tpu.memref_slice %arg27[%dma_start3A_808, %dma_start3A_811] : memref<4x128xi32, #tpu.memory_space<vmem>> -> memref<1x128xi32, #tpu.memory_space<vmem>>
    %dma_start3A_813 = tpu.memref_squeeze %dma_start3A_812 : memref<1x128xi32, #tpu.memory_space<vmem>> -> memref<128xi32, #tpu.memory_space<vmem>>
    %dma_start3A_814 = arith.constant 0 : i32
    %dma_start3A_815 = tpu.memref_slice %arg14[%dma_start3A_814] : memref<1015808xf32, #tpu.memory_space<hbm>> -> memref<1015808xf32, #tpu.memory_space<hbm>>
    tpu.enqueue_indirect_dma source(%dma_start3A_815 : memref<1015808xf32, #tpu.memory_space<hbm>>) target(%dma_start3A_810 : memref<128xf32, #tpu.memory_space<vmem>>) offsets(%dma_start3A_813 : memref<128xi32, #tpu.memory_space<vmem>>) semaphore(%arg29 : memref<!tpu.dma_semaphore, #tpu.memory_space<semaphore_mem>>)
    %dma_start3A_816 = arith.constant 0 : i32
    %dma_start3A_817 = arith.constant 5120 : i32
    %dma_start3A_818 = tpu.memref_slice %arg28[%dma_start3A_817] : memref<9216xf32, #tpu.memory_space<vmem>> -> memref<128xf32, #tpu.memory_space<vmem>>
    %dma_start3A_819 = arith.constant 0 : i32
    %dma_start3A_820 = tpu.memref_slice %arg27[%dma_start3A_816, %dma_start3A_819] : memref<4x128xi32, #tpu.memory_space<vmem>> -> memref<1x128xi32, #tpu.memory_space<vmem>>
    %dma_start3A_821 = tpu.memref_squeeze %dma_start3A_820 : memref<1x128xi32, #tpu.memory_space<vmem>> -> memref<128xi32, #tpu.memory_space<vmem>>
    %dma_start3A_822 = arith.constant 0 : i32
    %dma_start3A_823 = tpu.memref_slice %arg15[%dma_start3A_822] : memref<1015808xf32, #tpu.memory_space<hbm>> -> memref<1015808xf32, #tpu.memory_space<hbm>>
    tpu.enqueue_indirect_dma source(%dma_start3A_823 : memref<1015808xf32, #tpu.memory_space<hbm>>) target(%dma_start3A_818 : memref<128xf32, #tpu.memory_space<vmem>>) offsets(%dma_start3A_821 : memref<128xi32, #tpu.memory_space<vmem>>) semaphore(%arg29 : memref<!tpu.dma_semaphore, #tpu.memory_space<semaphore_mem>>)
    %dma_start3A_824 = arith.constant 0 : i32
    %dma_start3A_825 = arith.constant 5632 : i32
    %dma_start3A_826 = tpu.memref_slice %arg28[%dma_start3A_825] : memref<9216xf32, #tpu.memory_space<vmem>> -> memref<128xf32, #tpu.memory_space<vmem>>
    %dma_start3A_827 = arith.constant 0 : i32
    %dma_start3A_828 = tpu.memref_slice %arg27[%dma_start3A_824, %dma_start3A_827] : memref<4x128xi32, #tpu.memory_space<vmem>> -> memref<1x128xi32, #tpu.memory_space<vmem>>
    %dma_start3A_829 = tpu.memref_squeeze %dma_start3A_828 : memref<1x128xi32, #tpu.memory_space<vmem>> -> memref<128xi32, #tpu.memory_space<vmem>>
    %dma_start3A_830 = arith.constant 0 : i32
    %dma_start3A_831 = tpu.memref_slice %arg16[%dma_start3A_830] : memref<1015808xf32, #tpu.memory_space<hbm>> -> memref<1015808xf32, #tpu.memory_space<hbm>>
    tpu.enqueue_indirect_dma source(%dma_start3A_831 : memref<1015808xf32, #tpu.memory_space<hbm>>) target(%dma_start3A_826 : memref<128xf32, #tpu.memory_space<vmem>>) offsets(%dma_start3A_829 : memref<128xi32, #tpu.memory_space<vmem>>) semaphore(%arg29 : memref<!tpu.dma_semaphore, #tpu.memory_space<semaphore_mem>>)
    %dma_start3A_832 = arith.constant 0 : i32
    %dma_start3A_833 = arith.constant 6144 : i32
    %dma_start3A_834 = tpu.memref_slice %arg28[%dma_start3A_833] : memref<9216xf32, #tpu.memory_space<vmem>> -> memref<128xf32, #tpu.memory_space<vmem>>
    %dma_start3A_835 = arith.constant 0 : i32
    %dma_start3A_836 = tpu.memref_slice %arg27[%dma_start3A_832, %dma_start3A_835] : memref<4x128xi32, #tpu.memory_space<vmem>> -> memref<1x128xi32, #tpu.memory_space<vmem>>
    %dma_start3A_837 = tpu.memref_squeeze %dma_start3A_836 : memref<1x128xi32, #tpu.memory_space<vmem>> -> memref<128xi32, #tpu.memory_space<vmem>>
    %dma_start3A_838 = arith.constant 0 : i32
    %dma_start3A_839 = tpu.memref_slice %arg17[%dma_start3A_838] : memref<1015808xf32, #tpu.memory_space<hbm>> -> memref<1015808xf32, #tpu.memory_space<hbm>>
    tpu.enqueue_indirect_dma source(%dma_start3A_839 : memref<1015808xf32, #tpu.memory_space<hbm>>) target(%dma_start3A_834 : memref<128xf32, #tpu.memory_space<vmem>>) offsets(%dma_start3A_837 : memref<128xi32, #tpu.memory_space<vmem>>) semaphore(%arg29 : memref<!tpu.dma_semaphore, #tpu.memory_space<semaphore_mem>>)
    %dma_start3A_840 = arith.constant 0 : i32
    %dma_start3A_841 = arith.constant 6656 : i32
    %dma_start3A_842 = tpu.memref_slice %arg28[%dma_start3A_841] : memref<9216xf32, #tpu.memory_space<vmem>> -> memref<128xf32, #tpu.memory_space<vmem>>
    %dma_start3A_843 = arith.constant 0 : i32
    %dma_start3A_844 = tpu.memref_slice %arg27[%dma_start3A_840, %dma_start3A_843] : memref<4x128xi32, #tpu.memory_space<vmem>> -> memref<1x128xi32, #tpu.memory_space<vmem>>
    %dma_start3A_845 = tpu.memref_squeeze %dma_start3A_844 : memref<1x128xi32, #tpu.memory_space<vmem>> -> memref<128xi32, #tpu.memory_space<vmem>>
    %dma_start3A_846 = arith.constant 0 : i32
    %dma_start3A_847 = tpu.memref_slice %arg18[%dma_start3A_846] : memref<1015808xf32, #tpu.memory_space<hbm>> -> memref<1015808xf32, #tpu.memory_space<hbm>>
    tpu.enqueue_indirect_dma source(%dma_start3A_847 : memref<1015808xf32, #tpu.memory_space<hbm>>) target(%dma_start3A_842 : memref<128xf32, #tpu.memory_space<vmem>>) offsets(%dma_start3A_845 : memref<128xi32, #tpu.memory_space<vmem>>) semaphore(%arg29 : memref<!tpu.dma_semaphore, #tpu.memory_space<semaphore_mem>>)
    %dma_start3A_848 = arith.constant 0 : i32
    %dma_start3A_849 = arith.constant 7168 : i32
    %dma_start3A_850 = tpu.memref_slice %arg28[%dma_start3A_849] : memref<9216xf32, #tpu.memory_space<vmem>> -> memref<128xf32, #tpu.memory_space<vmem>>
    %dma_start3A_851 = arith.constant 0 : i32
    %dma_start3A_852 = tpu.memref_slice %arg27[%dma_start3A_848, %dma_start3A_851] : memref<4x128xi32, #tpu.memory_space<vmem>> -> memref<1x128xi32, #tpu.memory_space<vmem>>
    %dma_start3A_853 = tpu.memref_squeeze %dma_start3A_852 : memref<1x128xi32, #tpu.memory_space<vmem>> -> memref<128xi32, #tpu.memory_space<vmem>>
    %dma_start3A_854 = arith.constant 0 : i32
    %dma_start3A_855 = tpu.memref_slice %arg19[%dma_start3A_854] : memref<1015808xf32, #tpu.memory_space<hbm>> -> memref<1015808xf32, #tpu.memory_space<hbm>>
    tpu.enqueue_indirect_dma source(%dma_start3A_855 : memref<1015808xf32, #tpu.memory_space<hbm>>) target(%dma_start3A_850 : memref<128xf32, #tpu.memory_space<vmem>>) offsets(%dma_start3A_853 : memref<128xi32, #tpu.memory_space<vmem>>) semaphore(%arg29 : memref<!tpu.dma_semaphore, #tpu.memory_space<semaphore_mem>>)
    %dma_start3A_856 = arith.constant 0 : i32
    %dma_start3A_857 = arith.constant 7680 : i32
    %dma_start3A_858 = tpu.memref_slice %arg28[%dma_start3A_857] : memref<9216xf32, #tpu.memory_space<vmem>> -> memref<128xf32, #tpu.memory_space<vmem>>
    %dma_start3A_859 = arith.constant 0 : i32
    %dma_start3A_860 = tpu.memref_slice %arg27[%dma_start3A_856, %dma_start3A_859] : memref<4x128xi32, #tpu.memory_space<vmem>> -> memref<1x128xi32, #tpu.memory_space<vmem>>
    %dma_start3A_861 = tpu.memref_squeeze %dma_start3A_860 : memref<1x128xi32, #tpu.memory_space<vmem>> -> memref<128xi32, #tpu.memory_space<vmem>>
    %dma_start3A_862 = arith.constant 0 : i32
    %dma_start3A_863 = tpu.memref_slice %arg20[%dma_start3A_862] : memref<1015808xf32, #tpu.memory_space<hbm>> -> memref<1015808xf32, #tpu.memory_space<hbm>>
    tpu.enqueue_indirect_dma source(%dma_start3A_863 : memref<1015808xf32, #tpu.memory_space<hbm>>) target(%dma_start3A_858 : memref<128xf32, #tpu.memory_space<vmem>>) offsets(%dma_start3A_861 : memref<128xi32, #tpu.memory_space<vmem>>) semaphore(%arg29 : memref<!tpu.dma_semaphore, #tpu.memory_space<semaphore_mem>>)
    %dma_start3A_864 = arith.constant 0 : i32
    %dma_start3A_865 = arith.constant 8192 : i32
    %dma_start3A_866 = tpu.memref_slice %arg28[%dma_start3A_865] : memref<9216xf32, #tpu.memory_space<vmem>> -> memref<128xf32, #tpu.memory_space<vmem>>
    %dma_start3A_867 = arith.constant 0 : i32
    %dma_start3A_868 = tpu.memref_slice %arg27[%dma_start3A_864, %dma_start3A_867] : memref<4x128xi32, #tpu.memory_space<vmem>> -> memref<1x128xi32, #tpu.memory_space<vmem>>
    %dma_start3A_869 = tpu.memref_squeeze %dma_start3A_868 : memref<1x128xi32, #tpu.memory_space<vmem>> -> memref<128xi32, #tpu.memory_space<vmem>>
    %dma_start3A_870 = arith.constant 0 : i32
    %dma_start3A_871 = tpu.memref_slice %arg21[%dma_start3A_870] : memref<1015808xf32, #tpu.memory_space<hbm>> -> memref<1015808xf32, #tpu.memory_space<hbm>>
    tpu.enqueue_indirect_dma source(%dma_start3A_871 : memref<1015808xf32, #tpu.memory_space<hbm>>) target(%dma_start3A_866 : memref<128xf32, #tpu.memory_space<vmem>>) offsets(%dma_start3A_869 : memref<128xi32, #tpu.memory_space<vmem>>) semaphore(%arg29 : memref<!tpu.dma_semaphore, #tpu.memory_space<semaphore_mem>>)
    %dma_start3A_872 = arith.constant 0 : i32
    %dma_start3A_873 = arith.constant 8704 : i32
    %dma_start3A_874 = tpu.memref_slice %arg28[%dma_start3A_873] : memref<9216xf32, #tpu.memory_space<vmem>> -> memref<128xf32, #tpu.memory_space<vmem>>
    %dma_start3A_875 = arith.constant 0 : i32
    %dma_start3A_876 = tpu.memref_slice %arg27[%dma_start3A_872, %dma_start3A_875] : memref<4x128xi32, #tpu.memory_space<vmem>> -> memref<1x128xi32, #tpu.memory_space<vmem>>
    %dma_start3A_877 = tpu.memref_squeeze %dma_start3A_876 : memref<1x128xi32, #tpu.memory_space<vmem>> -> memref<128xi32, #tpu.memory_space<vmem>>
    %dma_start3A_878 = arith.constant 0 : i32
    %dma_start3A_879 = tpu.memref_slice %arg22[%dma_start3A_878] : memref<1015808xf32, #tpu.memory_space<hbm>> -> memref<1015808xf32, #tpu.memory_space<hbm>>
    tpu.enqueue_indirect_dma source(%dma_start3A_879 : memref<1015808xf32, #tpu.memory_space<hbm>>) target(%dma_start3A_874 : memref<128xf32, #tpu.memory_space<vmem>>) offsets(%dma_start3A_877 : memref<128xi32, #tpu.memory_space<vmem>>) semaphore(%arg29 : memref<!tpu.dma_semaphore, #tpu.memory_space<semaphore_mem>>)
    %dma_start3A_880 = arith.constant 1 : i32
    %dma_start3A_881 = arith.constant 128 : i32
    %dma_start3A_882 = tpu.memref_slice %arg28[%dma_start3A_881] : memref<9216xf32, #tpu.memory_space<vmem>> -> memref<128xf32, #tpu.memory_space<vmem>>
    %dma_start3A_883 = arith.constant 0 : i32
    %dma_start3A_884 = tpu.memref_slice %arg27[%dma_start3A_880, %dma_start3A_883] : memref<4x128xi32, #tpu.memory_space<vmem>> -> memref<1x128xi32, #tpu.memory_space<vmem>>
    %dma_start3A_885 = tpu.memref_squeeze %dma_start3A_884 : memref<1x128xi32, #tpu.memory_space<vmem>> -> memref<128xi32, #tpu.memory_space<vmem>>
    %dma_start3A_886 = arith.constant 0 : i32
    %dma_start3A_887 = tpu.memref_slice %arg5[%dma_start3A_886] : memref<1015808xf32, #tpu.memory_space<hbm>> -> memref<1015808xf32, #tpu.memory_space<hbm>>
    tpu.enqueue_indirect_dma source(%dma_start3A_887 : memref<1015808xf32, #tpu.memory_space<hbm>>) target(%dma_start3A_882 : memref<128xf32, #tpu.memory_space<vmem>>) offsets(%dma_start3A_885 : memref<128xi32, #tpu.memory_space<vmem>>) semaphore(%arg29 : memref<!tpu.dma_semaphore, #tpu.memory_space<semaphore_mem>>)
    %dma_start3A_888 = arith.constant 1 : i32
    %dma_start3A_889 = arith.constant 640 : i32
    %dma_start3A_890 = tpu.memref_slice %arg28[%dma_start3A_889] : memref<9216xf32, #tpu.memory_space<vmem>> -> memref<128xf32, #tpu.memory_space<vmem>>
    %dma_start3A_891 = arith.constant 0 : i32
    %dma_start3A_892 = tpu.memref_slice %arg27[%dma_start3A_888, %dma_start3A_891] : memref<4x128xi32, #tpu.memory_space<vmem>> -> memref<1x128xi32, #tpu.memory_space<vmem>>
    %dma_start3A_893 = tpu.memref_squeeze %dma_start3A_892 : memref<1x128xi32, #tpu.memory_space<vmem>> -> memref<128xi32, #tpu.memory_space<vmem>>
    %dma_start3A_894 = arith.constant 0 : i32
    %dma_start3A_895 = tpu.memref_slice %arg6[%dma_start3A_894] : memref<1015808xf32, #tpu.memory_space<hbm>> -> memref<1015808xf32, #tpu.memory_space<hbm>>
    tpu.enqueue_indirect_dma source(%dma_start3A_895 : memref<1015808xf32, #tpu.memory_space<hbm>>) target(%dma_start3A_890 : memref<128xf32, #tpu.memory_space<vmem>>) offsets(%dma_start3A_893 : memref<128xi32, #tpu.memory_space<vmem>>) semaphore(%arg29 : memref<!tpu.dma_semaphore, #tpu.memory_space<semaphore_mem>>)
    %dma_start3A_896 = arith.constant 1 : i32
    %dma_start3A_897 = arith.constant 1152 : i32
    %dma_start3A_898 = tpu.memref_slice %arg28[%dma_start3A_897] : memref<9216xf32, #tpu.memory_space<vmem>> -> memref<128xf32, #tpu.memory_space<vmem>>
    %dma_start3A_899 = arith.constant 0 : i32
    %dma_start3A_900 = tpu.memref_slice %arg27[%dma_start3A_896, %dma_start3A_899] : memref<4x128xi32, #tpu.memory_space<vmem>> -> memref<1x128xi32, #tpu.memory_space<vmem>>
    %dma_start3A_901 = tpu.memref_squeeze %dma_start3A_900 : memref<1x128xi32, #tpu.memory_space<vmem>> -> memref<128xi32, #tpu.memory_space<vmem>>
    %dma_start3A_902 = arith.constant 0 : i32
    %dma_start3A_903 = tpu.memref_slice %arg7[%dma_start3A_902] : memref<1015808xf32, #tpu.memory_space<hbm>> -> memref<1015808xf32, #tpu.memory_space<hbm>>
    tpu.enqueue_indirect_dma source(%dma_start3A_903 : memref<1015808xf32, #tpu.memory_space<hbm>>) target(%dma_start3A_898 : memref<128xf32, #tpu.memory_space<vmem>>) offsets(%dma_start3A_901 : memref<128xi32, #tpu.memory_space<vmem>>) semaphore(%arg29 : memref<!tpu.dma_semaphore, #tpu.memory_space<semaphore_mem>>)
    %dma_start3A_904 = arith.constant 1 : i32
    %dma_start3A_905 = arith.constant 1664 : i32
    %dma_start3A_906 = tpu.memref_slice %arg28[%dma_start3A_905] : memref<9216xf32, #tpu.memory_space<vmem>> -> memref<128xf32, #tpu.memory_space<vmem>>
    %dma_start3A_907 = arith.constant 0 : i32
    %dma_start3A_908 = tpu.memref_slice %arg27[%dma_start3A_904, %dma_start3A_907] : memref<4x128xi32, #tpu.memory_space<vmem>> -> memref<1x128xi32, #tpu.memory_space<vmem>>
    %dma_start3A_909 = tpu.memref_squeeze %dma_start3A_908 : memref<1x128xi32, #tpu.memory_space<vmem>> -> memref<128xi32, #tpu.memory_space<vmem>>
    %dma_start3A_910 = arith.constant 0 : i32
    %dma_start3A_911 = tpu.memref_slice %arg8[%dma_start3A_910] : memref<1015808xf32, #tpu.memory_space<hbm>> -> memref<1015808xf32, #tpu.memory_space<hbm>>
    tpu.enqueue_indirect_dma source(%dma_start3A_911 : memref<1015808xf32, #tpu.memory_space<hbm>>) target(%dma_start3A_906 : memref<128xf32, #tpu.memory_space<vmem>>) offsets(%dma_start3A_909 : memref<128xi32, #tpu.memory_space<vmem>>) semaphore(%arg29 : memref<!tpu.dma_semaphore, #tpu.memory_space<semaphore_mem>>)
    %dma_start3A_912 = arith.constant 1 : i32
    %dma_start3A_913 = arith.constant 2176 : i32
    %dma_start3A_914 = tpu.memref_slice %arg28[%dma_start3A_913] : memref<9216xf32, #tpu.memory_space<vmem>> -> memref<128xf32, #tpu.memory_space<vmem>>
    %dma_start3A_915 = arith.constant 0 : i32
    %dma_start3A_916 = tpu.memref_slice %arg27[%dma_start3A_912, %dma_start3A_915] : memref<4x128xi32, #tpu.memory_space<vmem>> -> memref<1x128xi32, #tpu.memory_space<vmem>>
    %dma_start3A_917 = tpu.memref_squeeze %dma_start3A_916 : memref<1x128xi32, #tpu.memory_space<vmem>> -> memref<128xi32, #tpu.memory_space<vmem>>
    %dma_start3A_918 = arith.constant 0 : i32
    %dma_start3A_919 = tpu.memref_slice %arg9[%dma_start3A_918] : memref<1015808xf32, #tpu.memory_space<hbm>> -> memref<1015808xf32, #tpu.memory_space<hbm>>
    tpu.enqueue_indirect_dma source(%dma_start3A_919 : memref<1015808xf32, #tpu.memory_space<hbm>>) target(%dma_start3A_914 : memref<128xf32, #tpu.memory_space<vmem>>) offsets(%dma_start3A_917 : memref<128xi32, #tpu.memory_space<vmem>>) semaphore(%arg29 : memref<!tpu.dma_semaphore, #tpu.memory_space<semaphore_mem>>)
    %dma_start3A_920 = arith.constant 1 : i32
    %dma_start3A_921 = arith.constant 2688 : i32
    %dma_start3A_922 = tpu.memref_slice %arg28[%dma_start3A_921] : memref<9216xf32, #tpu.memory_space<vmem>> -> memref<128xf32, #tpu.memory_space<vmem>>
    %dma_start3A_923 = arith.constant 0 : i32
    %dma_start3A_924 = tpu.memref_slice %arg27[%dma_start3A_920, %dma_start3A_923] : memref<4x128xi32, #tpu.memory_space<vmem>> -> memref<1x128xi32, #tpu.memory_space<vmem>>
    %dma_start3A_925 = tpu.memref_squeeze %dma_start3A_924 : memref<1x128xi32, #tpu.memory_space<vmem>> -> memref<128xi32, #tpu.memory_space<vmem>>
    %dma_start3A_926 = arith.constant 0 : i32
    %dma_start3A_927 = tpu.memref_slice %arg10[%dma_start3A_926] : memref<1015808xf32, #tpu.memory_space<hbm>> -> memref<1015808xf32, #tpu.memory_space<hbm>>
    tpu.enqueue_indirect_dma source(%dma_start3A_927 : memref<1015808xf32, #tpu.memory_space<hbm>>) target(%dma_start3A_922 : memref<128xf32, #tpu.memory_space<vmem>>) offsets(%dma_start3A_925 : memref<128xi32, #tpu.memory_space<vmem>>) semaphore(%arg29 : memref<!tpu.dma_semaphore, #tpu.memory_space<semaphore_mem>>)
    %dma_start3A_928 = arith.constant 1 : i32
    %dma_start3A_929 = arith.constant 3200 : i32
    %dma_start3A_930 = tpu.memref_slice %arg28[%dma_start3A_929] : memref<9216xf32, #tpu.memory_space<vmem>> -> memref<128xf32, #tpu.memory_space<vmem>>
    %dma_start3A_931 = arith.constant 0 : i32
    %dma_start3A_932 = tpu.memref_slice %arg27[%dma_start3A_928, %dma_start3A_931] : memref<4x128xi32, #tpu.memory_space<vmem>> -> memref<1x128xi32, #tpu.memory_space<vmem>>
    %dma_start3A_933 = tpu.memref_squeeze %dma_start3A_932 : memref<1x128xi32, #tpu.memory_space<vmem>> -> memref<128xi32, #tpu.memory_space<vmem>>
    %dma_start3A_934 = arith.constant 0 : i32
    %dma_start3A_935 = tpu.memref_slice %arg11[%dma_start3A_934] : memref<1015808xf32, #tpu.memory_space<hbm>> -> memref<1015808xf32, #tpu.memory_space<hbm>>
    tpu.enqueue_indirect_dma source(%dma_start3A_935 : memref<1015808xf32, #tpu.memory_space<hbm>>) target(%dma_start3A_930 : memref<128xf32, #tpu.memory_space<vmem>>) offsets(%dma_start3A_933 : memref<128xi32, #tpu.memory_space<vmem>>) semaphore(%arg29 : memref<!tpu.dma_semaphore, #tpu.memory_space<semaphore_mem>>)
    %dma_start3A_936 = arith.constant 1 : i32
    %dma_start3A_937 = arith.constant 3712 : i32
    %dma_start3A_938 = tpu.memref_slice %arg28[%dma_start3A_937] : memref<9216xf32, #tpu.memory_space<vmem>> -> memref<128xf32, #tpu.memory_space<vmem>>
    %dma_start3A_939 = arith.constant 0 : i32
    %dma_start3A_940 = tpu.memref_slice %arg27[%dma_start3A_936, %dma_start3A_939] : memref<4x128xi32, #tpu.memory_space<vmem>> -> memref<1x128xi32, #tpu.memory_space<vmem>>
    %dma_start3A_941 = tpu.memref_squeeze %dma_start3A_940 : memref<1x128xi32, #tpu.memory_space<vmem>> -> memref<128xi32, #tpu.memory_space<vmem>>
    %dma_start3A_942 = arith.constant 0 : i32
    %dma_start3A_943 = tpu.memref_slice %arg12[%dma_start3A_942] : memref<1015808xf32, #tpu.memory_space<hbm>> -> memref<1015808xf32, #tpu.memory_space<hbm>>
    tpu.enqueue_indirect_dma source(%dma_start3A_943 : memref<1015808xf32, #tpu.memory_space<hbm>>) target(%dma_start3A_938 : memref<128xf32, #tpu.memory_space<vmem>>) offsets(%dma_start3A_941 : memref<128xi32, #tpu.memory_space<vmem>>) semaphore(%arg29 : memref<!tpu.dma_semaphore, #tpu.memory_space<semaphore_mem>>)
    %dma_start3A_944 = arith.constant 1 : i32
    %dma_start3A_945 = arith.constant 4224 : i32
    %dma_start3A_946 = tpu.memref_slice %arg28[%dma_start3A_945] : memref<9216xf32, #tpu.memory_space<vmem>> -> memref<128xf32, #tpu.memory_space<vmem>>
    %dma_start3A_947 = arith.constant 0 : i32
    %dma_start3A_948 = tpu.memref_slice %arg27[%dma_start3A_944, %dma_start3A_947] : memref<4x128xi32, #tpu.memory_space<vmem>> -> memref<1x128xi32, #tpu.memory_space<vmem>>
    %dma_start3A_949 = tpu.memref_squeeze %dma_start3A_948 : memref<1x128xi32, #tpu.memory_space<vmem>> -> memref<128xi32, #tpu.memory_space<vmem>>
    %dma_start3A_950 = arith.constant 0 : i32
    %dma_start3A_951 = tpu.memref_slice %arg13[%dma_start3A_950] : memref<1015808xf32, #tpu.memory_space<hbm>> -> memref<1015808xf32, #tpu.memory_space<hbm>>
    tpu.enqueue_indirect_dma source(%dma_start3A_951 : memref<1015808xf32, #tpu.memory_space<hbm>>) target(%dma_start3A_946 : memref<128xf32, #tpu.memory_space<vmem>>) offsets(%dma_start3A_949 : memref<128xi32, #tpu.memory_space<vmem>>) semaphore(%arg29 : memref<!tpu.dma_semaphore, #tpu.memory_space<semaphore_mem>>)
    %dma_start3A_952 = arith.constant 1 : i32
    %dma_start3A_953 = arith.constant 4736 : i32
    %dma_start3A_954 = tpu.memref_slice %arg28[%dma_start3A_953] : memref<9216xf32, #tpu.memory_space<vmem>> -> memref<128xf32, #tpu.memory_space<vmem>>
    %dma_start3A_955 = arith.constant 0 : i32
    %dma_start3A_956 = tpu.memref_slice %arg27[%dma_start3A_952, %dma_start3A_955] : memref<4x128xi32, #tpu.memory_space<vmem>> -> memref<1x128xi32, #tpu.memory_space<vmem>>
    %dma_start3A_957 = tpu.memref_squeeze %dma_start3A_956 : memref<1x128xi32, #tpu.memory_space<vmem>> -> memref<128xi32, #tpu.memory_space<vmem>>
    %dma_start3A_958 = arith.constant 0 : i32
    %dma_start3A_959 = tpu.memref_slice %arg14[%dma_start3A_958] : memref<1015808xf32, #tpu.memory_space<hbm>> -> memref<1015808xf32, #tpu.memory_space<hbm>>
    tpu.enqueue_indirect_dma source(%dma_start3A_959 : memref<1015808xf32, #tpu.memory_space<hbm>>) target(%dma_start3A_954 : memref<128xf32, #tpu.memory_space<vmem>>) offsets(%dma_start3A_957 : memref<128xi32, #tpu.memory_space<vmem>>) semaphore(%arg29 : memref<!tpu.dma_semaphore, #tpu.memory_space<semaphore_mem>>)
    %dma_start3A_960 = arith.constant 1 : i32
    %dma_start3A_961 = arith.constant 5248 : i32
    %dma_start3A_962 = tpu.memref_slice %arg28[%dma_start3A_961] : memref<9216xf32, #tpu.memory_space<vmem>> -> memref<128xf32, #tpu.memory_space<vmem>>
    %dma_start3A_963 = arith.constant 0 : i32
    %dma_start3A_964 = tpu.memref_slice %arg27[%dma_start3A_960, %dma_start3A_963] : memref<4x128xi32, #tpu.memory_space<vmem>> -> memref<1x128xi32, #tpu.memory_space<vmem>>
    %dma_start3A_965 = tpu.memref_squeeze %dma_start3A_964 : memref<1x128xi32, #tpu.memory_space<vmem>> -> memref<128xi32, #tpu.memory_space<vmem>>
    %dma_start3A_966 = arith.constant 0 : i32
    %dma_start3A_967 = tpu.memref_slice %arg15[%dma_start3A_966] : memref<1015808xf32, #tpu.memory_space<hbm>> -> memref<1015808xf32, #tpu.memory_space<hbm>>
    tpu.enqueue_indirect_dma source(%dma_start3A_967 : memref<1015808xf32, #tpu.memory_space<hbm>>) target(%dma_start3A_962 : memref<128xf32, #tpu.memory_space<vmem>>) offsets(%dma_start3A_965 : memref<128xi32, #tpu.memory_space<vmem>>) semaphore(%arg29 : memref<!tpu.dma_semaphore, #tpu.memory_space<semaphore_mem>>)
    %dma_start3A_968 = arith.constant 1 : i32
    %dma_start3A_969 = arith.constant 5760 : i32
    %dma_start3A_970 = tpu.memref_slice %arg28[%dma_start3A_969] : memref<9216xf32, #tpu.memory_space<vmem>> -> memref<128xf32, #tpu.memory_space<vmem>>
    %dma_start3A_971 = arith.constant 0 : i32
    %dma_start3A_972 = tpu.memref_slice %arg27[%dma_start3A_968, %dma_start3A_971] : memref<4x128xi32, #tpu.memory_space<vmem>> -> memref<1x128xi32, #tpu.memory_space<vmem>>
    %dma_start3A_973 = tpu.memref_squeeze %dma_start3A_972 : memref<1x128xi32, #tpu.memory_space<vmem>> -> memref<128xi32, #tpu.memory_space<vmem>>
    %dma_start3A_974 = arith.constant 0 : i32
    %dma_start3A_975 = tpu.memref_slice %arg16[%dma_start3A_974] : memref<1015808xf32, #tpu.memory_space<hbm>> -> memref<1015808xf32, #tpu.memory_space<hbm>>
    tpu.enqueue_indirect_dma source(%dma_start3A_975 : memref<1015808xf32, #tpu.memory_space<hbm>>) target(%dma_start3A_970 : memref<128xf32, #tpu.memory_space<vmem>>) offsets(%dma_start3A_973 : memref<128xi32, #tpu.memory_space<vmem>>) semaphore(%arg29 : memref<!tpu.dma_semaphore, #tpu.memory_space<semaphore_mem>>)
    %dma_start3A_976 = arith.constant 1 : i32
    %dma_start3A_977 = arith.constant 6272 : i32
    %dma_start3A_978 = tpu.memref_slice %arg28[%dma_start3A_977] : memref<9216xf32, #tpu.memory_space<vmem>> -> memref<128xf32, #tpu.memory_space<vmem>>
    %dma_start3A_979 = arith.constant 0 : i32
    %dma_start3A_980 = tpu.memref_slice %arg27[%dma_start3A_976, %dma_start3A_979] : memref<4x128xi32, #tpu.memory_space<vmem>> -> memref<1x128xi32, #tpu.memory_space<vmem>>
    %dma_start3A_981 = tpu.memref_squeeze %dma_start3A_980 : memref<1x128xi32, #tpu.memory_space<vmem>> -> memref<128xi32, #tpu.memory_space<vmem>>
    %dma_start3A_982 = arith.constant 0 : i32
    %dma_start3A_983 = tpu.memref_slice %arg17[%dma_start3A_982] : memref<1015808xf32, #tpu.memory_space<hbm>> -> memref<1015808xf32, #tpu.memory_space<hbm>>
    tpu.enqueue_indirect_dma source(%dma_start3A_983 : memref<1015808xf32, #tpu.memory_space<hbm>>) target(%dma_start3A_978 : memref<128xf32, #tpu.memory_space<vmem>>) offsets(%dma_start3A_981 : memref<128xi32, #tpu.memory_space<vmem>>) semaphore(%arg29 : memref<!tpu.dma_semaphore, #tpu.memory_space<semaphore_mem>>)
    %dma_start3A_984 = arith.constant 1 : i32
    %dma_start3A_985 = arith.constant 6784 : i32
    %dma_start3A_986 = tpu.memref_slice %arg28[%dma_start3A_985] : memref<9216xf32, #tpu.memory_space<vmem>> -> memref<128xf32, #tpu.memory_space<vmem>>
    %dma_start3A_987 = arith.constant 0 : i32
    %dma_start3A_988 = tpu.memref_slice %arg27[%dma_start3A_984, %dma_start3A_987] : memref<4x128xi32, #tpu.memory_space<vmem>> -> memref<1x128xi32, #tpu.memory_space<vmem>>
    %dma_start3A_989 = tpu.memref_squeeze %dma_start3A_988 : memref<1x128xi32, #tpu.memory_space<vmem>> -> memref<128xi32, #tpu.memory_space<vmem>>
    %dma_start3A_990 = arith.constant 0 : i32
    %dma_start3A_991 = tpu.memref_slice %arg18[%dma_start3A_990] : memref<1015808xf32, #tpu.memory_space<hbm>> -> memref<1015808xf32, #tpu.memory_space<hbm>>
    tpu.enqueue_indirect_dma source(%dma_start3A_991 : memref<1015808xf32, #tpu.memory_space<hbm>>) target(%dma_start3A_986 : memref<128xf32, #tpu.memory_space<vmem>>) offsets(%dma_start3A_989 : memref<128xi32, #tpu.memory_space<vmem>>) semaphore(%arg29 : memref<!tpu.dma_semaphore, #tpu.memory_space<semaphore_mem>>)
    %dma_start3A_992 = arith.constant 1 : i32
    %dma_start3A_993 = arith.constant 7296 : i32
    %dma_start3A_994 = tpu.memref_slice %arg28[%dma_start3A_993] : memref<9216xf32, #tpu.memory_space<vmem>> -> memref<128xf32, #tpu.memory_space<vmem>>
    %dma_start3A_995 = arith.constant 0 : i32
    %dma_start3A_996 = tpu.memref_slice %arg27[%dma_start3A_992, %dma_start3A_995] : memref<4x128xi32, #tpu.memory_space<vmem>> -> memref<1x128xi32, #tpu.memory_space<vmem>>
    %dma_start3A_997 = tpu.memref_squeeze %dma_start3A_996 : memref<1x128xi32, #tpu.memory_space<vmem>> -> memref<128xi32, #tpu.memory_space<vmem>>
    %dma_start3A_998 = arith.constant 0 : i32
    %dma_start3A_999 = tpu.memref_slice %arg19[%dma_start3A_998] : memref<1015808xf32, #tpu.memory_space<hbm>> -> memref<1015808xf32, #tpu.memory_space<hbm>>
    tpu.enqueue_indirect_dma source(%dma_start3A_999 : memref<1015808xf32, #tpu.memory_space<hbm>>) target(%dma_start3A_994 : memref<128xf32, #tpu.memory_space<vmem>>) offsets(%dma_start3A_997 : memref<128xi32, #tpu.memory_space<vmem>>) semaphore(%arg29 : memref<!tpu.dma_semaphore, #tpu.memory_space<semaphore_mem>>)
    %dma_start3A_1000 = arith.constant 1 : i32
    %dma_start3A_1001 = arith.constant 7808 : i32
    %dma_start3A_1002 = tpu.memref_slice %arg28[%dma_start3A_1001] : memref<9216xf32, #tpu.memory_space<vmem>> -> memref<128xf32, #tpu.memory_space<vmem>>
    %dma_start3A_1003 = arith.constant 0 : i32
    %dma_start3A_1004 = tpu.memref_slice %arg27[%dma_start3A_1000, %dma_start3A_1003] : memref<4x128xi32, #tpu.memory_space<vmem>> -> memref<1x128xi32, #tpu.memory_space<vmem>>
    %dma_start3A_1005 = tpu.memref_squeeze %dma_start3A_1004 : memref<1x128xi32, #tpu.memory_space<vmem>> -> memref<128xi32, #tpu.memory_space<vmem>>
    %dma_start3A_1006 = arith.constant 0 : i32
    %dma_start3A_1007 = tpu.memref_slice %arg20[%dma_start3A_1006] : memref<1015808xf32, #tpu.memory_space<hbm>> -> memref<1015808xf32, #tpu.memory_space<hbm>>
    tpu.enqueue_indirect_dma source(%dma_start3A_1007 : memref<1015808xf32, #tpu.memory_space<hbm>>) target(%dma_start3A_1002 : memref<128xf32, #tpu.memory_space<vmem>>) offsets(%dma_start3A_1005 : memref<128xi32, #tpu.memory_space<vmem>>) semaphore(%arg29 : memref<!tpu.dma_semaphore, #tpu.memory_space<semaphore_mem>>)
    %dma_start3A_1008 = arith.constant 1 : i32
    %dma_start3A_1009 = arith.constant 8320 : i32
    %dma_start3A_1010 = tpu.memref_slice %arg28[%dma_start3A_1009] : memref<9216xf32, #tpu.memory_space<vmem>> -> memref<128xf32, #tpu.memory_space<vmem>>
    %dma_start3A_1011 = arith.constant 0 : i32
    %dma_start3A_1012 = tpu.memref_slice %arg27[%dma_start3A_1008, %dma_start3A_1011] : memref<4x128xi32, #tpu.memory_space<vmem>> -> memref<1x128xi32, #tpu.memory_space<vmem>>
    %dma_start3A_1013 = tpu.memref_squeeze %dma_start3A_1012 : memref<1x128xi32, #tpu.memory_space<vmem>> -> memref<128xi32, #tpu.memory_space<vmem>>
    %dma_start3A_1014 = arith.constant 0 : i32
    %dma_start3A_1015 = tpu.memref_slice %arg21[%dma_start3A_1014] : memref<1015808xf32, #tpu.memory_space<hbm>> -> memref<1015808xf32, #tpu.memory_space<hbm>>
    tpu.enqueue_indirect_dma source(%dma_start3A_1015 : memref<1015808xf32, #tpu.memory_space<hbm>>) target(%dma_start3A_1010 : memref<128xf32, #tpu.memory_space<vmem>>) offsets(%dma_start3A_1013 : memref<128xi32, #tpu.memory_space<vmem>>) semaphore(%arg29 : memref<!tpu.dma_semaphore, #tpu.memory_space<semaphore_mem>>)
    %dma_start3A_1016 = arith.constant 1 : i32
    %dma_start3A_1017 = arith.constant 8832 : i32
    %dma_start3A_1018 = tpu.memref_slice %arg28[%dma_start3A_1017] : memref<9216xf32, #tpu.memory_space<vmem>> -> memref<128xf32, #tpu.memory_space<vmem>>
    %dma_start3A_1019 = arith.constant 0 : i32
    %dma_start3A_1020 = tpu.memref_slice %arg27[%dma_start3A_1016, %dma_start3A_1019] : memref<4x128xi32, #tpu.memory_space<vmem>> -> memref<1x128xi32, #tpu.memory_space<vmem>>
    %dma_start3A_1021 = tpu.memref_squeeze %dma_start3A_1020 : memref<1x128xi32, #tpu.memory_space<vmem>> -> memref<128xi32, #tpu.memory_space<vmem>>
    %dma_start3A_1022 = arith.constant 0 : i32
    %dma_start3A_1023 = tpu.memref_slice %arg22[%dma_start3A_1022] : memref<1015808xf32, #tpu.memory_space<hbm>> -> memref<1015808xf32, #tpu.memory_space<hbm>>
    tpu.enqueue_indirect_dma source(%dma_start3A_1023 : memref<1015808xf32, #tpu.memory_space<hbm>>) target(%dma_start3A_1018 : memref<128xf32, #tpu.memory_space<vmem>>) offsets(%dma_start3A_1021 : memref<128xi32, #tpu.memory_space<vmem>>) semaphore(%arg29 : memref<!tpu.dma_semaphore, #tpu.memory_space<semaphore_mem>>)
    %dma_start3A_1024 = arith.constant 2 : i32
    %dma_start3A_1025 = arith.constant 256 : i32
    %dma_start3A_1026 = tpu.memref_slice %arg28[%dma_start3A_1025] : memref<9216xf32, #tpu.memory_space<vmem>> -> memref<128xf32, #tpu.memory_space<vmem>>
    %dma_start3A_1027 = arith.constant 0 : i32
    %dma_start3A_1028 = tpu.memref_slice %arg27[%dma_start3A_1024, %dma_start3A_1027] : memref<4x128xi32, #tpu.memory_space<vmem>> -> memref<1x128xi32, #tpu.memory_space<vmem>>
    %dma_start3A_1029 = tpu.memref_squeeze %dma_start3A_1028 : memref<1x128xi32, #tpu.memory_space<vmem>> -> memref<128xi32, #tpu.memory_space<vmem>>
    %dma_start3A_1030 = arith.constant 0 : i32
    %dma_start3A_1031 = tpu.memref_slice %arg5[%dma_start3A_1030] : memref<1015808xf32, #tpu.memory_space<hbm>> -> memref<1015808xf32, #tpu.memory_space<hbm>>
    tpu.enqueue_indirect_dma source(%dma_start3A_1031 : memref<1015808xf32, #tpu.memory_space<hbm>>) target(%dma_start3A_1026 : memref<128xf32, #tpu.memory_space<vmem>>) offsets(%dma_start3A_1029 : memref<128xi32, #tpu.memory_space<vmem>>) semaphore(%arg29 : memref<!tpu.dma_semaphore, #tpu.memory_space<semaphore_mem>>)
    %dma_start3A_1032 = arith.constant 2 : i32
    %dma_start3A_1033 = arith.constant 768 : i32
    %dma_start3A_1034 = tpu.memref_slice %arg28[%dma_start3A_1033] : memref<9216xf32, #tpu.memory_space<vmem>> -> memref<128xf32, #tpu.memory_space<vmem>>
    %dma_start3A_1035 = arith.constant 0 : i32
    %dma_start3A_1036 = tpu.memref_slice %arg27[%dma_start3A_1032, %dma_start3A_1035] : memref<4x128xi32, #tpu.memory_space<vmem>> -> memref<1x128xi32, #tpu.memory_space<vmem>>
    %dma_start3A_1037 = tpu.memref_squeeze %dma_start3A_1036 : memref<1x128xi32, #tpu.memory_space<vmem>> -> memref<128xi32, #tpu.memory_space<vmem>>
    %dma_start3A_1038 = arith.constant 0 : i32
    %dma_start3A_1039 = tpu.memref_slice %arg6[%dma_start3A_1038] : memref<1015808xf32, #tpu.memory_space<hbm>> -> memref<1015808xf32, #tpu.memory_space<hbm>>
    tpu.enqueue_indirect_dma source(%dma_start3A_1039 : memref<1015808xf32, #tpu.memory_space<hbm>>) target(%dma_start3A_1034 : memref<128xf32, #tpu.memory_space<vmem>>) offsets(%dma_start3A_1037 : memref<128xi32, #tpu.memory_space<vmem>>) semaphore(%arg29 : memref<!tpu.dma_semaphore, #tpu.memory_space<semaphore_mem>>)
    %dma_start3A_1040 = arith.constant 2 : i32
    %dma_start3A_1041 = arith.constant 1280 : i32
    %dma_start3A_1042 = tpu.memref_slice %arg28[%dma_start3A_1041] : memref<9216xf32, #tpu.memory_space<vmem>> -> memref<128xf32, #tpu.memory_space<vmem>>
    %dma_start3A_1043 = arith.constant 0 : i32
    %dma_start3A_1044 = tpu.memref_slice %arg27[%dma_start3A_1040, %dma_start3A_1043] : memref<4x128xi32, #tpu.memory_space<vmem>> -> memref<1x128xi32, #tpu.memory_space<vmem>>
    %dma_start3A_1045 = tpu.memref_squeeze %dma_start3A_1044 : memref<1x128xi32, #tpu.memory_space<vmem>> -> memref<128xi32, #tpu.memory_space<vmem>>
    %dma_start3A_1046 = arith.constant 0 : i32
    %dma_start3A_1047 = tpu.memref_slice %arg7[%dma_start3A_1046] : memref<1015808xf32, #tpu.memory_space<hbm>> -> memref<1015808xf32, #tpu.memory_space<hbm>>
    tpu.enqueue_indirect_dma source(%dma_start3A_1047 : memref<1015808xf32, #tpu.memory_space<hbm>>) target(%dma_start3A_1042 : memref<128xf32, #tpu.memory_space<vmem>>) offsets(%dma_start3A_1045 : memref<128xi32, #tpu.memory_space<vmem>>) semaphore(%arg29 : memref<!tpu.dma_semaphore, #tpu.memory_space<semaphore_mem>>)
    %dma_start3A_1048 = arith.constant 2 : i32
    %dma_start3A_1049 = arith.constant 1792 : i32
    %dma_start3A_1050 = tpu.memref_slice %arg28[%dma_start3A_1049] : memref<9216xf32, #tpu.memory_space<vmem>> -> memref<128xf32, #tpu.memory_space<vmem>>
    %dma_start3A_1051 = arith.constant 0 : i32
    %dma_start3A_1052 = tpu.memref_slice %arg27[%dma_start3A_1048, %dma_start3A_1051] : memref<4x128xi32, #tpu.memory_space<vmem>> -> memref<1x128xi32, #tpu.memory_space<vmem>>
    %dma_start3A_1053 = tpu.memref_squeeze %dma_start3A_1052 : memref<1x128xi32, #tpu.memory_space<vmem>> -> memref<128xi32, #tpu.memory_space<vmem>>
    %dma_start3A_1054 = arith.constant 0 : i32
    %dma_start3A_1055 = tpu.memref_slice %arg8[%dma_start3A_1054] : memref<1015808xf32, #tpu.memory_space<hbm>> -> memref<1015808xf32, #tpu.memory_space<hbm>>
    tpu.enqueue_indirect_dma source(%dma_start3A_1055 : memref<1015808xf32, #tpu.memory_space<hbm>>) target(%dma_start3A_1050 : memref<128xf32, #tpu.memory_space<vmem>>) offsets(%dma_start3A_1053 : memref<128xi32, #tpu.memory_space<vmem>>) semaphore(%arg29 : memref<!tpu.dma_semaphore, #tpu.memory_space<semaphore_mem>>)
    %dma_start3A_1056 = arith.constant 2 : i32
    %dma_start3A_1057 = arith.constant 2304 : i32
    %dma_start3A_1058 = tpu.memref_slice %arg28[%dma_start3A_1057] : memref<9216xf32, #tpu.memory_space<vmem>> -> memref<128xf32, #tpu.memory_space<vmem>>
    %dma_start3A_1059 = arith.constant 0 : i32
    %dma_start3A_1060 = tpu.memref_slice %arg27[%dma_start3A_1056, %dma_start3A_1059] : memref<4x128xi32, #tpu.memory_space<vmem>> -> memref<1x128xi32, #tpu.memory_space<vmem>>
    %dma_start3A_1061 = tpu.memref_squeeze %dma_start3A_1060 : memref<1x128xi32, #tpu.memory_space<vmem>> -> memref<128xi32, #tpu.memory_space<vmem>>
    %dma_start3A_1062 = arith.constant 0 : i32
    %dma_start3A_1063 = tpu.memref_slice %arg9[%dma_start3A_1062] : memref<1015808xf32, #tpu.memory_space<hbm>> -> memref<1015808xf32, #tpu.memory_space<hbm>>
    tpu.enqueue_indirect_dma source(%dma_start3A_1063 : memref<1015808xf32, #tpu.memory_space<hbm>>) target(%dma_start3A_1058 : memref<128xf32, #tpu.memory_space<vmem>>) offsets(%dma_start3A_1061 : memref<128xi32, #tpu.memory_space<vmem>>) semaphore(%arg29 : memref<!tpu.dma_semaphore, #tpu.memory_space<semaphore_mem>>)
    %dma_start3A_1064 = arith.constant 2 : i32
    %dma_start3A_1065 = arith.constant 2816 : i32
    %dma_start3A_1066 = tpu.memref_slice %arg28[%dma_start3A_1065] : memref<9216xf32, #tpu.memory_space<vmem>> -> memref<128xf32, #tpu.memory_space<vmem>>
    %dma_start3A_1067 = arith.constant 0 : i32
    %dma_start3A_1068 = tpu.memref_slice %arg27[%dma_start3A_1064, %dma_start3A_1067] : memref<4x128xi32, #tpu.memory_space<vmem>> -> memref<1x128xi32, #tpu.memory_space<vmem>>
    %dma_start3A_1069 = tpu.memref_squeeze %dma_start3A_1068 : memref<1x128xi32, #tpu.memory_space<vmem>> -> memref<128xi32, #tpu.memory_space<vmem>>
    %dma_start3A_1070 = arith.constant 0 : i32
    %dma_start3A_1071 = tpu.memref_slice %arg10[%dma_start3A_1070] : memref<1015808xf32, #tpu.memory_space<hbm>> -> memref<1015808xf32, #tpu.memory_space<hbm>>
    tpu.enqueue_indirect_dma source(%dma_start3A_1071 : memref<1015808xf32, #tpu.memory_space<hbm>>) target(%dma_start3A_1066 : memref<128xf32, #tpu.memory_space<vmem>>) offsets(%dma_start3A_1069 : memref<128xi32, #tpu.memory_space<vmem>>) semaphore(%arg29 : memref<!tpu.dma_semaphore, #tpu.memory_space<semaphore_mem>>)
    %dma_start3A_1072 = arith.constant 2 : i32
    %dma_start3A_1073 = arith.constant 3328 : i32
    %dma_start3A_1074 = tpu.memref_slice %arg28[%dma_start3A_1073] : memref<9216xf32, #tpu.memory_space<vmem>> -> memref<128xf32, #tpu.memory_space<vmem>>
    %dma_start3A_1075 = arith.constant 0 : i32
    %dma_start3A_1076 = tpu.memref_slice %arg27[%dma_start3A_1072, %dma_start3A_1075] : memref<4x128xi32, #tpu.memory_space<vmem>> -> memref<1x128xi32, #tpu.memory_space<vmem>>
    %dma_start3A_1077 = tpu.memref_squeeze %dma_start3A_1076 : memref<1x128xi32, #tpu.memory_space<vmem>> -> memref<128xi32, #tpu.memory_space<vmem>>
    %dma_start3A_1078 = arith.constant 0 : i32
    %dma_start3A_1079 = tpu.memref_slice %arg11[%dma_start3A_1078] : memref<1015808xf32, #tpu.memory_space<hbm>> -> memref<1015808xf32, #tpu.memory_space<hbm>>
    tpu.enqueue_indirect_dma source(%dma_start3A_1079 : memref<1015808xf32, #tpu.memory_space<hbm>>) target(%dma_start3A_1074 : memref<128xf32, #tpu.memory_space<vmem>>) offsets(%dma_start3A_1077 : memref<128xi32, #tpu.memory_space<vmem>>) semaphore(%arg29 : memref<!tpu.dma_semaphore, #tpu.memory_space<semaphore_mem>>)
    %dma_start3A_1080 = arith.constant 2 : i32
    %dma_start3A_1081 = arith.constant 3840 : i32
    %dma_start3A_1082 = tpu.memref_slice %arg28[%dma_start3A_1081] : memref<9216xf32, #tpu.memory_space<vmem>> -> memref<128xf32, #tpu.memory_space<vmem>>
    %dma_start3A_1083 = arith.constant 0 : i32
    %dma_start3A_1084 = tpu.memref_slice %arg27[%dma_start3A_1080, %dma_start3A_1083] : memref<4x128xi32, #tpu.memory_space<vmem>> -> memref<1x128xi32, #tpu.memory_space<vmem>>
    %dma_start3A_1085 = tpu.memref_squeeze %dma_start3A_1084 : memref<1x128xi32, #tpu.memory_space<vmem>> -> memref<128xi32, #tpu.memory_space<vmem>>
    %dma_start3A_1086 = arith.constant 0 : i32
    %dma_start3A_1087 = tpu.memref_slice %arg12[%dma_start3A_1086] : memref<1015808xf32, #tpu.memory_space<hbm>> -> memref<1015808xf32, #tpu.memory_space<hbm>>
    tpu.enqueue_indirect_dma source(%dma_start3A_1087 : memref<1015808xf32, #tpu.memory_space<hbm>>) target(%dma_start3A_1082 : memref<128xf32, #tpu.memory_space<vmem>>) offsets(%dma_start3A_1085 : memref<128xi32, #tpu.memory_space<vmem>>) semaphore(%arg29 : memref<!tpu.dma_semaphore, #tpu.memory_space<semaphore_mem>>)
    %dma_start3A_1088 = arith.constant 2 : i32
    %dma_start3A_1089 = arith.constant 4352 : i32
    %dma_start3A_1090 = tpu.memref_slice %arg28[%dma_start3A_1089] : memref<9216xf32, #tpu.memory_space<vmem>> -> memref<128xf32, #tpu.memory_space<vmem>>
    %dma_start3A_1091 = arith.constant 0 : i32
    %dma_start3A_1092 = tpu.memref_slice %arg27[%dma_start3A_1088, %dma_start3A_1091] : memref<4x128xi32, #tpu.memory_space<vmem>> -> memref<1x128xi32, #tpu.memory_space<vmem>>
    %dma_start3A_1093 = tpu.memref_squeeze %dma_start3A_1092 : memref<1x128xi32, #tpu.memory_space<vmem>> -> memref<128xi32, #tpu.memory_space<vmem>>
    %dma_start3A_1094 = arith.constant 0 : i32
    %dma_start3A_1095 = tpu.memref_slice %arg13[%dma_start3A_1094] : memref<1015808xf32, #tpu.memory_space<hbm>> -> memref<1015808xf32, #tpu.memory_space<hbm>>
    tpu.enqueue_indirect_dma source(%dma_start3A_1095 : memref<1015808xf32, #tpu.memory_space<hbm>>) target(%dma_start3A_1090 : memref<128xf32, #tpu.memory_space<vmem>>) offsets(%dma_start3A_1093 : memref<128xi32, #tpu.memory_space<vmem>>) semaphore(%arg29 : memref<!tpu.dma_semaphore, #tpu.memory_space<semaphore_mem>>)
    %dma_start3A_1096 = arith.constant 2 : i32
    %dma_start3A_1097 = arith.constant 4864 : i32
    %dma_start3A_1098 = tpu.memref_slice %arg28[%dma_start3A_1097] : memref<9216xf32, #tpu.memory_space<vmem>> -> memref<128xf32, #tpu.memory_space<vmem>>
    %dma_start3A_1099 = arith.constant 0 : i32
    %dma_start3A_1100 = tpu.memref_slice %arg27[%dma_start3A_1096, %dma_start3A_1099] : memref<4x128xi32, #tpu.memory_space<vmem>> -> memref<1x128xi32, #tpu.memory_space<vmem>>
    %dma_start3A_1101 = tpu.memref_squeeze %dma_start3A_1100 : memref<1x128xi32, #tpu.memory_space<vmem>> -> memref<128xi32, #tpu.memory_space<vmem>>
    %dma_start3A_1102 = arith.constant 0 : i32
    %dma_start3A_1103 = tpu.memref_slice %arg14[%dma_start3A_1102] : memref<1015808xf32, #tpu.memory_space<hbm>> -> memref<1015808xf32, #tpu.memory_space<hbm>>
    tpu.enqueue_indirect_dma source(%dma_start3A_1103 : memref<1015808xf32, #tpu.memory_space<hbm>>) target(%dma_start3A_1098 : memref<128xf32, #tpu.memory_space<vmem>>) offsets(%dma_start3A_1101 : memref<128xi32, #tpu.memory_space<vmem>>) semaphore(%arg29 : memref<!tpu.dma_semaphore, #tpu.memory_space<semaphore_mem>>)
    %dma_start3A_1104 = arith.constant 2 : i32
    %dma_start3A_1105 = arith.constant 5376 : i32
    %dma_start3A_1106 = tpu.memref_slice %arg28[%dma_start3A_1105] : memref<9216xf32, #tpu.memory_space<vmem>> -> memref<128xf32, #tpu.memory_space<vmem>>
    %dma_start3A_1107 = arith.constant 0 : i32
    %dma_start3A_1108 = tpu.memref_slice %arg27[%dma_start3A_1104, %dma_start3A_1107] : memref<4x128xi32, #tpu.memory_space<vmem>> -> memref<1x128xi32, #tpu.memory_space<vmem>>
    %dma_start3A_1109 = tpu.memref_squeeze %dma_start3A_1108 : memref<1x128xi32, #tpu.memory_space<vmem>> -> memref<128xi32, #tpu.memory_space<vmem>>
    %dma_start3A_1110 = arith.constant 0 : i32
    %dma_start3A_1111 = tpu.memref_slice %arg15[%dma_start3A_1110] : memref<1015808xf32, #tpu.memory_space<hbm>> -> memref<1015808xf32, #tpu.memory_space<hbm>>
    tpu.enqueue_indirect_dma source(%dma_start3A_1111 : memref<1015808xf32, #tpu.memory_space<hbm>>) target(%dma_start3A_1106 : memref<128xf32, #tpu.memory_space<vmem>>) offsets(%dma_start3A_1109 : memref<128xi32, #tpu.memory_space<vmem>>) semaphore(%arg29 : memref<!tpu.dma_semaphore, #tpu.memory_space<semaphore_mem>>)
    %dma_start3A_1112 = arith.constant 2 : i32
    %dma_start3A_1113 = arith.constant 5888 : i32
    %dma_start3A_1114 = tpu.memref_slice %arg28[%dma_start3A_1113] : memref<9216xf32, #tpu.memory_space<vmem>> -> memref<128xf32, #tpu.memory_space<vmem>>
    %dma_start3A_1115 = arith.constant 0 : i32
    %dma_start3A_1116 = tpu.memref_slice %arg27[%dma_start3A_1112, %dma_start3A_1115] : memref<4x128xi32, #tpu.memory_space<vmem>> -> memref<1x128xi32, #tpu.memory_space<vmem>>
    %dma_start3A_1117 = tpu.memref_squeeze %dma_start3A_1116 : memref<1x128xi32, #tpu.memory_space<vmem>> -> memref<128xi32, #tpu.memory_space<vmem>>
    %dma_start3A_1118 = arith.constant 0 : i32
    %dma_start3A_1119 = tpu.memref_slice %arg16[%dma_start3A_1118] : memref<1015808xf32, #tpu.memory_space<hbm>> -> memref<1015808xf32, #tpu.memory_space<hbm>>
    tpu.enqueue_indirect_dma source(%dma_start3A_1119 : memref<1015808xf32, #tpu.memory_space<hbm>>) target(%dma_start3A_1114 : memref<128xf32, #tpu.memory_space<vmem>>) offsets(%dma_start3A_1117 : memref<128xi32, #tpu.memory_space<vmem>>) semaphore(%arg29 : memref<!tpu.dma_semaphore, #tpu.memory_space<semaphore_mem>>)
    %dma_start3A_1120 = arith.constant 2 : i32
    %dma_start3A_1121 = arith.constant 6400 : i32
    %dma_start3A_1122 = tpu.memref_slice %arg28[%dma_start3A_1121] : memref<9216xf32, #tpu.memory_space<vmem>> -> memref<128xf32, #tpu.memory_space<vmem>>
    %dma_start3A_1123 = arith.constant 0 : i32
    %dma_start3A_1124 = tpu.memref_slice %arg27[%dma_start3A_1120, %dma_start3A_1123] : memref<4x128xi32, #tpu.memory_space<vmem>> -> memref<1x128xi32, #tpu.memory_space<vmem>>
    %dma_start3A_1125 = tpu.memref_squeeze %dma_start3A_1124 : memref<1x128xi32, #tpu.memory_space<vmem>> -> memref<128xi32, #tpu.memory_space<vmem>>
    %dma_start3A_1126 = arith.constant 0 : i32
    %dma_start3A_1127 = tpu.memref_slice %arg17[%dma_start3A_1126] : memref<1015808xf32, #tpu.memory_space<hbm>> -> memref<1015808xf32, #tpu.memory_space<hbm>>
    tpu.enqueue_indirect_dma source(%dma_start3A_1127 : memref<1015808xf32, #tpu.memory_space<hbm>>) target(%dma_start3A_1122 : memref<128xf32, #tpu.memory_space<vmem>>) offsets(%dma_start3A_1125 : memref<128xi32, #tpu.memory_space<vmem>>) semaphore(%arg29 : memref<!tpu.dma_semaphore, #tpu.memory_space<semaphore_mem>>)
    %dma_start3A_1128 = arith.constant 2 : i32
    %dma_start3A_1129 = arith.constant 6912 : i32
    %dma_start3A_1130 = tpu.memref_slice %arg28[%dma_start3A_1129] : memref<9216xf32, #tpu.memory_space<vmem>> -> memref<128xf32, #tpu.memory_space<vmem>>
    %dma_start3A_1131 = arith.constant 0 : i32
    %dma_start3A_1132 = tpu.memref_slice %arg27[%dma_start3A_1128, %dma_start3A_1131] : memref<4x128xi32, #tpu.memory_space<vmem>> -> memref<1x128xi32, #tpu.memory_space<vmem>>
    %dma_start3A_1133 = tpu.memref_squeeze %dma_start3A_1132 : memref<1x128xi32, #tpu.memory_space<vmem>> -> memref<128xi32, #tpu.memory_space<vmem>>
    %dma_start3A_1134 = arith.constant 0 : i32
    %dma_start3A_1135 = tpu.memref_slice %arg18[%dma_start3A_1134] : memref<1015808xf32, #tpu.memory_space<hbm>> -> memref<1015808xf32, #tpu.memory_space<hbm>>
    tpu.enqueue_indirect_dma source(%dma_start3A_1135 : memref<1015808xf32, #tpu.memory_space<hbm>>) target(%dma_start3A_1130 : memref<128xf32, #tpu.memory_space<vmem>>) offsets(%dma_start3A_1133 : memref<128xi32, #tpu.memory_space<vmem>>) semaphore(%arg29 : memref<!tpu.dma_semaphore, #tpu.memory_space<semaphore_mem>>)
    %dma_start3A_1136 = arith.constant 2 : i32
    %dma_start3A_1137 = arith.constant 7424 : i32
    %dma_start3A_1138 = tpu.memref_slice %arg28[%dma_start3A_1137] : memref<9216xf32, #tpu.memory_space<vmem>> -> memref<128xf32, #tpu.memory_space<vmem>>
    %dma_start3A_1139 = arith.constant 0 : i32
    %dma_start3A_1140 = tpu.memref_slice %arg27[%dma_start3A_1136, %dma_start3A_1139] : memref<4x128xi32, #tpu.memory_space<vmem>> -> memref<1x128xi32, #tpu.memory_space<vmem>>
    %dma_start3A_1141 = tpu.memref_squeeze %dma_start3A_1140 : memref<1x128xi32, #tpu.memory_space<vmem>> -> memref<128xi32, #tpu.memory_space<vmem>>
    %dma_start3A_1142 = arith.constant 0 : i32
    %dma_start3A_1143 = tpu.memref_slice %arg19[%dma_start3A_1142] : memref<1015808xf32, #tpu.memory_space<hbm>> -> memref<1015808xf32, #tpu.memory_space<hbm>>
    tpu.enqueue_indirect_dma source(%dma_start3A_1143 : memref<1015808xf32, #tpu.memory_space<hbm>>) target(%dma_start3A_1138 : memref<128xf32, #tpu.memory_space<vmem>>) offsets(%dma_start3A_1141 : memref<128xi32, #tpu.memory_space<vmem>>) semaphore(%arg29 : memref<!tpu.dma_semaphore, #tpu.memory_space<semaphore_mem>>)
    %dma_start3A_1144 = arith.constant 2 : i32
    %dma_start3A_1145 = arith.constant 7936 : i32
    %dma_start3A_1146 = tpu.memref_slice %arg28[%dma_start3A_1145] : memref<9216xf32, #tpu.memory_space<vmem>> -> memref<128xf32, #tpu.memory_space<vmem>>
    %dma_start3A_1147 = arith.constant 0 : i32
    %dma_start3A_1148 = tpu.memref_slice %arg27[%dma_start3A_1144, %dma_start3A_1147] : memref<4x128xi32, #tpu.memory_space<vmem>> -> memref<1x128xi32, #tpu.memory_space<vmem>>
    %dma_start3A_1149 = tpu.memref_squeeze %dma_start3A_1148 : memref<1x128xi32, #tpu.memory_space<vmem>> -> memref<128xi32, #tpu.memory_space<vmem>>
    %dma_start3A_1150 = arith.constant 0 : i32
    %dma_start3A_1151 = tpu.memref_slice %arg20[%dma_start3A_1150] : memref<1015808xf32, #tpu.memory_space<hbm>> -> memref<1015808xf32, #tpu.memory_space<hbm>>
    tpu.enqueue_indirect_dma source(%dma_start3A_1151 : memref<1015808xf32, #tpu.memory_space<hbm>>) target(%dma_start3A_1146 : memref<128xf32, #tpu.memory_space<vmem>>) offsets(%dma_start3A_1149 : memref<128xi32, #tpu.memory_space<vmem>>) semaphore(%arg29 : memref<!tpu.dma_semaphore, #tpu.memory_space<semaphore_mem>>)
    %dma_start3A_1152 = arith.constant 2 : i32
    %dma_start3A_1153 = arith.constant 8448 : i32
    %dma_start3A_1154 = tpu.memref_slice %arg28[%dma_start3A_1153] : memref<9216xf32, #tpu.memory_space<vmem>> -> memref<128xf32, #tpu.memory_space<vmem>>
    %dma_start3A_1155 = arith.constant 0 : i32
    %dma_start3A_1156 = tpu.memref_slice %arg27[%dma_start3A_1152, %dma_start3A_1155] : memref<4x128xi32, #tpu.memory_space<vmem>> -> memref<1x128xi32, #tpu.memory_space<vmem>>
    %dma_start3A_1157 = tpu.memref_squeeze %dma_start3A_1156 : memref<1x128xi32, #tpu.memory_space<vmem>> -> memref<128xi32, #tpu.memory_space<vmem>>
    %dma_start3A_1158 = arith.constant 0 : i32
    %dma_start3A_1159 = tpu.memref_slice %arg21[%dma_start3A_1158] : memref<1015808xf32, #tpu.memory_space<hbm>> -> memref<1015808xf32, #tpu.memory_space<hbm>>
    tpu.enqueue_indirect_dma source(%dma_start3A_1159 : memref<1015808xf32, #tpu.memory_space<hbm>>) target(%dma_start3A_1154 : memref<128xf32, #tpu.memory_space<vmem>>) offsets(%dma_start3A_1157 : memref<128xi32, #tpu.memory_space<vmem>>) semaphore(%arg29 : memref<!tpu.dma_semaphore, #tpu.memory_space<semaphore_mem>>)
    %dma_start3A_1160 = arith.constant 2 : i32
    %dma_start3A_1161 = arith.constant 8960 : i32
    %dma_start3A_1162 = tpu.memref_slice %arg28[%dma_start3A_1161] : memref<9216xf32, #tpu.memory_space<vmem>> -> memref<128xf32, #tpu.memory_space<vmem>>
    %dma_start3A_1163 = arith.constant 0 : i32
    %dma_start3A_1164 = tpu.memref_slice %arg27[%dma_start3A_1160, %dma_start3A_1163] : memref<4x128xi32, #tpu.memory_space<vmem>> -> memref<1x128xi32, #tpu.memory_space<vmem>>
    %dma_start3A_1165 = tpu.memref_squeeze %dma_start3A_1164 : memref<1x128xi32, #tpu.memory_space<vmem>> -> memref<128xi32, #tpu.memory_space<vmem>>
    %dma_start3A_1166 = arith.constant 0 : i32
    %dma_start3A_1167 = tpu.memref_slice %arg22[%dma_start3A_1166] : memref<1015808xf32, #tpu.memory_space<hbm>> -> memref<1015808xf32, #tpu.memory_space<hbm>>
    tpu.enqueue_indirect_dma source(%dma_start3A_1167 : memref<1015808xf32, #tpu.memory_space<hbm>>) target(%dma_start3A_1162 : memref<128xf32, #tpu.memory_space<vmem>>) offsets(%dma_start3A_1165 : memref<128xi32, #tpu.memory_space<vmem>>) semaphore(%arg29 : memref<!tpu.dma_semaphore, #tpu.memory_space<semaphore_mem>>)
    %dma_start3A_1168 = arith.constant 3 : i32
    %dma_start3A_1169 = arith.constant 384 : i32
    %dma_start3A_1170 = tpu.memref_slice %arg28[%dma_start3A_1169] : memref<9216xf32, #tpu.memory_space<vmem>> -> memref<128xf32, #tpu.memory_space<vmem>>
    %dma_start3A_1171 = arith.constant 0 : i32
    %dma_start3A_1172 = tpu.memref_slice %arg27[%dma_start3A_1168, %dma_start3A_1171] : memref<4x128xi32, #tpu.memory_space<vmem>> -> memref<1x128xi32, #tpu.memory_space<vmem>>
    %dma_start3A_1173 = tpu.memref_squeeze %dma_start3A_1172 : memref<1x128xi32, #tpu.memory_space<vmem>> -> memref<128xi32, #tpu.memory_space<vmem>>
    %dma_start3A_1174 = arith.constant 0 : i32
    %dma_start3A_1175 = tpu.memref_slice %arg5[%dma_start3A_1174] : memref<1015808xf32, #tpu.memory_space<hbm>> -> memref<1015808xf32, #tpu.memory_space<hbm>>
    tpu.enqueue_indirect_dma source(%dma_start3A_1175 : memref<1015808xf32, #tpu.memory_space<hbm>>) target(%dma_start3A_1170 : memref<128xf32, #tpu.memory_space<vmem>>) offsets(%dma_start3A_1173 : memref<128xi32, #tpu.memory_space<vmem>>) semaphore(%arg29 : memref<!tpu.dma_semaphore, #tpu.memory_space<semaphore_mem>>)
    %dma_start3A_1176 = arith.constant 3 : i32
    %dma_start3A_1177 = arith.constant 896 : i32
    %dma_start3A_1178 = tpu.memref_slice %arg28[%dma_start3A_1177] : memref<9216xf32, #tpu.memory_space<vmem>> -> memref<128xf32, #tpu.memory_space<vmem>>
    %dma_start3A_1179 = arith.constant 0 : i32
    %dma_start3A_1180 = tpu.memref_slice %arg27[%dma_start3A_1176, %dma_start3A_1179] : memref<4x128xi32, #tpu.memory_space<vmem>> -> memref<1x128xi32, #tpu.memory_space<vmem>>
    %dma_start3A_1181 = tpu.memref_squeeze %dma_start3A_1180 : memref<1x128xi32, #tpu.memory_space<vmem>> -> memref<128xi32, #tpu.memory_space<vmem>>
    %dma_start3A_1182 = arith.constant 0 : i32
    %dma_start3A_1183 = tpu.memref_slice %arg6[%dma_start3A_1182] : memref<1015808xf32, #tpu.memory_space<hbm>> -> memref<1015808xf32, #tpu.memory_space<hbm>>
    tpu.enqueue_indirect_dma source(%dma_start3A_1183 : memref<1015808xf32, #tpu.memory_space<hbm>>) target(%dma_start3A_1178 : memref<128xf32, #tpu.memory_space<vmem>>) offsets(%dma_start3A_1181 : memref<128xi32, #tpu.memory_space<vmem>>) semaphore(%arg29 : memref<!tpu.dma_semaphore, #tpu.memory_space<semaphore_mem>>)
    %dma_start3A_1184 = arith.constant 3 : i32
    %dma_start3A_1185 = arith.constant 1408 : i32
    %dma_start3A_1186 = tpu.memref_slice %arg28[%dma_start3A_1185] : memref<9216xf32, #tpu.memory_space<vmem>> -> memref<128xf32, #tpu.memory_space<vmem>>
    %dma_start3A_1187 = arith.constant 0 : i32
    %dma_start3A_1188 = tpu.memref_slice %arg27[%dma_start3A_1184, %dma_start3A_1187] : memref<4x128xi32, #tpu.memory_space<vmem>> -> memref<1x128xi32, #tpu.memory_space<vmem>>
    %dma_start3A_1189 = tpu.memref_squeeze %dma_start3A_1188 : memref<1x128xi32, #tpu.memory_space<vmem>> -> memref<128xi32, #tpu.memory_space<vmem>>
    %dma_start3A_1190 = arith.constant 0 : i32
    %dma_start3A_1191 = tpu.memref_slice %arg7[%dma_start3A_1190] : memref<1015808xf32, #tpu.memory_space<hbm>> -> memref<1015808xf32, #tpu.memory_space<hbm>>
    tpu.enqueue_indirect_dma source(%dma_start3A_1191 : memref<1015808xf32, #tpu.memory_space<hbm>>) target(%dma_start3A_1186 : memref<128xf32, #tpu.memory_space<vmem>>) offsets(%dma_start3A_1189 : memref<128xi32, #tpu.memory_space<vmem>>) semaphore(%arg29 : memref<!tpu.dma_semaphore, #tpu.memory_space<semaphore_mem>>)
    %dma_start3A_1192 = arith.constant 3 : i32
    %dma_start3A_1193 = arith.constant 1920 : i32
    %dma_start3A_1194 = tpu.memref_slice %arg28[%dma_start3A_1193] : memref<9216xf32, #tpu.memory_space<vmem>> -> memref<128xf32, #tpu.memory_space<vmem>>
    %dma_start3A_1195 = arith.constant 0 : i32
    %dma_start3A_1196 = tpu.memref_slice %arg27[%dma_start3A_1192, %dma_start3A_1195] : memref<4x128xi32, #tpu.memory_space<vmem>> -> memref<1x128xi32, #tpu.memory_space<vmem>>
    %dma_start3A_1197 = tpu.memref_squeeze %dma_start3A_1196 : memref<1x128xi32, #tpu.memory_space<vmem>> -> memref<128xi32, #tpu.memory_space<vmem>>
    %dma_start3A_1198 = arith.constant 0 : i32
    %dma_start3A_1199 = tpu.memref_slice %arg8[%dma_start3A_1198] : memref<1015808xf32, #tpu.memory_space<hbm>> -> memref<1015808xf32, #tpu.memory_space<hbm>>
    tpu.enqueue_indirect_dma source(%dma_start3A_1199 : memref<1015808xf32, #tpu.memory_space<hbm>>) target(%dma_start3A_1194 : memref<128xf32, #tpu.memory_space<vmem>>) offsets(%dma_start3A_1197 : memref<128xi32, #tpu.memory_space<vmem>>) semaphore(%arg29 : memref<!tpu.dma_semaphore, #tpu.memory_space<semaphore_mem>>)
    %dma_start3A_1200 = arith.constant 3 : i32
    %dma_start3A_1201 = arith.constant 2432 : i32
    %dma_start3A_1202 = tpu.memref_slice %arg28[%dma_start3A_1201] : memref<9216xf32, #tpu.memory_space<vmem>> -> memref<128xf32, #tpu.memory_space<vmem>>
    %dma_start3A_1203 = arith.constant 0 : i32
    %dma_start3A_1204 = tpu.memref_slice %arg27[%dma_start3A_1200, %dma_start3A_1203] : memref<4x128xi32, #tpu.memory_space<vmem>> -> memref<1x128xi32, #tpu.memory_space<vmem>>
    %dma_start3A_1205 = tpu.memref_squeeze %dma_start3A_1204 : memref<1x128xi32, #tpu.memory_space<vmem>> -> memref<128xi32, #tpu.memory_space<vmem>>
    %dma_start3A_1206 = arith.constant 0 : i32
    %dma_start3A_1207 = tpu.memref_slice %arg9[%dma_start3A_1206] : memref<1015808xf32, #tpu.memory_space<hbm>> -> memref<1015808xf32, #tpu.memory_space<hbm>>
    tpu.enqueue_indirect_dma source(%dma_start3A_1207 : memref<1015808xf32, #tpu.memory_space<hbm>>) target(%dma_start3A_1202 : memref<128xf32, #tpu.memory_space<vmem>>) offsets(%dma_start3A_1205 : memref<128xi32, #tpu.memory_space<vmem>>) semaphore(%arg29 : memref<!tpu.dma_semaphore, #tpu.memory_space<semaphore_mem>>)
    %dma_start3A_1208 = arith.constant 3 : i32
    %dma_start3A_1209 = arith.constant 2944 : i32
    %dma_start3A_1210 = tpu.memref_slice %arg28[%dma_start3A_1209] : memref<9216xf32, #tpu.memory_space<vmem>> -> memref<128xf32, #tpu.memory_space<vmem>>
    %dma_start3A_1211 = arith.constant 0 : i32
    %dma_start3A_1212 = tpu.memref_slice %arg27[%dma_start3A_1208, %dma_start3A_1211] : memref<4x128xi32, #tpu.memory_space<vmem>> -> memref<1x128xi32, #tpu.memory_space<vmem>>
    %dma_start3A_1213 = tpu.memref_squeeze %dma_start3A_1212 : memref<1x128xi32, #tpu.memory_space<vmem>> -> memref<128xi32, #tpu.memory_space<vmem>>
    %dma_start3A_1214 = arith.constant 0 : i32
    %dma_start3A_1215 = tpu.memref_slice %arg10[%dma_start3A_1214] : memref<1015808xf32, #tpu.memory_space<hbm>> -> memref<1015808xf32, #tpu.memory_space<hbm>>
    tpu.enqueue_indirect_dma source(%dma_start3A_1215 : memref<1015808xf32, #tpu.memory_space<hbm>>) target(%dma_start3A_1210 : memref<128xf32, #tpu.memory_space<vmem>>) offsets(%dma_start3A_1213 : memref<128xi32, #tpu.memory_space<vmem>>) semaphore(%arg29 : memref<!tpu.dma_semaphore, #tpu.memory_space<semaphore_mem>>)
    %dma_start3A_1216 = arith.constant 3 : i32
    %dma_start3A_1217 = arith.constant 3456 : i32
    %dma_start3A_1218 = tpu.memref_slice %arg28[%dma_start3A_1217] : memref<9216xf32, #tpu.memory_space<vmem>> -> memref<128xf32, #tpu.memory_space<vmem>>
    %dma_start3A_1219 = arith.constant 0 : i32
    %dma_start3A_1220 = tpu.memref_slice %arg27[%dma_start3A_1216, %dma_start3A_1219] : memref<4x128xi32, #tpu.memory_space<vmem>> -> memref<1x128xi32, #tpu.memory_space<vmem>>
    %dma_start3A_1221 = tpu.memref_squeeze %dma_start3A_1220 : memref<1x128xi32, #tpu.memory_space<vmem>> -> memref<128xi32, #tpu.memory_space<vmem>>
    %dma_start3A_1222 = arith.constant 0 : i32
    %dma_start3A_1223 = tpu.memref_slice %arg11[%dma_start3A_1222] : memref<1015808xf32, #tpu.memory_space<hbm>> -> memref<1015808xf32, #tpu.memory_space<hbm>>
    tpu.enqueue_indirect_dma source(%dma_start3A_1223 : memref<1015808xf32, #tpu.memory_space<hbm>>) target(%dma_start3A_1218 : memref<128xf32, #tpu.memory_space<vmem>>) offsets(%dma_start3A_1221 : memref<128xi32, #tpu.memory_space<vmem>>) semaphore(%arg29 : memref<!tpu.dma_semaphore, #tpu.memory_space<semaphore_mem>>)
    %dma_start3A_1224 = arith.constant 3 : i32
    %dma_start3A_1225 = arith.constant 3968 : i32
    %dma_start3A_1226 = tpu.memref_slice %arg28[%dma_start3A_1225] : memref<9216xf32, #tpu.memory_space<vmem>> -> memref<128xf32, #tpu.memory_space<vmem>>
    %dma_start3A_1227 = arith.constant 0 : i32
    %dma_start3A_1228 = tpu.memref_slice %arg27[%dma_start3A_1224, %dma_start3A_1227] : memref<4x128xi32, #tpu.memory_space<vmem>> -> memref<1x128xi32, #tpu.memory_space<vmem>>
    %dma_start3A_1229 = tpu.memref_squeeze %dma_start3A_1228 : memref<1x128xi32, #tpu.memory_space<vmem>> -> memref<128xi32, #tpu.memory_space<vmem>>
    %dma_start3A_1230 = arith.constant 0 : i32
    %dma_start3A_1231 = tpu.memref_slice %arg12[%dma_start3A_1230] : memref<1015808xf32, #tpu.memory_space<hbm>> -> memref<1015808xf32, #tpu.memory_space<hbm>>
    tpu.enqueue_indirect_dma source(%dma_start3A_1231 : memref<1015808xf32, #tpu.memory_space<hbm>>) target(%dma_start3A_1226 : memref<128xf32, #tpu.memory_space<vmem>>) offsets(%dma_start3A_1229 : memref<128xi32, #tpu.memory_space<vmem>>) semaphore(%arg29 : memref<!tpu.dma_semaphore, #tpu.memory_space<semaphore_mem>>)
    %dma_start3A_1232 = arith.constant 3 : i32
    %dma_start3A_1233 = arith.constant 4480 : i32
    %dma_start3A_1234 = tpu.memref_slice %arg28[%dma_start3A_1233] : memref<9216xf32, #tpu.memory_space<vmem>> -> memref<128xf32, #tpu.memory_space<vmem>>
    %dma_start3A_1235 = arith.constant 0 : i32
    %dma_start3A_1236 = tpu.memref_slice %arg27[%dma_start3A_1232, %dma_start3A_1235] : memref<4x128xi32, #tpu.memory_space<vmem>> -> memref<1x128xi32, #tpu.memory_space<vmem>>
    %dma_start3A_1237 = tpu.memref_squeeze %dma_start3A_1236 : memref<1x128xi32, #tpu.memory_space<vmem>> -> memref<128xi32, #tpu.memory_space<vmem>>
    %dma_start3A_1238 = arith.constant 0 : i32
    %dma_start3A_1239 = tpu.memref_slice %arg13[%dma_start3A_1238] : memref<1015808xf32, #tpu.memory_space<hbm>> -> memref<1015808xf32, #tpu.memory_space<hbm>>
    tpu.enqueue_indirect_dma source(%dma_start3A_1239 : memref<1015808xf32, #tpu.memory_space<hbm>>) target(%dma_start3A_1234 : memref<128xf32, #tpu.memory_space<vmem>>) offsets(%dma_start3A_1237 : memref<128xi32, #tpu.memory_space<vmem>>) semaphore(%arg29 : memref<!tpu.dma_semaphore, #tpu.memory_space<semaphore_mem>>)
    %dma_start3A_1240 = arith.constant 3 : i32
    %dma_start3A_1241 = arith.constant 4992 : i32
    %dma_start3A_1242 = tpu.memref_slice %arg28[%dma_start3A_1241] : memref<9216xf32, #tpu.memory_space<vmem>> -> memref<128xf32, #tpu.memory_space<vmem>>
    %dma_start3A_1243 = arith.constant 0 : i32
    %dma_start3A_1244 = tpu.memref_slice %arg27[%dma_start3A_1240, %dma_start3A_1243] : memref<4x128xi32, #tpu.memory_space<vmem>> -> memref<1x128xi32, #tpu.memory_space<vmem>>
    %dma_start3A_1245 = tpu.memref_squeeze %dma_start3A_1244 : memref<1x128xi32, #tpu.memory_space<vmem>> -> memref<128xi32, #tpu.memory_space<vmem>>
    %dma_start3A_1246 = arith.constant 0 : i32
    %dma_start3A_1247 = tpu.memref_slice %arg14[%dma_start3A_1246] : memref<1015808xf32, #tpu.memory_space<hbm>> -> memref<1015808xf32, #tpu.memory_space<hbm>>
    tpu.enqueue_indirect_dma source(%dma_start3A_1247 : memref<1015808xf32, #tpu.memory_space<hbm>>) target(%dma_start3A_1242 : memref<128xf32, #tpu.memory_space<vmem>>) offsets(%dma_start3A_1245 : memref<128xi32, #tpu.memory_space<vmem>>) semaphore(%arg29 : memref<!tpu.dma_semaphore, #tpu.memory_space<semaphore_mem>>)
    %dma_start3A_1248 = arith.constant 3 : i32
    %dma_start3A_1249 = arith.constant 5504 : i32
    %dma_start3A_1250 = tpu.memref_slice %arg28[%dma_start3A_1249] : memref<9216xf32, #tpu.memory_space<vmem>> -> memref<128xf32, #tpu.memory_space<vmem>>
    %dma_start3A_1251 = arith.constant 0 : i32
    %dma_start3A_1252 = tpu.memref_slice %arg27[%dma_start3A_1248, %dma_start3A_1251] : memref<4x128xi32, #tpu.memory_space<vmem>> -> memref<1x128xi32, #tpu.memory_space<vmem>>
    %dma_start3A_1253 = tpu.memref_squeeze %dma_start3A_1252 : memref<1x128xi32, #tpu.memory_space<vmem>> -> memref<128xi32, #tpu.memory_space<vmem>>
    %dma_start3A_1254 = arith.constant 0 : i32
    %dma_start3A_1255 = tpu.memref_slice %arg15[%dma_start3A_1254] : memref<1015808xf32, #tpu.memory_space<hbm>> -> memref<1015808xf32, #tpu.memory_space<hbm>>
    tpu.enqueue_indirect_dma source(%dma_start3A_1255 : memref<1015808xf32, #tpu.memory_space<hbm>>) target(%dma_start3A_1250 : memref<128xf32, #tpu.memory_space<vmem>>) offsets(%dma_start3A_1253 : memref<128xi32, #tpu.memory_space<vmem>>) semaphore(%arg29 : memref<!tpu.dma_semaphore, #tpu.memory_space<semaphore_mem>>)
    %dma_start3A_1256 = arith.constant 3 : i32
    %dma_start3A_1257 = arith.constant 6016 : i32
    %dma_start3A_1258 = tpu.memref_slice %arg28[%dma_start3A_1257] : memref<9216xf32, #tpu.memory_space<vmem>> -> memref<128xf32, #tpu.memory_space<vmem>>
    %dma_start3A_1259 = arith.constant 0 : i32
    %dma_start3A_1260 = tpu.memref_slice %arg27[%dma_start3A_1256, %dma_start3A_1259] : memref<4x128xi32, #tpu.memory_space<vmem>> -> memref<1x128xi32, #tpu.memory_space<vmem>>
    %dma_start3A_1261 = tpu.memref_squeeze %dma_start3A_1260 : memref<1x128xi32, #tpu.memory_space<vmem>> -> memref<128xi32, #tpu.memory_space<vmem>>
    %dma_start3A_1262 = arith.constant 0 : i32
    %dma_start3A_1263 = tpu.memref_slice %arg16[%dma_start3A_1262] : memref<1015808xf32, #tpu.memory_space<hbm>> -> memref<1015808xf32, #tpu.memory_space<hbm>>
    tpu.enqueue_indirect_dma source(%dma_start3A_1263 : memref<1015808xf32, #tpu.memory_space<hbm>>) target(%dma_start3A_1258 : memref<128xf32, #tpu.memory_space<vmem>>) offsets(%dma_start3A_1261 : memref<128xi32, #tpu.memory_space<vmem>>) semaphore(%arg29 : memref<!tpu.dma_semaphore, #tpu.memory_space<semaphore_mem>>)
    %dma_start3A_1264 = arith.constant 3 : i32
    %dma_start3A_1265 = arith.constant 6528 : i32
    %dma_start3A_1266 = tpu.memref_slice %arg28[%dma_start3A_1265] : memref<9216xf32, #tpu.memory_space<vmem>> -> memref<128xf32, #tpu.memory_space<vmem>>
    %dma_start3A_1267 = arith.constant 0 : i32
    %dma_start3A_1268 = tpu.memref_slice %arg27[%dma_start3A_1264, %dma_start3A_1267] : memref<4x128xi32, #tpu.memory_space<vmem>> -> memref<1x128xi32, #tpu.memory_space<vmem>>
    %dma_start3A_1269 = tpu.memref_squeeze %dma_start3A_1268 : memref<1x128xi32, #tpu.memory_space<vmem>> -> memref<128xi32, #tpu.memory_space<vmem>>
    %dma_start3A_1270 = arith.constant 0 : i32
    %dma_start3A_1271 = tpu.memref_slice %arg17[%dma_start3A_1270] : memref<1015808xf32, #tpu.memory_space<hbm>> -> memref<1015808xf32, #tpu.memory_space<hbm>>
    tpu.enqueue_indirect_dma source(%dma_start3A_1271 : memref<1015808xf32, #tpu.memory_space<hbm>>) target(%dma_start3A_1266 : memref<128xf32, #tpu.memory_space<vmem>>) offsets(%dma_start3A_1269 : memref<128xi32, #tpu.memory_space<vmem>>) semaphore(%arg29 : memref<!tpu.dma_semaphore, #tpu.memory_space<semaphore_mem>>)
    %dma_start3A_1272 = arith.constant 3 : i32
    %dma_start3A_1273 = arith.constant 7040 : i32
    %dma_start3A_1274 = tpu.memref_slice %arg28[%dma_start3A_1273] : memref<9216xf32, #tpu.memory_space<vmem>> -> memref<128xf32, #tpu.memory_space<vmem>>
    %dma_start3A_1275 = arith.constant 0 : i32
    %dma_start3A_1276 = tpu.memref_slice %arg27[%dma_start3A_1272, %dma_start3A_1275] : memref<4x128xi32, #tpu.memory_space<vmem>> -> memref<1x128xi32, #tpu.memory_space<vmem>>
    %dma_start3A_1277 = tpu.memref_squeeze %dma_start3A_1276 : memref<1x128xi32, #tpu.memory_space<vmem>> -> memref<128xi32, #tpu.memory_space<vmem>>
    %dma_start3A_1278 = arith.constant 0 : i32
    %dma_start3A_1279 = tpu.memref_slice %arg18[%dma_start3A_1278] : memref<1015808xf32, #tpu.memory_space<hbm>> -> memref<1015808xf32, #tpu.memory_space<hbm>>
    tpu.enqueue_indirect_dma source(%dma_start3A_1279 : memref<1015808xf32, #tpu.memory_space<hbm>>) target(%dma_start3A_1274 : memref<128xf32, #tpu.memory_space<vmem>>) offsets(%dma_start3A_1277 : memref<128xi32, #tpu.memory_space<vmem>>) semaphore(%arg29 : memref<!tpu.dma_semaphore, #tpu.memory_space<semaphore_mem>>)
    %dma_start3A_1280 = arith.constant 3 : i32
    %dma_start3A_1281 = arith.constant 7552 : i32
    %dma_start3A_1282 = tpu.memref_slice %arg28[%dma_start3A_1281] : memref<9216xf32, #tpu.memory_space<vmem>> -> memref<128xf32, #tpu.memory_space<vmem>>
    %dma_start3A_1283 = arith.constant 0 : i32
    %dma_start3A_1284 = tpu.memref_slice %arg27[%dma_start3A_1280, %dma_start3A_1283] : memref<4x128xi32, #tpu.memory_space<vmem>> -> memref<1x128xi32, #tpu.memory_space<vmem>>
    %dma_start3A_1285 = tpu.memref_squeeze %dma_start3A_1284 : memref<1x128xi32, #tpu.memory_space<vmem>> -> memref<128xi32, #tpu.memory_space<vmem>>
    %dma_start3A_1286 = arith.constant 0 : i32
    %dma_start3A_1287 = tpu.memref_slice %arg19[%dma_start3A_1286] : memref<1015808xf32, #tpu.memory_space<hbm>> -> memref<1015808xf32, #tpu.memory_space<hbm>>
    tpu.enqueue_indirect_dma source(%dma_start3A_1287 : memref<1015808xf32, #tpu.memory_space<hbm>>) target(%dma_start3A_1282 : memref<128xf32, #tpu.memory_space<vmem>>) offsets(%dma_start3A_1285 : memref<128xi32, #tpu.memory_space<vmem>>) semaphore(%arg29 : memref<!tpu.dma_semaphore, #tpu.memory_space<semaphore_mem>>)
    %dma_start3A_1288 = arith.constant 3 : i32
    %dma_start3A_1289 = arith.constant 8064 : i32
    %dma_start3A_1290 = tpu.memref_slice %arg28[%dma_start3A_1289] : memref<9216xf32, #tpu.memory_space<vmem>> -> memref<128xf32, #tpu.memory_space<vmem>>
    %dma_start3A_1291 = arith.constant 0 : i32
    %dma_start3A_1292 = tpu.memref_slice %arg27[%dma_start3A_1288, %dma_start3A_1291] : memref<4x128xi32, #tpu.memory_space<vmem>> -> memref<1x128xi32, #tpu.memory_space<vmem>>
    %dma_start3A_1293 = tpu.memref_squeeze %dma_start3A_1292 : memref<1x128xi32, #tpu.memory_space<vmem>> -> memref<128xi32, #tpu.memory_space<vmem>>
    %dma_start3A_1294 = arith.constant 0 : i32
    %dma_start3A_1295 = tpu.memref_slice %arg20[%dma_start3A_1294] : memref<1015808xf32, #tpu.memory_space<hbm>> -> memref<1015808xf32, #tpu.memory_space<hbm>>
    tpu.enqueue_indirect_dma source(%dma_start3A_1295 : memref<1015808xf32, #tpu.memory_space<hbm>>) target(%dma_start3A_1290 : memref<128xf32, #tpu.memory_space<vmem>>) offsets(%dma_start3A_1293 : memref<128xi32, #tpu.memory_space<vmem>>) semaphore(%arg29 : memref<!tpu.dma_semaphore, #tpu.memory_space<semaphore_mem>>)
    %dma_start3A_1296 = arith.constant 3 : i32
    %dma_start3A_1297 = arith.constant 8576 : i32
    %dma_start3A_1298 = tpu.memref_slice %arg28[%dma_start3A_1297] : memref<9216xf32, #tpu.memory_space<vmem>> -> memref<128xf32, #tpu.memory_space<vmem>>
    %dma_start3A_1299 = arith.constant 0 : i32
    %dma_start3A_1300 = tpu.memref_slice %arg27[%dma_start3A_1296, %dma_start3A_1299] : memref<4x128xi32, #tpu.memory_space<vmem>> -> memref<1x128xi32, #tpu.memory_space<vmem>>
    %dma_start3A_1301 = tpu.memref_squeeze %dma_start3A_1300 : memref<1x128xi32, #tpu.memory_space<vmem>> -> memref<128xi32, #tpu.memory_space<vmem>>
    %dma_start3A_1302 = arith.constant 0 : i32
    %dma_start3A_1303 = tpu.memref_slice %arg21[%dma_start3A_1302] : memref<1015808xf32, #tpu.memory_space<hbm>> -> memref<1015808xf32, #tpu.memory_space<hbm>>
    tpu.enqueue_indirect_dma source(%dma_start3A_1303 : memref<1015808xf32, #tpu.memory_space<hbm>>) target(%dma_start3A_1298 : memref<128xf32, #tpu.memory_space<vmem>>) offsets(%dma_start3A_1301 : memref<128xi32, #tpu.memory_space<vmem>>) semaphore(%arg29 : memref<!tpu.dma_semaphore, #tpu.memory_space<semaphore_mem>>)
    %dma_start3A_1304 = arith.constant 3 : i32
    %dma_start3A_1305 = arith.constant 9088 : i32
    %dma_start3A_1306 = tpu.memref_slice %arg28[%dma_start3A_1305] : memref<9216xf32, #tpu.memory_space<vmem>> -> memref<128xf32, #tpu.memory_space<vmem>>
    %dma_start3A_1307 = arith.constant 0 : i32
    %dma_start3A_1308 = tpu.memref_slice %arg27[%dma_start3A_1304, %dma_start3A_1307] : memref<4x128xi32, #tpu.memory_space<vmem>> -> memref<1x128xi32, #tpu.memory_space<vmem>>
    %dma_start3A_1309 = tpu.memref_squeeze %dma_start3A_1308 : memref<1x128xi32, #tpu.memory_space<vmem>> -> memref<128xi32, #tpu.memory_space<vmem>>
    %dma_start3A_1310 = arith.constant 0 : i32
    %dma_start3A_1311 = tpu.memref_slice %arg22[%dma_start3A_1310] : memref<1015808xf32, #tpu.memory_space<hbm>> -> memref<1015808xf32, #tpu.memory_space<hbm>>
    tpu.enqueue_indirect_dma source(%dma_start3A_1311 : memref<1015808xf32, #tpu.memory_space<hbm>>) target(%dma_start3A_1306 : memref<128xf32, #tpu.memory_space<vmem>>) offsets(%dma_start3A_1309 : memref<128xi32, #tpu.memory_space<vmem>>) semaphore(%arg29 : memref<!tpu.dma_semaphore, #tpu.memory_space<semaphore_mem>>)
    %dma_wait3A = arith.constant 0 : i32
    %dma_wait3A_1312 = arith.constant 0 : i32
    %dma_wait3A_1313 = tpu.memref_slice %arg28[%dma_wait3A_1312] : memref<9216xf32, #tpu.memory_space<vmem>> -> memref<128xf32, #tpu.memory_space<vmem>>
    %dma_wait3A_1314 = arith.constant 0 : i32
    %dma_wait3A_1315 = tpu.memref_slice %arg27[%dma_wait3A, %dma_wait3A_1314] : memref<4x128xi32, #tpu.memory_space<vmem>> -> memref<1x128xi32, #tpu.memory_space<vmem>>
    %dma_wait3A_1316 = tpu.memref_squeeze %dma_wait3A_1315 : memref<1x128xi32, #tpu.memory_space<vmem>> -> memref<128xi32, #tpu.memory_space<vmem>>
    %dma_wait3A_1317 = arith.constant 0 : i32
    %dma_wait3A_1318 = tpu.memref_slice %arg5[%dma_wait3A_1317] : memref<1015808xf32, #tpu.memory_space<hbm>> -> memref<1015808xf32, #tpu.memory_space<hbm>>
    tpu.wait_indirect_dma semaphore(%arg29 : memref<!tpu.dma_semaphore, #tpu.memory_space<semaphore_mem>>) src(%dma_wait3A_1318 : memref<1015808xf32, #tpu.memory_space<hbm>>) dst(%dma_wait3A_1313 : memref<128xf32, #tpu.memory_space<vmem>>)
    %dma_wait3A_1319 = arith.constant 0 : i32
    %dma_wait3A_1320 = arith.constant 512 : i32
    %dma_wait3A_1321 = tpu.memref_slice %arg28[%dma_wait3A_1320] : memref<9216xf32, #tpu.memory_space<vmem>> -> memref<128xf32, #tpu.memory_space<vmem>>
    %dma_wait3A_1322 = arith.constant 0 : i32
    %dma_wait3A_1323 = tpu.memref_slice %arg27[%dma_wait3A_1319, %dma_wait3A_1322] : memref<4x128xi32, #tpu.memory_space<vmem>> -> memref<1x128xi32, #tpu.memory_space<vmem>>
    %dma_wait3A_1324 = tpu.memref_squeeze %dma_wait3A_1323 : memref<1x128xi32, #tpu.memory_space<vmem>> -> memref<128xi32, #tpu.memory_space<vmem>>
    %dma_wait3A_1325 = arith.constant 0 : i32
    %dma_wait3A_1326 = tpu.memref_slice %arg6[%dma_wait3A_1325] : memref<1015808xf32, #tpu.memory_space<hbm>> -> memref<1015808xf32, #tpu.memory_space<hbm>>
    tpu.wait_indirect_dma semaphore(%arg29 : memref<!tpu.dma_semaphore, #tpu.memory_space<semaphore_mem>>) src(%dma_wait3A_1326 : memref<1015808xf32, #tpu.memory_space<hbm>>) dst(%dma_wait3A_1321 : memref<128xf32, #tpu.memory_space<vmem>>)
    %dma_wait3A_1327 = arith.constant 0 : i32
    %dma_wait3A_1328 = arith.constant 1024 : i32
    %dma_wait3A_1329 = tpu.memref_slice %arg28[%dma_wait3A_1328] : memref<9216xf32, #tpu.memory_space<vmem>> -> memref<128xf32, #tpu.memory_space<vmem>>
    %dma_wait3A_1330 = arith.constant 0 : i32
    %dma_wait3A_1331 = tpu.memref_slice %arg27[%dma_wait3A_1327, %dma_wait3A_1330] : memref<4x128xi32, #tpu.memory_space<vmem>> -> memref<1x128xi32, #tpu.memory_space<vmem>>
    %dma_wait3A_1332 = tpu.memref_squeeze %dma_wait3A_1331 : memref<1x128xi32, #tpu.memory_space<vmem>> -> memref<128xi32, #tpu.memory_space<vmem>>
    %dma_wait3A_1333 = arith.constant 0 : i32
    %dma_wait3A_1334 = tpu.memref_slice %arg7[%dma_wait3A_1333] : memref<1015808xf32, #tpu.memory_space<hbm>> -> memref<1015808xf32, #tpu.memory_space<hbm>>
    tpu.wait_indirect_dma semaphore(%arg29 : memref<!tpu.dma_semaphore, #tpu.memory_space<semaphore_mem>>) src(%dma_wait3A_1334 : memref<1015808xf32, #tpu.memory_space<hbm>>) dst(%dma_wait3A_1329 : memref<128xf32, #tpu.memory_space<vmem>>)
    %dma_wait3A_1335 = arith.constant 0 : i32
    %dma_wait3A_1336 = arith.constant 1536 : i32
    %dma_wait3A_1337 = tpu.memref_slice %arg28[%dma_wait3A_1336] : memref<9216xf32, #tpu.memory_space<vmem>> -> memref<128xf32, #tpu.memory_space<vmem>>
    %dma_wait3A_1338 = arith.constant 0 : i32
    %dma_wait3A_1339 = tpu.memref_slice %arg27[%dma_wait3A_1335, %dma_wait3A_1338] : memref<4x128xi32, #tpu.memory_space<vmem>> -> memref<1x128xi32, #tpu.memory_space<vmem>>
    %dma_wait3A_1340 = tpu.memref_squeeze %dma_wait3A_1339 : memref<1x128xi32, #tpu.memory_space<vmem>> -> memref<128xi32, #tpu.memory_space<vmem>>
    %dma_wait3A_1341 = arith.constant 0 : i32
    %dma_wait3A_1342 = tpu.memref_slice %arg8[%dma_wait3A_1341] : memref<1015808xf32, #tpu.memory_space<hbm>> -> memref<1015808xf32, #tpu.memory_space<hbm>>
    tpu.wait_indirect_dma semaphore(%arg29 : memref<!tpu.dma_semaphore, #tpu.memory_space<semaphore_mem>>) src(%dma_wait3A_1342 : memref<1015808xf32, #tpu.memory_space<hbm>>) dst(%dma_wait3A_1337 : memref<128xf32, #tpu.memory_space<vmem>>)
    %dma_wait3A_1343 = arith.constant 0 : i32
    %dma_wait3A_1344 = arith.constant 2048 : i32
    %dma_wait3A_1345 = tpu.memref_slice %arg28[%dma_wait3A_1344] : memref<9216xf32, #tpu.memory_space<vmem>> -> memref<128xf32, #tpu.memory_space<vmem>>
    %dma_wait3A_1346 = arith.constant 0 : i32
    %dma_wait3A_1347 = tpu.memref_slice %arg27[%dma_wait3A_1343, %dma_wait3A_1346] : memref<4x128xi32, #tpu.memory_space<vmem>> -> memref<1x128xi32, #tpu.memory_space<vmem>>
    %dma_wait3A_1348 = tpu.memref_squeeze %dma_wait3A_1347 : memref<1x128xi32, #tpu.memory_space<vmem>> -> memref<128xi32, #tpu.memory_space<vmem>>
    %dma_wait3A_1349 = arith.constant 0 : i32
    %dma_wait3A_1350 = tpu.memref_slice %arg9[%dma_wait3A_1349] : memref<1015808xf32, #tpu.memory_space<hbm>> -> memref<1015808xf32, #tpu.memory_space<hbm>>
    tpu.wait_indirect_dma semaphore(%arg29 : memref<!tpu.dma_semaphore, #tpu.memory_space<semaphore_mem>>) src(%dma_wait3A_1350 : memref<1015808xf32, #tpu.memory_space<hbm>>) dst(%dma_wait3A_1345 : memref<128xf32, #tpu.memory_space<vmem>>)
    %dma_wait3A_1351 = arith.constant 0 : i32
    %dma_wait3A_1352 = arith.constant 2560 : i32
    %dma_wait3A_1353 = tpu.memref_slice %arg28[%dma_wait3A_1352] : memref<9216xf32, #tpu.memory_space<vmem>> -> memref<128xf32, #tpu.memory_space<vmem>>
    %dma_wait3A_1354 = arith.constant 0 : i32
    %dma_wait3A_1355 = tpu.memref_slice %arg27[%dma_wait3A_1351, %dma_wait3A_1354] : memref<4x128xi32, #tpu.memory_space<vmem>> -> memref<1x128xi32, #tpu.memory_space<vmem>>
    %dma_wait3A_1356 = tpu.memref_squeeze %dma_wait3A_1355 : memref<1x128xi32, #tpu.memory_space<vmem>> -> memref<128xi32, #tpu.memory_space<vmem>>
    %dma_wait3A_1357 = arith.constant 0 : i32
    %dma_wait3A_1358 = tpu.memref_slice %arg10[%dma_wait3A_1357] : memref<1015808xf32, #tpu.memory_space<hbm>> -> memref<1015808xf32, #tpu.memory_space<hbm>>
    tpu.wait_indirect_dma semaphore(%arg29 : memref<!tpu.dma_semaphore, #tpu.memory_space<semaphore_mem>>) src(%dma_wait3A_1358 : memref<1015808xf32, #tpu.memory_space<hbm>>) dst(%dma_wait3A_1353 : memref<128xf32, #tpu.memory_space<vmem>>)
    %dma_wait3A_1359 = arith.constant 0 : i32
    %dma_wait3A_1360 = arith.constant 3072 : i32
    %dma_wait3A_1361 = tpu.memref_slice %arg28[%dma_wait3A_1360] : memref<9216xf32, #tpu.memory_space<vmem>> -> memref<128xf32, #tpu.memory_space<vmem>>
    %dma_wait3A_1362 = arith.constant 0 : i32
    %dma_wait3A_1363 = tpu.memref_slice %arg27[%dma_wait3A_1359, %dma_wait3A_1362] : memref<4x128xi32, #tpu.memory_space<vmem>> -> memref<1x128xi32, #tpu.memory_space<vmem>>
    %dma_wait3A_1364 = tpu.memref_squeeze %dma_wait3A_1363 : memref<1x128xi32, #tpu.memory_space<vmem>> -> memref<128xi32, #tpu.memory_space<vmem>>
    %dma_wait3A_1365 = arith.constant 0 : i32
    %dma_wait3A_1366 = tpu.memref_slice %arg11[%dma_wait3A_1365] : memref<1015808xf32, #tpu.memory_space<hbm>> -> memref<1015808xf32, #tpu.memory_space<hbm>>
    tpu.wait_indirect_dma semaphore(%arg29 : memref<!tpu.dma_semaphore, #tpu.memory_space<semaphore_mem>>) src(%dma_wait3A_1366 : memref<1015808xf32, #tpu.memory_space<hbm>>) dst(%dma_wait3A_1361 : memref<128xf32, #tpu.memory_space<vmem>>)
    %dma_wait3A_1367 = arith.constant 0 : i32
    %dma_wait3A_1368 = arith.constant 3584 : i32
    %dma_wait3A_1369 = tpu.memref_slice %arg28[%dma_wait3A_1368] : memref<9216xf32, #tpu.memory_space<vmem>> -> memref<128xf32, #tpu.memory_space<vmem>>
    %dma_wait3A_1370 = arith.constant 0 : i32
    %dma_wait3A_1371 = tpu.memref_slice %arg27[%dma_wait3A_1367, %dma_wait3A_1370] : memref<4x128xi32, #tpu.memory_space<vmem>> -> memref<1x128xi32, #tpu.memory_space<vmem>>
    %dma_wait3A_1372 = tpu.memref_squeeze %dma_wait3A_1371 : memref<1x128xi32, #tpu.memory_space<vmem>> -> memref<128xi32, #tpu.memory_space<vmem>>
    %dma_wait3A_1373 = arith.constant 0 : i32
    %dma_wait3A_1374 = tpu.memref_slice %arg12[%dma_wait3A_1373] : memref<1015808xf32, #tpu.memory_space<hbm>> -> memref<1015808xf32, #tpu.memory_space<hbm>>
    tpu.wait_indirect_dma semaphore(%arg29 : memref<!tpu.dma_semaphore, #tpu.memory_space<semaphore_mem>>) src(%dma_wait3A_1374 : memref<1015808xf32, #tpu.memory_space<hbm>>) dst(%dma_wait3A_1369 : memref<128xf32, #tpu.memory_space<vmem>>)
    %dma_wait3A_1375 = arith.constant 0 : i32
    %dma_wait3A_1376 = arith.constant 4096 : i32
    %dma_wait3A_1377 = tpu.memref_slice %arg28[%dma_wait3A_1376] : memref<9216xf32, #tpu.memory_space<vmem>> -> memref<128xf32, #tpu.memory_space<vmem>>
    %dma_wait3A_1378 = arith.constant 0 : i32
    %dma_wait3A_1379 = tpu.memref_slice %arg27[%dma_wait3A_1375, %dma_wait3A_1378] : memref<4x128xi32, #tpu.memory_space<vmem>> -> memref<1x128xi32, #tpu.memory_space<vmem>>
    %dma_wait3A_1380 = tpu.memref_squeeze %dma_wait3A_1379 : memref<1x128xi32, #tpu.memory_space<vmem>> -> memref<128xi32, #tpu.memory_space<vmem>>
    %dma_wait3A_1381 = arith.constant 0 : i32
    %dma_wait3A_1382 = tpu.memref_slice %arg13[%dma_wait3A_1381] : memref<1015808xf32, #tpu.memory_space<hbm>> -> memref<1015808xf32, #tpu.memory_space<hbm>>
    tpu.wait_indirect_dma semaphore(%arg29 : memref<!tpu.dma_semaphore, #tpu.memory_space<semaphore_mem>>) src(%dma_wait3A_1382 : memref<1015808xf32, #tpu.memory_space<hbm>>) dst(%dma_wait3A_1377 : memref<128xf32, #tpu.memory_space<vmem>>)
    %dma_wait3A_1383 = arith.constant 0 : i32
    %dma_wait3A_1384 = arith.constant 4608 : i32
    %dma_wait3A_1385 = tpu.memref_slice %arg28[%dma_wait3A_1384] : memref<9216xf32, #tpu.memory_space<vmem>> -> memref<128xf32, #tpu.memory_space<vmem>>
    %dma_wait3A_1386 = arith.constant 0 : i32
    %dma_wait3A_1387 = tpu.memref_slice %arg27[%dma_wait3A_1383, %dma_wait3A_1386] : memref<4x128xi32, #tpu.memory_space<vmem>> -> memref<1x128xi32, #tpu.memory_space<vmem>>
    %dma_wait3A_1388 = tpu.memref_squeeze %dma_wait3A_1387 : memref<1x128xi32, #tpu.memory_space<vmem>> -> memref<128xi32, #tpu.memory_space<vmem>>
    %dma_wait3A_1389 = arith.constant 0 : i32
    %dma_wait3A_1390 = tpu.memref_slice %arg14[%dma_wait3A_1389] : memref<1015808xf32, #tpu.memory_space<hbm>> -> memref<1015808xf32, #tpu.memory_space<hbm>>
    tpu.wait_indirect_dma semaphore(%arg29 : memref<!tpu.dma_semaphore, #tpu.memory_space<semaphore_mem>>) src(%dma_wait3A_1390 : memref<1015808xf32, #tpu.memory_space<hbm>>) dst(%dma_wait3A_1385 : memref<128xf32, #tpu.memory_space<vmem>>)
    %dma_wait3A_1391 = arith.constant 0 : i32
    %dma_wait3A_1392 = arith.constant 5120 : i32
    %dma_wait3A_1393 = tpu.memref_slice %arg28[%dma_wait3A_1392] : memref<9216xf32, #tpu.memory_space<vmem>> -> memref<128xf32, #tpu.memory_space<vmem>>
    %dma_wait3A_1394 = arith.constant 0 : i32
    %dma_wait3A_1395 = tpu.memref_slice %arg27[%dma_wait3A_1391, %dma_wait3A_1394] : memref<4x128xi32, #tpu.memory_space<vmem>> -> memref<1x128xi32, #tpu.memory_space<vmem>>
    %dma_wait3A_1396 = tpu.memref_squeeze %dma_wait3A_1395 : memref<1x128xi32, #tpu.memory_space<vmem>> -> memref<128xi32, #tpu.memory_space<vmem>>
    %dma_wait3A_1397 = arith.constant 0 : i32
    %dma_wait3A_1398 = tpu.memref_slice %arg15[%dma_wait3A_1397] : memref<1015808xf32, #tpu.memory_space<hbm>> -> memref<1015808xf32, #tpu.memory_space<hbm>>
    tpu.wait_indirect_dma semaphore(%arg29 : memref<!tpu.dma_semaphore, #tpu.memory_space<semaphore_mem>>) src(%dma_wait3A_1398 : memref<1015808xf32, #tpu.memory_space<hbm>>) dst(%dma_wait3A_1393 : memref<128xf32, #tpu.memory_space<vmem>>)
    %dma_wait3A_1399 = arith.constant 0 : i32
    %dma_wait3A_1400 = arith.constant 5632 : i32
    %dma_wait3A_1401 = tpu.memref_slice %arg28[%dma_wait3A_1400] : memref<9216xf32, #tpu.memory_space<vmem>> -> memref<128xf32, #tpu.memory_space<vmem>>
    %dma_wait3A_1402 = arith.constant 0 : i32
    %dma_wait3A_1403 = tpu.memref_slice %arg27[%dma_wait3A_1399, %dma_wait3A_1402] : memref<4x128xi32, #tpu.memory_space<vmem>> -> memref<1x128xi32, #tpu.memory_space<vmem>>
    %dma_wait3A_1404 = tpu.memref_squeeze %dma_wait3A_1403 : memref<1x128xi32, #tpu.memory_space<vmem>> -> memref<128xi32, #tpu.memory_space<vmem>>
    %dma_wait3A_1405 = arith.constant 0 : i32
    %dma_wait3A_1406 = tpu.memref_slice %arg16[%dma_wait3A_1405] : memref<1015808xf32, #tpu.memory_space<hbm>> -> memref<1015808xf32, #tpu.memory_space<hbm>>
    tpu.wait_indirect_dma semaphore(%arg29 : memref<!tpu.dma_semaphore, #tpu.memory_space<semaphore_mem>>) src(%dma_wait3A_1406 : memref<1015808xf32, #tpu.memory_space<hbm>>) dst(%dma_wait3A_1401 : memref<128xf32, #tpu.memory_space<vmem>>)
    %dma_wait3A_1407 = arith.constant 0 : i32
    %dma_wait3A_1408 = arith.constant 6144 : i32
    %dma_wait3A_1409 = tpu.memref_slice %arg28[%dma_wait3A_1408] : memref<9216xf32, #tpu.memory_space<vmem>> -> memref<128xf32, #tpu.memory_space<vmem>>
    %dma_wait3A_1410 = arith.constant 0 : i32
    %dma_wait3A_1411 = tpu.memref_slice %arg27[%dma_wait3A_1407, %dma_wait3A_1410] : memref<4x128xi32, #tpu.memory_space<vmem>> -> memref<1x128xi32, #tpu.memory_space<vmem>>
    %dma_wait3A_1412 = tpu.memref_squeeze %dma_wait3A_1411 : memref<1x128xi32, #tpu.memory_space<vmem>> -> memref<128xi32, #tpu.memory_space<vmem>>
    %dma_wait3A_1413 = arith.constant 0 : i32
    %dma_wait3A_1414 = tpu.memref_slice %arg17[%dma_wait3A_1413] : memref<1015808xf32, #tpu.memory_space<hbm>> -> memref<1015808xf32, #tpu.memory_space<hbm>>
    tpu.wait_indirect_dma semaphore(%arg29 : memref<!tpu.dma_semaphore, #tpu.memory_space<semaphore_mem>>) src(%dma_wait3A_1414 : memref<1015808xf32, #tpu.memory_space<hbm>>) dst(%dma_wait3A_1409 : memref<128xf32, #tpu.memory_space<vmem>>)
    %dma_wait3A_1415 = arith.constant 0 : i32
    %dma_wait3A_1416 = arith.constant 6656 : i32
    %dma_wait3A_1417 = tpu.memref_slice %arg28[%dma_wait3A_1416] : memref<9216xf32, #tpu.memory_space<vmem>> -> memref<128xf32, #tpu.memory_space<vmem>>
    %dma_wait3A_1418 = arith.constant 0 : i32
    %dma_wait3A_1419 = tpu.memref_slice %arg27[%dma_wait3A_1415, %dma_wait3A_1418] : memref<4x128xi32, #tpu.memory_space<vmem>> -> memref<1x128xi32, #tpu.memory_space<vmem>>
    %dma_wait3A_1420 = tpu.memref_squeeze %dma_wait3A_1419 : memref<1x128xi32, #tpu.memory_space<vmem>> -> memref<128xi32, #tpu.memory_space<vmem>>
    %dma_wait3A_1421 = arith.constant 0 : i32
    %dma_wait3A_1422 = tpu.memref_slice %arg18[%dma_wait3A_1421] : memref<1015808xf32, #tpu.memory_space<hbm>> -> memref<1015808xf32, #tpu.memory_space<hbm>>
    tpu.wait_indirect_dma semaphore(%arg29 : memref<!tpu.dma_semaphore, #tpu.memory_space<semaphore_mem>>) src(%dma_wait3A_1422 : memref<1015808xf32, #tpu.memory_space<hbm>>) dst(%dma_wait3A_1417 : memref<128xf32, #tpu.memory_space<vmem>>)
    %dma_wait3A_1423 = arith.constant 0 : i32
    %dma_wait3A_1424 = arith.constant 7168 : i32
    %dma_wait3A_1425 = tpu.memref_slice %arg28[%dma_wait3A_1424] : memref<9216xf32, #tpu.memory_space<vmem>> -> memref<128xf32, #tpu.memory_space<vmem>>
    %dma_wait3A_1426 = arith.constant 0 : i32
    %dma_wait3A_1427 = tpu.memref_slice %arg27[%dma_wait3A_1423, %dma_wait3A_1426] : memref<4x128xi32, #tpu.memory_space<vmem>> -> memref<1x128xi32, #tpu.memory_space<vmem>>
    %dma_wait3A_1428 = tpu.memref_squeeze %dma_wait3A_1427 : memref<1x128xi32, #tpu.memory_space<vmem>> -> memref<128xi32, #tpu.memory_space<vmem>>
    %dma_wait3A_1429 = arith.constant 0 : i32
    %dma_wait3A_1430 = tpu.memref_slice %arg19[%dma_wait3A_1429] : memref<1015808xf32, #tpu.memory_space<hbm>> -> memref<1015808xf32, #tpu.memory_space<hbm>>
    tpu.wait_indirect_dma semaphore(%arg29 : memref<!tpu.dma_semaphore, #tpu.memory_space<semaphore_mem>>) src(%dma_wait3A_1430 : memref<1015808xf32, #tpu.memory_space<hbm>>) dst(%dma_wait3A_1425 : memref<128xf32, #tpu.memory_space<vmem>>)
    %dma_wait3A_1431 = arith.constant 0 : i32
    %dma_wait3A_1432 = arith.constant 7680 : i32
    %dma_wait3A_1433 = tpu.memref_slice %arg28[%dma_wait3A_1432] : memref<9216xf32, #tpu.memory_space<vmem>> -> memref<128xf32, #tpu.memory_space<vmem>>
    %dma_wait3A_1434 = arith.constant 0 : i32
    %dma_wait3A_1435 = tpu.memref_slice %arg27[%dma_wait3A_1431, %dma_wait3A_1434] : memref<4x128xi32, #tpu.memory_space<vmem>> -> memref<1x128xi32, #tpu.memory_space<vmem>>
    %dma_wait3A_1436 = tpu.memref_squeeze %dma_wait3A_1435 : memref<1x128xi32, #tpu.memory_space<vmem>> -> memref<128xi32, #tpu.memory_space<vmem>>
    %dma_wait3A_1437 = arith.constant 0 : i32
    %dma_wait3A_1438 = tpu.memref_slice %arg20[%dma_wait3A_1437] : memref<1015808xf32, #tpu.memory_space<hbm>> -> memref<1015808xf32, #tpu.memory_space<hbm>>
    tpu.wait_indirect_dma semaphore(%arg29 : memref<!tpu.dma_semaphore, #tpu.memory_space<semaphore_mem>>) src(%dma_wait3A_1438 : memref<1015808xf32, #tpu.memory_space<hbm>>) dst(%dma_wait3A_1433 : memref<128xf32, #tpu.memory_space<vmem>>)
    %dma_wait3A_1439 = arith.constant 0 : i32
    %dma_wait3A_1440 = arith.constant 8192 : i32
    %dma_wait3A_1441 = tpu.memref_slice %arg28[%dma_wait3A_1440] : memref<9216xf32, #tpu.memory_space<vmem>> -> memref<128xf32, #tpu.memory_space<vmem>>
    %dma_wait3A_1442 = arith.constant 0 : i32
    %dma_wait3A_1443 = tpu.memref_slice %arg27[%dma_wait3A_1439, %dma_wait3A_1442] : memref<4x128xi32, #tpu.memory_space<vmem>> -> memref<1x128xi32, #tpu.memory_space<vmem>>
    %dma_wait3A_1444 = tpu.memref_squeeze %dma_wait3A_1443 : memref<1x128xi32, #tpu.memory_space<vmem>> -> memref<128xi32, #tpu.memory_space<vmem>>
    %dma_wait3A_1445 = arith.constant 0 : i32
    %dma_wait3A_1446 = tpu.memref_slice %arg21[%dma_wait3A_1445] : memref<1015808xf32, #tpu.memory_space<hbm>> -> memref<1015808xf32, #tpu.memory_space<hbm>>
    tpu.wait_indirect_dma semaphore(%arg29 : memref<!tpu.dma_semaphore, #tpu.memory_space<semaphore_mem>>) src(%dma_wait3A_1446 : memref<1015808xf32, #tpu.memory_space<hbm>>) dst(%dma_wait3A_1441 : memref<128xf32, #tpu.memory_space<vmem>>)
    %dma_wait3A_1447 = arith.constant 0 : i32
    %dma_wait3A_1448 = arith.constant 8704 : i32
    %dma_wait3A_1449 = tpu.memref_slice %arg28[%dma_wait3A_1448] : memref<9216xf32, #tpu.memory_space<vmem>> -> memref<128xf32, #tpu.memory_space<vmem>>
    %dma_wait3A_1450 = arith.constant 0 : i32
    %dma_wait3A_1451 = tpu.memref_slice %arg27[%dma_wait3A_1447, %dma_wait3A_1450] : memref<4x128xi32, #tpu.memory_space<vmem>> -> memref<1x128xi32, #tpu.memory_space<vmem>>
    %dma_wait3A_1452 = tpu.memref_squeeze %dma_wait3A_1451 : memref<1x128xi32, #tpu.memory_space<vmem>> -> memref<128xi32, #tpu.memory_space<vmem>>
    %dma_wait3A_1453 = arith.constant 0 : i32
    %dma_wait3A_1454 = tpu.memref_slice %arg22[%dma_wait3A_1453] : memref<1015808xf32, #tpu.memory_space<hbm>> -> memref<1015808xf32, #tpu.memory_space<hbm>>
    tpu.wait_indirect_dma semaphore(%arg29 : memref<!tpu.dma_semaphore, #tpu.memory_space<semaphore_mem>>) src(%dma_wait3A_1454 : memref<1015808xf32, #tpu.memory_space<hbm>>) dst(%dma_wait3A_1449 : memref<128xf32, #tpu.memory_space<vmem>>)
    %dma_wait3A_1455 = arith.constant 1 : i32
    %dma_wait3A_1456 = arith.constant 128 : i32
    %dma_wait3A_1457 = tpu.memref_slice %arg28[%dma_wait3A_1456] : memref<9216xf32, #tpu.memory_space<vmem>> -> memref<128xf32, #tpu.memory_space<vmem>>
    %dma_wait3A_1458 = arith.constant 0 : i32
    %dma_wait3A_1459 = tpu.memref_slice %arg27[%dma_wait3A_1455, %dma_wait3A_1458] : memref<4x128xi32, #tpu.memory_space<vmem>> -> memref<1x128xi32, #tpu.memory_space<vmem>>
    %dma_wait3A_1460 = tpu.memref_squeeze %dma_wait3A_1459 : memref<1x128xi32, #tpu.memory_space<vmem>> -> memref<128xi32, #tpu.memory_space<vmem>>
    %dma_wait3A_1461 = arith.constant 0 : i32
    %dma_wait3A_1462 = tpu.memref_slice %arg5[%dma_wait3A_1461] : memref<1015808xf32, #tpu.memory_space<hbm>> -> memref<1015808xf32, #tpu.memory_space<hbm>>
    tpu.wait_indirect_dma semaphore(%arg29 : memref<!tpu.dma_semaphore, #tpu.memory_space<semaphore_mem>>) src(%dma_wait3A_1462 : memref<1015808xf32, #tpu.memory_space<hbm>>) dst(%dma_wait3A_1457 : memref<128xf32, #tpu.memory_space<vmem>>)
    %dma_wait3A_1463 = arith.constant 1 : i32
    %dma_wait3A_1464 = arith.constant 640 : i32
    %dma_wait3A_1465 = tpu.memref_slice %arg28[%dma_wait3A_1464] : memref<9216xf32, #tpu.memory_space<vmem>> -> memref<128xf32, #tpu.memory_space<vmem>>
    %dma_wait3A_1466 = arith.constant 0 : i32
    %dma_wait3A_1467 = tpu.memref_slice %arg27[%dma_wait3A_1463, %dma_wait3A_1466] : memref<4x128xi32, #tpu.memory_space<vmem>> -> memref<1x128xi32, #tpu.memory_space<vmem>>
    %dma_wait3A_1468 = tpu.memref_squeeze %dma_wait3A_1467 : memref<1x128xi32, #tpu.memory_space<vmem>> -> memref<128xi32, #tpu.memory_space<vmem>>
    %dma_wait3A_1469 = arith.constant 0 : i32
    %dma_wait3A_1470 = tpu.memref_slice %arg6[%dma_wait3A_1469] : memref<1015808xf32, #tpu.memory_space<hbm>> -> memref<1015808xf32, #tpu.memory_space<hbm>>
    tpu.wait_indirect_dma semaphore(%arg29 : memref<!tpu.dma_semaphore, #tpu.memory_space<semaphore_mem>>) src(%dma_wait3A_1470 : memref<1015808xf32, #tpu.memory_space<hbm>>) dst(%dma_wait3A_1465 : memref<128xf32, #tpu.memory_space<vmem>>)
    %dma_wait3A_1471 = arith.constant 1 : i32
    %dma_wait3A_1472 = arith.constant 1152 : i32
    %dma_wait3A_1473 = tpu.memref_slice %arg28[%dma_wait3A_1472] : memref<9216xf32, #tpu.memory_space<vmem>> -> memref<128xf32, #tpu.memory_space<vmem>>
    %dma_wait3A_1474 = arith.constant 0 : i32
    %dma_wait3A_1475 = tpu.memref_slice %arg27[%dma_wait3A_1471, %dma_wait3A_1474] : memref<4x128xi32, #tpu.memory_space<vmem>> -> memref<1x128xi32, #tpu.memory_space<vmem>>
    %dma_wait3A_1476 = tpu.memref_squeeze %dma_wait3A_1475 : memref<1x128xi32, #tpu.memory_space<vmem>> -> memref<128xi32, #tpu.memory_space<vmem>>
    %dma_wait3A_1477 = arith.constant 0 : i32
    %dma_wait3A_1478 = tpu.memref_slice %arg7[%dma_wait3A_1477] : memref<1015808xf32, #tpu.memory_space<hbm>> -> memref<1015808xf32, #tpu.memory_space<hbm>>
    tpu.wait_indirect_dma semaphore(%arg29 : memref<!tpu.dma_semaphore, #tpu.memory_space<semaphore_mem>>) src(%dma_wait3A_1478 : memref<1015808xf32, #tpu.memory_space<hbm>>) dst(%dma_wait3A_1473 : memref<128xf32, #tpu.memory_space<vmem>>)
    %dma_wait3A_1479 = arith.constant 1 : i32
    %dma_wait3A_1480 = arith.constant 1664 : i32
    %dma_wait3A_1481 = tpu.memref_slice %arg28[%dma_wait3A_1480] : memref<9216xf32, #tpu.memory_space<vmem>> -> memref<128xf32, #tpu.memory_space<vmem>>
    %dma_wait3A_1482 = arith.constant 0 : i32
    %dma_wait3A_1483 = tpu.memref_slice %arg27[%dma_wait3A_1479, %dma_wait3A_1482] : memref<4x128xi32, #tpu.memory_space<vmem>> -> memref<1x128xi32, #tpu.memory_space<vmem>>
    %dma_wait3A_1484 = tpu.memref_squeeze %dma_wait3A_1483 : memref<1x128xi32, #tpu.memory_space<vmem>> -> memref<128xi32, #tpu.memory_space<vmem>>
    %dma_wait3A_1485 = arith.constant 0 : i32
    %dma_wait3A_1486 = tpu.memref_slice %arg8[%dma_wait3A_1485] : memref<1015808xf32, #tpu.memory_space<hbm>> -> memref<1015808xf32, #tpu.memory_space<hbm>>
    tpu.wait_indirect_dma semaphore(%arg29 : memref<!tpu.dma_semaphore, #tpu.memory_space<semaphore_mem>>) src(%dma_wait3A_1486 : memref<1015808xf32, #tpu.memory_space<hbm>>) dst(%dma_wait3A_1481 : memref<128xf32, #tpu.memory_space<vmem>>)
    %dma_wait3A_1487 = arith.constant 1 : i32
    %dma_wait3A_1488 = arith.constant 2176 : i32
    %dma_wait3A_1489 = tpu.memref_slice %arg28[%dma_wait3A_1488] : memref<9216xf32, #tpu.memory_space<vmem>> -> memref<128xf32, #tpu.memory_space<vmem>>
    %dma_wait3A_1490 = arith.constant 0 : i32
    %dma_wait3A_1491 = tpu.memref_slice %arg27[%dma_wait3A_1487, %dma_wait3A_1490] : memref<4x128xi32, #tpu.memory_space<vmem>> -> memref<1x128xi32, #tpu.memory_space<vmem>>
    %dma_wait3A_1492 = tpu.memref_squeeze %dma_wait3A_1491 : memref<1x128xi32, #tpu.memory_space<vmem>> -> memref<128xi32, #tpu.memory_space<vmem>>
    %dma_wait3A_1493 = arith.constant 0 : i32
    %dma_wait3A_1494 = tpu.memref_slice %arg9[%dma_wait3A_1493] : memref<1015808xf32, #tpu.memory_space<hbm>> -> memref<1015808xf32, #tpu.memory_space<hbm>>
    tpu.wait_indirect_dma semaphore(%arg29 : memref<!tpu.dma_semaphore, #tpu.memory_space<semaphore_mem>>) src(%dma_wait3A_1494 : memref<1015808xf32, #tpu.memory_space<hbm>>) dst(%dma_wait3A_1489 : memref<128xf32, #tpu.memory_space<vmem>>)
    %dma_wait3A_1495 = arith.constant 1 : i32
    %dma_wait3A_1496 = arith.constant 2688 : i32
    %dma_wait3A_1497 = tpu.memref_slice %arg28[%dma_wait3A_1496] : memref<9216xf32, #tpu.memory_space<vmem>> -> memref<128xf32, #tpu.memory_space<vmem>>
    %dma_wait3A_1498 = arith.constant 0 : i32
    %dma_wait3A_1499 = tpu.memref_slice %arg27[%dma_wait3A_1495, %dma_wait3A_1498] : memref<4x128xi32, #tpu.memory_space<vmem>> -> memref<1x128xi32, #tpu.memory_space<vmem>>
    %dma_wait3A_1500 = tpu.memref_squeeze %dma_wait3A_1499 : memref<1x128xi32, #tpu.memory_space<vmem>> -> memref<128xi32, #tpu.memory_space<vmem>>
    %dma_wait3A_1501 = arith.constant 0 : i32
    %dma_wait3A_1502 = tpu.memref_slice %arg10[%dma_wait3A_1501] : memref<1015808xf32, #tpu.memory_space<hbm>> -> memref<1015808xf32, #tpu.memory_space<hbm>>
    tpu.wait_indirect_dma semaphore(%arg29 : memref<!tpu.dma_semaphore, #tpu.memory_space<semaphore_mem>>) src(%dma_wait3A_1502 : memref<1015808xf32, #tpu.memory_space<hbm>>) dst(%dma_wait3A_1497 : memref<128xf32, #tpu.memory_space<vmem>>)
    %dma_wait3A_1503 = arith.constant 1 : i32
    %dma_wait3A_1504 = arith.constant 3200 : i32
    %dma_wait3A_1505 = tpu.memref_slice %arg28[%dma_wait3A_1504] : memref<9216xf32, #tpu.memory_space<vmem>> -> memref<128xf32, #tpu.memory_space<vmem>>
    %dma_wait3A_1506 = arith.constant 0 : i32
    %dma_wait3A_1507 = tpu.memref_slice %arg27[%dma_wait3A_1503, %dma_wait3A_1506] : memref<4x128xi32, #tpu.memory_space<vmem>> -> memref<1x128xi32, #tpu.memory_space<vmem>>
    %dma_wait3A_1508 = tpu.memref_squeeze %dma_wait3A_1507 : memref<1x128xi32, #tpu.memory_space<vmem>> -> memref<128xi32, #tpu.memory_space<vmem>>
    %dma_wait3A_1509 = arith.constant 0 : i32
    %dma_wait3A_1510 = tpu.memref_slice %arg11[%dma_wait3A_1509] : memref<1015808xf32, #tpu.memory_space<hbm>> -> memref<1015808xf32, #tpu.memory_space<hbm>>
    tpu.wait_indirect_dma semaphore(%arg29 : memref<!tpu.dma_semaphore, #tpu.memory_space<semaphore_mem>>) src(%dma_wait3A_1510 : memref<1015808xf32, #tpu.memory_space<hbm>>) dst(%dma_wait3A_1505 : memref<128xf32, #tpu.memory_space<vmem>>)
    %dma_wait3A_1511 = arith.constant 1 : i32
    %dma_wait3A_1512 = arith.constant 3712 : i32
    %dma_wait3A_1513 = tpu.memref_slice %arg28[%dma_wait3A_1512] : memref<9216xf32, #tpu.memory_space<vmem>> -> memref<128xf32, #tpu.memory_space<vmem>>
    %dma_wait3A_1514 = arith.constant 0 : i32
    %dma_wait3A_1515 = tpu.memref_slice %arg27[%dma_wait3A_1511, %dma_wait3A_1514] : memref<4x128xi32, #tpu.memory_space<vmem>> -> memref<1x128xi32, #tpu.memory_space<vmem>>
    %dma_wait3A_1516 = tpu.memref_squeeze %dma_wait3A_1515 : memref<1x128xi32, #tpu.memory_space<vmem>> -> memref<128xi32, #tpu.memory_space<vmem>>
    %dma_wait3A_1517 = arith.constant 0 : i32
    %dma_wait3A_1518 = tpu.memref_slice %arg12[%dma_wait3A_1517] : memref<1015808xf32, #tpu.memory_space<hbm>> -> memref<1015808xf32, #tpu.memory_space<hbm>>
    tpu.wait_indirect_dma semaphore(%arg29 : memref<!tpu.dma_semaphore, #tpu.memory_space<semaphore_mem>>) src(%dma_wait3A_1518 : memref<1015808xf32, #tpu.memory_space<hbm>>) dst(%dma_wait3A_1513 : memref<128xf32, #tpu.memory_space<vmem>>)
    %dma_wait3A_1519 = arith.constant 1 : i32
    %dma_wait3A_1520 = arith.constant 4224 : i32
    %dma_wait3A_1521 = tpu.memref_slice %arg28[%dma_wait3A_1520] : memref<9216xf32, #tpu.memory_space<vmem>> -> memref<128xf32, #tpu.memory_space<vmem>>
    %dma_wait3A_1522 = arith.constant 0 : i32
    %dma_wait3A_1523 = tpu.memref_slice %arg27[%dma_wait3A_1519, %dma_wait3A_1522] : memref<4x128xi32, #tpu.memory_space<vmem>> -> memref<1x128xi32, #tpu.memory_space<vmem>>
    %dma_wait3A_1524 = tpu.memref_squeeze %dma_wait3A_1523 : memref<1x128xi32, #tpu.memory_space<vmem>> -> memref<128xi32, #tpu.memory_space<vmem>>
    %dma_wait3A_1525 = arith.constant 0 : i32
    %dma_wait3A_1526 = tpu.memref_slice %arg13[%dma_wait3A_1525] : memref<1015808xf32, #tpu.memory_space<hbm>> -> memref<1015808xf32, #tpu.memory_space<hbm>>
    tpu.wait_indirect_dma semaphore(%arg29 : memref<!tpu.dma_semaphore, #tpu.memory_space<semaphore_mem>>) src(%dma_wait3A_1526 : memref<1015808xf32, #tpu.memory_space<hbm>>) dst(%dma_wait3A_1521 : memref<128xf32, #tpu.memory_space<vmem>>)
    %dma_wait3A_1527 = arith.constant 1 : i32
    %dma_wait3A_1528 = arith.constant 4736 : i32
    %dma_wait3A_1529 = tpu.memref_slice %arg28[%dma_wait3A_1528] : memref<9216xf32, #tpu.memory_space<vmem>> -> memref<128xf32, #tpu.memory_space<vmem>>
    %dma_wait3A_1530 = arith.constant 0 : i32
    %dma_wait3A_1531 = tpu.memref_slice %arg27[%dma_wait3A_1527, %dma_wait3A_1530] : memref<4x128xi32, #tpu.memory_space<vmem>> -> memref<1x128xi32, #tpu.memory_space<vmem>>
    %dma_wait3A_1532 = tpu.memref_squeeze %dma_wait3A_1531 : memref<1x128xi32, #tpu.memory_space<vmem>> -> memref<128xi32, #tpu.memory_space<vmem>>
    %dma_wait3A_1533 = arith.constant 0 : i32
    %dma_wait3A_1534 = tpu.memref_slice %arg14[%dma_wait3A_1533] : memref<1015808xf32, #tpu.memory_space<hbm>> -> memref<1015808xf32, #tpu.memory_space<hbm>>
    tpu.wait_indirect_dma semaphore(%arg29 : memref<!tpu.dma_semaphore, #tpu.memory_space<semaphore_mem>>) src(%dma_wait3A_1534 : memref<1015808xf32, #tpu.memory_space<hbm>>) dst(%dma_wait3A_1529 : memref<128xf32, #tpu.memory_space<vmem>>)
    %dma_wait3A_1535 = arith.constant 1 : i32
    %dma_wait3A_1536 = arith.constant 5248 : i32
    %dma_wait3A_1537 = tpu.memref_slice %arg28[%dma_wait3A_1536] : memref<9216xf32, #tpu.memory_space<vmem>> -> memref<128xf32, #tpu.memory_space<vmem>>
    %dma_wait3A_1538 = arith.constant 0 : i32
    %dma_wait3A_1539 = tpu.memref_slice %arg27[%dma_wait3A_1535, %dma_wait3A_1538] : memref<4x128xi32, #tpu.memory_space<vmem>> -> memref<1x128xi32, #tpu.memory_space<vmem>>
    %dma_wait3A_1540 = tpu.memref_squeeze %dma_wait3A_1539 : memref<1x128xi32, #tpu.memory_space<vmem>> -> memref<128xi32, #tpu.memory_space<vmem>>
    %dma_wait3A_1541 = arith.constant 0 : i32
    %dma_wait3A_1542 = tpu.memref_slice %arg15[%dma_wait3A_1541] : memref<1015808xf32, #tpu.memory_space<hbm>> -> memref<1015808xf32, #tpu.memory_space<hbm>>
    tpu.wait_indirect_dma semaphore(%arg29 : memref<!tpu.dma_semaphore, #tpu.memory_space<semaphore_mem>>) src(%dma_wait3A_1542 : memref<1015808xf32, #tpu.memory_space<hbm>>) dst(%dma_wait3A_1537 : memref<128xf32, #tpu.memory_space<vmem>>)
    %dma_wait3A_1543 = arith.constant 1 : i32
    %dma_wait3A_1544 = arith.constant 5760 : i32
    %dma_wait3A_1545 = tpu.memref_slice %arg28[%dma_wait3A_1544] : memref<9216xf32, #tpu.memory_space<vmem>> -> memref<128xf32, #tpu.memory_space<vmem>>
    %dma_wait3A_1546 = arith.constant 0 : i32
    %dma_wait3A_1547 = tpu.memref_slice %arg27[%dma_wait3A_1543, %dma_wait3A_1546] : memref<4x128xi32, #tpu.memory_space<vmem>> -> memref<1x128xi32, #tpu.memory_space<vmem>>
    %dma_wait3A_1548 = tpu.memref_squeeze %dma_wait3A_1547 : memref<1x128xi32, #tpu.memory_space<vmem>> -> memref<128xi32, #tpu.memory_space<vmem>>
    %dma_wait3A_1549 = arith.constant 0 : i32
    %dma_wait3A_1550 = tpu.memref_slice %arg16[%dma_wait3A_1549] : memref<1015808xf32, #tpu.memory_space<hbm>> -> memref<1015808xf32, #tpu.memory_space<hbm>>
    tpu.wait_indirect_dma semaphore(%arg29 : memref<!tpu.dma_semaphore, #tpu.memory_space<semaphore_mem>>) src(%dma_wait3A_1550 : memref<1015808xf32, #tpu.memory_space<hbm>>) dst(%dma_wait3A_1545 : memref<128xf32, #tpu.memory_space<vmem>>)
    %dma_wait3A_1551 = arith.constant 1 : i32
    %dma_wait3A_1552 = arith.constant 6272 : i32
    %dma_wait3A_1553 = tpu.memref_slice %arg28[%dma_wait3A_1552] : memref<9216xf32, #tpu.memory_space<vmem>> -> memref<128xf32, #tpu.memory_space<vmem>>
    %dma_wait3A_1554 = arith.constant 0 : i32
    %dma_wait3A_1555 = tpu.memref_slice %arg27[%dma_wait3A_1551, %dma_wait3A_1554] : memref<4x128xi32, #tpu.memory_space<vmem>> -> memref<1x128xi32, #tpu.memory_space<vmem>>
    %dma_wait3A_1556 = tpu.memref_squeeze %dma_wait3A_1555 : memref<1x128xi32, #tpu.memory_space<vmem>> -> memref<128xi32, #tpu.memory_space<vmem>>
    %dma_wait3A_1557 = arith.constant 0 : i32
    %dma_wait3A_1558 = tpu.memref_slice %arg17[%dma_wait3A_1557] : memref<1015808xf32, #tpu.memory_space<hbm>> -> memref<1015808xf32, #tpu.memory_space<hbm>>
    tpu.wait_indirect_dma semaphore(%arg29 : memref<!tpu.dma_semaphore, #tpu.memory_space<semaphore_mem>>) src(%dma_wait3A_1558 : memref<1015808xf32, #tpu.memory_space<hbm>>) dst(%dma_wait3A_1553 : memref<128xf32, #tpu.memory_space<vmem>>)
    %dma_wait3A_1559 = arith.constant 1 : i32
    %dma_wait3A_1560 = arith.constant 6784 : i32
    %dma_wait3A_1561 = tpu.memref_slice %arg28[%dma_wait3A_1560] : memref<9216xf32, #tpu.memory_space<vmem>> -> memref<128xf32, #tpu.memory_space<vmem>>
    %dma_wait3A_1562 = arith.constant 0 : i32
    %dma_wait3A_1563 = tpu.memref_slice %arg27[%dma_wait3A_1559, %dma_wait3A_1562] : memref<4x128xi32, #tpu.memory_space<vmem>> -> memref<1x128xi32, #tpu.memory_space<vmem>>
    %dma_wait3A_1564 = tpu.memref_squeeze %dma_wait3A_1563 : memref<1x128xi32, #tpu.memory_space<vmem>> -> memref<128xi32, #tpu.memory_space<vmem>>
    %dma_wait3A_1565 = arith.constant 0 : i32
    %dma_wait3A_1566 = tpu.memref_slice %arg18[%dma_wait3A_1565] : memref<1015808xf32, #tpu.memory_space<hbm>> -> memref<1015808xf32, #tpu.memory_space<hbm>>
    tpu.wait_indirect_dma semaphore(%arg29 : memref<!tpu.dma_semaphore, #tpu.memory_space<semaphore_mem>>) src(%dma_wait3A_1566 : memref<1015808xf32, #tpu.memory_space<hbm>>) dst(%dma_wait3A_1561 : memref<128xf32, #tpu.memory_space<vmem>>)
    %dma_wait3A_1567 = arith.constant 1 : i32
    %dma_wait3A_1568 = arith.constant 7296 : i32
    %dma_wait3A_1569 = tpu.memref_slice %arg28[%dma_wait3A_1568] : memref<9216xf32, #tpu.memory_space<vmem>> -> memref<128xf32, #tpu.memory_space<vmem>>
    %dma_wait3A_1570 = arith.constant 0 : i32
    %dma_wait3A_1571 = tpu.memref_slice %arg27[%dma_wait3A_1567, %dma_wait3A_1570] : memref<4x128xi32, #tpu.memory_space<vmem>> -> memref<1x128xi32, #tpu.memory_space<vmem>>
    %dma_wait3A_1572 = tpu.memref_squeeze %dma_wait3A_1571 : memref<1x128xi32, #tpu.memory_space<vmem>> -> memref<128xi32, #tpu.memory_space<vmem>>
    %dma_wait3A_1573 = arith.constant 0 : i32
    %dma_wait3A_1574 = tpu.memref_slice %arg19[%dma_wait3A_1573] : memref<1015808xf32, #tpu.memory_space<hbm>> -> memref<1015808xf32, #tpu.memory_space<hbm>>
    tpu.wait_indirect_dma semaphore(%arg29 : memref<!tpu.dma_semaphore, #tpu.memory_space<semaphore_mem>>) src(%dma_wait3A_1574 : memref<1015808xf32, #tpu.memory_space<hbm>>) dst(%dma_wait3A_1569 : memref<128xf32, #tpu.memory_space<vmem>>)
    %dma_wait3A_1575 = arith.constant 1 : i32
    %dma_wait3A_1576 = arith.constant 7808 : i32
    %dma_wait3A_1577 = tpu.memref_slice %arg28[%dma_wait3A_1576] : memref<9216xf32, #tpu.memory_space<vmem>> -> memref<128xf32, #tpu.memory_space<vmem>>
    %dma_wait3A_1578 = arith.constant 0 : i32
    %dma_wait3A_1579 = tpu.memref_slice %arg27[%dma_wait3A_1575, %dma_wait3A_1578] : memref<4x128xi32, #tpu.memory_space<vmem>> -> memref<1x128xi32, #tpu.memory_space<vmem>>
    %dma_wait3A_1580 = tpu.memref_squeeze %dma_wait3A_1579 : memref<1x128xi32, #tpu.memory_space<vmem>> -> memref<128xi32, #tpu.memory_space<vmem>>
    %dma_wait3A_1581 = arith.constant 0 : i32
    %dma_wait3A_1582 = tpu.memref_slice %arg20[%dma_wait3A_1581] : memref<1015808xf32, #tpu.memory_space<hbm>> -> memref<1015808xf32, #tpu.memory_space<hbm>>
    tpu.wait_indirect_dma semaphore(%arg29 : memref<!tpu.dma_semaphore, #tpu.memory_space<semaphore_mem>>) src(%dma_wait3A_1582 : memref<1015808xf32, #tpu.memory_space<hbm>>) dst(%dma_wait3A_1577 : memref<128xf32, #tpu.memory_space<vmem>>)
    %dma_wait3A_1583 = arith.constant 1 : i32
    %dma_wait3A_1584 = arith.constant 8320 : i32
    %dma_wait3A_1585 = tpu.memref_slice %arg28[%dma_wait3A_1584] : memref<9216xf32, #tpu.memory_space<vmem>> -> memref<128xf32, #tpu.memory_space<vmem>>
    %dma_wait3A_1586 = arith.constant 0 : i32
    %dma_wait3A_1587 = tpu.memref_slice %arg27[%dma_wait3A_1583, %dma_wait3A_1586] : memref<4x128xi32, #tpu.memory_space<vmem>> -> memref<1x128xi32, #tpu.memory_space<vmem>>
    %dma_wait3A_1588 = tpu.memref_squeeze %dma_wait3A_1587 : memref<1x128xi32, #tpu.memory_space<vmem>> -> memref<128xi32, #tpu.memory_space<vmem>>
    %dma_wait3A_1589 = arith.constant 0 : i32
    %dma_wait3A_1590 = tpu.memref_slice %arg21[%dma_wait3A_1589] : memref<1015808xf32, #tpu.memory_space<hbm>> -> memref<1015808xf32, #tpu.memory_space<hbm>>
    tpu.wait_indirect_dma semaphore(%arg29 : memref<!tpu.dma_semaphore, #tpu.memory_space<semaphore_mem>>) src(%dma_wait3A_1590 : memref<1015808xf32, #tpu.memory_space<hbm>>) dst(%dma_wait3A_1585 : memref<128xf32, #tpu.memory_space<vmem>>)
    %dma_wait3A_1591 = arith.constant 1 : i32
    %dma_wait3A_1592 = arith.constant 8832 : i32
    %dma_wait3A_1593 = tpu.memref_slice %arg28[%dma_wait3A_1592] : memref<9216xf32, #tpu.memory_space<vmem>> -> memref<128xf32, #tpu.memory_space<vmem>>
    %dma_wait3A_1594 = arith.constant 0 : i32
    %dma_wait3A_1595 = tpu.memref_slice %arg27[%dma_wait3A_1591, %dma_wait3A_1594] : memref<4x128xi32, #tpu.memory_space<vmem>> -> memref<1x128xi32, #tpu.memory_space<vmem>>
    %dma_wait3A_1596 = tpu.memref_squeeze %dma_wait3A_1595 : memref<1x128xi32, #tpu.memory_space<vmem>> -> memref<128xi32, #tpu.memory_space<vmem>>
    %dma_wait3A_1597 = arith.constant 0 : i32
    %dma_wait3A_1598 = tpu.memref_slice %arg22[%dma_wait3A_1597] : memref<1015808xf32, #tpu.memory_space<hbm>> -> memref<1015808xf32, #tpu.memory_space<hbm>>
    tpu.wait_indirect_dma semaphore(%arg29 : memref<!tpu.dma_semaphore, #tpu.memory_space<semaphore_mem>>) src(%dma_wait3A_1598 : memref<1015808xf32, #tpu.memory_space<hbm>>) dst(%dma_wait3A_1593 : memref<128xf32, #tpu.memory_space<vmem>>)
    %dma_wait3A_1599 = arith.constant 2 : i32
    %dma_wait3A_1600 = arith.constant 256 : i32
    %dma_wait3A_1601 = tpu.memref_slice %arg28[%dma_wait3A_1600] : memref<9216xf32, #tpu.memory_space<vmem>> -> memref<128xf32, #tpu.memory_space<vmem>>
    %dma_wait3A_1602 = arith.constant 0 : i32
    %dma_wait3A_1603 = tpu.memref_slice %arg27[%dma_wait3A_1599, %dma_wait3A_1602] : memref<4x128xi32, #tpu.memory_space<vmem>> -> memref<1x128xi32, #tpu.memory_space<vmem>>
    %dma_wait3A_1604 = tpu.memref_squeeze %dma_wait3A_1603 : memref<1x128xi32, #tpu.memory_space<vmem>> -> memref<128xi32, #tpu.memory_space<vmem>>
    %dma_wait3A_1605 = arith.constant 0 : i32
    %dma_wait3A_1606 = tpu.memref_slice %arg5[%dma_wait3A_1605] : memref<1015808xf32, #tpu.memory_space<hbm>> -> memref<1015808xf32, #tpu.memory_space<hbm>>
    tpu.wait_indirect_dma semaphore(%arg29 : memref<!tpu.dma_semaphore, #tpu.memory_space<semaphore_mem>>) src(%dma_wait3A_1606 : memref<1015808xf32, #tpu.memory_space<hbm>>) dst(%dma_wait3A_1601 : memref<128xf32, #tpu.memory_space<vmem>>)
    %dma_wait3A_1607 = arith.constant 2 : i32
    %dma_wait3A_1608 = arith.constant 768 : i32
    %dma_wait3A_1609 = tpu.memref_slice %arg28[%dma_wait3A_1608] : memref<9216xf32, #tpu.memory_space<vmem>> -> memref<128xf32, #tpu.memory_space<vmem>>
    %dma_wait3A_1610 = arith.constant 0 : i32
    %dma_wait3A_1611 = tpu.memref_slice %arg27[%dma_wait3A_1607, %dma_wait3A_1610] : memref<4x128xi32, #tpu.memory_space<vmem>> -> memref<1x128xi32, #tpu.memory_space<vmem>>
    %dma_wait3A_1612 = tpu.memref_squeeze %dma_wait3A_1611 : memref<1x128xi32, #tpu.memory_space<vmem>> -> memref<128xi32, #tpu.memory_space<vmem>>
    %dma_wait3A_1613 = arith.constant 0 : i32
    %dma_wait3A_1614 = tpu.memref_slice %arg6[%dma_wait3A_1613] : memref<1015808xf32, #tpu.memory_space<hbm>> -> memref<1015808xf32, #tpu.memory_space<hbm>>
    tpu.wait_indirect_dma semaphore(%arg29 : memref<!tpu.dma_semaphore, #tpu.memory_space<semaphore_mem>>) src(%dma_wait3A_1614 : memref<1015808xf32, #tpu.memory_space<hbm>>) dst(%dma_wait3A_1609 : memref<128xf32, #tpu.memory_space<vmem>>)
    %dma_wait3A_1615 = arith.constant 2 : i32
    %dma_wait3A_1616 = arith.constant 1280 : i32
    %dma_wait3A_1617 = tpu.memref_slice %arg28[%dma_wait3A_1616] : memref<9216xf32, #tpu.memory_space<vmem>> -> memref<128xf32, #tpu.memory_space<vmem>>
    %dma_wait3A_1618 = arith.constant 0 : i32
    %dma_wait3A_1619 = tpu.memref_slice %arg27[%dma_wait3A_1615, %dma_wait3A_1618] : memref<4x128xi32, #tpu.memory_space<vmem>> -> memref<1x128xi32, #tpu.memory_space<vmem>>
    %dma_wait3A_1620 = tpu.memref_squeeze %dma_wait3A_1619 : memref<1x128xi32, #tpu.memory_space<vmem>> -> memref<128xi32, #tpu.memory_space<vmem>>
    %dma_wait3A_1621 = arith.constant 0 : i32
    %dma_wait3A_1622 = tpu.memref_slice %arg7[%dma_wait3A_1621] : memref<1015808xf32, #tpu.memory_space<hbm>> -> memref<1015808xf32, #tpu.memory_space<hbm>>
    tpu.wait_indirect_dma semaphore(%arg29 : memref<!tpu.dma_semaphore, #tpu.memory_space<semaphore_mem>>) src(%dma_wait3A_1622 : memref<1015808xf32, #tpu.memory_space<hbm>>) dst(%dma_wait3A_1617 : memref<128xf32, #tpu.memory_space<vmem>>)
    %dma_wait3A_1623 = arith.constant 2 : i32
    %dma_wait3A_1624 = arith.constant 1792 : i32
    %dma_wait3A_1625 = tpu.memref_slice %arg28[%dma_wait3A_1624] : memref<9216xf32, #tpu.memory_space<vmem>> -> memref<128xf32, #tpu.memory_space<vmem>>
    %dma_wait3A_1626 = arith.constant 0 : i32
    %dma_wait3A_1627 = tpu.memref_slice %arg27[%dma_wait3A_1623, %dma_wait3A_1626] : memref<4x128xi32, #tpu.memory_space<vmem>> -> memref<1x128xi32, #tpu.memory_space<vmem>>
    %dma_wait3A_1628 = tpu.memref_squeeze %dma_wait3A_1627 : memref<1x128xi32, #tpu.memory_space<vmem>> -> memref<128xi32, #tpu.memory_space<vmem>>
    %dma_wait3A_1629 = arith.constant 0 : i32
    %dma_wait3A_1630 = tpu.memref_slice %arg8[%dma_wait3A_1629] : memref<1015808xf32, #tpu.memory_space<hbm>> -> memref<1015808xf32, #tpu.memory_space<hbm>>
    tpu.wait_indirect_dma semaphore(%arg29 : memref<!tpu.dma_semaphore, #tpu.memory_space<semaphore_mem>>) src(%dma_wait3A_1630 : memref<1015808xf32, #tpu.memory_space<hbm>>) dst(%dma_wait3A_1625 : memref<128xf32, #tpu.memory_space<vmem>>)
    %dma_wait3A_1631 = arith.constant 2 : i32
    %dma_wait3A_1632 = arith.constant 2304 : i32
    %dma_wait3A_1633 = tpu.memref_slice %arg28[%dma_wait3A_1632] : memref<9216xf32, #tpu.memory_space<vmem>> -> memref<128xf32, #tpu.memory_space<vmem>>
    %dma_wait3A_1634 = arith.constant 0 : i32
    %dma_wait3A_1635 = tpu.memref_slice %arg27[%dma_wait3A_1631, %dma_wait3A_1634] : memref<4x128xi32, #tpu.memory_space<vmem>> -> memref<1x128xi32, #tpu.memory_space<vmem>>
    %dma_wait3A_1636 = tpu.memref_squeeze %dma_wait3A_1635 : memref<1x128xi32, #tpu.memory_space<vmem>> -> memref<128xi32, #tpu.memory_space<vmem>>
    %dma_wait3A_1637 = arith.constant 0 : i32
    %dma_wait3A_1638 = tpu.memref_slice %arg9[%dma_wait3A_1637] : memref<1015808xf32, #tpu.memory_space<hbm>> -> memref<1015808xf32, #tpu.memory_space<hbm>>
    tpu.wait_indirect_dma semaphore(%arg29 : memref<!tpu.dma_semaphore, #tpu.memory_space<semaphore_mem>>) src(%dma_wait3A_1638 : memref<1015808xf32, #tpu.memory_space<hbm>>) dst(%dma_wait3A_1633 : memref<128xf32, #tpu.memory_space<vmem>>)
    %dma_wait3A_1639 = arith.constant 2 : i32
    %dma_wait3A_1640 = arith.constant 2816 : i32
    %dma_wait3A_1641 = tpu.memref_slice %arg28[%dma_wait3A_1640] : memref<9216xf32, #tpu.memory_space<vmem>> -> memref<128xf32, #tpu.memory_space<vmem>>
    %dma_wait3A_1642 = arith.constant 0 : i32
    %dma_wait3A_1643 = tpu.memref_slice %arg27[%dma_wait3A_1639, %dma_wait3A_1642] : memref<4x128xi32, #tpu.memory_space<vmem>> -> memref<1x128xi32, #tpu.memory_space<vmem>>
    %dma_wait3A_1644 = tpu.memref_squeeze %dma_wait3A_1643 : memref<1x128xi32, #tpu.memory_space<vmem>> -> memref<128xi32, #tpu.memory_space<vmem>>
    %dma_wait3A_1645 = arith.constant 0 : i32
    %dma_wait3A_1646 = tpu.memref_slice %arg10[%dma_wait3A_1645] : memref<1015808xf32, #tpu.memory_space<hbm>> -> memref<1015808xf32, #tpu.memory_space<hbm>>
    tpu.wait_indirect_dma semaphore(%arg29 : memref<!tpu.dma_semaphore, #tpu.memory_space<semaphore_mem>>) src(%dma_wait3A_1646 : memref<1015808xf32, #tpu.memory_space<hbm>>) dst(%dma_wait3A_1641 : memref<128xf32, #tpu.memory_space<vmem>>)
    %dma_wait3A_1647 = arith.constant 2 : i32
    %dma_wait3A_1648 = arith.constant 3328 : i32
    %dma_wait3A_1649 = tpu.memref_slice %arg28[%dma_wait3A_1648] : memref<9216xf32, #tpu.memory_space<vmem>> -> memref<128xf32, #tpu.memory_space<vmem>>
    %dma_wait3A_1650 = arith.constant 0 : i32
    %dma_wait3A_1651 = tpu.memref_slice %arg27[%dma_wait3A_1647, %dma_wait3A_1650] : memref<4x128xi32, #tpu.memory_space<vmem>> -> memref<1x128xi32, #tpu.memory_space<vmem>>
    %dma_wait3A_1652 = tpu.memref_squeeze %dma_wait3A_1651 : memref<1x128xi32, #tpu.memory_space<vmem>> -> memref<128xi32, #tpu.memory_space<vmem>>
    %dma_wait3A_1653 = arith.constant 0 : i32
    %dma_wait3A_1654 = tpu.memref_slice %arg11[%dma_wait3A_1653] : memref<1015808xf32, #tpu.memory_space<hbm>> -> memref<1015808xf32, #tpu.memory_space<hbm>>
    tpu.wait_indirect_dma semaphore(%arg29 : memref<!tpu.dma_semaphore, #tpu.memory_space<semaphore_mem>>) src(%dma_wait3A_1654 : memref<1015808xf32, #tpu.memory_space<hbm>>) dst(%dma_wait3A_1649 : memref<128xf32, #tpu.memory_space<vmem>>)
    %dma_wait3A_1655 = arith.constant 2 : i32
    %dma_wait3A_1656 = arith.constant 3840 : i32
    %dma_wait3A_1657 = tpu.memref_slice %arg28[%dma_wait3A_1656] : memref<9216xf32, #tpu.memory_space<vmem>> -> memref<128xf32, #tpu.memory_space<vmem>>
    %dma_wait3A_1658 = arith.constant 0 : i32
    %dma_wait3A_1659 = tpu.memref_slice %arg27[%dma_wait3A_1655, %dma_wait3A_1658] : memref<4x128xi32, #tpu.memory_space<vmem>> -> memref<1x128xi32, #tpu.memory_space<vmem>>
    %dma_wait3A_1660 = tpu.memref_squeeze %dma_wait3A_1659 : memref<1x128xi32, #tpu.memory_space<vmem>> -> memref<128xi32, #tpu.memory_space<vmem>>
    %dma_wait3A_1661 = arith.constant 0 : i32
    %dma_wait3A_1662 = tpu.memref_slice %arg12[%dma_wait3A_1661] : memref<1015808xf32, #tpu.memory_space<hbm>> -> memref<1015808xf32, #tpu.memory_space<hbm>>
    tpu.wait_indirect_dma semaphore(%arg29 : memref<!tpu.dma_semaphore, #tpu.memory_space<semaphore_mem>>) src(%dma_wait3A_1662 : memref<1015808xf32, #tpu.memory_space<hbm>>) dst(%dma_wait3A_1657 : memref<128xf32, #tpu.memory_space<vmem>>)
    %dma_wait3A_1663 = arith.constant 2 : i32
    %dma_wait3A_1664 = arith.constant 4352 : i32
    %dma_wait3A_1665 = tpu.memref_slice %arg28[%dma_wait3A_1664] : memref<9216xf32, #tpu.memory_space<vmem>> -> memref<128xf32, #tpu.memory_space<vmem>>
    %dma_wait3A_1666 = arith.constant 0 : i32
    %dma_wait3A_1667 = tpu.memref_slice %arg27[%dma_wait3A_1663, %dma_wait3A_1666] : memref<4x128xi32, #tpu.memory_space<vmem>> -> memref<1x128xi32, #tpu.memory_space<vmem>>
    %dma_wait3A_1668 = tpu.memref_squeeze %dma_wait3A_1667 : memref<1x128xi32, #tpu.memory_space<vmem>> -> memref<128xi32, #tpu.memory_space<vmem>>
    %dma_wait3A_1669 = arith.constant 0 : i32
    %dma_wait3A_1670 = tpu.memref_slice %arg13[%dma_wait3A_1669] : memref<1015808xf32, #tpu.memory_space<hbm>> -> memref<1015808xf32, #tpu.memory_space<hbm>>
    tpu.wait_indirect_dma semaphore(%arg29 : memref<!tpu.dma_semaphore, #tpu.memory_space<semaphore_mem>>) src(%dma_wait3A_1670 : memref<1015808xf32, #tpu.memory_space<hbm>>) dst(%dma_wait3A_1665 : memref<128xf32, #tpu.memory_space<vmem>>)
    %dma_wait3A_1671 = arith.constant 2 : i32
    %dma_wait3A_1672 = arith.constant 4864 : i32
    %dma_wait3A_1673 = tpu.memref_slice %arg28[%dma_wait3A_1672] : memref<9216xf32, #tpu.memory_space<vmem>> -> memref<128xf32, #tpu.memory_space<vmem>>
    %dma_wait3A_1674 = arith.constant 0 : i32
    %dma_wait3A_1675 = tpu.memref_slice %arg27[%dma_wait3A_1671, %dma_wait3A_1674] : memref<4x128xi32, #tpu.memory_space<vmem>> -> memref<1x128xi32, #tpu.memory_space<vmem>>
    %dma_wait3A_1676 = tpu.memref_squeeze %dma_wait3A_1675 : memref<1x128xi32, #tpu.memory_space<vmem>> -> memref<128xi32, #tpu.memory_space<vmem>>
    %dma_wait3A_1677 = arith.constant 0 : i32
    %dma_wait3A_1678 = tpu.memref_slice %arg14[%dma_wait3A_1677] : memref<1015808xf32, #tpu.memory_space<hbm>> -> memref<1015808xf32, #tpu.memory_space<hbm>>
    tpu.wait_indirect_dma semaphore(%arg29 : memref<!tpu.dma_semaphore, #tpu.memory_space<semaphore_mem>>) src(%dma_wait3A_1678 : memref<1015808xf32, #tpu.memory_space<hbm>>) dst(%dma_wait3A_1673 : memref<128xf32, #tpu.memory_space<vmem>>)
    %dma_wait3A_1679 = arith.constant 2 : i32
    %dma_wait3A_1680 = arith.constant 5376 : i32
    %dma_wait3A_1681 = tpu.memref_slice %arg28[%dma_wait3A_1680] : memref<9216xf32, #tpu.memory_space<vmem>> -> memref<128xf32, #tpu.memory_space<vmem>>
    %dma_wait3A_1682 = arith.constant 0 : i32
    %dma_wait3A_1683 = tpu.memref_slice %arg27[%dma_wait3A_1679, %dma_wait3A_1682] : memref<4x128xi32, #tpu.memory_space<vmem>> -> memref<1x128xi32, #tpu.memory_space<vmem>>
    %dma_wait3A_1684 = tpu.memref_squeeze %dma_wait3A_1683 : memref<1x128xi32, #tpu.memory_space<vmem>> -> memref<128xi32, #tpu.memory_space<vmem>>
    %dma_wait3A_1685 = arith.constant 0 : i32
    %dma_wait3A_1686 = tpu.memref_slice %arg15[%dma_wait3A_1685] : memref<1015808xf32, #tpu.memory_space<hbm>> -> memref<1015808xf32, #tpu.memory_space<hbm>>
    tpu.wait_indirect_dma semaphore(%arg29 : memref<!tpu.dma_semaphore, #tpu.memory_space<semaphore_mem>>) src(%dma_wait3A_1686 : memref<1015808xf32, #tpu.memory_space<hbm>>) dst(%dma_wait3A_1681 : memref<128xf32, #tpu.memory_space<vmem>>)
    %dma_wait3A_1687 = arith.constant 2 : i32
    %dma_wait3A_1688 = arith.constant 5888 : i32
    %dma_wait3A_1689 = tpu.memref_slice %arg28[%dma_wait3A_1688] : memref<9216xf32, #tpu.memory_space<vmem>> -> memref<128xf32, #tpu.memory_space<vmem>>
    %dma_wait3A_1690 = arith.constant 0 : i32
    %dma_wait3A_1691 = tpu.memref_slice %arg27[%dma_wait3A_1687, %dma_wait3A_1690] : memref<4x128xi32, #tpu.memory_space<vmem>> -> memref<1x128xi32, #tpu.memory_space<vmem>>
    %dma_wait3A_1692 = tpu.memref_squeeze %dma_wait3A_1691 : memref<1x128xi32, #tpu.memory_space<vmem>> -> memref<128xi32, #tpu.memory_space<vmem>>
    %dma_wait3A_1693 = arith.constant 0 : i32
    %dma_wait3A_1694 = tpu.memref_slice %arg16[%dma_wait3A_1693] : memref<1015808xf32, #tpu.memory_space<hbm>> -> memref<1015808xf32, #tpu.memory_space<hbm>>
    tpu.wait_indirect_dma semaphore(%arg29 : memref<!tpu.dma_semaphore, #tpu.memory_space<semaphore_mem>>) src(%dma_wait3A_1694 : memref<1015808xf32, #tpu.memory_space<hbm>>) dst(%dma_wait3A_1689 : memref<128xf32, #tpu.memory_space<vmem>>)
    %dma_wait3A_1695 = arith.constant 2 : i32
    %dma_wait3A_1696 = arith.constant 6400 : i32
    %dma_wait3A_1697 = tpu.memref_slice %arg28[%dma_wait3A_1696] : memref<9216xf32, #tpu.memory_space<vmem>> -> memref<128xf32, #tpu.memory_space<vmem>>
    %dma_wait3A_1698 = arith.constant 0 : i32
    %dma_wait3A_1699 = tpu.memref_slice %arg27[%dma_wait3A_1695, %dma_wait3A_1698] : memref<4x128xi32, #tpu.memory_space<vmem>> -> memref<1x128xi32, #tpu.memory_space<vmem>>
    %dma_wait3A_1700 = tpu.memref_squeeze %dma_wait3A_1699 : memref<1x128xi32, #tpu.memory_space<vmem>> -> memref<128xi32, #tpu.memory_space<vmem>>
    %dma_wait3A_1701 = arith.constant 0 : i32
    %dma_wait3A_1702 = tpu.memref_slice %arg17[%dma_wait3A_1701] : memref<1015808xf32, #tpu.memory_space<hbm>> -> memref<1015808xf32, #tpu.memory_space<hbm>>
    tpu.wait_indirect_dma semaphore(%arg29 : memref<!tpu.dma_semaphore, #tpu.memory_space<semaphore_mem>>) src(%dma_wait3A_1702 : memref<1015808xf32, #tpu.memory_space<hbm>>) dst(%dma_wait3A_1697 : memref<128xf32, #tpu.memory_space<vmem>>)
    %dma_wait3A_1703 = arith.constant 2 : i32
    %dma_wait3A_1704 = arith.constant 6912 : i32
    %dma_wait3A_1705 = tpu.memref_slice %arg28[%dma_wait3A_1704] : memref<9216xf32, #tpu.memory_space<vmem>> -> memref<128xf32, #tpu.memory_space<vmem>>
    %dma_wait3A_1706 = arith.constant 0 : i32
    %dma_wait3A_1707 = tpu.memref_slice %arg27[%dma_wait3A_1703, %dma_wait3A_1706] : memref<4x128xi32, #tpu.memory_space<vmem>> -> memref<1x128xi32, #tpu.memory_space<vmem>>
    %dma_wait3A_1708 = tpu.memref_squeeze %dma_wait3A_1707 : memref<1x128xi32, #tpu.memory_space<vmem>> -> memref<128xi32, #tpu.memory_space<vmem>>
    %dma_wait3A_1709 = arith.constant 0 : i32
    %dma_wait3A_1710 = tpu.memref_slice %arg18[%dma_wait3A_1709] : memref<1015808xf32, #tpu.memory_space<hbm>> -> memref<1015808xf32, #tpu.memory_space<hbm>>
    tpu.wait_indirect_dma semaphore(%arg29 : memref<!tpu.dma_semaphore, #tpu.memory_space<semaphore_mem>>) src(%dma_wait3A_1710 : memref<1015808xf32, #tpu.memory_space<hbm>>) dst(%dma_wait3A_1705 : memref<128xf32, #tpu.memory_space<vmem>>)
    %dma_wait3A_1711 = arith.constant 2 : i32
    %dma_wait3A_1712 = arith.constant 7424 : i32
    %dma_wait3A_1713 = tpu.memref_slice %arg28[%dma_wait3A_1712] : memref<9216xf32, #tpu.memory_space<vmem>> -> memref<128xf32, #tpu.memory_space<vmem>>
    %dma_wait3A_1714 = arith.constant 0 : i32
    %dma_wait3A_1715 = tpu.memref_slice %arg27[%dma_wait3A_1711, %dma_wait3A_1714] : memref<4x128xi32, #tpu.memory_space<vmem>> -> memref<1x128xi32, #tpu.memory_space<vmem>>
    %dma_wait3A_1716 = tpu.memref_squeeze %dma_wait3A_1715 : memref<1x128xi32, #tpu.memory_space<vmem>> -> memref<128xi32, #tpu.memory_space<vmem>>
    %dma_wait3A_1717 = arith.constant 0 : i32
    %dma_wait3A_1718 = tpu.memref_slice %arg19[%dma_wait3A_1717] : memref<1015808xf32, #tpu.memory_space<hbm>> -> memref<1015808xf32, #tpu.memory_space<hbm>>
    tpu.wait_indirect_dma semaphore(%arg29 : memref<!tpu.dma_semaphore, #tpu.memory_space<semaphore_mem>>) src(%dma_wait3A_1718 : memref<1015808xf32, #tpu.memory_space<hbm>>) dst(%dma_wait3A_1713 : memref<128xf32, #tpu.memory_space<vmem>>)
    %dma_wait3A_1719 = arith.constant 2 : i32
    %dma_wait3A_1720 = arith.constant 7936 : i32
    %dma_wait3A_1721 = tpu.memref_slice %arg28[%dma_wait3A_1720] : memref<9216xf32, #tpu.memory_space<vmem>> -> memref<128xf32, #tpu.memory_space<vmem>>
    %dma_wait3A_1722 = arith.constant 0 : i32
    %dma_wait3A_1723 = tpu.memref_slice %arg27[%dma_wait3A_1719, %dma_wait3A_1722] : memref<4x128xi32, #tpu.memory_space<vmem>> -> memref<1x128xi32, #tpu.memory_space<vmem>>
    %dma_wait3A_1724 = tpu.memref_squeeze %dma_wait3A_1723 : memref<1x128xi32, #tpu.memory_space<vmem>> -> memref<128xi32, #tpu.memory_space<vmem>>
    %dma_wait3A_1725 = arith.constant 0 : i32
    %dma_wait3A_1726 = tpu.memref_slice %arg20[%dma_wait3A_1725] : memref<1015808xf32, #tpu.memory_space<hbm>> -> memref<1015808xf32, #tpu.memory_space<hbm>>
    tpu.wait_indirect_dma semaphore(%arg29 : memref<!tpu.dma_semaphore, #tpu.memory_space<semaphore_mem>>) src(%dma_wait3A_1726 : memref<1015808xf32, #tpu.memory_space<hbm>>) dst(%dma_wait3A_1721 : memref<128xf32, #tpu.memory_space<vmem>>)
    %dma_wait3A_1727 = arith.constant 2 : i32
    %dma_wait3A_1728 = arith.constant 8448 : i32
    %dma_wait3A_1729 = tpu.memref_slice %arg28[%dma_wait3A_1728] : memref<9216xf32, #tpu.memory_space<vmem>> -> memref<128xf32, #tpu.memory_space<vmem>>
    %dma_wait3A_1730 = arith.constant 0 : i32
    %dma_wait3A_1731 = tpu.memref_slice %arg27[%dma_wait3A_1727, %dma_wait3A_1730] : memref<4x128xi32, #tpu.memory_space<vmem>> -> memref<1x128xi32, #tpu.memory_space<vmem>>
    %dma_wait3A_1732 = tpu.memref_squeeze %dma_wait3A_1731 : memref<1x128xi32, #tpu.memory_space<vmem>> -> memref<128xi32, #tpu.memory_space<vmem>>
    %dma_wait3A_1733 = arith.constant 0 : i32
    %dma_wait3A_1734 = tpu.memref_slice %arg21[%dma_wait3A_1733] : memref<1015808xf32, #tpu.memory_space<hbm>> -> memref<1015808xf32, #tpu.memory_space<hbm>>
    tpu.wait_indirect_dma semaphore(%arg29 : memref<!tpu.dma_semaphore, #tpu.memory_space<semaphore_mem>>) src(%dma_wait3A_1734 : memref<1015808xf32, #tpu.memory_space<hbm>>) dst(%dma_wait3A_1729 : memref<128xf32, #tpu.memory_space<vmem>>)
    %dma_wait3A_1735 = arith.constant 2 : i32
    %dma_wait3A_1736 = arith.constant 8960 : i32
    %dma_wait3A_1737 = tpu.memref_slice %arg28[%dma_wait3A_1736] : memref<9216xf32, #tpu.memory_space<vmem>> -> memref<128xf32, #tpu.memory_space<vmem>>
    %dma_wait3A_1738 = arith.constant 0 : i32
    %dma_wait3A_1739 = tpu.memref_slice %arg27[%dma_wait3A_1735, %dma_wait3A_1738] : memref<4x128xi32, #tpu.memory_space<vmem>> -> memref<1x128xi32, #tpu.memory_space<vmem>>
    %dma_wait3A_1740 = tpu.memref_squeeze %dma_wait3A_1739 : memref<1x128xi32, #tpu.memory_space<vmem>> -> memref<128xi32, #tpu.memory_space<vmem>>
    %dma_wait3A_1741 = arith.constant 0 : i32
    %dma_wait3A_1742 = tpu.memref_slice %arg22[%dma_wait3A_1741] : memref<1015808xf32, #tpu.memory_space<hbm>> -> memref<1015808xf32, #tpu.memory_space<hbm>>
    tpu.wait_indirect_dma semaphore(%arg29 : memref<!tpu.dma_semaphore, #tpu.memory_space<semaphore_mem>>) src(%dma_wait3A_1742 : memref<1015808xf32, #tpu.memory_space<hbm>>) dst(%dma_wait3A_1737 : memref<128xf32, #tpu.memory_space<vmem>>)
    %dma_wait3A_1743 = arith.constant 3 : i32
    %dma_wait3A_1744 = arith.constant 384 : i32
    %dma_wait3A_1745 = tpu.memref_slice %arg28[%dma_wait3A_1744] : memref<9216xf32, #tpu.memory_space<vmem>> -> memref<128xf32, #tpu.memory_space<vmem>>
    %dma_wait3A_1746 = arith.constant 0 : i32
    %dma_wait3A_1747 = tpu.memref_slice %arg27[%dma_wait3A_1743, %dma_wait3A_1746] : memref<4x128xi32, #tpu.memory_space<vmem>> -> memref<1x128xi32, #tpu.memory_space<vmem>>
    %dma_wait3A_1748 = tpu.memref_squeeze %dma_wait3A_1747 : memref<1x128xi32, #tpu.memory_space<vmem>> -> memref<128xi32, #tpu.memory_space<vmem>>
    %dma_wait3A_1749 = arith.constant 0 : i32
    %dma_wait3A_1750 = tpu.memref_slice %arg5[%dma_wait3A_1749] : memref<1015808xf32, #tpu.memory_space<hbm>> -> memref<1015808xf32, #tpu.memory_space<hbm>>
    tpu.wait_indirect_dma semaphore(%arg29 : memref<!tpu.dma_semaphore, #tpu.memory_space<semaphore_mem>>) src(%dma_wait3A_1750 : memref<1015808xf32, #tpu.memory_space<hbm>>) dst(%dma_wait3A_1745 : memref<128xf32, #tpu.memory_space<vmem>>)
    %dma_wait3A_1751 = arith.constant 3 : i32
    %dma_wait3A_1752 = arith.constant 896 : i32
    %dma_wait3A_1753 = tpu.memref_slice %arg28[%dma_wait3A_1752] : memref<9216xf32, #tpu.memory_space<vmem>> -> memref<128xf32, #tpu.memory_space<vmem>>
    %dma_wait3A_1754 = arith.constant 0 : i32
    %dma_wait3A_1755 = tpu.memref_slice %arg27[%dma_wait3A_1751, %dma_wait3A_1754] : memref<4x128xi32, #tpu.memory_space<vmem>> -> memref<1x128xi32, #tpu.memory_space<vmem>>
    %dma_wait3A_1756 = tpu.memref_squeeze %dma_wait3A_1755 : memref<1x128xi32, #tpu.memory_space<vmem>> -> memref<128xi32, #tpu.memory_space<vmem>>
    %dma_wait3A_1757 = arith.constant 0 : i32
    %dma_wait3A_1758 = tpu.memref_slice %arg6[%dma_wait3A_1757] : memref<1015808xf32, #tpu.memory_space<hbm>> -> memref<1015808xf32, #tpu.memory_space<hbm>>
    tpu.wait_indirect_dma semaphore(%arg29 : memref<!tpu.dma_semaphore, #tpu.memory_space<semaphore_mem>>) src(%dma_wait3A_1758 : memref<1015808xf32, #tpu.memory_space<hbm>>) dst(%dma_wait3A_1753 : memref<128xf32, #tpu.memory_space<vmem>>)
    %dma_wait3A_1759 = arith.constant 3 : i32
    %dma_wait3A_1760 = arith.constant 1408 : i32
    %dma_wait3A_1761 = tpu.memref_slice %arg28[%dma_wait3A_1760] : memref<9216xf32, #tpu.memory_space<vmem>> -> memref<128xf32, #tpu.memory_space<vmem>>
    %dma_wait3A_1762 = arith.constant 0 : i32
    %dma_wait3A_1763 = tpu.memref_slice %arg27[%dma_wait3A_1759, %dma_wait3A_1762] : memref<4x128xi32, #tpu.memory_space<vmem>> -> memref<1x128xi32, #tpu.memory_space<vmem>>
    %dma_wait3A_1764 = tpu.memref_squeeze %dma_wait3A_1763 : memref<1x128xi32, #tpu.memory_space<vmem>> -> memref<128xi32, #tpu.memory_space<vmem>>
    %dma_wait3A_1765 = arith.constant 0 : i32
    %dma_wait3A_1766 = tpu.memref_slice %arg7[%dma_wait3A_1765] : memref<1015808xf32, #tpu.memory_space<hbm>> -> memref<1015808xf32, #tpu.memory_space<hbm>>
    tpu.wait_indirect_dma semaphore(%arg29 : memref<!tpu.dma_semaphore, #tpu.memory_space<semaphore_mem>>) src(%dma_wait3A_1766 : memref<1015808xf32, #tpu.memory_space<hbm>>) dst(%dma_wait3A_1761 : memref<128xf32, #tpu.memory_space<vmem>>)
    %dma_wait3A_1767 = arith.constant 3 : i32
    %dma_wait3A_1768 = arith.constant 1920 : i32
    %dma_wait3A_1769 = tpu.memref_slice %arg28[%dma_wait3A_1768] : memref<9216xf32, #tpu.memory_space<vmem>> -> memref<128xf32, #tpu.memory_space<vmem>>
    %dma_wait3A_1770 = arith.constant 0 : i32
    %dma_wait3A_1771 = tpu.memref_slice %arg27[%dma_wait3A_1767, %dma_wait3A_1770] : memref<4x128xi32, #tpu.memory_space<vmem>> -> memref<1x128xi32, #tpu.memory_space<vmem>>
    %dma_wait3A_1772 = tpu.memref_squeeze %dma_wait3A_1771 : memref<1x128xi32, #tpu.memory_space<vmem>> -> memref<128xi32, #tpu.memory_space<vmem>>
    %dma_wait3A_1773 = arith.constant 0 : i32
    %dma_wait3A_1774 = tpu.memref_slice %arg8[%dma_wait3A_1773] : memref<1015808xf32, #tpu.memory_space<hbm>> -> memref<1015808xf32, #tpu.memory_space<hbm>>
    tpu.wait_indirect_dma semaphore(%arg29 : memref<!tpu.dma_semaphore, #tpu.memory_space<semaphore_mem>>) src(%dma_wait3A_1774 : memref<1015808xf32, #tpu.memory_space<hbm>>) dst(%dma_wait3A_1769 : memref<128xf32, #tpu.memory_space<vmem>>)
    %dma_wait3A_1775 = arith.constant 3 : i32
    %dma_wait3A_1776 = arith.constant 2432 : i32
    %dma_wait3A_1777 = tpu.memref_slice %arg28[%dma_wait3A_1776] : memref<9216xf32, #tpu.memory_space<vmem>> -> memref<128xf32, #tpu.memory_space<vmem>>
    %dma_wait3A_1778 = arith.constant 0 : i32
    %dma_wait3A_1779 = tpu.memref_slice %arg27[%dma_wait3A_1775, %dma_wait3A_1778] : memref<4x128xi32, #tpu.memory_space<vmem>> -> memref<1x128xi32, #tpu.memory_space<vmem>>
    %dma_wait3A_1780 = tpu.memref_squeeze %dma_wait3A_1779 : memref<1x128xi32, #tpu.memory_space<vmem>> -> memref<128xi32, #tpu.memory_space<vmem>>
    %dma_wait3A_1781 = arith.constant 0 : i32
    %dma_wait3A_1782 = tpu.memref_slice %arg9[%dma_wait3A_1781] : memref<1015808xf32, #tpu.memory_space<hbm>> -> memref<1015808xf32, #tpu.memory_space<hbm>>
    tpu.wait_indirect_dma semaphore(%arg29 : memref<!tpu.dma_semaphore, #tpu.memory_space<semaphore_mem>>) src(%dma_wait3A_1782 : memref<1015808xf32, #tpu.memory_space<hbm>>) dst(%dma_wait3A_1777 : memref<128xf32, #tpu.memory_space<vmem>>)
    %dma_wait3A_1783 = arith.constant 3 : i32
    %dma_wait3A_1784 = arith.constant 2944 : i32
    %dma_wait3A_1785 = tpu.memref_slice %arg28[%dma_wait3A_1784] : memref<9216xf32, #tpu.memory_space<vmem>> -> memref<128xf32, #tpu.memory_space<vmem>>
    %dma_wait3A_1786 = arith.constant 0 : i32
    %dma_wait3A_1787 = tpu.memref_slice %arg27[%dma_wait3A_1783, %dma_wait3A_1786] : memref<4x128xi32, #tpu.memory_space<vmem>> -> memref<1x128xi32, #tpu.memory_space<vmem>>
    %dma_wait3A_1788 = tpu.memref_squeeze %dma_wait3A_1787 : memref<1x128xi32, #tpu.memory_space<vmem>> -> memref<128xi32, #tpu.memory_space<vmem>>
    %dma_wait3A_1789 = arith.constant 0 : i32
    %dma_wait3A_1790 = tpu.memref_slice %arg10[%dma_wait3A_1789] : memref<1015808xf32, #tpu.memory_space<hbm>> -> memref<1015808xf32, #tpu.memory_space<hbm>>
    tpu.wait_indirect_dma semaphore(%arg29 : memref<!tpu.dma_semaphore, #tpu.memory_space<semaphore_mem>>) src(%dma_wait3A_1790 : memref<1015808xf32, #tpu.memory_space<hbm>>) dst(%dma_wait3A_1785 : memref<128xf32, #tpu.memory_space<vmem>>)
    %dma_wait3A_1791 = arith.constant 3 : i32
    %dma_wait3A_1792 = arith.constant 3456 : i32
    %dma_wait3A_1793 = tpu.memref_slice %arg28[%dma_wait3A_1792] : memref<9216xf32, #tpu.memory_space<vmem>> -> memref<128xf32, #tpu.memory_space<vmem>>
    %dma_wait3A_1794 = arith.constant 0 : i32
    %dma_wait3A_1795 = tpu.memref_slice %arg27[%dma_wait3A_1791, %dma_wait3A_1794] : memref<4x128xi32, #tpu.memory_space<vmem>> -> memref<1x128xi32, #tpu.memory_space<vmem>>
    %dma_wait3A_1796 = tpu.memref_squeeze %dma_wait3A_1795 : memref<1x128xi32, #tpu.memory_space<vmem>> -> memref<128xi32, #tpu.memory_space<vmem>>
    %dma_wait3A_1797 = arith.constant 0 : i32
    %dma_wait3A_1798 = tpu.memref_slice %arg11[%dma_wait3A_1797] : memref<1015808xf32, #tpu.memory_space<hbm>> -> memref<1015808xf32, #tpu.memory_space<hbm>>
    tpu.wait_indirect_dma semaphore(%arg29 : memref<!tpu.dma_semaphore, #tpu.memory_space<semaphore_mem>>) src(%dma_wait3A_1798 : memref<1015808xf32, #tpu.memory_space<hbm>>) dst(%dma_wait3A_1793 : memref<128xf32, #tpu.memory_space<vmem>>)
    %dma_wait3A_1799 = arith.constant 3 : i32
    %dma_wait3A_1800 = arith.constant 3968 : i32
    %dma_wait3A_1801 = tpu.memref_slice %arg28[%dma_wait3A_1800] : memref<9216xf32, #tpu.memory_space<vmem>> -> memref<128xf32, #tpu.memory_space<vmem>>
    %dma_wait3A_1802 = arith.constant 0 : i32
    %dma_wait3A_1803 = tpu.memref_slice %arg27[%dma_wait3A_1799, %dma_wait3A_1802] : memref<4x128xi32, #tpu.memory_space<vmem>> -> memref<1x128xi32, #tpu.memory_space<vmem>>
    %dma_wait3A_1804 = tpu.memref_squeeze %dma_wait3A_1803 : memref<1x128xi32, #tpu.memory_space<vmem>> -> memref<128xi32, #tpu.memory_space<vmem>>
    %dma_wait3A_1805 = arith.constant 0 : i32
    %dma_wait3A_1806 = tpu.memref_slice %arg12[%dma_wait3A_1805] : memref<1015808xf32, #tpu.memory_space<hbm>> -> memref<1015808xf32, #tpu.memory_space<hbm>>
    tpu.wait_indirect_dma semaphore(%arg29 : memref<!tpu.dma_semaphore, #tpu.memory_space<semaphore_mem>>) src(%dma_wait3A_1806 : memref<1015808xf32, #tpu.memory_space<hbm>>) dst(%dma_wait3A_1801 : memref<128xf32, #tpu.memory_space<vmem>>)
    %dma_wait3A_1807 = arith.constant 3 : i32
    %dma_wait3A_1808 = arith.constant 4480 : i32
    %dma_wait3A_1809 = tpu.memref_slice %arg28[%dma_wait3A_1808] : memref<9216xf32, #tpu.memory_space<vmem>> -> memref<128xf32, #tpu.memory_space<vmem>>
    %dma_wait3A_1810 = arith.constant 0 : i32
    %dma_wait3A_1811 = tpu.memref_slice %arg27[%dma_wait3A_1807, %dma_wait3A_1810] : memref<4x128xi32, #tpu.memory_space<vmem>> -> memref<1x128xi32, #tpu.memory_space<vmem>>
    %dma_wait3A_1812 = tpu.memref_squeeze %dma_wait3A_1811 : memref<1x128xi32, #tpu.memory_space<vmem>> -> memref<128xi32, #tpu.memory_space<vmem>>
    %dma_wait3A_1813 = arith.constant 0 : i32
    %dma_wait3A_1814 = tpu.memref_slice %arg13[%dma_wait3A_1813] : memref<1015808xf32, #tpu.memory_space<hbm>> -> memref<1015808xf32, #tpu.memory_space<hbm>>
    tpu.wait_indirect_dma semaphore(%arg29 : memref<!tpu.dma_semaphore, #tpu.memory_space<semaphore_mem>>) src(%dma_wait3A_1814 : memref<1015808xf32, #tpu.memory_space<hbm>>) dst(%dma_wait3A_1809 : memref<128xf32, #tpu.memory_space<vmem>>)
    %dma_wait3A_1815 = arith.constant 3 : i32
    %dma_wait3A_1816 = arith.constant 4992 : i32
    %dma_wait3A_1817 = tpu.memref_slice %arg28[%dma_wait3A_1816] : memref<9216xf32, #tpu.memory_space<vmem>> -> memref<128xf32, #tpu.memory_space<vmem>>
    %dma_wait3A_1818 = arith.constant 0 : i32
    %dma_wait3A_1819 = tpu.memref_slice %arg27[%dma_wait3A_1815, %dma_wait3A_1818] : memref<4x128xi32, #tpu.memory_space<vmem>> -> memref<1x128xi32, #tpu.memory_space<vmem>>
    %dma_wait3A_1820 = tpu.memref_squeeze %dma_wait3A_1819 : memref<1x128xi32, #tpu.memory_space<vmem>> -> memref<128xi32, #tpu.memory_space<vmem>>
    %dma_wait3A_1821 = arith.constant 0 : i32
    %dma_wait3A_1822 = tpu.memref_slice %arg14[%dma_wait3A_1821] : memref<1015808xf32, #tpu.memory_space<hbm>> -> memref<1015808xf32, #tpu.memory_space<hbm>>
    tpu.wait_indirect_dma semaphore(%arg29 : memref<!tpu.dma_semaphore, #tpu.memory_space<semaphore_mem>>) src(%dma_wait3A_1822 : memref<1015808xf32, #tpu.memory_space<hbm>>) dst(%dma_wait3A_1817 : memref<128xf32, #tpu.memory_space<vmem>>)
    %dma_wait3A_1823 = arith.constant 3 : i32
    %dma_wait3A_1824 = arith.constant 5504 : i32
    %dma_wait3A_1825 = tpu.memref_slice %arg28[%dma_wait3A_1824] : memref<9216xf32, #tpu.memory_space<vmem>> -> memref<128xf32, #tpu.memory_space<vmem>>
    %dma_wait3A_1826 = arith.constant 0 : i32
    %dma_wait3A_1827 = tpu.memref_slice %arg27[%dma_wait3A_1823, %dma_wait3A_1826] : memref<4x128xi32, #tpu.memory_space<vmem>> -> memref<1x128xi32, #tpu.memory_space<vmem>>
    %dma_wait3A_1828 = tpu.memref_squeeze %dma_wait3A_1827 : memref<1x128xi32, #tpu.memory_space<vmem>> -> memref<128xi32, #tpu.memory_space<vmem>>
    %dma_wait3A_1829 = arith.constant 0 : i32
    %dma_wait3A_1830 = tpu.memref_slice %arg15[%dma_wait3A_1829] : memref<1015808xf32, #tpu.memory_space<hbm>> -> memref<1015808xf32, #tpu.memory_space<hbm>>
    tpu.wait_indirect_dma semaphore(%arg29 : memref<!tpu.dma_semaphore, #tpu.memory_space<semaphore_mem>>) src(%dma_wait3A_1830 : memref<1015808xf32, #tpu.memory_space<hbm>>) dst(%dma_wait3A_1825 : memref<128xf32, #tpu.memory_space<vmem>>)
    %dma_wait3A_1831 = arith.constant 3 : i32
    %dma_wait3A_1832 = arith.constant 6016 : i32
    %dma_wait3A_1833 = tpu.memref_slice %arg28[%dma_wait3A_1832] : memref<9216xf32, #tpu.memory_space<vmem>> -> memref<128xf32, #tpu.memory_space<vmem>>
    %dma_wait3A_1834 = arith.constant 0 : i32
    %dma_wait3A_1835 = tpu.memref_slice %arg27[%dma_wait3A_1831, %dma_wait3A_1834] : memref<4x128xi32, #tpu.memory_space<vmem>> -> memref<1x128xi32, #tpu.memory_space<vmem>>
    %dma_wait3A_1836 = tpu.memref_squeeze %dma_wait3A_1835 : memref<1x128xi32, #tpu.memory_space<vmem>> -> memref<128xi32, #tpu.memory_space<vmem>>
    %dma_wait3A_1837 = arith.constant 0 : i32
    %dma_wait3A_1838 = tpu.memref_slice %arg16[%dma_wait3A_1837] : memref<1015808xf32, #tpu.memory_space<hbm>> -> memref<1015808xf32, #tpu.memory_space<hbm>>
    tpu.wait_indirect_dma semaphore(%arg29 : memref<!tpu.dma_semaphore, #tpu.memory_space<semaphore_mem>>) src(%dma_wait3A_1838 : memref<1015808xf32, #tpu.memory_space<hbm>>) dst(%dma_wait3A_1833 : memref<128xf32, #tpu.memory_space<vmem>>)
    %dma_wait3A_1839 = arith.constant 3 : i32
    %dma_wait3A_1840 = arith.constant 6528 : i32
    %dma_wait3A_1841 = tpu.memref_slice %arg28[%dma_wait3A_1840] : memref<9216xf32, #tpu.memory_space<vmem>> -> memref<128xf32, #tpu.memory_space<vmem>>
    %dma_wait3A_1842 = arith.constant 0 : i32
    %dma_wait3A_1843 = tpu.memref_slice %arg27[%dma_wait3A_1839, %dma_wait3A_1842] : memref<4x128xi32, #tpu.memory_space<vmem>> -> memref<1x128xi32, #tpu.memory_space<vmem>>
    %dma_wait3A_1844 = tpu.memref_squeeze %dma_wait3A_1843 : memref<1x128xi32, #tpu.memory_space<vmem>> -> memref<128xi32, #tpu.memory_space<vmem>>
    %dma_wait3A_1845 = arith.constant 0 : i32
    %dma_wait3A_1846 = tpu.memref_slice %arg17[%dma_wait3A_1845] : memref<1015808xf32, #tpu.memory_space<hbm>> -> memref<1015808xf32, #tpu.memory_space<hbm>>
    tpu.wait_indirect_dma semaphore(%arg29 : memref<!tpu.dma_semaphore, #tpu.memory_space<semaphore_mem>>) src(%dma_wait3A_1846 : memref<1015808xf32, #tpu.memory_space<hbm>>) dst(%dma_wait3A_1841 : memref<128xf32, #tpu.memory_space<vmem>>)
    %dma_wait3A_1847 = arith.constant 3 : i32
    %dma_wait3A_1848 = arith.constant 7040 : i32
    %dma_wait3A_1849 = tpu.memref_slice %arg28[%dma_wait3A_1848] : memref<9216xf32, #tpu.memory_space<vmem>> -> memref<128xf32, #tpu.memory_space<vmem>>
    %dma_wait3A_1850 = arith.constant 0 : i32
    %dma_wait3A_1851 = tpu.memref_slice %arg27[%dma_wait3A_1847, %dma_wait3A_1850] : memref<4x128xi32, #tpu.memory_space<vmem>> -> memref<1x128xi32, #tpu.memory_space<vmem>>
    %dma_wait3A_1852 = tpu.memref_squeeze %dma_wait3A_1851 : memref<1x128xi32, #tpu.memory_space<vmem>> -> memref<128xi32, #tpu.memory_space<vmem>>
    %dma_wait3A_1853 = arith.constant 0 : i32
    %dma_wait3A_1854 = tpu.memref_slice %arg18[%dma_wait3A_1853] : memref<1015808xf32, #tpu.memory_space<hbm>> -> memref<1015808xf32, #tpu.memory_space<hbm>>
    tpu.wait_indirect_dma semaphore(%arg29 : memref<!tpu.dma_semaphore, #tpu.memory_space<semaphore_mem>>) src(%dma_wait3A_1854 : memref<1015808xf32, #tpu.memory_space<hbm>>) dst(%dma_wait3A_1849 : memref<128xf32, #tpu.memory_space<vmem>>)
    %dma_wait3A_1855 = arith.constant 3 : i32
    %dma_wait3A_1856 = arith.constant 7552 : i32
    %dma_wait3A_1857 = tpu.memref_slice %arg28[%dma_wait3A_1856] : memref<9216xf32, #tpu.memory_space<vmem>> -> memref<128xf32, #tpu.memory_space<vmem>>
    %dma_wait3A_1858 = arith.constant 0 : i32
    %dma_wait3A_1859 = tpu.memref_slice %arg27[%dma_wait3A_1855, %dma_wait3A_1858] : memref<4x128xi32, #tpu.memory_space<vmem>> -> memref<1x128xi32, #tpu.memory_space<vmem>>
    %dma_wait3A_1860 = tpu.memref_squeeze %dma_wait3A_1859 : memref<1x128xi32, #tpu.memory_space<vmem>> -> memref<128xi32, #tpu.memory_space<vmem>>
    %dma_wait3A_1861 = arith.constant 0 : i32
    %dma_wait3A_1862 = tpu.memref_slice %arg19[%dma_wait3A_1861] : memref<1015808xf32, #tpu.memory_space<hbm>> -> memref<1015808xf32, #tpu.memory_space<hbm>>
    tpu.wait_indirect_dma semaphore(%arg29 : memref<!tpu.dma_semaphore, #tpu.memory_space<semaphore_mem>>) src(%dma_wait3A_1862 : memref<1015808xf32, #tpu.memory_space<hbm>>) dst(%dma_wait3A_1857 : memref<128xf32, #tpu.memory_space<vmem>>)
    %dma_wait3A_1863 = arith.constant 3 : i32
    %dma_wait3A_1864 = arith.constant 8064 : i32
    %dma_wait3A_1865 = tpu.memref_slice %arg28[%dma_wait3A_1864] : memref<9216xf32, #tpu.memory_space<vmem>> -> memref<128xf32, #tpu.memory_space<vmem>>
    %dma_wait3A_1866 = arith.constant 0 : i32
    %dma_wait3A_1867 = tpu.memref_slice %arg27[%dma_wait3A_1863, %dma_wait3A_1866] : memref<4x128xi32, #tpu.memory_space<vmem>> -> memref<1x128xi32, #tpu.memory_space<vmem>>
    %dma_wait3A_1868 = tpu.memref_squeeze %dma_wait3A_1867 : memref<1x128xi32, #tpu.memory_space<vmem>> -> memref<128xi32, #tpu.memory_space<vmem>>
    %dma_wait3A_1869 = arith.constant 0 : i32
    %dma_wait3A_1870 = tpu.memref_slice %arg20[%dma_wait3A_1869] : memref<1015808xf32, #tpu.memory_space<hbm>> -> memref<1015808xf32, #tpu.memory_space<hbm>>
    tpu.wait_indirect_dma semaphore(%arg29 : memref<!tpu.dma_semaphore, #tpu.memory_space<semaphore_mem>>) src(%dma_wait3A_1870 : memref<1015808xf32, #tpu.memory_space<hbm>>) dst(%dma_wait3A_1865 : memref<128xf32, #tpu.memory_space<vmem>>)
    %dma_wait3A_1871 = arith.constant 3 : i32
    %dma_wait3A_1872 = arith.constant 8576 : i32
    %dma_wait3A_1873 = tpu.memref_slice %arg28[%dma_wait3A_1872] : memref<9216xf32, #tpu.memory_space<vmem>> -> memref<128xf32, #tpu.memory_space<vmem>>
    %dma_wait3A_1874 = arith.constant 0 : i32
    %dma_wait3A_1875 = tpu.memref_slice %arg27[%dma_wait3A_1871, %dma_wait3A_1874] : memref<4x128xi32, #tpu.memory_space<vmem>> -> memref<1x128xi32, #tpu.memory_space<vmem>>
    %dma_wait3A_1876 = tpu.memref_squeeze %dma_wait3A_1875 : memref<1x128xi32, #tpu.memory_space<vmem>> -> memref<128xi32, #tpu.memory_space<vmem>>
    %dma_wait3A_1877 = arith.constant 0 : i32
    %dma_wait3A_1878 = tpu.memref_slice %arg21[%dma_wait3A_1877] : memref<1015808xf32, #tpu.memory_space<hbm>> -> memref<1015808xf32, #tpu.memory_space<hbm>>
    tpu.wait_indirect_dma semaphore(%arg29 : memref<!tpu.dma_semaphore, #tpu.memory_space<semaphore_mem>>) src(%dma_wait3A_1878 : memref<1015808xf32, #tpu.memory_space<hbm>>) dst(%dma_wait3A_1873 : memref<128xf32, #tpu.memory_space<vmem>>)
    %dma_wait3A_1879 = arith.constant 3 : i32
    %dma_wait3A_1880 = arith.constant 9088 : i32
    %dma_wait3A_1881 = tpu.memref_slice %arg28[%dma_wait3A_1880] : memref<9216xf32, #tpu.memory_space<vmem>> -> memref<128xf32, #tpu.memory_space<vmem>>
    %dma_wait3A_1882 = arith.constant 0 : i32
    %dma_wait3A_1883 = tpu.memref_slice %arg27[%dma_wait3A_1879, %dma_wait3A_1882] : memref<4x128xi32, #tpu.memory_space<vmem>> -> memref<1x128xi32, #tpu.memory_space<vmem>>
    %dma_wait3A_1884 = tpu.memref_squeeze %dma_wait3A_1883 : memref<1x128xi32, #tpu.memory_space<vmem>> -> memref<128xi32, #tpu.memory_space<vmem>>
    %dma_wait3A_1885 = arith.constant 0 : i32
    %dma_wait3A_1886 = tpu.memref_slice %arg22[%dma_wait3A_1885] : memref<1015808xf32, #tpu.memory_space<hbm>> -> memref<1015808xf32, #tpu.memory_space<hbm>>
    tpu.wait_indirect_dma semaphore(%arg29 : memref<!tpu.dma_semaphore, #tpu.memory_space<semaphore_mem>>) src(%dma_wait3A_1886 : memref<1015808xf32, #tpu.memory_space<hbm>>) dst(%dma_wait3A_1881 : memref<128xf32, #tpu.memory_space<vmem>>)
    %add3A_1887 = arith.constant 0 : i32
    %add3A_1888 = arith.addi %add3A_1887, %mul3A_2 : i32
    "tpu.region"() ({
      %run_scoped3A = tpu.sem_alloc : memref<!tpu.dma_semaphore, #tpu.memory_space<semaphore_mem>>
      %dma_start3A_1923 = arith.constant 0 : i32
      %dma_start3A_1924 = tpu.memref_slice %arg28[%dma_start3A_1923] : memref<9216xf32, #tpu.memory_space<vmem>> -> memref<512xf32, #tpu.memory_space<vmem>>
      %dma_start3A_1925 = tpu.memref_slice %arg23[%add3A_1888] : memref<294912xf32, #tpu.memory_space<hbm>> -> memref<512xf32, #tpu.memory_space<hbm>>
      %dma_start3A_1926 = tpu.memref_slice %arg23[%add3A_1888] : memref<294912xf32, #tpu.memory_space<hbm>> -> memref<512xf32, #tpu.memory_space<hbm>>
      %dma_start3A_1927 = arith.constant 0 : i32
      %dma_start3A_1928 = tpu.memref_slice %arg28[%dma_start3A_1927] : memref<9216xf32, #tpu.memory_space<vmem>> -> memref<512xf32, #tpu.memory_space<vmem>>
      tpu.enqueue_dma source(%dma_start3A_1928 : memref<512xf32, #tpu.memory_space<vmem>>) target(%dma_start3A_1926 : memref<512xf32, #tpu.memory_space<hbm>>) target_semaphore(%run_scoped3A : memref<!tpu.dma_semaphore, #tpu.memory_space<semaphore_mem>>)
      %dma_wait3A_1929 = arith.constant 0 : i32
      %dma_wait3A_1930 = tpu.memref_slice %arg28[%dma_wait3A_1929] : memref<9216xf32, #tpu.memory_space<vmem>> -> memref<512xf32, #tpu.memory_space<vmem>>
      %dma_wait3A_1931 = tpu.memref_slice %arg23[%add3A_1888] : memref<294912xf32, #tpu.memory_space<hbm>> -> memref<512xf32, #tpu.memory_space<hbm>>
      %dma_wait3A_1932 = tpu.memref_slice %arg23[%add3A_1888] : memref<294912xf32, #tpu.memory_space<hbm>> -> memref<512xf32, #tpu.memory_space<hbm>>
      %dma_wait3A_1933 = arith.constant 0 : i32
      %dma_wait3A_1934 = tpu.memref_slice %arg28[%dma_wait3A_1933] : memref<9216xf32, #tpu.memory_space<vmem>> -> memref<512xf32, #tpu.memory_space<vmem>>
      tpu.wait_dma2 semaphore(%run_scoped3A : memref<!tpu.dma_semaphore, #tpu.memory_space<semaphore_mem>>) src(%dma_wait3A_1934 : memref<512xf32, #tpu.memory_space<vmem>>) dst(%dma_wait3A_1932 : memref<512xf32, #tpu.memory_space<hbm>>)
      tpu.yield
    }) : () -> ()
    %add3A_1889 = arith.constant 16384 : i32
    %add3A_1890 = arith.addi %add3A_1889, %mul3A_2 : i32
    "tpu.region"() ({
      %run_scoped3A = tpu.sem_alloc : memref<!tpu.dma_semaphore, #tpu.memory_space<semaphore_mem>>
      %dma_start3A_1923 = arith.constant 512 : i32
      %dma_start3A_1924 = tpu.memref_slice %arg28[%dma_start3A_1923] : memref<9216xf32, #tpu.memory_space<vmem>> -> memref<512xf32, #tpu.memory_space<vmem>>
      %dma_start3A_1925 = tpu.memref_slice %arg23[%add3A_1890] : memref<294912xf32, #tpu.memory_space<hbm>> -> memref<512xf32, #tpu.memory_space<hbm>>
      %dma_start3A_1926 = tpu.memref_slice %arg23[%add3A_1890] : memref<294912xf32, #tpu.memory_space<hbm>> -> memref<512xf32, #tpu.memory_space<hbm>>
      %dma_start3A_1927 = arith.constant 512 : i32
      %dma_start3A_1928 = tpu.memref_slice %arg28[%dma_start3A_1927] : memref<9216xf32, #tpu.memory_space<vmem>> -> memref<512xf32, #tpu.memory_space<vmem>>
      tpu.enqueue_dma source(%dma_start3A_1928 : memref<512xf32, #tpu.memory_space<vmem>>) target(%dma_start3A_1926 : memref<512xf32, #tpu.memory_space<hbm>>) target_semaphore(%run_scoped3A : memref<!tpu.dma_semaphore, #tpu.memory_space<semaphore_mem>>)
      %dma_wait3A_1929 = arith.constant 512 : i32
      %dma_wait3A_1930 = tpu.memref_slice %arg28[%dma_wait3A_1929] : memref<9216xf32, #tpu.memory_space<vmem>> -> memref<512xf32, #tpu.memory_space<vmem>>
      %dma_wait3A_1931 = tpu.memref_slice %arg23[%add3A_1890] : memref<294912xf32, #tpu.memory_space<hbm>> -> memref<512xf32, #tpu.memory_space<hbm>>
      %dma_wait3A_1932 = tpu.memref_slice %arg23[%add3A_1890] : memref<294912xf32, #tpu.memory_space<hbm>> -> memref<512xf32, #tpu.memory_space<hbm>>
      %dma_wait3A_1933 = arith.constant 512 : i32
      %dma_wait3A_1934 = tpu.memref_slice %arg28[%dma_wait3A_1933] : memref<9216xf32, #tpu.memory_space<vmem>> -> memref<512xf32, #tpu.memory_space<vmem>>
      tpu.wait_dma2 semaphore(%run_scoped3A : memref<!tpu.dma_semaphore, #tpu.memory_space<semaphore_mem>>) src(%dma_wait3A_1934 : memref<512xf32, #tpu.memory_space<vmem>>) dst(%dma_wait3A_1932 : memref<512xf32, #tpu.memory_space<hbm>>)
      tpu.yield
    }) : () -> ()
    %add3A_1891 = arith.constant 32768 : i32
    %add3A_1892 = arith.addi %add3A_1891, %mul3A_2 : i32
    "tpu.region"() ({
      %run_scoped3A = tpu.sem_alloc : memref<!tpu.dma_semaphore, #tpu.memory_space<semaphore_mem>>
      %dma_start3A_1923 = arith.constant 1024 : i32
      %dma_start3A_1924 = tpu.memref_slice %arg28[%dma_start3A_1923] : memref<9216xf32, #tpu.memory_space<vmem>> -> memref<512xf32, #tpu.memory_space<vmem>>
      %dma_start3A_1925 = tpu.memref_slice %arg23[%add3A_1892] : memref<294912xf32, #tpu.memory_space<hbm>> -> memref<512xf32, #tpu.memory_space<hbm>>
      %dma_start3A_1926 = tpu.memref_slice %arg23[%add3A_1892] : memref<294912xf32, #tpu.memory_space<hbm>> -> memref<512xf32, #tpu.memory_space<hbm>>
      %dma_start3A_1927 = arith.constant 1024 : i32
      %dma_start3A_1928 = tpu.memref_slice %arg28[%dma_start3A_1927] : memref<9216xf32, #tpu.memory_space<vmem>> -> memref<512xf32, #tpu.memory_space<vmem>>
      tpu.enqueue_dma source(%dma_start3A_1928 : memref<512xf32, #tpu.memory_space<vmem>>) target(%dma_start3A_1926 : memref<512xf32, #tpu.memory_space<hbm>>) target_semaphore(%run_scoped3A : memref<!tpu.dma_semaphore, #tpu.memory_space<semaphore_mem>>)
      %dma_wait3A_1929 = arith.constant 1024 : i32
      %dma_wait3A_1930 = tpu.memref_slice %arg28[%dma_wait3A_1929] : memref<9216xf32, #tpu.memory_space<vmem>> -> memref<512xf32, #tpu.memory_space<vmem>>
      %dma_wait3A_1931 = tpu.memref_slice %arg23[%add3A_1892] : memref<294912xf32, #tpu.memory_space<hbm>> -> memref<512xf32, #tpu.memory_space<hbm>>
      %dma_wait3A_1932 = tpu.memref_slice %arg23[%add3A_1892] : memref<294912xf32, #tpu.memory_space<hbm>> -> memref<512xf32, #tpu.memory_space<hbm>>
      %dma_wait3A_1933 = arith.constant 1024 : i32
      %dma_wait3A_1934 = tpu.memref_slice %arg28[%dma_wait3A_1933] : memref<9216xf32, #tpu.memory_space<vmem>> -> memref<512xf32, #tpu.memory_space<vmem>>
      tpu.wait_dma2 semaphore(%run_scoped3A : memref<!tpu.dma_semaphore, #tpu.memory_space<semaphore_mem>>) src(%dma_wait3A_1934 : memref<512xf32, #tpu.memory_space<vmem>>) dst(%dma_wait3A_1932 : memref<512xf32, #tpu.memory_space<hbm>>)
      tpu.yield
    }) : () -> ()
    %add3A_1893 = arith.constant 49152 : i32
    %add3A_1894 = arith.addi %add3A_1893, %mul3A_2 : i32
    "tpu.region"() ({
      %run_scoped3A = tpu.sem_alloc : memref<!tpu.dma_semaphore, #tpu.memory_space<semaphore_mem>>
      %dma_start3A_1923 = arith.constant 1536 : i32
      %dma_start3A_1924 = tpu.memref_slice %arg28[%dma_start3A_1923] : memref<9216xf32, #tpu.memory_space<vmem>> -> memref<512xf32, #tpu.memory_space<vmem>>
      %dma_start3A_1925 = tpu.memref_slice %arg23[%add3A_1894] : memref<294912xf32, #tpu.memory_space<hbm>> -> memref<512xf32, #tpu.memory_space<hbm>>
      %dma_start3A_1926 = tpu.memref_slice %arg23[%add3A_1894] : memref<294912xf32, #tpu.memory_space<hbm>> -> memref<512xf32, #tpu.memory_space<hbm>>
      %dma_start3A_1927 = arith.constant 1536 : i32
      %dma_start3A_1928 = tpu.memref_slice %arg28[%dma_start3A_1927] : memref<9216xf32, #tpu.memory_space<vmem>> -> memref<512xf32, #tpu.memory_space<vmem>>
      tpu.enqueue_dma source(%dma_start3A_1928 : memref<512xf32, #tpu.memory_space<vmem>>) target(%dma_start3A_1926 : memref<512xf32, #tpu.memory_space<hbm>>) target_semaphore(%run_scoped3A : memref<!tpu.dma_semaphore, #tpu.memory_space<semaphore_mem>>)
      %dma_wait3A_1929 = arith.constant 1536 : i32
      %dma_wait3A_1930 = tpu.memref_slice %arg28[%dma_wait3A_1929] : memref<9216xf32, #tpu.memory_space<vmem>> -> memref<512xf32, #tpu.memory_space<vmem>>
      %dma_wait3A_1931 = tpu.memref_slice %arg23[%add3A_1894] : memref<294912xf32, #tpu.memory_space<hbm>> -> memref<512xf32, #tpu.memory_space<hbm>>
      %dma_wait3A_1932 = tpu.memref_slice %arg23[%add3A_1894] : memref<294912xf32, #tpu.memory_space<hbm>> -> memref<512xf32, #tpu.memory_space<hbm>>
      %dma_wait3A_1933 = arith.constant 1536 : i32
      %dma_wait3A_1934 = tpu.memref_slice %arg28[%dma_wait3A_1933] : memref<9216xf32, #tpu.memory_space<vmem>> -> memref<512xf32, #tpu.memory_space<vmem>>
      tpu.wait_dma2 semaphore(%run_scoped3A : memref<!tpu.dma_semaphore, #tpu.memory_space<semaphore_mem>>) src(%dma_wait3A_1934 : memref<512xf32, #tpu.memory_space<vmem>>) dst(%dma_wait3A_1932 : memref<512xf32, #tpu.memory_space<hbm>>)
      tpu.yield
    }) : () -> ()
    %add3A_1895 = arith.constant 65536 : i32
    %add3A_1896 = arith.addi %add3A_1895, %mul3A_2 : i32
    "tpu.region"() ({
      %run_scoped3A = tpu.sem_alloc : memref<!tpu.dma_semaphore, #tpu.memory_space<semaphore_mem>>
      %dma_start3A_1923 = arith.constant 2048 : i32
      %dma_start3A_1924 = tpu.memref_slice %arg28[%dma_start3A_1923] : memref<9216xf32, #tpu.memory_space<vmem>> -> memref<512xf32, #tpu.memory_space<vmem>>
      %dma_start3A_1925 = tpu.memref_slice %arg23[%add3A_1896] : memref<294912xf32, #tpu.memory_space<hbm>> -> memref<512xf32, #tpu.memory_space<hbm>>
      %dma_start3A_1926 = tpu.memref_slice %arg23[%add3A_1896] : memref<294912xf32, #tpu.memory_space<hbm>> -> memref<512xf32, #tpu.memory_space<hbm>>
      %dma_start3A_1927 = arith.constant 2048 : i32
      %dma_start3A_1928 = tpu.memref_slice %arg28[%dma_start3A_1927] : memref<9216xf32, #tpu.memory_space<vmem>> -> memref<512xf32, #tpu.memory_space<vmem>>
      tpu.enqueue_dma source(%dma_start3A_1928 : memref<512xf32, #tpu.memory_space<vmem>>) target(%dma_start3A_1926 : memref<512xf32, #tpu.memory_space<hbm>>) target_semaphore(%run_scoped3A : memref<!tpu.dma_semaphore, #tpu.memory_space<semaphore_mem>>)
      %dma_wait3A_1929 = arith.constant 2048 : i32
      %dma_wait3A_1930 = tpu.memref_slice %arg28[%dma_wait3A_1929] : memref<9216xf32, #tpu.memory_space<vmem>> -> memref<512xf32, #tpu.memory_space<vmem>>
      %dma_wait3A_1931 = tpu.memref_slice %arg23[%add3A_1896] : memref<294912xf32, #tpu.memory_space<hbm>> -> memref<512xf32, #tpu.memory_space<hbm>>
      %dma_wait3A_1932 = tpu.memref_slice %arg23[%add3A_1896] : memref<294912xf32, #tpu.memory_space<hbm>> -> memref<512xf32, #tpu.memory_space<hbm>>
      %dma_wait3A_1933 = arith.constant 2048 : i32
      %dma_wait3A_1934 = tpu.memref_slice %arg28[%dma_wait3A_1933] : memref<9216xf32, #tpu.memory_space<vmem>> -> memref<512xf32, #tpu.memory_space<vmem>>
      tpu.wait_dma2 semaphore(%run_scoped3A : memref<!tpu.dma_semaphore, #tpu.memory_space<semaphore_mem>>) src(%dma_wait3A_1934 : memref<512xf32, #tpu.memory_space<vmem>>) dst(%dma_wait3A_1932 : memref<512xf32, #tpu.memory_space<hbm>>)
      tpu.yield
    }) : () -> ()
    %add3A_1897 = arith.constant 81920 : i32
    %add3A_1898 = arith.addi %add3A_1897, %mul3A_2 : i32
    "tpu.region"() ({
      %run_scoped3A = tpu.sem_alloc : memref<!tpu.dma_semaphore, #tpu.memory_space<semaphore_mem>>
      %dma_start3A_1923 = arith.constant 2560 : i32
      %dma_start3A_1924 = tpu.memref_slice %arg28[%dma_start3A_1923] : memref<9216xf32, #tpu.memory_space<vmem>> -> memref<512xf32, #tpu.memory_space<vmem>>
      %dma_start3A_1925 = tpu.memref_slice %arg23[%add3A_1898] : memref<294912xf32, #tpu.memory_space<hbm>> -> memref<512xf32, #tpu.memory_space<hbm>>
      %dma_start3A_1926 = tpu.memref_slice %arg23[%add3A_1898] : memref<294912xf32, #tpu.memory_space<hbm>> -> memref<512xf32, #tpu.memory_space<hbm>>
      %dma_start3A_1927 = arith.constant 2560 : i32
      %dma_start3A_1928 = tpu.memref_slice %arg28[%dma_start3A_1927] : memref<9216xf32, #tpu.memory_space<vmem>> -> memref<512xf32, #tpu.memory_space<vmem>>
      tpu.enqueue_dma source(%dma_start3A_1928 : memref<512xf32, #tpu.memory_space<vmem>>) target(%dma_start3A_1926 : memref<512xf32, #tpu.memory_space<hbm>>) target_semaphore(%run_scoped3A : memref<!tpu.dma_semaphore, #tpu.memory_space<semaphore_mem>>)
      %dma_wait3A_1929 = arith.constant 2560 : i32
      %dma_wait3A_1930 = tpu.memref_slice %arg28[%dma_wait3A_1929] : memref<9216xf32, #tpu.memory_space<vmem>> -> memref<512xf32, #tpu.memory_space<vmem>>
      %dma_wait3A_1931 = tpu.memref_slice %arg23[%add3A_1898] : memref<294912xf32, #tpu.memory_space<hbm>> -> memref<512xf32, #tpu.memory_space<hbm>>
      %dma_wait3A_1932 = tpu.memref_slice %arg23[%add3A_1898] : memref<294912xf32, #tpu.memory_space<hbm>> -> memref<512xf32, #tpu.memory_space<hbm>>
      %dma_wait3A_1933 = arith.constant 2560 : i32
      %dma_wait3A_1934 = tpu.memref_slice %arg28[%dma_wait3A_1933] : memref<9216xf32, #tpu.memory_space<vmem>> -> memref<512xf32, #tpu.memory_space<vmem>>
      tpu.wait_dma2 semaphore(%run_scoped3A : memref<!tpu.dma_semaphore, #tpu.memory_space<semaphore_mem>>) src(%dma_wait3A_1934 : memref<512xf32, #tpu.memory_space<vmem>>) dst(%dma_wait3A_1932 : memref<512xf32, #tpu.memory_space<hbm>>)
      tpu.yield
    }) : () -> ()
    %add3A_1899 = arith.constant 98304 : i32
    %add3A_1900 = arith.addi %add3A_1899, %mul3A_2 : i32
    "tpu.region"() ({
      %run_scoped3A = tpu.sem_alloc : memref<!tpu.dma_semaphore, #tpu.memory_space<semaphore_mem>>
      %dma_start3A_1923 = arith.constant 3072 : i32
      %dma_start3A_1924 = tpu.memref_slice %arg28[%dma_start3A_1923] : memref<9216xf32, #tpu.memory_space<vmem>> -> memref<512xf32, #tpu.memory_space<vmem>>
      %dma_start3A_1925 = tpu.memref_slice %arg23[%add3A_1900] : memref<294912xf32, #tpu.memory_space<hbm>> -> memref<512xf32, #tpu.memory_space<hbm>>
      %dma_start3A_1926 = tpu.memref_slice %arg23[%add3A_1900] : memref<294912xf32, #tpu.memory_space<hbm>> -> memref<512xf32, #tpu.memory_space<hbm>>
      %dma_start3A_1927 = arith.constant 3072 : i32
      %dma_start3A_1928 = tpu.memref_slice %arg28[%dma_start3A_1927] : memref<9216xf32, #tpu.memory_space<vmem>> -> memref<512xf32, #tpu.memory_space<vmem>>
      tpu.enqueue_dma source(%dma_start3A_1928 : memref<512xf32, #tpu.memory_space<vmem>>) target(%dma_start3A_1926 : memref<512xf32, #tpu.memory_space<hbm>>) target_semaphore(%run_scoped3A : memref<!tpu.dma_semaphore, #tpu.memory_space<semaphore_mem>>)
      %dma_wait3A_1929 = arith.constant 3072 : i32
      %dma_wait3A_1930 = tpu.memref_slice %arg28[%dma_wait3A_1929] : memref<9216xf32, #tpu.memory_space<vmem>> -> memref<512xf32, #tpu.memory_space<vmem>>
      %dma_wait3A_1931 = tpu.memref_slice %arg23[%add3A_1900] : memref<294912xf32, #tpu.memory_space<hbm>> -> memref<512xf32, #tpu.memory_space<hbm>>
      %dma_wait3A_1932 = tpu.memref_slice %arg23[%add3A_1900] : memref<294912xf32, #tpu.memory_space<hbm>> -> memref<512xf32, #tpu.memory_space<hbm>>
      %dma_wait3A_1933 = arith.constant 3072 : i32
      %dma_wait3A_1934 = tpu.memref_slice %arg28[%dma_wait3A_1933] : memref<9216xf32, #tpu.memory_space<vmem>> -> memref<512xf32, #tpu.memory_space<vmem>>
      tpu.wait_dma2 semaphore(%run_scoped3A : memref<!tpu.dma_semaphore, #tpu.memory_space<semaphore_mem>>) src(%dma_wait3A_1934 : memref<512xf32, #tpu.memory_space<vmem>>) dst(%dma_wait3A_1932 : memref<512xf32, #tpu.memory_space<hbm>>)
      tpu.yield
    }) : () -> ()
    %add3A_1901 = arith.constant 114688 : i32
    %add3A_1902 = arith.addi %add3A_1901, %mul3A_2 : i32
    "tpu.region"() ({
      %run_scoped3A = tpu.sem_alloc : memref<!tpu.dma_semaphore, #tpu.memory_space<semaphore_mem>>
      %dma_start3A_1923 = arith.constant 3584 : i32
      %dma_start3A_1924 = tpu.memref_slice %arg28[%dma_start3A_1923] : memref<9216xf32, #tpu.memory_space<vmem>> -> memref<512xf32, #tpu.memory_space<vmem>>
      %dma_start3A_1925 = tpu.memref_slice %arg23[%add3A_1902] : memref<294912xf32, #tpu.memory_space<hbm>> -> memref<512xf32, #tpu.memory_space<hbm>>
      %dma_start3A_1926 = tpu.memref_slice %arg23[%add3A_1902] : memref<294912xf32, #tpu.memory_space<hbm>> -> memref<512xf32, #tpu.memory_space<hbm>>
      %dma_start3A_1927 = arith.constant 3584 : i32
      %dma_start3A_1928 = tpu.memref_slice %arg28[%dma_start3A_1927] : memref<9216xf32, #tpu.memory_space<vmem>> -> memref<512xf32, #tpu.memory_space<vmem>>
      tpu.enqueue_dma source(%dma_start3A_1928 : memref<512xf32, #tpu.memory_space<vmem>>) target(%dma_start3A_1926 : memref<512xf32, #tpu.memory_space<hbm>>) target_semaphore(%run_scoped3A : memref<!tpu.dma_semaphore, #tpu.memory_space<semaphore_mem>>)
      %dma_wait3A_1929 = arith.constant 3584 : i32
      %dma_wait3A_1930 = tpu.memref_slice %arg28[%dma_wait3A_1929] : memref<9216xf32, #tpu.memory_space<vmem>> -> memref<512xf32, #tpu.memory_space<vmem>>
      %dma_wait3A_1931 = tpu.memref_slice %arg23[%add3A_1902] : memref<294912xf32, #tpu.memory_space<hbm>> -> memref<512xf32, #tpu.memory_space<hbm>>
      %dma_wait3A_1932 = tpu.memref_slice %arg23[%add3A_1902] : memref<294912xf32, #tpu.memory_space<hbm>> -> memref<512xf32, #tpu.memory_space<hbm>>
      %dma_wait3A_1933 = arith.constant 3584 : i32
      %dma_wait3A_1934 = tpu.memref_slice %arg28[%dma_wait3A_1933] : memref<9216xf32, #tpu.memory_space<vmem>> -> memref<512xf32, #tpu.memory_space<vmem>>
      tpu.wait_dma2 semaphore(%run_scoped3A : memref<!tpu.dma_semaphore, #tpu.memory_space<semaphore_mem>>) src(%dma_wait3A_1934 : memref<512xf32, #tpu.memory_space<vmem>>) dst(%dma_wait3A_1932 : memref<512xf32, #tpu.memory_space<hbm>>)
      tpu.yield
    }) : () -> ()
    %add3A_1903 = arith.constant 131072 : i32
    %add3A_1904 = arith.addi %add3A_1903, %mul3A_2 : i32
    "tpu.region"() ({
      %run_scoped3A = tpu.sem_alloc : memref<!tpu.dma_semaphore, #tpu.memory_space<semaphore_mem>>
      %dma_start3A_1923 = arith.constant 4096 : i32
      %dma_start3A_1924 = tpu.memref_slice %arg28[%dma_start3A_1923] : memref<9216xf32, #tpu.memory_space<vmem>> -> memref<512xf32, #tpu.memory_space<vmem>>
      %dma_start3A_1925 = tpu.memref_slice %arg23[%add3A_1904] : memref<294912xf32, #tpu.memory_space<hbm>> -> memref<512xf32, #tpu.memory_space<hbm>>
      %dma_start3A_1926 = tpu.memref_slice %arg23[%add3A_1904] : memref<294912xf32, #tpu.memory_space<hbm>> -> memref<512xf32, #tpu.memory_space<hbm>>
      %dma_start3A_1927 = arith.constant 4096 : i32
      %dma_start3A_1928 = tpu.memref_slice %arg28[%dma_start3A_1927] : memref<9216xf32, #tpu.memory_space<vmem>> -> memref<512xf32, #tpu.memory_space<vmem>>
      tpu.enqueue_dma source(%dma_start3A_1928 : memref<512xf32, #tpu.memory_space<vmem>>) target(%dma_start3A_1926 : memref<512xf32, #tpu.memory_space<hbm>>) target_semaphore(%run_scoped3A : memref<!tpu.dma_semaphore, #tpu.memory_space<semaphore_mem>>)
      %dma_wait3A_1929 = arith.constant 4096 : i32
      %dma_wait3A_1930 = tpu.memref_slice %arg28[%dma_wait3A_1929] : memref<9216xf32, #tpu.memory_space<vmem>> -> memref<512xf32, #tpu.memory_space<vmem>>
      %dma_wait3A_1931 = tpu.memref_slice %arg23[%add3A_1904] : memref<294912xf32, #tpu.memory_space<hbm>> -> memref<512xf32, #tpu.memory_space<hbm>>
      %dma_wait3A_1932 = tpu.memref_slice %arg23[%add3A_1904] : memref<294912xf32, #tpu.memory_space<hbm>> -> memref<512xf32, #tpu.memory_space<hbm>>
      %dma_wait3A_1933 = arith.constant 4096 : i32
      %dma_wait3A_1934 = tpu.memref_slice %arg28[%dma_wait3A_1933] : memref<9216xf32, #tpu.memory_space<vmem>> -> memref<512xf32, #tpu.memory_space<vmem>>
      tpu.wait_dma2 semaphore(%run_scoped3A : memref<!tpu.dma_semaphore, #tpu.memory_space<semaphore_mem>>) src(%dma_wait3A_1934 : memref<512xf32, #tpu.memory_space<vmem>>) dst(%dma_wait3A_1932 : memref<512xf32, #tpu.memory_space<hbm>>)
      tpu.yield
    }) : () -> ()
    %add3A_1905 = arith.constant 147456 : i32
    %add3A_1906 = arith.addi %add3A_1905, %mul3A_2 : i32
    "tpu.region"() ({
      %run_scoped3A = tpu.sem_alloc : memref<!tpu.dma_semaphore, #tpu.memory_space<semaphore_mem>>
      %dma_start3A_1923 = arith.constant 4608 : i32
      %dma_start3A_1924 = tpu.memref_slice %arg28[%dma_start3A_1923] : memref<9216xf32, #tpu.memory_space<vmem>> -> memref<512xf32, #tpu.memory_space<vmem>>
      %dma_start3A_1925 = tpu.memref_slice %arg23[%add3A_1906] : memref<294912xf32, #tpu.memory_space<hbm>> -> memref<512xf32, #tpu.memory_space<hbm>>
      %dma_start3A_1926 = tpu.memref_slice %arg23[%add3A_1906] : memref<294912xf32, #tpu.memory_space<hbm>> -> memref<512xf32, #tpu.memory_space<hbm>>
      %dma_start3A_1927 = arith.constant 4608 : i32
      %dma_start3A_1928 = tpu.memref_slice %arg28[%dma_start3A_1927] : memref<9216xf32, #tpu.memory_space<vmem>> -> memref<512xf32, #tpu.memory_space<vmem>>
      tpu.enqueue_dma source(%dma_start3A_1928 : memref<512xf32, #tpu.memory_space<vmem>>) target(%dma_start3A_1926 : memref<512xf32, #tpu.memory_space<hbm>>) target_semaphore(%run_scoped3A : memref<!tpu.dma_semaphore, #tpu.memory_space<semaphore_mem>>)
      %dma_wait3A_1929 = arith.constant 4608 : i32
      %dma_wait3A_1930 = tpu.memref_slice %arg28[%dma_wait3A_1929] : memref<9216xf32, #tpu.memory_space<vmem>> -> memref<512xf32, #tpu.memory_space<vmem>>
      %dma_wait3A_1931 = tpu.memref_slice %arg23[%add3A_1906] : memref<294912xf32, #tpu.memory_space<hbm>> -> memref<512xf32, #tpu.memory_space<hbm>>
      %dma_wait3A_1932 = tpu.memref_slice %arg23[%add3A_1906] : memref<294912xf32, #tpu.memory_space<hbm>> -> memref<512xf32, #tpu.memory_space<hbm>>
      %dma_wait3A_1933 = arith.constant 4608 : i32
      %dma_wait3A_1934 = tpu.memref_slice %arg28[%dma_wait3A_1933] : memref<9216xf32, #tpu.memory_space<vmem>> -> memref<512xf32, #tpu.memory_space<vmem>>
      tpu.wait_dma2 semaphore(%run_scoped3A : memref<!tpu.dma_semaphore, #tpu.memory_space<semaphore_mem>>) src(%dma_wait3A_1934 : memref<512xf32, #tpu.memory_space<vmem>>) dst(%dma_wait3A_1932 : memref<512xf32, #tpu.memory_space<hbm>>)
      tpu.yield
    }) : () -> ()
    %add3A_1907 = arith.constant 163840 : i32
    %add3A_1908 = arith.addi %add3A_1907, %mul3A_2 : i32
    "tpu.region"() ({
      %run_scoped3A = tpu.sem_alloc : memref<!tpu.dma_semaphore, #tpu.memory_space<semaphore_mem>>
      %dma_start3A_1923 = arith.constant 5120 : i32
      %dma_start3A_1924 = tpu.memref_slice %arg28[%dma_start3A_1923] : memref<9216xf32, #tpu.memory_space<vmem>> -> memref<512xf32, #tpu.memory_space<vmem>>
      %dma_start3A_1925 = tpu.memref_slice %arg23[%add3A_1908] : memref<294912xf32, #tpu.memory_space<hbm>> -> memref<512xf32, #tpu.memory_space<hbm>>
      %dma_start3A_1926 = tpu.memref_slice %arg23[%add3A_1908] : memref<294912xf32, #tpu.memory_space<hbm>> -> memref<512xf32, #tpu.memory_space<hbm>>
      %dma_start3A_1927 = arith.constant 5120 : i32
      %dma_start3A_1928 = tpu.memref_slice %arg28[%dma_start3A_1927] : memref<9216xf32, #tpu.memory_space<vmem>> -> memref<512xf32, #tpu.memory_space<vmem>>
      tpu.enqueue_dma source(%dma_start3A_1928 : memref<512xf32, #tpu.memory_space<vmem>>) target(%dma_start3A_1926 : memref<512xf32, #tpu.memory_space<hbm>>) target_semaphore(%run_scoped3A : memref<!tpu.dma_semaphore, #tpu.memory_space<semaphore_mem>>)
      %dma_wait3A_1929 = arith.constant 5120 : i32
      %dma_wait3A_1930 = tpu.memref_slice %arg28[%dma_wait3A_1929] : memref<9216xf32, #tpu.memory_space<vmem>> -> memref<512xf32, #tpu.memory_space<vmem>>
      %dma_wait3A_1931 = tpu.memref_slice %arg23[%add3A_1908] : memref<294912xf32, #tpu.memory_space<hbm>> -> memref<512xf32, #tpu.memory_space<hbm>>
      %dma_wait3A_1932 = tpu.memref_slice %arg23[%add3A_1908] : memref<294912xf32, #tpu.memory_space<hbm>> -> memref<512xf32, #tpu.memory_space<hbm>>
      %dma_wait3A_1933 = arith.constant 5120 : i32
      %dma_wait3A_1934 = tpu.memref_slice %arg28[%dma_wait3A_1933] : memref<9216xf32, #tpu.memory_space<vmem>> -> memref<512xf32, #tpu.memory_space<vmem>>
      tpu.wait_dma2 semaphore(%run_scoped3A : memref<!tpu.dma_semaphore, #tpu.memory_space<semaphore_mem>>) src(%dma_wait3A_1934 : memref<512xf32, #tpu.memory_space<vmem>>) dst(%dma_wait3A_1932 : memref<512xf32, #tpu.memory_space<hbm>>)
      tpu.yield
    }) : () -> ()
    %add3A_1909 = arith.constant 180224 : i32
    %add3A_1910 = arith.addi %add3A_1909, %mul3A_2 : i32
    "tpu.region"() ({
      %run_scoped3A = tpu.sem_alloc : memref<!tpu.dma_semaphore, #tpu.memory_space<semaphore_mem>>
      %dma_start3A_1923 = arith.constant 5632 : i32
      %dma_start3A_1924 = tpu.memref_slice %arg28[%dma_start3A_1923] : memref<9216xf32, #tpu.memory_space<vmem>> -> memref<512xf32, #tpu.memory_space<vmem>>
      %dma_start3A_1925 = tpu.memref_slice %arg23[%add3A_1910] : memref<294912xf32, #tpu.memory_space<hbm>> -> memref<512xf32, #tpu.memory_space<hbm>>
      %dma_start3A_1926 = tpu.memref_slice %arg23[%add3A_1910] : memref<294912xf32, #tpu.memory_space<hbm>> -> memref<512xf32, #tpu.memory_space<hbm>>
      %dma_start3A_1927 = arith.constant 5632 : i32
      %dma_start3A_1928 = tpu.memref_slice %arg28[%dma_start3A_1927] : memref<9216xf32, #tpu.memory_space<vmem>> -> memref<512xf32, #tpu.memory_space<vmem>>
      tpu.enqueue_dma source(%dma_start3A_1928 : memref<512xf32, #tpu.memory_space<vmem>>) target(%dma_start3A_1926 : memref<512xf32, #tpu.memory_space<hbm>>) target_semaphore(%run_scoped3A : memref<!tpu.dma_semaphore, #tpu.memory_space<semaphore_mem>>)
      %dma_wait3A_1929 = arith.constant 5632 : i32
      %dma_wait3A_1930 = tpu.memref_slice %arg28[%dma_wait3A_1929] : memref<9216xf32, #tpu.memory_space<vmem>> -> memref<512xf32, #tpu.memory_space<vmem>>
      %dma_wait3A_1931 = tpu.memref_slice %arg23[%add3A_1910] : memref<294912xf32, #tpu.memory_space<hbm>> -> memref<512xf32, #tpu.memory_space<hbm>>
      %dma_wait3A_1932 = tpu.memref_slice %arg23[%add3A_1910] : memref<294912xf32, #tpu.memory_space<hbm>> -> memref<512xf32, #tpu.memory_space<hbm>>
      %dma_wait3A_1933 = arith.constant 5632 : i32
      %dma_wait3A_1934 = tpu.memref_slice %arg28[%dma_wait3A_1933] : memref<9216xf32, #tpu.memory_space<vmem>> -> memref<512xf32, #tpu.memory_space<vmem>>
      tpu.wait_dma2 semaphore(%run_scoped3A : memref<!tpu.dma_semaphore, #tpu.memory_space<semaphore_mem>>) src(%dma_wait3A_1934 : memref<512xf32, #tpu.memory_space<vmem>>) dst(%dma_wait3A_1932 : memref<512xf32, #tpu.memory_space<hbm>>)
      tpu.yield
    }) : () -> ()
    %add3A_1911 = arith.constant 196608 : i32
    %add3A_1912 = arith.addi %add3A_1911, %mul3A_2 : i32
    "tpu.region"() ({
      %run_scoped3A = tpu.sem_alloc : memref<!tpu.dma_semaphore, #tpu.memory_space<semaphore_mem>>
      %dma_start3A_1923 = arith.constant 6144 : i32
      %dma_start3A_1924 = tpu.memref_slice %arg28[%dma_start3A_1923] : memref<9216xf32, #tpu.memory_space<vmem>> -> memref<512xf32, #tpu.memory_space<vmem>>
      %dma_start3A_1925 = tpu.memref_slice %arg23[%add3A_1912] : memref<294912xf32, #tpu.memory_space<hbm>> -> memref<512xf32, #tpu.memory_space<hbm>>
      %dma_start3A_1926 = tpu.memref_slice %arg23[%add3A_1912] : memref<294912xf32, #tpu.memory_space<hbm>> -> memref<512xf32, #tpu.memory_space<hbm>>
      %dma_start3A_1927 = arith.constant 6144 : i32
      %dma_start3A_1928 = tpu.memref_slice %arg28[%dma_start3A_1927] : memref<9216xf32, #tpu.memory_space<vmem>> -> memref<512xf32, #tpu.memory_space<vmem>>
      tpu.enqueue_dma source(%dma_start3A_1928 : memref<512xf32, #tpu.memory_space<vmem>>) target(%dma_start3A_1926 : memref<512xf32, #tpu.memory_space<hbm>>) target_semaphore(%run_scoped3A : memref<!tpu.dma_semaphore, #tpu.memory_space<semaphore_mem>>)
      %dma_wait3A_1929 = arith.constant 6144 : i32
      %dma_wait3A_1930 = tpu.memref_slice %arg28[%dma_wait3A_1929] : memref<9216xf32, #tpu.memory_space<vmem>> -> memref<512xf32, #tpu.memory_space<vmem>>
      %dma_wait3A_1931 = tpu.memref_slice %arg23[%add3A_1912] : memref<294912xf32, #tpu.memory_space<hbm>> -> memref<512xf32, #tpu.memory_space<hbm>>
      %dma_wait3A_1932 = tpu.memref_slice %arg23[%add3A_1912] : memref<294912xf32, #tpu.memory_space<hbm>> -> memref<512xf32, #tpu.memory_space<hbm>>
      %dma_wait3A_1933 = arith.constant 6144 : i32
      %dma_wait3A_1934 = tpu.memref_slice %arg28[%dma_wait3A_1933] : memref<9216xf32, #tpu.memory_space<vmem>> -> memref<512xf32, #tpu.memory_space<vmem>>
      tpu.wait_dma2 semaphore(%run_scoped3A : memref<!tpu.dma_semaphore, #tpu.memory_space<semaphore_mem>>) src(%dma_wait3A_1934 : memref<512xf32, #tpu.memory_space<vmem>>) dst(%dma_wait3A_1932 : memref<512xf32, #tpu.memory_space<hbm>>)
      tpu.yield
    }) : () -> ()
    %add3A_1913 = arith.constant 212992 : i32
    %add3A_1914 = arith.addi %add3A_1913, %mul3A_2 : i32
    "tpu.region"() ({
      %run_scoped3A = tpu.sem_alloc : memref<!tpu.dma_semaphore, #tpu.memory_space<semaphore_mem>>
      %dma_start3A_1923 = arith.constant 6656 : i32
      %dma_start3A_1924 = tpu.memref_slice %arg28[%dma_start3A_1923] : memref<9216xf32, #tpu.memory_space<vmem>> -> memref<512xf32, #tpu.memory_space<vmem>>
      %dma_start3A_1925 = tpu.memref_slice %arg23[%add3A_1914] : memref<294912xf32, #tpu.memory_space<hbm>> -> memref<512xf32, #tpu.memory_space<hbm>>
      %dma_start3A_1926 = tpu.memref_slice %arg23[%add3A_1914] : memref<294912xf32, #tpu.memory_space<hbm>> -> memref<512xf32, #tpu.memory_space<hbm>>
      %dma_start3A_1927 = arith.constant 6656 : i32
      %dma_start3A_1928 = tpu.memref_slice %arg28[%dma_start3A_1927] : memref<9216xf32, #tpu.memory_space<vmem>> -> memref<512xf32, #tpu.memory_space<vmem>>
      tpu.enqueue_dma source(%dma_start3A_1928 : memref<512xf32, #tpu.memory_space<vmem>>) target(%dma_start3A_1926 : memref<512xf32, #tpu.memory_space<hbm>>) target_semaphore(%run_scoped3A : memref<!tpu.dma_semaphore, #tpu.memory_space<semaphore_mem>>)
      %dma_wait3A_1929 = arith.constant 6656 : i32
      %dma_wait3A_1930 = tpu.memref_slice %arg28[%dma_wait3A_1929] : memref<9216xf32, #tpu.memory_space<vmem>> -> memref<512xf32, #tpu.memory_space<vmem>>
      %dma_wait3A_1931 = tpu.memref_slice %arg23[%add3A_1914] : memref<294912xf32, #tpu.memory_space<hbm>> -> memref<512xf32, #tpu.memory_space<hbm>>
      %dma_wait3A_1932 = tpu.memref_slice %arg23[%add3A_1914] : memref<294912xf32, #tpu.memory_space<hbm>> -> memref<512xf32, #tpu.memory_space<hbm>>
      %dma_wait3A_1933 = arith.constant 6656 : i32
      %dma_wait3A_1934 = tpu.memref_slice %arg28[%dma_wait3A_1933] : memref<9216xf32, #tpu.memory_space<vmem>> -> memref<512xf32, #tpu.memory_space<vmem>>
      tpu.wait_dma2 semaphore(%run_scoped3A : memref<!tpu.dma_semaphore, #tpu.memory_space<semaphore_mem>>) src(%dma_wait3A_1934 : memref<512xf32, #tpu.memory_space<vmem>>) dst(%dma_wait3A_1932 : memref<512xf32, #tpu.memory_space<hbm>>)
      tpu.yield
    }) : () -> ()
    %add3A_1915 = arith.constant 229376 : i32
    %add3A_1916 = arith.addi %add3A_1915, %mul3A_2 : i32
    "tpu.region"() ({
      %run_scoped3A = tpu.sem_alloc : memref<!tpu.dma_semaphore, #tpu.memory_space<semaphore_mem>>
      %dma_start3A_1923 = arith.constant 7168 : i32
      %dma_start3A_1924 = tpu.memref_slice %arg28[%dma_start3A_1923] : memref<9216xf32, #tpu.memory_space<vmem>> -> memref<512xf32, #tpu.memory_space<vmem>>
      %dma_start3A_1925 = tpu.memref_slice %arg23[%add3A_1916] : memref<294912xf32, #tpu.memory_space<hbm>> -> memref<512xf32, #tpu.memory_space<hbm>>
      %dma_start3A_1926 = tpu.memref_slice %arg23[%add3A_1916] : memref<294912xf32, #tpu.memory_space<hbm>> -> memref<512xf32, #tpu.memory_space<hbm>>
      %dma_start3A_1927 = arith.constant 7168 : i32
      %dma_start3A_1928 = tpu.memref_slice %arg28[%dma_start3A_1927] : memref<9216xf32, #tpu.memory_space<vmem>> -> memref<512xf32, #tpu.memory_space<vmem>>
      tpu.enqueue_dma source(%dma_start3A_1928 : memref<512xf32, #tpu.memory_space<vmem>>) target(%dma_start3A_1926 : memref<512xf32, #tpu.memory_space<hbm>>) target_semaphore(%run_scoped3A : memref<!tpu.dma_semaphore, #tpu.memory_space<semaphore_mem>>)
      %dma_wait3A_1929 = arith.constant 7168 : i32
      %dma_wait3A_1930 = tpu.memref_slice %arg28[%dma_wait3A_1929] : memref<9216xf32, #tpu.memory_space<vmem>> -> memref<512xf32, #tpu.memory_space<vmem>>
      %dma_wait3A_1931 = tpu.memref_slice %arg23[%add3A_1916] : memref<294912xf32, #tpu.memory_space<hbm>> -> memref<512xf32, #tpu.memory_space<hbm>>
      %dma_wait3A_1932 = tpu.memref_slice %arg23[%add3A_1916] : memref<294912xf32, #tpu.memory_space<hbm>> -> memref<512xf32, #tpu.memory_space<hbm>>
      %dma_wait3A_1933 = arith.constant 7168 : i32
      %dma_wait3A_1934 = tpu.memref_slice %arg28[%dma_wait3A_1933] : memref<9216xf32, #tpu.memory_space<vmem>> -> memref<512xf32, #tpu.memory_space<vmem>>
      tpu.wait_dma2 semaphore(%run_scoped3A : memref<!tpu.dma_semaphore, #tpu.memory_space<semaphore_mem>>) src(%dma_wait3A_1934 : memref<512xf32, #tpu.memory_space<vmem>>) dst(%dma_wait3A_1932 : memref<512xf32, #tpu.memory_space<hbm>>)
      tpu.yield
    }) : () -> ()
    %add3A_1917 = arith.constant 245760 : i32
    %add3A_1918 = arith.addi %add3A_1917, %mul3A_2 : i32
    "tpu.region"() ({
      %run_scoped3A = tpu.sem_alloc : memref<!tpu.dma_semaphore, #tpu.memory_space<semaphore_mem>>
      %dma_start3A_1923 = arith.constant 7680 : i32
      %dma_start3A_1924 = tpu.memref_slice %arg28[%dma_start3A_1923] : memref<9216xf32, #tpu.memory_space<vmem>> -> memref<512xf32, #tpu.memory_space<vmem>>
      %dma_start3A_1925 = tpu.memref_slice %arg23[%add3A_1918] : memref<294912xf32, #tpu.memory_space<hbm>> -> memref<512xf32, #tpu.memory_space<hbm>>
      %dma_start3A_1926 = tpu.memref_slice %arg23[%add3A_1918] : memref<294912xf32, #tpu.memory_space<hbm>> -> memref<512xf32, #tpu.memory_space<hbm>>
      %dma_start3A_1927 = arith.constant 7680 : i32
      %dma_start3A_1928 = tpu.memref_slice %arg28[%dma_start3A_1927] : memref<9216xf32, #tpu.memory_space<vmem>> -> memref<512xf32, #tpu.memory_space<vmem>>
      tpu.enqueue_dma source(%dma_start3A_1928 : memref<512xf32, #tpu.memory_space<vmem>>) target(%dma_start3A_1926 : memref<512xf32, #tpu.memory_space<hbm>>) target_semaphore(%run_scoped3A : memref<!tpu.dma_semaphore, #tpu.memory_space<semaphore_mem>>)
      %dma_wait3A_1929 = arith.constant 7680 : i32
      %dma_wait3A_1930 = tpu.memref_slice %arg28[%dma_wait3A_1929] : memref<9216xf32, #tpu.memory_space<vmem>> -> memref<512xf32, #tpu.memory_space<vmem>>
      %dma_wait3A_1931 = tpu.memref_slice %arg23[%add3A_1918] : memref<294912xf32, #tpu.memory_space<hbm>> -> memref<512xf32, #tpu.memory_space<hbm>>
      %dma_wait3A_1932 = tpu.memref_slice %arg23[%add3A_1918] : memref<294912xf32, #tpu.memory_space<hbm>> -> memref<512xf32, #tpu.memory_space<hbm>>
      %dma_wait3A_1933 = arith.constant 7680 : i32
      %dma_wait3A_1934 = tpu.memref_slice %arg28[%dma_wait3A_1933] : memref<9216xf32, #tpu.memory_space<vmem>> -> memref<512xf32, #tpu.memory_space<vmem>>
      tpu.wait_dma2 semaphore(%run_scoped3A : memref<!tpu.dma_semaphore, #tpu.memory_space<semaphore_mem>>) src(%dma_wait3A_1934 : memref<512xf32, #tpu.memory_space<vmem>>) dst(%dma_wait3A_1932 : memref<512xf32, #tpu.memory_space<hbm>>)
      tpu.yield
    }) : () -> ()
    %add3A_1919 = arith.constant 262144 : i32
    %add3A_1920 = arith.addi %add3A_1919, %mul3A_2 : i32
    "tpu.region"() ({
      %run_scoped3A = tpu.sem_alloc : memref<!tpu.dma_semaphore, #tpu.memory_space<semaphore_mem>>
      %dma_start3A_1923 = arith.constant 8192 : i32
      %dma_start3A_1924 = tpu.memref_slice %arg28[%dma_start3A_1923] : memref<9216xf32, #tpu.memory_space<vmem>> -> memref<512xf32, #tpu.memory_space<vmem>>
      %dma_start3A_1925 = tpu.memref_slice %arg23[%add3A_1920] : memref<294912xf32, #tpu.memory_space<hbm>> -> memref<512xf32, #tpu.memory_space<hbm>>
      %dma_start3A_1926 = tpu.memref_slice %arg23[%add3A_1920] : memref<294912xf32, #tpu.memory_space<hbm>> -> memref<512xf32, #tpu.memory_space<hbm>>
      %dma_start3A_1927 = arith.constant 8192 : i32
      %dma_start3A_1928 = tpu.memref_slice %arg28[%dma_start3A_1927] : memref<9216xf32, #tpu.memory_space<vmem>> -> memref<512xf32, #tpu.memory_space<vmem>>
      tpu.enqueue_dma source(%dma_start3A_1928 : memref<512xf32, #tpu.memory_space<vmem>>) target(%dma_start3A_1926 : memref<512xf32, #tpu.memory_space<hbm>>) target_semaphore(%run_scoped3A : memref<!tpu.dma_semaphore, #tpu.memory_space<semaphore_mem>>)
      %dma_wait3A_1929 = arith.constant 8192 : i32
      %dma_wait3A_1930 = tpu.memref_slice %arg28[%dma_wait3A_1929] : memref<9216xf32, #tpu.memory_space<vmem>> -> memref<512xf32, #tpu.memory_space<vmem>>
      %dma_wait3A_1931 = tpu.memref_slice %arg23[%add3A_1920] : memref<294912xf32, #tpu.memory_space<hbm>> -> memref<512xf32, #tpu.memory_space<hbm>>
      %dma_wait3A_1932 = tpu.memref_slice %arg23[%add3A_1920] : memref<294912xf32, #tpu.memory_space<hbm>> -> memref<512xf32, #tpu.memory_space<hbm>>
      %dma_wait3A_1933 = arith.constant 8192 : i32
      %dma_wait3A_1934 = tpu.memref_slice %arg28[%dma_wait3A_1933] : memref<9216xf32, #tpu.memory_space<vmem>> -> memref<512xf32, #tpu.memory_space<vmem>>
      tpu.wait_dma2 semaphore(%run_scoped3A : memref<!tpu.dma_semaphore, #tpu.memory_space<semaphore_mem>>) src(%dma_wait3A_1934 : memref<512xf32, #tpu.memory_space<vmem>>) dst(%dma_wait3A_1932 : memref<512xf32, #tpu.memory_space<hbm>>)
      tpu.yield
    }) : () -> ()
    %add3A_1921 = arith.constant 278528 : i32
    %add3A_1922 = arith.addi %add3A_1921, %mul3A_2 : i32
    "tpu.region"() ({
      %run_scoped3A = tpu.sem_alloc : memref<!tpu.dma_semaphore, #tpu.memory_space<semaphore_mem>>
      %dma_start3A_1923 = arith.constant 8704 : i32
      %dma_start3A_1924 = tpu.memref_slice %arg28[%dma_start3A_1923] : memref<9216xf32, #tpu.memory_space<vmem>> -> memref<512xf32, #tpu.memory_space<vmem>>
      %dma_start3A_1925 = tpu.memref_slice %arg23[%add3A_1922] : memref<294912xf32, #tpu.memory_space<hbm>> -> memref<512xf32, #tpu.memory_space<hbm>>
      %dma_start3A_1926 = tpu.memref_slice %arg23[%add3A_1922] : memref<294912xf32, #tpu.memory_space<hbm>> -> memref<512xf32, #tpu.memory_space<hbm>>
      %dma_start3A_1927 = arith.constant 8704 : i32
      %dma_start3A_1928 = tpu.memref_slice %arg28[%dma_start3A_1927] : memref<9216xf32, #tpu.memory_space<vmem>> -> memref<512xf32, #tpu.memory_space<vmem>>
      tpu.enqueue_dma source(%dma_start3A_1928 : memref<512xf32, #tpu.memory_space<vmem>>) target(%dma_start3A_1926 : memref<512xf32, #tpu.memory_space<hbm>>) target_semaphore(%run_scoped3A : memref<!tpu.dma_semaphore, #tpu.memory_space<semaphore_mem>>)
      %dma_wait3A_1929 = arith.constant 8704 : i32
      %dma_wait3A_1930 = tpu.memref_slice %arg28[%dma_wait3A_1929] : memref<9216xf32, #tpu.memory_space<vmem>> -> memref<512xf32, #tpu.memory_space<vmem>>
      %dma_wait3A_1931 = tpu.memref_slice %arg23[%add3A_1922] : memref<294912xf32, #tpu.memory_space<hbm>> -> memref<512xf32, #tpu.memory_space<hbm>>
      %dma_wait3A_1932 = tpu.memref_slice %arg23[%add3A_1922] : memref<294912xf32, #tpu.memory_space<hbm>> -> memref<512xf32, #tpu.memory_space<hbm>>
      %dma_wait3A_1933 = arith.constant 8704 : i32
      %dma_wait3A_1934 = tpu.memref_slice %arg28[%dma_wait3A_1933] : memref<9216xf32, #tpu.memory_space<vmem>> -> memref<512xf32, #tpu.memory_space<vmem>>
      tpu.wait_dma2 semaphore(%run_scoped3A : memref<!tpu.dma_semaphore, #tpu.memory_space<semaphore_mem>>) src(%dma_wait3A_1934 : memref<512xf32, #tpu.memory_space<vmem>>) dst(%dma_wait3A_1932 : memref<512xf32, #tpu.memory_space<hbm>>)
      tpu.yield
    }) : () -> ()
    return
  }
}

module attributes {stable_mosaic.version = 14 : i64} {
  func.func @mk(%arg0: i32, %arg1: memref<18x64xf32, #tpu.memory_space<vmem>>, %arg2: memref<18x1xf32, #tpu.memory_space<vmem>>, %arg3: memref<64x32768xf32, #tpu.memory_space<vmem>>, %arg4: memref<32768xf32, #tpu.memory_space<vmem>>, %arg5: memref<32768xf32, #tpu.memory_space<vmem>>, %arg6: memref<32768xf32, #tpu.memory_space<vmem>>, %arg7: memref<32768xf32, #tpu.memory_space<vmem>>, %arg8: memref<32768xf32, #tpu.memory_space<vmem>>, %arg9: memref<32768xf32, #tpu.memory_space<vmem>>, %arg10: memref<32768xf32, #tpu.memory_space<vmem>>, %arg11: memref<32768xf32, #tpu.memory_space<vmem>>, %arg12: memref<32768xf32, #tpu.memory_space<vmem>>, %arg13: memref<32768xf32, #tpu.memory_space<vmem>>, %arg14: memref<32768xf32, #tpu.memory_space<vmem>>, %arg15: memref<32768xf32, #tpu.memory_space<vmem>>, %arg16: memref<32768xf32, #tpu.memory_space<vmem>>, %arg17: memref<32768xf32, #tpu.memory_space<vmem>>, %arg18: memref<32768xf32, #tpu.memory_space<vmem>>, %arg19: memref<32768xf32, #tpu.memory_space<vmem>>, %arg20: memref<32768xf32, #tpu.memory_space<vmem>>, %arg21: memref<32768xf32, #tpu.memory_space<vmem>>) attributes {dimension_semantics = [#tpu.dimension_semantics<arbitrary>], iteration_bounds = array<i64: 31>, scalar_prefetch = 0 : i64, scratch_operands = 0 : i64, tpu.core_type = #tpu.core_type<tc>, window_params = [{pipeline_mode = #tpu.pipeline_mode<synchronous>, transform_indices = @transform_0, window_bounds = array<i64: 18, 64>}, {pipeline_mode = #tpu.pipeline_mode<synchronous>, transform_indices = @transform_1, window_bounds = array<i64: 18, 1>}, {transform_indices = @transform_2, window_bounds = array<i64: 64, 32768>}, {transform_indices = @transform_3, window_bounds = array<i64: 32768>}, {transform_indices = @transform_4, window_bounds = array<i64: 32768>}, {transform_indices = @transform_5, window_bounds = array<i64: 32768>}, {transform_indices = @transform_6, window_bounds = array<i64: 32768>}, {transform_indices = @transform_7, window_bounds = array<i64: 32768>}, {transform_indices = @transform_8, window_bounds = array<i64: 32768>}, {transform_indices = @transform_9, window_bounds = array<i64: 32768>}, {transform_indices = @transform_10, window_bounds = array<i64: 32768>}, {transform_indices = @transform_11, window_bounds = array<i64: 32768>}, {transform_indices = @transform_12, window_bounds = array<i64: 32768>}, {transform_indices = @transform_13, window_bounds = array<i64: 32768>}, {transform_indices = @transform_14, window_bounds = array<i64: 32768>}, {transform_indices = @transform_15, window_bounds = array<i64: 32768>}, {transform_indices = @transform_16, window_bounds = array<i64: 32768>}, {transform_indices = @transform_17, window_bounds = array<i64: 32768>}, {transform_indices = @transform_18, window_bounds = array<i64: 32768>}, {transform_indices = @transform_19, window_bounds = array<i64: 32768>}, {transform_indices = @transform_20, window_bounds = array<i64: 32768>}]} {
    %get3A = arith.constant 0 : index
    %get3A_0 = arith.constant 0 : index
    %get3A_1 = vector.load %arg3[%get3A, %get3A_0] : memref<64x32768xf32, #tpu.memory_space<vmem>>, vector<64x32768xf32>
    %convert_element_type3A = arith.truncf %get3A_1 : vector<64x32768xf32> to vector<64x32768xbf16>
    %get3A_2 = arith.constant 0 : index
    %get3A_3 = arith.constant 0 : index
    %get3A_4 = vector.load %arg1[%get3A_2, %get3A_3] : memref<18x64xf32, #tpu.memory_space<vmem>>, vector<18x64xf32>
    %convert_element_type3A_5 = arith.truncf %get3A_4 : vector<18x64xf32> to vector<18x64xbf16>
    %dot_general3A = arith.constant dense<0.000000e+00> : vector<18x32768xf32>
    %dot_general3A_6 = tpu.matmul %convert_element_type3A_5, %convert_element_type3A, %dot_general3A {dimension_numbers = #tpu.dot_dimension_numbers<[1], [0], [0], [1], [0, 0, 1, 1], [], []>, transpose_lhs_hint = false} : vector<18x64xbf16>, vector<64x32768xbf16>, vector<18x32768xf32> -> vector<18x32768xf32>
    %get3A_7 = arith.constant 0 : index
    %get3A_8 = arith.constant 0 : index
    %get3A_9 = vector.load %arg2[%get3A_7, %get3A_8] : memref<18x1xf32, #tpu.memory_space<vmem>>, vector<18x1xf32>
    %add3A = vector.broadcast %get3A_9 : vector<18x1xf32> to vector<18x32768xf32>
    %add3A_10 = arith.addf %dot_general3A_6, %add3A : vector<18x32768xf32>
    %slice3A = vector.extract_strided_slice %add3A_10 {offsets = [0, 0], sizes = [1, 32768], strides = [1, 1]} : vector<18x32768xf32> to vector<1x32768xf32>
    %reshape3A = vector.shape_cast %slice3A : vector<1x32768xf32> to vector<32768xf32>
    %swap3A = arith.constant 0 : index
    %swap3A_11 = vector.load %arg4[%swap3A] : memref<32768xf32, #tpu.memory_space<vmem>>, vector<32768xf32>
    tpu.vector_store %arg4[%swap3A], %reshape3A {strides = array<i32>} : memref<32768xf32, #tpu.memory_space<vmem>>, vector<32768xf32>,
    %slice3A_12 = vector.extract_strided_slice %add3A_10 {offsets = [1, 0], sizes = [1, 32768], strides = [1, 1]} : vector<18x32768xf32> to vector<1x32768xf32>
    %reshape3A_13 = vector.shape_cast %slice3A_12 : vector<1x32768xf32> to vector<32768xf32>
    %swap3A_14 = arith.constant 0 : index
    %swap3A_15 = vector.load %arg5[%swap3A_14] : memref<32768xf32, #tpu.memory_space<vmem>>, vector<32768xf32>
    tpu.vector_store %arg5[%swap3A_14], %reshape3A_13 {strides = array<i32>} : memref<32768xf32, #tpu.memory_space<vmem>>, vector<32768xf32>,
    %slice3A_16 = vector.extract_strided_slice %add3A_10 {offsets = [2, 0], sizes = [1, 32768], strides = [1, 1]} : vector<18x32768xf32> to vector<1x32768xf32>
    %reshape3A_17 = vector.shape_cast %slice3A_16 : vector<1x32768xf32> to vector<32768xf32>
    %swap3A_18 = arith.constant 0 : index
    %swap3A_19 = vector.load %arg6[%swap3A_18] : memref<32768xf32, #tpu.memory_space<vmem>>, vector<32768xf32>
    tpu.vector_store %arg6[%swap3A_18], %reshape3A_17 {strides = array<i32>} : memref<32768xf32, #tpu.memory_space<vmem>>, vector<32768xf32>,
    %slice3A_20 = vector.extract_strided_slice %add3A_10 {offsets = [3, 0], sizes = [1, 32768], strides = [1, 1]} : vector<18x32768xf32> to vector<1x32768xf32>
    %reshape3A_21 = vector.shape_cast %slice3A_20 : vector<1x32768xf32> to vector<32768xf32>
    %swap3A_22 = arith.constant 0 : index
    %swap3A_23 = vector.load %arg7[%swap3A_22] : memref<32768xf32, #tpu.memory_space<vmem>>, vector<32768xf32>
    tpu.vector_store %arg7[%swap3A_22], %reshape3A_21 {strides = array<i32>} : memref<32768xf32, #tpu.memory_space<vmem>>, vector<32768xf32>,
    %slice3A_24 = vector.extract_strided_slice %add3A_10 {offsets = [4, 0], sizes = [1, 32768], strides = [1, 1]} : vector<18x32768xf32> to vector<1x32768xf32>
    %reshape3A_25 = vector.shape_cast %slice3A_24 : vector<1x32768xf32> to vector<32768xf32>
    %swap3A_26 = arith.constant 0 : index
    %swap3A_27 = vector.load %arg8[%swap3A_26] : memref<32768xf32, #tpu.memory_space<vmem>>, vector<32768xf32>
    tpu.vector_store %arg8[%swap3A_26], %reshape3A_25 {strides = array<i32>} : memref<32768xf32, #tpu.memory_space<vmem>>, vector<32768xf32>,
    %slice3A_28 = vector.extract_strided_slice %add3A_10 {offsets = [5, 0], sizes = [1, 32768], strides = [1, 1]} : vector<18x32768xf32> to vector<1x32768xf32>
    %reshape3A_29 = vector.shape_cast %slice3A_28 : vector<1x32768xf32> to vector<32768xf32>
    %swap3A_30 = arith.constant 0 : index
    %swap3A_31 = vector.load %arg9[%swap3A_30] : memref<32768xf32, #tpu.memory_space<vmem>>, vector<32768xf32>
    tpu.vector_store %arg9[%swap3A_30], %reshape3A_29 {strides = array<i32>} : memref<32768xf32, #tpu.memory_space<vmem>>, vector<32768xf32>,
    %slice3A_32 = vector.extract_strided_slice %add3A_10 {offsets = [6, 0], sizes = [1, 32768], strides = [1, 1]} : vector<18x32768xf32> to vector<1x32768xf32>
    %reshape3A_33 = vector.shape_cast %slice3A_32 : vector<1x32768xf32> to vector<32768xf32>
    %swap3A_34 = arith.constant 0 : index
    %swap3A_35 = vector.load %arg10[%swap3A_34] : memref<32768xf32, #tpu.memory_space<vmem>>, vector<32768xf32>
    tpu.vector_store %arg10[%swap3A_34], %reshape3A_33 {strides = array<i32>} : memref<32768xf32, #tpu.memory_space<vmem>>, vector<32768xf32>,
    %slice3A_36 = vector.extract_strided_slice %add3A_10 {offsets = [7, 0], sizes = [1, 32768], strides = [1, 1]} : vector<18x32768xf32> to vector<1x32768xf32>
    %reshape3A_37 = vector.shape_cast %slice3A_36 : vector<1x32768xf32> to vector<32768xf32>
    %swap3A_38 = arith.constant 0 : index
    %swap3A_39 = vector.load %arg11[%swap3A_38] : memref<32768xf32, #tpu.memory_space<vmem>>, vector<32768xf32>
    tpu.vector_store %arg11[%swap3A_38], %reshape3A_37 {strides = array<i32>} : memref<32768xf32, #tpu.memory_space<vmem>>, vector<32768xf32>,
    %slice3A_40 = vector.extract_strided_slice %add3A_10 {offsets = [8, 0], sizes = [1, 32768], strides = [1, 1]} : vector<18x32768xf32> to vector<1x32768xf32>
    %reshape3A_41 = vector.shape_cast %slice3A_40 : vector<1x32768xf32> to vector<32768xf32>
    %swap3A_42 = arith.constant 0 : index
    %swap3A_43 = vector.load %arg12[%swap3A_42] : memref<32768xf32, #tpu.memory_space<vmem>>, vector<32768xf32>
    tpu.vector_store %arg12[%swap3A_42], %reshape3A_41 {strides = array<i32>} : memref<32768xf32, #tpu.memory_space<vmem>>, vector<32768xf32>,
    %slice3A_44 = vector.extract_strided_slice %add3A_10 {offsets = [9, 0], sizes = [1, 32768], strides = [1, 1]} : vector<18x32768xf32> to vector<1x32768xf32>
    %reshape3A_45 = vector.shape_cast %slice3A_44 : vector<1x32768xf32> to vector<32768xf32>
    %swap3A_46 = arith.constant 0 : index
    %swap3A_47 = vector.load %arg13[%swap3A_46] : memref<32768xf32, #tpu.memory_space<vmem>>, vector<32768xf32>
    tpu.vector_store %arg13[%swap3A_46], %reshape3A_45 {strides = array<i32>} : memref<32768xf32, #tpu.memory_space<vmem>>, vector<32768xf32>,
    %slice3A_48 = vector.extract_strided_slice %add3A_10 {offsets = [10, 0], sizes = [1, 32768], strides = [1, 1]} : vector<18x32768xf32> to vector<1x32768xf32>
    %reshape3A_49 = vector.shape_cast %slice3A_48 : vector<1x32768xf32> to vector<32768xf32>
    %swap3A_50 = arith.constant 0 : index
    %swap3A_51 = vector.load %arg14[%swap3A_50] : memref<32768xf32, #tpu.memory_space<vmem>>, vector<32768xf32>
    tpu.vector_store %arg14[%swap3A_50], %reshape3A_49 {strides = array<i32>} : memref<32768xf32, #tpu.memory_space<vmem>>, vector<32768xf32>,
    %slice3A_52 = vector.extract_strided_slice %add3A_10 {offsets = [11, 0], sizes = [1, 32768], strides = [1, 1]} : vector<18x32768xf32> to vector<1x32768xf32>
    %reshape3A_53 = vector.shape_cast %slice3A_52 : vector<1x32768xf32> to vector<32768xf32>
    %swap3A_54 = arith.constant 0 : index
    %swap3A_55 = vector.load %arg15[%swap3A_54] : memref<32768xf32, #tpu.memory_space<vmem>>, vector<32768xf32>
    tpu.vector_store %arg15[%swap3A_54], %reshape3A_53 {strides = array<i32>} : memref<32768xf32, #tpu.memory_space<vmem>>, vector<32768xf32>,
    %slice3A_56 = vector.extract_strided_slice %add3A_10 {offsets = [12, 0], sizes = [1, 32768], strides = [1, 1]} : vector<18x32768xf32> to vector<1x32768xf32>
    %reshape3A_57 = vector.shape_cast %slice3A_56 : vector<1x32768xf32> to vector<32768xf32>
    %swap3A_58 = arith.constant 0 : index
    %swap3A_59 = vector.load %arg16[%swap3A_58] : memref<32768xf32, #tpu.memory_space<vmem>>, vector<32768xf32>
    tpu.vector_store %arg16[%swap3A_58], %reshape3A_57 {strides = array<i32>} : memref<32768xf32, #tpu.memory_space<vmem>>, vector<32768xf32>,
    %slice3A_60 = vector.extract_strided_slice %add3A_10 {offsets = [13, 0], sizes = [1, 32768], strides = [1, 1]} : vector<18x32768xf32> to vector<1x32768xf32>
    %reshape3A_61 = vector.shape_cast %slice3A_60 : vector<1x32768xf32> to vector<32768xf32>
    %swap3A_62 = arith.constant 0 : index
    %swap3A_63 = vector.load %arg17[%swap3A_62] : memref<32768xf32, #tpu.memory_space<vmem>>, vector<32768xf32>
    tpu.vector_store %arg17[%swap3A_62], %reshape3A_61 {strides = array<i32>} : memref<32768xf32, #tpu.memory_space<vmem>>, vector<32768xf32>,
    %slice3A_64 = vector.extract_strided_slice %add3A_10 {offsets = [14, 0], sizes = [1, 32768], strides = [1, 1]} : vector<18x32768xf32> to vector<1x32768xf32>
    %reshape3A_65 = vector.shape_cast %slice3A_64 : vector<1x32768xf32> to vector<32768xf32>
    %swap3A_66 = arith.constant 0 : index
    %swap3A_67 = vector.load %arg18[%swap3A_66] : memref<32768xf32, #tpu.memory_space<vmem>>, vector<32768xf32>
    tpu.vector_store %arg18[%swap3A_66], %reshape3A_65 {strides = array<i32>} : memref<32768xf32, #tpu.memory_space<vmem>>, vector<32768xf32>,
    %slice3A_68 = vector.extract_strided_slice %add3A_10 {offsets = [15, 0], sizes = [1, 32768], strides = [1, 1]} : vector<18x32768xf32> to vector<1x32768xf32>
    %reshape3A_69 = vector.shape_cast %slice3A_68 : vector<1x32768xf32> to vector<32768xf32>
    %swap3A_70 = arith.constant 0 : index
    %swap3A_71 = vector.load %arg19[%swap3A_70] : memref<32768xf32, #tpu.memory_space<vmem>>, vector<32768xf32>
    tpu.vector_store %arg19[%swap3A_70], %reshape3A_69 {strides = array<i32>} : memref<32768xf32, #tpu.memory_space<vmem>>, vector<32768xf32>,
    %slice3A_72 = vector.extract_strided_slice %add3A_10 {offsets = [16, 0], sizes = [1, 32768], strides = [1, 1]} : vector<18x32768xf32> to vector<1x32768xf32>
    %reshape3A_73 = vector.shape_cast %slice3A_72 : vector<1x32768xf32> to vector<32768xf32>
    %swap3A_74 = arith.constant 0 : index
    %swap3A_75 = vector.load %arg20[%swap3A_74] : memref<32768xf32, #tpu.memory_space<vmem>>, vector<32768xf32>
    tpu.vector_store %arg20[%swap3A_74], %reshape3A_73 {strides = array<i32>} : memref<32768xf32, #tpu.memory_space<vmem>>, vector<32768xf32>,
    %slice3A_76 = vector.extract_strided_slice %add3A_10 {offsets = [17, 0], sizes = [1, 32768], strides = [1, 1]} : vector<18x32768xf32> to vector<1x32768xf32>
    %reshape3A_77 = vector.shape_cast %slice3A_76 : vector<1x32768xf32> to vector<32768xf32>
    %swap3A_78 = arith.constant 0 : index
    %swap3A_79 = vector.load %arg21[%swap3A_78] : memref<32768xf32, #tpu.memory_space<vmem>>, vector<32768xf32>
    tpu.vector_store %arg21[%swap3A_78], %reshape3A_77 {strides = array<i32>} : memref<32768xf32, #tpu.memory_space<vmem>>, vector<32768xf32>,
    return
  }
  func.func @transform_0(%arg0: i32) -> (i32, i32) {
    %c0_i32 = arith.constant 0 : i32
    %c0_i32_0 = arith.constant 0 : i32
    %c0_i32_1 = arith.constant 0 : i32
    return %c0_i32, %c0_i32_0 : i32, i32
  }
  func.func @transform_1(%arg0: i32) -> (i32, i32) {
    %c0_i32 = arith.constant 0 : i32
    %c0_i32_0 = arith.constant 0 : i32
    %c0_i32_1 = arith.constant 0 : i32
    return %c0_i32, %c0_i32_0 : i32, i32
  }
  func.func @transform_2(%arg0: i32) -> (i32, i32) {
    %c0_i32 = arith.constant 0 : i32
    %c0_i32_0 = arith.constant 0 : i32
    return %c0_i32, %arg0 : i32, i32
  }
  func.func @transform_3(%arg0: i32) -> i32 {
    %c0_i32 = arith.constant 0 : i32
    return %arg0 : i32
  }
  func.func @transform_4(%arg0: i32) -> i32 {
    %c0_i32 = arith.constant 0 : i32
    return %arg0 : i32
  }
  func.func @transform_5(%arg0: i32) -> i32 {
    %c0_i32 = arith.constant 0 : i32
    return %arg0 : i32
  }
  func.func @transform_6(%arg0: i32) -> i32 {
    %c0_i32 = arith.constant 0 : i32
    return %arg0 : i32
  }
  func.func @transform_7(%arg0: i32) -> i32 {
    %c0_i32 = arith.constant 0 : i32
    return %arg0 : i32
  }
  func.func @transform_8(%arg0: i32) -> i32 {
    %c0_i32 = arith.constant 0 : i32
    return %arg0 : i32
  }
  func.func @transform_9(%arg0: i32) -> i32 {
    %c0_i32 = arith.constant 0 : i32
    return %arg0 : i32
  }
  func.func @transform_10(%arg0: i32) -> i32 {
    %c0_i32 = arith.constant 0 : i32
    return %arg0 : i32
  }
  func.func @transform_11(%arg0: i32) -> i32 {
    %c0_i32 = arith.constant 0 : i32
    return %arg0 : i32
  }
  func.func @transform_12(%arg0: i32) -> i32 {
    %c0_i32 = arith.constant 0 : i32
    return %arg0 : i32
  }
  func.func @transform_13(%arg0: i32) -> i32 {
    %c0_i32 = arith.constant 0 : i32
    return %arg0 : i32
  }
  func.func @transform_14(%arg0: i32) -> i32 {
    %c0_i32 = arith.constant 0 : i32
    return %arg0 : i32
  }
  func.func @transform_15(%arg0: i32) -> i32 {
    %c0_i32 = arith.constant 0 : i32
    return %arg0 : i32
  }
  func.func @transform_16(%arg0: i32) -> i32 {
    %c0_i32 = arith.constant 0 : i32
    return %arg0 : i32
  }
  func.func @transform_17(%arg0: i32) -> i32 {
    %c0_i32 = arith.constant 0 : i32
    return %arg0 : i32
  }
  func.func @transform_18(%arg0: i32) -> i32 {
    %c0_i32 = arith.constant 0 : i32
    return %arg0 : i32
  }
  func.func @transform_19(%arg0: i32) -> i32 {
    %c0_i32 = arith.constant 0 : i32
    return %arg0 : i32
  }
  func.func @transform_20(%arg0: i32) -> i32 {
    %c0_i32 = arith.constant 0 : i32
    return %arg0 : i32
  }
}

</mosaic_0001>

<sc_bundles>
// kernel: kernel.4.cloned.1.call-start
scs
__scs_entry_jumppad:
0x0: {  	(pc) =	sbr.rel $0x88, $3  }
0x1: {  	(tag) =	ssettag $0x0;
	lr =	simm.s32 $0x1  }
0x2: {  	[smem:$0x3F9D] =	sst lr;
	_ =	strace $0xD0000000  }
0x3: {  	_ = 	snop  }
0x4: {  	_ = 	snop  }
0x5: {  	_ = 	snop  }
0x6: {  	_ = 	snop  }
0x7: {  	_ = 	snop  }
__scs_overlays_trampoline_lowered:
0x8: {  	[smem:$0x3FAC] =	sst s0  }
0x9: {  	[smem:$0x3FAD] =	sst s1  }
0xa: {  	[smem:$0x3FAE] =	sst s2  }
0xb: {  	[smem:$0x3FAF] =	sst s3  }
0xc: {  	[smem:$0x3FB0] =	sst s4  }
0xd: {  	[smem:$0x3FB1] =	sst s5  }
0xe: {  	[smem:$0x3FB2] =	sst s6  }
0xf: {  	[smem:$0x3FB3] =	sst s7  }
0x10: {  	[smem:$0x3FB4] =	sst s8  }
0x11: {  	[smem:$0x3FB5] =	sst s9;
	s0 =	simm.s32 @!p0 $0x0  }
0x12: {  	s1 =	sld [smem:$0x3F9B];
	s0 =	simm.s32 @p0 $0x1  }
0x13: {  	[smem:$0x3FB6] =	sst s0;
	s0 =	simm.s32 @!p1 $0x0  }
0x14: {  	s2 =	sld [smem:$0x3F9A];
	s0 =	simm.s32 @p1 $0x1  }
0x15: {  	[smem:$0x3FB7] =	sst s0;
	s0 =	simm.s32 @!p2 $0x0  }
0x16: {  	s3 =	sld [smem:$0x3FDB];
	s0 =	simm.s32 @p2 $0x1  }
0x17: {  	s4 =	simm.s32 $0x1BF5;
	[smem:$0x3FB9] =	sst s0  }
0x18: {  	s0 =	sld [smem:$0x3F9C];
	_ =	swait.ge [sflag:s4], $0x0  }
0x19: {  	s7 =	sld [smem:$0x3F9D]  }
0x1a: {  	s8 =	sadd.s32 $0xFFFFE003, lr  }
0x1b: {  	s9 =	sadd.s32 $0xFFFFFEF7, lr;
	s5 =	simm.s32 $0xFFFFFFFF;
	p2 =	slt.u32 s8, $0xFFFFF086  }
0x1c: {  	p1 =	slt.u32 s9, $0xF7A;
	s5 =	simm.s32 @!p2 $0x0  }
0x1d: {  	s5 =	simm.s32 @p1 $0x1;
	p0 =	seq.s32 s7, s2  }
0x1e: {  	s7 =	smul.u32 @!p0 $0xF7A, s2;
	p2 =	seq.s32 @!p0 s5, $0x0  }
0x1f: {  	s9 =	smul.u32 $0xF7A, s1;
	s8 =	simm.s32 @!p0 $0x1BF5;
	p2 =	por !p2, p0  }
0x20: {  	[sflag:s8] =	ssyncset.s32 @!p0 $0xFFFFF086;
	s6 =	sadd.s32 @!p0 s3, s7;
	s7 =	simm.s32 @!p0 $0x108  }
0x21: {  	s3 =	sadd.s32 s3, s9;
	s6 =	sadd.s32 @!p0 $0x88, s6;
	s7 =	simm.s32 @p2 $0x1082  }
0x22: {  	[simem:s7], [sflag:s8] =	dma.local @!p0 [hbm:s6], $0xF7A  }
0x23: {  	s9 =	sor.u32 $0xD0000000, s2;
	s6 =	simm.s32 $0x108;
	_ =	swait.ge @!p0 [sflag:s8], $0x0  }
0x24: {  	s3 =	sadd.s32 $0x88, s3;
	s6 =	simm.s32 @!p1 $0x1082;
	[sflag:s4] =	ssyncset.s32 $0xFFFFF086  }
0x25: {  	[simem:s6], [sflag:s4] =	dma.local [hbm:s3], $0xF7A  }
0x26: {  	[smem:$0x3F9D] =	sst s1;
	(tag) =	ssettag s2;
	_ =	strace s9  }
0x27: {  	s1 =	sld [smem:$0x3FAD]  }
0x28: {  	s2 =	sld [smem:$0x3FAE]  }
0x29: {  	s4 =	sld [smem:$0x3FB0]  }
0x2a: {  	p0 =	seq.s32 s5, $0x0;
	s5 =	sld [smem:$0x3FB1]  }
0x2b: {  	s6 =	sld [smem:$0x3FB2]  }
0x2c: {  	s7 =	sld [smem:$0x3FB3]  }
0x2d: {  	s3 =	simm.s32 $0x108;
	s8 =	sld [smem:$0x3FB4]  }
0x2e: {  	s3 =	simm.s32 @!p0 $0x1082;
	s9 =	sld [smem:$0x3FB5]  }
0x2f: {  	lr =	sadd.s32 s0, s3;
	s0 =	sld [smem:$0x3FAC]  }
0x30: {  	s3 =	sld [smem:$0x3FAF]  }
0x31: {  	[smem:$0x3FB8] =	sst s10  }
0x32: {  	s10 =	sld [smem:$0x3FB6];
	_ =	sdelay $0x3  }
0x33: {  	p0 =	seq.s32 s10, $0x1;
	s10 =	sld [smem:$0x3FB8];
	_ =	sdelay $0x3  }
0x34: {  	[smem:$0x3FB8] =	sst s10  }
0x35: {  	s10 =	sld [smem:$0x3FB7];
	_ =	sdelay $0x3  }
0x36: {  	p1 =	seq.s32 s10, $0x1;
	s10 =	sld [smem:$0x3FB8];
	_ =	sdelay $0x3  }
0x37: {  	[smem:$0x3FB8] =	sst s10  }
0x38: {  	s10 =	sld [smem:$0x3FB9]  }
0x39: {  	_ = 	snop;
	(pc) =	sbr.ind lr, $3  }
0x3a: {  	_ = 	snop  }
0x3b: {  	_ = 	snop  }
0x3c: {  	p2 =	seq.s32 s10, $0x1;
	s10 =	sld [smem:$0x3FB8]  }
0x3d: {  	_ =	shalt  }
0x3e: {  	_ =	shalt  }
0x3f: {  	_ =	shalt  }
0x40: {  	_ =	shalt  }
0x41: {  	_ =	shalt  }
0x42: {  	_ =	shalt  }
0x43: {  	_ =	shalt  }
0x44: {  	_ =	shalt  }
0x45: {  	_ =	shalt  }
0x46: {  	_ =	shalt  }
0x47: {  	_ =	shalt  }
0x48: {  	_ =	shalt  }
0x49: {  	_ =	shalt  }
0x4a: {  	_ =	shalt  }
0x4b: {  	_ =	shalt  }
0x4c: {  	_ =	shalt  }
0x4d: {  	_ =	shalt  }
0x4e: {  	_ =	shalt  }
0x4f: {  	_ =	shalt  }
0x50: {  	_ =	shalt  }
0x51: {  	_ =	shalt  }
0x52: {  	_ =	shalt  }
0x53: {  	_ =	shalt  }
0x54: {  	_ =	shalt  }
0x55: {  	_ =	shalt  }
0x56: {  	_ =	shalt  }
0x57: {  	_ =	shalt  }
0x58: {  	_ =	shalt  }
0x59: {  	_ =	shalt  }
0x5a: {  	_ =	shalt  }
0x5b: {  	_ =	shalt  }
0x5c: {  	_ =	shalt  }
0x5d: {  	_ =	shalt  }
0x5e: {  	_ =	shalt  }
0x5f: {  	_ =	shalt  }
0x60: {  	_ =	shalt  }
0x61: {  	_ =	shalt  }
0x62: {  	_ =	shalt  }
0x63: {  	_ =	shalt  }
0x64: {  	_ =	shalt  }
0x65: {  	_ =	shalt  }
0x66: {  	_ =	shalt  }
0x67: {  	_ =	shalt  }
0x68: {  	_ =	shalt  }
0x69: {  	_ =	shalt  }
0x6a: {  	_ =	shalt  }
0x6b: {  	_ =	shalt  }
0x6c: {  	_ =	shalt  }
0x6d: {  	_ =	shalt  }
0x6e: {  	_ =	shalt  }
0x6f: {  	_ =	shalt  }
0x70: {  	_ =	shalt  }
0x71: {  	_ =	shalt  }
0x72: {  	_ =	shalt  }
0x73: {  	_ =	shalt  }
0x74: {  	_ =	shalt  }
0x75: {  	_ =	shalt  }
0x76: {  	_ =	shalt  }
0x77: {  	_ =	shalt  }
0x78: {  	_ =	shalt  }
0x79: {  	_ =	shalt  }
0x7a: {  	_ =	shalt  }
0x7b: {  	_ =	shalt  }
0x7c: {  	_ =	shalt  }
0x7d: {  	_ =	shalt  }
0x7e: {  	_ =	shalt  }
0x7f: {  	_ =	shalt  }
0x80: {  	_ =	shalt  }
0x81: {  	_ =	shalt  }
0x82: {  	_ =	shalt  }
0x83: {  	_ =	shalt  }
0x84: {  	_ =	shalt  }
0x85: {  	_ =	shalt  }
0x86: {  	_ =	shalt  }
0x87: {  	_ =	shalt  }
.Lfunc_end0:
.L_simem_size_0:
called_computation_lowered:
.L_overlay_start_0:
0x88: {  	s2 =	sld [smem:$0x3FD9]  }
0x89: {  	s3 =	sld [smem:$0x3FFE];
	_ =	sdelay $0x1  }
0x8a: {  	s1 =	srdreg.scid  }
0x8b: {  	s0 =	sand.u32 $0x1, s1  }
0x8c: {  	s17 =	sshll.u32 s0, $0xA;
	s2 =	sadd.s32 s3, s2  }
0x8d: {  	s2 =	sadd.s32 s2, s17  }
0x8e: {  	[smem:$0x3FC4] =	sst s2  }
0x8f: {  	_ = 	snop  }
0x90: {  	s2 =	sld [smem:$0x3FD0];
	(tm) =	ssettm $0x1  }
0x91: {  	s18 =	sld [smem:$0x3FFB];
	_ =	sdelay $0x3  }
0x92: {  	_ =	strace s18  }
0x93: {  	s3 =	sld [smem:$0x3FFC];
	_ =	sdelay $0x3  }
0x94: {  	_ =	strace s3  }
0x95: {  	s3 =	sld [smem:$0x3FFD];
	_ =	sdelay $0x3  }
0x96: {  	_ =	strace s3  }
0x97: {  	_ =	strace $0x8FFFFFFF  }
0x98: {  	s19 =	sld [smem:$0x3FDB];
	_ =	sdelay $0x1  }
0x99: {  	s4 =	simm.s32 $_scs_section_size  }
0x9a: {  	s5 =	simm.s32 $_size__tile_overlayer_lowered;
	s6 =	simm.s32 $_tile_overlayer_lowered  }
0x9b: {  	s22 =	simm.s32 $0x1BFF;
	s21 =	sshll.u32 s6, $0x1;
	s3 =	sadd.s32 s4, s19  }
0x9c: {  	s7 =	simm.s32 $0x0;
	s20 =	sshll.u32 s5, $0x1;
	s5 =	sadd.s32 s21, s3  }
0x9d: {  	[timem:s7], [sflag:s22] =	dma.local [hbm:s5], s20  }
0x9e: {  	_ =	swait.ge [sflag:s22], s20  }
0x9f: {  	s4 =	ssub.s32 $0x0, s20;
	[sflag:s22] =	ssyncset.done $0x0  }
0xa0: {  	[sflag:s22] =	ssyncadd.s32 s4;
	_ =	sdelay $0x1  }
0xa1: {  	s23 =	simm.s32 $0x1B8B  }
0xa2: {  	_ =	swait.ge [sflag:s23], $0x1  }
0xa3: {  	[sflag:s23] =	ssyncset.done $0x0  }
0xa4: {  	s25 =	simm.s32 $0x1B8E;
	s24 =	sld [smem:$0x3FFE];
	[sflag:s23] =	ssyncadd.s32 $0xFFFFFFFF  }
0xa5: {  	s26 =	simm.s32 $execute0_lowered;
	[smem:$0x3FD2] =	sst s25  }
0xa6: {  	s5 =	sshll.u32 s26, $0x1;
	_ =	strace $0x80000046;
	[dreg:$0x1] =	wrdreg $0xFFFFFFFF  }
0xa7: {  	s28 =	simm.s32 $_size_execute0_lowered;
	s3 =	sadd.s32 s3, s5;
	[dreg:$0x0] =	wrdreg $0x0  }
0xa8: {  	s5 =	sshll.u32 s28, $0x1;
	[dreg:$0x2] =	wrdreg s3  }
0xa9: {  	[dreg:$0x3] =	wrdreg s5  }
0xaa: {  	[dreg:$0x4] =	wrdreg $0xC0  }
0xab: {  	_ =	task [dreg:s7], $0x5FFFF  }
0xac: {  	[dreg:$0x1] =	wrdreg $0xFFFFFFFF  }
0xad: {  	[dreg:$0x0] =	wrdreg $0x60  }
0xae: {  	[dreg:$0x2] =	wrdreg s24  }
0xaf: {  	[dreg:$0x3] =	wrdreg s2  }
0xb0: {  	[dreg:$0x4] =	wrdreg $0x9  }
0xb1: {  	_ =	task.clear_ibuf [dreg:s7], $0x5FFFF;
	_ =	strace $0x90000046  }
0xb2: {  	s29 =	simm.s32 $0x9;
	_ =	strace $0x80000048  }
0xb3: {  	_ =	swait.ge [sflag:s29], $0x1  }
0xb4: {  	[sflag:s29] =	ssyncadd.s32 $0xFFFFFFFF  }
0xb5: {  	_ =	strace $0x90000048  }
0xb6: {  	_ =	sfence  }
0xb7: {  	s30 =	sld [smem:$0x0];
	_ =	sdelay $0x2  }
0xb8: {  	s31 =	sshll.u32 s1, $0xD;
	s1 =	sshrl.u32 s1, $0x2  }
0xb9: {  	s3 =	sand.u32 $0x4000, s31;
	s1 =	sadd.s32 s1, s30  }
0xba: {  	s0 =	sor.u32 s3, s0;
	s1 =	sshll.u32 s1, $0x11  }
0xbb: {  	s0 =	sor.u32 s1, s0  }
0xbc: {  	s0 =	sadd.s32 $0x8F2B, s0  }
0xbd: {  	[sflag:s0] =	ssyncadd.remote.s32 $0x1  }
0xbe: {  	_ =	sfence.sel $0xFFFF  }
0xbf: {  	[dreg:$0x0] =	wrdreg $0xFFFFFFFF;
	(pc) =	sbr.abs _section_cstart, $3  }
0xc0: {  	[dreg:$0x1] =	wrdreg $0xFFFFFFFF  }
0xc1: {  	_ =	task.clear_ibuf [dreg:s7], $0x2FFFF;
	_ =	strace $0x9FFFFFFF  }
0xc2: {  	(tm) =	ssettm $0x7FFFFFFF  }
0xc3: {  	_ =	shalt  }
tec
execute0_lowered:
.L_overlay_start_1:
0x0: {  	(tag) =	ssettag $0x1  }
0x1: {  	s1 =	rddreg [dreg:$0x0];
	s2 =	stileid.u32  }
0x2: {  	s3 =	rddreg [dreg:$0x1];
	s4 =	sshll.u32 s2, $0x7;
	s2 =	simm.s32 $0x0  }
0x3: {  	s13 =	simm.s32 $0x200;
	[smem:$0x7FF] =	sst s2  }
0x4: {  	s14 =	simm.s32 $0x400;
	_ =	strace $0x80000047;
	[dreg:$0x18] =	wrdreg s13  }
0x5: {  	s0 =	srdreg.scid;
	s15 =	simm.s32 $0x880;
	[dreg:$0x19] =	wrdreg s14  }
0x6: {  	s0 =	sand.u32 $0x1, s0;
	[dreg:$0x1a] =	wrdreg s15;
	s13 =	simm.s32 $0xF00  }
0x7: {  	s5 =	sshll.u32 s0, $0x6;
	s14 =	simm.s32 $0x1100;
	[smem:$0x7DD] =	sst s13  }
0x8: {  	s4 =	sor.u32 s5, s4;
	s15 =	simm.s32 $0x1300;
	[smem:$0x7DE] =	sst s14  }
0x9: {  	s3 =	sadd.s32 s3, s4;
	[smem:$0x7DF] =	sst s15  }
0xa: {  	s13 =	simm.s32 $0xD80;
	[dreg:$0x5] =	wrdreg s3  }
0xb: {  	s14 =	simm.s32 $0xF80;
	[smem:$0x7EE] =	sst s13  }
0xc: {  	s5 =	sadd.s32 s4, s1;
	s15 =	simm.s32 $0x1180;
	[smem:$0x7EF] =	sst s14  }
0xd: {  	s6 =	sadd.s32 $0x1C00, s5;
	[smem:$0x7F0] =	sst s15  }
0xe: {  	s16 =	sadd.s32 $0x1400, s5;
	[dreg:$0x3] =	wrdreg s6  }
0xf: {  	s17 =	sadd.s32 $0x230400, s5;
	[dreg:$0x4] =	wrdreg s16  }
0x10: {  	s18 =	sadd.s32 $0x230C00, s5;
	[dreg:$0x6] =	wrdreg s17  }
0x11: {  	s19 =	sadd.s32 $0x231400, s5;
	[dreg:$0x7] =	wrdreg s18  }
0x12: {  	s20 =	sadd.s32 $0x231C00, s5;
	[dreg:$0x8] =	wrdreg s19  }
0x13: {  	s21 =	sadd.s32 $0x232400, s5;
	[dreg:$0x9] =	wrdreg s20  }
0x14: {  	s22 =	sadd.s32 $0x232C00, s5;
	[dreg:$0xa] =	wrdreg s21  }
0x15: {  	s23 =	sadd.s32 $0x233400, s5;
	[dreg:$0xb] =	wrdreg s22  }
0x16: {  	s24 =	sadd.s32 $0x233C00, s5;
	[dreg:$0xc] =	wrdreg s23  }
0x17: {  	s25 =	sadd.s32 $0x234400, s5;
	[dreg:$0xd] =	wrdreg s24  }
0x18: {  	s26 =	sadd.s32 $0x234C00, s5;
	[dreg:$0xe] =	wrdreg s25  }
0x19: {  	s4 =	sadd.s32 $0x235400, s5;
	[dreg:$0xf] =	wrdreg s26  }
0x1a: {  	s7 =	sadd.s32 $0x236400, s5;
	[dreg:$0x10] =	wrdreg s4  }
0x1b: {  	s8 =	sadd.s32 $0x236C00, s5;
	[dreg:$0x12] =	wrdreg s7  }
0x1c: {  	s9 =	sadd.s32 $0x237400, s5;
	[dreg:$0x13] =	wrdreg s8  }
0x1d: {  	s10 =	sadd.s32 $0x237C00, s5;
	[dreg:$0x14] =	wrdreg s9  }
0x1e: {  	s11 =	sadd.s32 $0x238400, s5;
	[dreg:$0x15] =	wrdreg s10  }
0x1f: {  	s12 =	sadd.s32 $0x238C00, s5;
	[dreg:$0x16] =	wrdreg s11  }
0x20: {  	s6 =	sadd.s32 $0x235C00, s5;
	[dreg:$0x17] =	wrdreg s12  }
0x21: {  	s16 =	simm.s32 $0xA80;
	[dreg:$0x11] =	wrdreg s6  }
0x22: {  	s17 =	simm.s32 $0xC80;
	[dreg:$0x1b] =	wrdreg s16  }
0x23: {  	s18 =	simm.s32 $0xE80;
	[dreg:$0x1c] =	wrdreg s17  }
0x24: {  	s19 =	simm.s32 $0x1080;
	[dreg:$0x1d] =	wrdreg s18  }
0x25: {  	s20 =	simm.s32 $0x1280;
	[dreg:$0x1e] =	wrdreg s19  }
0x26: {  	s21 =	simm.s32 $0x1480;
	[dreg:$0x1f] =	wrdreg s20  }
0x27: {  	s22 =	simm.s32 $0x1680;
	[smem:$0x7CE] =	sst s21  }
0x28: {  	s23 =	simm.s32 $0x1880;
	[smem:$0x7CF] =	sst s22  }
0x29: {  	s24 =	simm.s32 $0x1A80;
	[smem:$0x7D0] =	sst s23  }
0x2a: {  	s25 =	simm.s32 $0x1C80;
	[smem:$0x7D1] =	sst s24  }
0x2b: {  	s26 =	simm.s32 $0x1E80;
	[smem:$0x7D2] =	sst s25  }
0x2c: {  	s4 =	simm.s32 $0x2080;
	[smem:$0x7D3] =	sst s26  }
0x2d: {  	s5 =	simm.s32 $0x2280;
	[smem:$0x7D4] =	sst s4  }
0x2e: {  	s7 =	simm.s32 $0x2680;
	[smem:$0x7D5] =	sst s5  }
0x2f: {  	s8 =	simm.s32 $0x2880;
	[smem:$0x7D7] =	sst s7  }
0x30: {  	s9 =	simm.s32 $0x2A80;
	[smem:$0x7D8] =	sst s8  }
0x31: {  	s10 =	simm.s32 $0x900;
	[smem:$0x7D9] =	sst s9  }
0x32: {  	s11 =	simm.s32 $0xB00;
	[smem:$0x7DA] =	sst s10  }
0x33: {  	s28 =	simm.s32 $0x680;
	s12 =	simm.s32 $0xD00;
	[smem:$0x7DB] =	sst s11  }
0x34: {  	s29 =	simm.s32 $0x700;
	s6 =	simm.s32 $0x2480;
	[smem:$0x7DC] =	sst s12  }
0x35: {  	s30 =	simm.s32 $0x780;
	s16 =	simm.s32 $0x1500;
	[smem:$0x7D6] =	sst s6  }
0x36: {  	s31 =	simm.s32 $0x1;
	s17 =	simm.s32 $0x1700;
	[smem:$0x7E0] =	sst s16  }
0x37: {  	s0 =	ssub.s32 $0x2, s0;
	s18 =	simm.s32 $0x1900;
	[smem:$0x7E1] =	sst s17  }
0x38: {  	s3 =	sadd.s32 $0x195400, s1;
	s19 =	simm.s32 $0x1B00;
	[smem:$0x7E2] =	sst s18  }
0x39: {  	s13 =	sadd.s32 $0x9D400, s1;
	s20 =	simm.s32 $0x1D00;
	[smem:$0x7E3] =	sst s19  }
0x3a: {  	s14 =	sadd.s32 $0xBC400, s1;
	s21 =	simm.s32 $0x1F00;
	[smem:$0x7E4] =	sst s20  }
0x3b: {  	s15 =	sadd.s32 $0xDB400, s1;
	s22 =	simm.s32 $0x2100;
	[smem:$0x7E5] =	sst s21  }
0x3c: {  	s4 =	sadd.s32 $0x1B4400, s1;
	s23 =	simm.s32 $0x2300;
	[smem:$0x7E6] =	sst s22  }
0x3d: {  	s5 =	sadd.s32 $0x1D3400, s1;
	s7 =	simm.s32 $0x2500;
	[smem:$0x7E7] =	sst s23  }
0x3e: {  	s8 =	simm.s32 $0x2700;
	s9 =	simm.s32 $0x2900;
	[smem:$0x7E8] =	sst s7  }
0x3f: {  	s10 =	simm.s32 $0x2B00;
	s11 =	simm.s32 $0x980;
	[smem:$0x7E9] =	sst s8  }
0x40: {  	s12 =	simm.s32 $0xB80;
	s24 =	simm.s32 $0x1F80;
	[smem:$0x7EA] =	sst s9  }
0x41: {  	s25 =	simm.s32 $0x2180;
	s6 =	sadd.s32 $0x1F2400, s1;
	[smem:$0x7EB] =	sst s10  }
0x42: {  	s26 =	sshrl.u32 s0, $0x1;
	s7 =	sadd.s32 $0x211400, s1;
	[smem:$0x7EC] =	sst s11  }
0x43: {  	s8 =	sadd.s32 $0x2400, s1;
	s9 =	sadd.s32 $0x21400, s1;
	[smem:$0x7ED] =	sst s12  }
0x44: {  	s10 =	sadd.s32 $0x40400, s1;
	s11 =	sadd.s32 $0x5F400, s1;
	[smem:$0x7F7] =	sst s24  }
0x45: {  	s12 =	sadd.s32 $0x7E400, s1;
	s16 =	simm.s32 $0x1380;
	[smem:$0x7F8] =	sst s25  }
0x46: {  	s17 =	simm.s32 $0x1580;
	s18 =	simm.s32 $0x1780;
	[smem:$0x7F1] =	sst s16  }
0x47: {  	s19 =	simm.s32 $0x1980;
	s20 =	simm.s32 $0x1B80;
	[smem:$0x7F2] =	sst s17  }
0x48: {  	s21 =	simm.s32 $0x1D80;
	s22 =	simm.s32 $0x2380;
	[smem:$0x7F3] =	sst s18  }
0x49: {  	s0 =	ssub.s32 s0, s26;
	s23 =	simm.s32 $0x2580;
	[smem:$0x7F4] =	sst s19  }
0x4a: {  	s24 =	simm.s32 $0x2780;
	s17 =	sadd.s32 $0x119400, s1;
	[smem:$0x7F5] =	sst s20  }
0x4b: {  	s25 =	simm.s32 $0x2980;
	s18 =	sadd.s32 $0x138400, s1;
	[smem:$0x7F6] =	sst s21  }
0x4c: {  	s26 =	simm.s32 $0x2B80;
	s19 =	sadd.s32 $0x157400, s1;
	[smem:$0x7F9] =	sst s22  }
0x4d: {  	s16 =	sadd.s32 $0xFA400, s1;
	s20 =	sadd.s32 $0x176400, s1;
	[smem:$0x7FA] =	sst s23  }
0x4e: {  	s21 =	smax.u32 s0, $0x1;
	s22 =	simm.s32 $0x2;
	[smem:$0x7FB] =	sst s24  }
0x4f: {  	s23 =	simm.s32 $0x80;
	[smem:$0x7FC] =	sst s25;
	s24 =	simm.s32 $0x600  }
0x50: {  	[smem:$0x7FD] =	sst s26;
	s25 =	simm.s32 $0x800;
	s26 =	simm.s32 $0xA00  }
.LBB2_1:
0x51: {  	s1 =	rddreg [dreg:$0x3]  }
0x52: {  	[tilespmem:s2], [sflag:$0x2] =	stream.linear.gather [hbm4b:s1+s2], $0x200, $0x38;
	[tilespmem:$0x2C00] =	vst v63  }
0x53: {  	_ =	swait.ge [sflag:s22], $0x200  }
0x54: {  	s1 =	rddreg [dreg:$0x4];
	[sflag:s22] =	ssyncset.done $0x0  }
0x55: {  	s0 =	rddreg [dreg:$0x18];
	[sflag:s22] =	ssyncadd.s32 $0xFFFFFE00  }
0x56: {  	[tilespmem:s0], [sflag:$0x2] =	stream.linear.gather [hbm4b:s1+s2], $0x200, $0x38;
	[tilespmem:$0x2C00] =	vst v63  }
0x57: {  	_ =	swait.ge [sflag:s22], $0x200  }
0x58: {  	s0 =	rddreg [dreg:$0x5];
	[sflag:s22] =	ssyncset.done $0x0  }
0x59: {  	s1 =	rddreg [dreg:$0x19];
	[sflag:s22] =	ssyncadd.s32 $0xFFFFFE00  }
0x5a: {  	[tilespmem:s1], [sflag:$0x2] =	stream.linear.gather [hbm4b:s0+s2], $0x200, $0x38;
	[tilespmem:$0x2C00] =	vst v63  }
0x5b: {  	_ =	swait.ge [sflag:s22], $0x200  }
0x5c: {  	[sflag:s22] =	ssyncset.done $0x0  }
0x5d: {  	[sflag:s22] =	ssyncadd.s32 $0xFFFFFE00  }
0x5e: {  	v0 =	vld [tilespmem:$0x0]  }
0x5f: {  	v1 =	vld [tilespmem:$0x200]  }
0x60: {  	v2 =	vld [tilespmem:$0x400]  }
0x61: {  	v3 =	vld [tilespmem:$0x10]  }
0x62: {  	v4 =	vld [tilespmem:$0x210]  }
0x63: {  	v5 =	vld [tilespmem:$0x410]  }
0x64: {  	v6 =	vld [tilespmem:$0x20]  }
0x65: {  	v7 =	vld [tilespmem:$0x220]  }
0x66: {  	v8 =	vld [tilespmem:$0x420]  }
0x67: {  	v9 =	vld [tilespmem:$0x30]  }
0x68: {  	v10 =	vld [tilespmem:$0x230]  }
0x69: {  	v11 =	vld [tilespmem:$0x430]  }
0x6a: {  	v12 =	vld [tilespmem:$0x40]  }
0x6b: {  	v13 =	vld [tilespmem:$0x240]  }
0x6c: {  	v14 =	vld [tilespmem:$0x440]  }
0x6d: {  	v15 =	vld [tilespmem:$0x50]  }
0x6e: {  	v16 =	vld [tilespmem:$0x250]  }
0x6f: {  	v17 =	vld [tilespmem:$0x450]  }
0x70: {  	v18 =	vld [tilespmem:$0x60]  }
0x71: {  	v19 =	vld [tilespmem:$0x260]  }
0x72: {  	v20 =	vld [tilespmem:$0x460]  }
0x73: {  	v21 =	vld [tilespmem:$0x70]  }
0x74: {  	v22 =	vld [tilespmem:$0x270]  }
0x75: {  	v23 =	vld [tilespmem:$0x470]  }
0x76: {  	v24 =	vld [tilespmem:$0x80]  }
0x77: {  	v25 =	vld [tilespmem:$0x280]  }
0x78: {  	v26 =	vld [tilespmem:$0x480]  }
0x79: {  	v27 =	vld [tilespmem:$0x90]  }
0x7a: {  	v28 =	vld [tilespmem:$0x290]  }
0x7b: {  	v29 =	vld [tilespmem:$0x490]  }
0x7c: {  	v30 =	vld [tilespmem:$0xA0]  }
0x7d: {  	v31 =	vld [tilespmem:$0x2A0]  }
0x7e: {  	v32 =	vld [tilespmem:$0x4A0]  }
0x7f: {  	v33 =	vld [tilespmem:$0xB0]  }
0x80: {  	v34 =	vld [tilespmem:$0x2B0]  }
0x81: {  	v35 =	vld [tilespmem:$0x4B0]  }
0x82: {  	v36 =	vld [tilespmem:$0xC0]  }
0x83: {  	v37 =	vld [tilespmem:$0x2C0]  }
0x84: {  	v38 =	vld [tilespmem:$0x4C0]  }
0x85: {  	v39 =	vld [tilespmem:$0xD0]  }
0x86: {  	v40 =	vld [tilespmem:$0x2D0]  }
0x87: {  	v41 =	vld [tilespmem:$0x4D0]  }
0x88: {  	v42 =	vld [tilespmem:$0xE0]  }
0x89: {  	v43 =	vld [tilespmem:$0x2E0]  }
0x8a: {  	v44 =	vld [tilespmem:$0x4E0]  }
0x8b: {  	v45 =	vld [tilespmem:$0xF0]  }
0x8c: {  	v46 =	vld [tilespmem:$0x2F0]  }
0x8d: {  	v47 =	vld [tilespmem:$0x4F0]  }
0x8e: {  	v48 =	vld [tilespmem:$0x100]  }
0x8f: {  	v49 =	vld [tilespmem:$0x300]  }
0x90: {  	v50 =	vld [tilespmem:$0x500]  }
0x91: {  	v51 =	vld [tilespmem:$0x110]  }
0x92: {  	v52 =	vld [tilespmem:$0x310]  }
0x93: {  	v53 =	vld [tilespmem:$0x510]  }
0x94: {  	v54 =	vld [tilespmem:$0x120]  }
0x95: {  	v55 =	vld [tilespmem:$0x320]  }
0x96: {  	v57 =	vld [tilespmem:$0x130];
	v56 =	vmul.u32 $0x2710, v0  }
0x97: {  	v58 =	vld [tilespmem:$0x330];
	v1 =	vmul.u32 $0x64, v1;
	v3 =	vmul.u32 $0x2710, v3;
	v4 =	vmul.u32 $0x64, v4  }
0x98: {  	v0 =	vld [tilespmem:$0x520];
	v6 =	vmul.u32 $0x2710, v6;
	v7 =	vmul.u32 $0x64, v7;
	v61 =	vmul.u32 $0x2710, v9  }
0x99: {  	v62 =	vmul.u32 $0x64, v10;
	v63 =	vmul.u32 $0x2710, v12;
	v12 =	vld [tilespmem:$0x140];
	v13 =	vmul.u32 $0x64, v13  }
0x9a: {  	v15 =	vmul.u32 $0x2710, v15;
	v16 =	vmul.u32 $0x64, v16;
	v9 =	vld [tilespmem:$0x150];
	v24 =	vmul.u32 $0x2710, v24  }
0x9b: {  	v25 =	vmul.u32 $0x64, v25;
	v36 =	vmul.u32 $0x2710, v36;
	v60 =	vadd.s32 v6, v7;
	v6 =	vld [tilespmem:$0x530]  }
0x9c: {  	v37 =	vmul.u32 $0x64, v37;
	v39 =	vmul.u32 $0x2710, v39;
	v1 =	vadd.s32 v56, v1;
	v56 =	vld [tilespmem:$0x340]  }
0x9d: {  	v40 =	vmul.u32 $0x64, v40;
	v42 =	vmul.u32 $0x2710, v42;
	v3 =	vadd.s32 v3, v4;
	v4 =	vld [tilespmem:$0x540]  }
0x9e: {  	v43 =	vmul.u32 $0x64, v43;
	v7 =	vadd.s32 v63, v13;
	v59 =	vadd.s32 v15, v16;
	v16 =	vld [tilespmem:$0x350]  }
0x9f: {  	v63 =	vmul.u32 $0x64, v22;
	v22 =	vld [tilespmem:$0x550];
	v1 =	vadd.s32 v2, v1;
	v2 =	vadd.s32 v5, v3  }
0xa0: {  	v15 =	vld [tilespmem:$0x360];
	v3 =	vadd.s32 v8, v60;
	v5 =	vadd.s32 v61, v62;
	v60 =	vmul.u32 $0x2710, v18  }
0xa1: {  	v61 =	vmul.u32 $0x64, v19;
	v62 =	vmul.u32 $0x2710, v21;
	v7 =	vadd.s32 v14, v7;
	v21 =	vld [tilespmem:$0x560]  }
0xa2: {  	v8 =	vadd.s32 v17, v59;
	v14 =	vadd.s32 v24, v25;
	v18 =	vmul.u32 $0x64, v28;
	v28 =	vld [tilespmem:$0x170]  }
0xa3: {  	v17 =	vmul.u32 $0x2710, v27;
	v59 =	vmul.u32 $0x2710, v30;
	v19 =	vld [tilespmem:$0x570];
	v5 =	vadd.s32 v11, v5  }
0xa4: {  	v24 =	vld [tilespmem:$0x180];
	[tilespmem:$0x620] =	vst v3;
	v3 =	vadd.s32 v36, v37;
	v36 =	vmul.u32 $0x64, v52;
	v10 =	vadd.s32 v60, v61  }
0xa5: {  	v27 =	vld [tilespmem:$0x380];
	[tilespmem:$0x600] =	vst v1;
	v13 =	vadd.s32 v62, v63;
	v60 =	vmul.u32 $0x64, v31;
	v61 =	vmul.u32 $0x2710, v33  }
0xa6: {  	v11 =	vld [tilespmem:$0x160];
	v62 =	vmul.u32 $0x64, v34;
	v31 =	vadd.s32 v17, v18;
	[tilespmem:$0x630] =	vst v5;
	v5 =	vadd.s32 v39, v40  }
0xa7: {  	[tilespmem:$0x610] =	vst v2;
	v37 =	vld [tilespmem:$0x1A0];
	v3 =	vadd.s32 v38, v3;
	v12 =	vmul.u32 $0x2710, v12;
	v52 =	vmul.u32 $0x2710, v9  }
0xa8: {  	[tilespmem:$0x640] =	vst v7;
	v18 =	vld [tilespmem:$0x580];
	v63 =	vadd.s32 v20, v10;
	v30 =	vadd.s32 v23, v13;
	v13 =	vadd.s32 v26, v14  }
0xa9: {  	[tilespmem:$0x650] =	vst v8;
	v40 =	vld [tilespmem:$0x3A0];
	v2 =	vadd.s32 v29, v31;
	v5 =	vadd.s32 v41, v5;
	v41 =	vmul.u32 $0x2710, v54  }
0xaa: {  	v14 =	vld [tilespmem:$0x370];
	[tilespmem:$0x6C0] =	vst v3;
	v33 =	vadd.s32 v59, v60;
	v34 =	vadd.s32 v61, v62;
	v61 =	vadd.s32 v42, v43  }
0xab: {  	v20 =	vld [tilespmem:$0x190];
	[tilespmem:$0x660] =	vst v63;
	v62 =	vmul.u32 $0x2710, v45;
	v63 =	vmul.u32 $0x64, v46;
	v42 =	vmul.u32 $0x64, v55  }
0xac: {  	v26 =	vld [tilespmem:$0x390];
	[tilespmem:$0x670] =	vst v30;
	v43 =	vmul.u32 $0x2710, v57;
	v45 =	vmul.u32 $0x64, v56;
	v55 =	vmul.u32 $0x64, v15  }
0xad: {  	v31 =	vld [tilespmem:$0x590];
	[tilespmem:$0x680] =	vst v13;
	v59 =	vadd.s32 v32, v33;
	v60 =	vadd.s32 v35, v34;
	v33 =	vmul.u32 $0x2710, v48  }
0xae: {  	v54 =	vld [tilespmem:$0x1C0];
	[tilespmem:$0x690] =	vst v2;
	v34 =	vmul.u32 $0x64, v49;
	v35 =	vmul.u32 $0x2710, v51;
	v8 =	vadd.s32 v44, v61  }
0xaf: {  	v30 =	vld [tilespmem:$0x5A0];
	[tilespmem:$0x6D0] =	vst v5;
	v44 =	vmul.u32 $0x64, v58;
	v56 =	vmul.u32 $0x2710, v28;
	v28 =	vmul.u32 $0x2710, v24  }
0xb0: {  	v46 =	vld [tilespmem:$0x1B0];
	v29 =	vmul.u32 $0x64, v27;
	v1 =	vadd.s32 v62, v63;
	[tilespmem:$0x6A0] =	vst v59;
	v49 =	vadd.s32 v41, v42  }
0xb1: {  	v57 =	vld [tilespmem:$0x3C0];
	[tilespmem:$0x6B0] =	vst v60;
	v12 =	vadd.s32 v12, v45;
	v11 =	vmul.u32 $0x2710, v11;
	v38 =	vadd.s32 v33, v34  }
0xb2: {  	v48 =	vld [tilespmem:$0x3B0];
	[tilespmem:$0x6E0] =	vst v8;
	v39 =	vadd.s32 v35, v36;
	v1 =	vadd.s32 v47, v1;
	v0 =	vadd.s32 v0, v49  }
0xb3: {  	v51 =	vld [tilespmem:$0x5B0];
	v4 =	vadd.s32 v4, v12;
	v36 =	vmul.u32 $0x2710, v37;
	v37 =	vmul.u32 $0x64, v40;
	[tilespmem:$0x6F0] =	vst v1  }
0xb4: {  	v59 =	vld [tilespmem:$0x5C0];
	v2 =	vadd.s32 v50, v38;
	v47 =	vadd.s32 v53, v39;
	v50 =	vadd.s32 v43, v44;
	[tilespmem:$0x720] =	vst v0  }
0xb5: {  	v62 =	vld [tilespmem:$0x1D0];
	v53 =	vmul.u32 $0x64, v16;
	v14 =	vmul.u32 $0x64, v14;
	v1 =	vadd.s32 v11, v55;
	[tilespmem:$0x740] =	vst v4  }
0xb6: {  	v42 =	vld [tilespmem:$0x1F0];
	v32 =	vmul.u32 $0x2710, v20;
	v35 =	vmul.u32 $0x64, v26;
	v39 =	vadd.s32 v28, v29;
	[tilespmem:$0x700] =	vst v2  }
0xb7: {  	v45 =	vld [tilespmem:$0x3F0];
	v58 =	vadd.s32 v6, v50;
	[tilespmem:$0x710] =	vst v47;
	v1 =	vadd.s32 v21, v1;
	v40 =	vmul.u32 $0x2710, v46  }
0xb8: {  	v34 =	vld [tilespmem:$0x1E0];
	v0 =	vadd.s32 v18, v39;
	v44 =	vadd.s32 v36, v37;
	v46 =	vmul.u32 $0x2710, v54;
	[tilespmem:$0x730] =	vst v58  }
0xb9: {  	v38 =	vld [tilespmem:$0x3E0];
	v47 =	vmul.u32 $0x64, v57;
	v60 =	vadd.s32 v52, v53;
	v41 =	vmul.u32 $0x64, v48;
	[tilespmem:$0x760] =	vst v1  }
0xba: {  	v61 =	vadd.s32 v56, v14;
	[tilespmem:$0x780] =	vst v0;
	v50 =	vadd.s32 v30, v44;
	v63 =	vadd.s32 v22, v60;
	v22 =	vld [tilespmem:$0x3D0]  }
0xbb: {  	v54 =	vld [tilespmem:$0x5F0];
	v43 =	vadd.s32 v32, v35;
	v21 =	vadd.s32 v19, v61;
	[tilespmem:$0x7A0] =	vst v50;
	v2 =	vadd.s32 v40, v41  }
0xbc: {  	v49 =	vadd.s32 v31, v43;
	v52 =	vadd.s32 v46, v47;
	[tilespmem:$0x750] =	vst v63;
	v2 =	vadd.s32 v51, v2;
	v51 =	vld [tilespmem:$0x5E0]  }
0xbd: {  	v48 =	vld [tilespmem:$0x5D0];
	v58 =	vmul.u32 $0x2710, v42;
	[tilespmem:$0x770] =	vst v21;
	v0 =	vadd.s32 v59, v52;
	v59 =	vmul.u32 $0x64, v45  }
0xbe: {  	[tilespmem:$0x790] =	vst v49;
	v55 =	vmul.u32 $0x2710, v34;
	v56 =	vmul.u32 $0x64, v38  }
0xbf: {  	v53 =	vmul.u32 $0x2710, v62;
	[tilespmem:$0x7C0] =	vst v0;
	v62 =	vadd.s32 v58, v59;
	v6 =	vmul.u32 $0x64, v22  }
0xc0: {  	[tilespmem:$0x7B0] =	vst v2;
	v1 =	vadd.s32 v55, v56;
	v63 =	vadd.s32 v54, v62  }
0xc1: {  	[tilespmem:$0x7F0] =	vst v63;
	v57 =	vadd.s32 v53, v6;
	v61 =	vadd.s32 v51, v1  }
0xc2: {  	v60 =	vadd.s32 v48, v57;
	[tilespmem:$0x7E0] =	vst v61  }
0xc3: {  	[tilespmem:$0x7D0] =	vst v60  }
0xc4: {  	[tilespmem:s25], [sflag:$0x1] =	stream.indirect.gather [hbm4b:s3+s23], $0x1, s24, s23, $0xb8;
	[tilespmem:$0x2C00] =	vst v63  }
0xc5: {  	_ = 	snop  }
0xc6: {  	[tilespmem:s26], [sflag:$0x1] =	stream.indirect.gather [hbm4b:s4+s23], $0x1, s24, s23, $0xb8;
	[tilespmem:$0x2C00] =	vst v63  }
0xc7: {  	s1 =	simm.s32 $0xC00  }
0xc8: {  	[tilespmem:s1], [sflag:$0x1] =	stream.indirect.gather [hbm4b:s5+s23], $0x1, s24, s23, $0xb8;
	[tilespmem:$0x2C00] =	vst v63  }
0xc9: {  	s1 =	simm.s32 $0xE00  }
0xca: {  	[tilespmem:s1], [sflag:$0x1] =	stream.indirect.gather [hbm4b:s6+s23], $0x1, s24, s23, $0xb8;
	[tilespmem:$0x2C00] =	vst v63  }
0xcb: {  	s1 =	simm.s32 $0x1000  }
0xcc: {  	[tilespmem:s1], [sflag:$0x1] =	stream.indirect.gather [hbm4b:s7+s23], $0x1, s24, s23, $0xb8;
	[tilespmem:$0x2C00] =	vst v63  }
0xcd: {  	s1 =	simm.s32 $0x1200  }
0xce: {  	[tilespmem:s1], [sflag:$0x1] =	stream.indirect.gather [hbm4b:s8+s23], $0x1, s24, s23, $0xb8;
	[tilespmem:$0x2C00] =	vst v63  }
0xcf: {  	s1 =	simm.s32 $0x1400  }
0xd0: {  	[tilespmem:s1], [sflag:$0x1] =	stream.indirect.gather [hbm4b:s9+s23], $0x1, s24, s23, $0xb8;
	[tilespmem:$0x2C00] =	vst v63  }
0xd1: {  	s1 =	simm.s32 $0x1600  }
0xd2: {  	[tilespmem:s1], [sflag:$0x1] =	stream.indirect.gather [hbm4b:s10+s23], $0x1, s24, s23, $0xb8;
	[tilespmem:$0x2C00] =	vst v63  }
0xd3: {  	s1 =	simm.s32 $0x1800  }
0xd4: {  	[tilespmem:s1], [sflag:$0x1] =	stream.indirect.gather [hbm4b:s11+s23], $0x1, s24, s23, $0xb8;
	[tilespmem:$0x2C00] =	vst v63  }
0xd5: {  	s1 =	simm.s32 $0x1A00  }
0xd6: {  	[tilespmem:s1], [sflag:$0x1] =	stream.indirect.gather [hbm4b:s12+s23], $0x1, s24, s23, $0xb8;
	[tilespmem:$0x2C00] =	vst v63  }
0xd7: {  	s1 =	simm.s32 $0x1C00  }
0xd8: {  	[tilespmem:s1], [sflag:$0x1] =	stream.indirect.gather [hbm4b:s13+s23], $0x1, s24, s23, $0xb8;
	[tilespmem:$0x2C00] =	vst v63  }
0xd9: {  	s1 =	simm.s32 $0x1E00  }
0xda: {  	[tilespmem:s1], [sflag:$0x1] =	stream.indirect.gather [hbm4b:s14+s23], $0x1, s24, s23, $0xb8;
	[tilespmem:$0x2C00] =	vst v63  }
0xdb: {  	s1 =	simm.s32 $0x2000  }
0xdc: {  	[tilespmem:s1], [sflag:$0x1] =	stream.indirect.gather [hbm4b:s15+s23], $0x1, s24, s23, $0xb8;
	[tilespmem:$0x2C00] =	vst v63  }
0xdd: {  	s1 =	simm.s32 $0x2200  }
0xde: {  	[tilespmem:s1], [sflag:$0x1] =	stream.indirect.gather [hbm4b:s16+s23], $0x1, s24, s23, $0xb8;
	[tilespmem:$0x2C00] =	vst v63  }
0xdf: {  	s1 =	simm.s32 $0x2400  }
0xe0: {  	[tilespmem:s1], [sflag:$0x1] =	stream.indirect.gather [hbm4b:s17+s23], $0x1, s24, s23, $0xb8;
	[tilespmem:$0x2C00] =	vst v63  }
0xe1: {  	s1 =	simm.s32 $0x2600  }
0xe2: {  	[tilespmem:s1], [sflag:$0x1] =	stream.indirect.gather [hbm4b:s18+s23], $0x1, s24, s23, $0xb8;
	[tilespmem:$0x2C00] =	vst v63  }
0xe3: {  	s1 =	simm.s32 $0x2800  }
0xe4: {  	[tilespmem:s1], [sflag:$0x1] =	stream.indirect.gather [hbm4b:s19+s23], $0x1, s24, s23, $0xb8;
	[tilespmem:$0x2C00] =	vst v63  }
0xe5: {  	s0 =	rddreg [dreg:$0x1a];
	s1 =	simm.s32 $0x2A00  }
0xe6: {  	[tilespmem:s1], [sflag:$0x1] =	stream.indirect.gather [hbm4b:s20+s23], $0x1, s24, s23, $0xb8;
	[tilespmem:$0x2C00] =	vst v63  }
0xe7: {  	s1 =	rddreg [dreg:$0x1b]  }
0xe8: {  	[tilespmem:s0], [sflag:$0x1] =	stream.indirect.gather [hbm4b:s3+s23], $0x1, s28, s23, $0xb8;
	[tilespmem:$0x2C00] =	vst v63  }
0xe9: {  	s0 =	rddreg [dreg:$0x1c]  }
0xea: {  	[tilespmem:s1], [sflag:$0x1] =	stream.indirect.gather [hbm4b:s4+s23], $0x1, s28, s23, $0xb8;
	[tilespmem:$0x2C00] =	vst v63  }
0xeb: {  	s1 =	rddreg [dreg:$0x1d]  }
0xec: {  	[tilespmem:s0], [sflag:$0x1] =	stream.indirect.gather [hbm4b:s5+s23], $0x1, s28, s23, $0xb8;
	[tilespmem:$0x2C00] =	vst v63  }
0xed: {  	s0 =	rddreg [dreg:$0x1e]  }
0xee: {  	[tilespmem:s1], [sflag:$0x1] =	stream.indirect.gather [hbm4b:s6+s23], $0x1, s28, s23, $0xb8;
	[tilespmem:$0x2C00] =	vst v63  }
0xef: {  	s1 =	rddreg [dreg:$0x1f]  }
0xf0: {  	[tilespmem:s0], [sflag:$0x1] =	stream.indirect.gather [hbm4b:s7+s23], $0x1, s28, s23, $0xb8;
	[tilespmem:$0x2C00] =	vst v63  }
0xf1: {  	s0 =	sld [smem:$0x7CE]  }
0xf2: {  	[tilespmem:s1], [sflag:$0x1] =	stream.indirect.gather [hbm4b:s8+s23], $0x1, s28, s23, $0xb8;
	[tilespmem:$0x2C00] =	vst v63  }
0xf3: {  	s1 =	sld [smem:$0x7CF]  }
0xf4: {  	[tilespmem:s0], [sflag:$0x1] =	stream.indirect.gather [hbm4b:s9+s23], $0x1, s28, s23, $0xb8;
	[tilespmem:$0x2C00] =	vst v63  }
0xf5: {  	s0 =	sld [smem:$0x7D0]  }
0xf6: {  	[tilespmem:s1], [sflag:$0x1] =	stream.indirect.gather [hbm4b:s10+s23], $0x1, s28, s23, $0xb8;
	[tilespmem:$0x2C00] =	vst v63  }
0xf7: {  	s1 =	sld [smem:$0x7D1]  }
0xf8: {  	[tilespmem:s0], [sflag:$0x1] =	stream.indirect.gather [hbm4b:s11+s23], $0x1, s28, s23, $0xb8;
	[tilespmem:$0x2C00] =	vst v63  }
0xf9: {  	s0 =	sld [smem:$0x7D2]  }
0xfa: {  	[tilespmem:s1], [sflag:$0x1] =	stream.indirect.gather [hbm4b:s12+s23], $0x1, s28, s23, $0xb8;
	[tilespmem:$0x2C00] =	vst v63  }
0xfb: {  	s1 =	sld [smem:$0x7D3]  }
0xfc: {  	[tilespmem:s0], [sflag:$0x1] =	stream.indirect.gather [hbm4b:s13+s23], $0x1, s28, s23, $0xb8;
	[tilespmem:$0x2C00] =	vst v63  }
0xfd: {  	s0 =	sld [smem:$0x7D4]  }
0xfe: {  	[tilespmem:s1], [sflag:$0x1] =	stream.indirect.gather [hbm4b:s14+s23], $0x1, s28, s23, $0xb8;
	[tilespmem:$0x2C00] =	vst v63  }
0xff: {  	s1 =	sld [smem:$0x7D5]  }
0x100: {  	[tilespmem:s0], [sflag:$0x1] =	stream.indirect.gather [hbm4b:s15+s23], $0x1, s28, s23, $0xb8;
	[tilespmem:$0x2C00] =	vst v63  }
0x101: {  	s0 =	sld [smem:$0x7D6]  }
0x102: {  	[tilespmem:s1], [sflag:$0x1] =	stream.indirect.gather [hbm4b:s16+s23], $0x1, s28, s23, $0xb8;
	[tilespmem:$0x2C00] =	vst v63  }
0x103: {  	s1 =	sld [smem:$0x7D7]  }
0x104: {  	[tilespmem:s0], [sflag:$0x1] =	stream.indirect.gather [hbm4b:s17+s23], $0x1, s28, s23, $0xb8;
	[tilespmem:$0x2C00] =	vst v63  }
0x105: {  	s0 =	sld [smem:$0x7D8]  }
0x106: {  	[tilespmem:s1], [sflag:$0x1] =	stream.indirect.gather [hbm4b:s18+s23], $0x1, s28, s23, $0xb8;
	[tilespmem:$0x2C00] =	vst v63  }
0x107: {  	s1 =	sld [smem:$0x7D9]  }
0x108: {  	[tilespmem:s0], [sflag:$0x1] =	stream.indirect.gather [hbm4b:s19+s23], $0x1, s28, s23, $0xb8;
	[tilespmem:$0x2C00] =	vst v63  }
0x109: {  	s0 =	sld [smem:$0x7DA]  }
0x10a: {  	[tilespmem:s1], [sflag:$0x1] =	stream.indirect.gather [hbm4b:s20+s23], $0x1, s28, s23, $0xb8;
	[tilespmem:$0x2C00] =	vst v63  }
0x10b: {  	s1 =	sld [smem:$0x7DB]  }
0x10c: {  	[tilespmem:s0], [sflag:$0x1] =	stream.indirect.gather [hbm4b:s3+s23], $0x1, s29, s23, $0xb8;
	[tilespmem:$0x2C00] =	vst v63  }
0x10d: {  	s0 =	sld [smem:$0x7DC]  }
0x10e: {  	[tilespmem:s1], [sflag:$0x1] =	stream.indirect.gather [hbm4b:s4+s23], $0x1, s29, s23, $0xb8;
	[tilespmem:$0x2C00] =	vst v63  }
0x10f: {  	s1 =	sld [smem:$0x7DD]  }
0x110: {  	[tilespmem:s0], [sflag:$0x1] =	stream.indirect.gather [hbm4b:s5+s23], $0x1, s29, s23, $0xb8;
	[tilespmem:$0x2C00] =	vst v63  }
0x111: {  	s0 =	sld [smem:$0x7DE]  }
0x112: {  	[tilespmem:s1], [sflag:$0x1] =	stream.indirect.gather [hbm4b:s6+s23], $0x1, s29, s23, $0xb8;
	[tilespmem:$0x2C00] =	vst v63  }
0x113: {  	s1 =	sld [smem:$0x7DF]  }
0x114: {  	[tilespmem:s0], [sflag:$0x1] =	stream.indirect.gather [hbm4b:s7+s23], $0x1, s29, s23, $0xb8;
	[tilespmem:$0x2C00] =	vst v63  }
0x115: {  	s0 =	sld [smem:$0x7E0]  }
0x116: {  	[tilespmem:s1], [sflag:$0x1] =	stream.indirect.gather [hbm4b:s8+s23], $0x1, s29, s23, $0xb8;
	[tilespmem:$0x2C00] =	vst v63  }
0x117: {  	s1 =	sld [smem:$0x7E1]  }
0x118: {  	[tilespmem:s0], [sflag:$0x1] =	stream.indirect.gather [hbm4b:s9+s23], $0x1, s29, s23, $0xb8;
	[tilespmem:$0x2C00] =	vst v63  }
0x119: {  	s0 =	sld [smem:$0x7E2]  }
0x11a: {  	[tilespmem:s1], [sflag:$0x1] =	stream.indirect.gather [hbm4b:s10+s23], $0x1, s29, s23, $0xb8;
	[tilespmem:$0x2C00] =	vst v63  }
0x11b: {  	s1 =	sld [smem:$0x7E3]  }
0x11c: {  	[tilespmem:s0], [sflag:$0x1] =	stream.indirect.gather [hbm4b:s11+s23], $0x1, s29, s23, $0xb8;
	[tilespmem:$0x2C00] =	vst v63  }
0x11d: {  	s0 =	sld [smem:$0x7E4]  }
0x11e: {  	[tilespmem:s1], [sflag:$0x1] =	stream.indirect.gather [hbm4b:s12+s23], $0x1, s29, s23, $0xb8;
	[tilespmem:$0x2C00] =	vst v63  }
0x11f: {  	s1 =	sld [smem:$0x7E5]  }
0x120: {  	[tilespmem:s0], [sflag:$0x1] =	stream.indirect.gather [hbm4b:s13+s23], $0x1, s29, s23, $0xb8;
	[tilespmem:$0x2C00] =	vst v63  }
0x121: {  	s0 =	sld [smem:$0x7E6]  }
0x122: {  	[tilespmem:s1], [sflag:$0x1] =	stream.indirect.gather [hbm4b:s14+s23], $0x1, s29, s23, $0xb8;
	[tilespmem:$0x2C00] =	vst v63  }
0x123: {  	s1 =	sld [smem:$0x7E7]  }
0x124: {  	[tilespmem:s0], [sflag:$0x1] =	stream.indirect.gather [hbm4b:s15+s23], $0x1, s29, s23, $0xb8;
	[tilespmem:$0x2C00] =	vst v63  }
0x125: {  	s0 =	sld [smem:$0x7E8]  }
0x126: {  	[tilespmem:s1], [sflag:$0x1] =	stream.indirect.gather [hbm4b:s16+s23], $0x1, s29, s23, $0xb8;
	[tilespmem:$0x2C00] =	vst v63  }
0x127: {  	s1 =	sld [smem:$0x7E9]  }
0x128: {  	[tilespmem:s0], [sflag:$0x1] =	stream.indirect.gather [hbm4b:s17+s23], $0x1, s29, s23, $0xb8;
	[tilespmem:$0x2C00] =	vst v63  }
0x129: {  	s0 =	sld [smem:$0x7EA]  }
0x12a: {  	[tilespmem:s1], [sflag:$0x1] =	stream.indirect.gather [hbm4b:s18+s23], $0x1, s29, s23, $0xb8;
	[tilespmem:$0x2C00] =	vst v63  }
0x12b: {  	s1 =	sld [smem:$0x7EB]  }
0x12c: {  	[tilespmem:s0], [sflag:$0x1] =	stream.indirect.gather [hbm4b:s19+s23], $0x1, s29, s23, $0xb8;
	[tilespmem:$0x2C00] =	vst v63  }
0x12d: {  	s0 =	sld [smem:$0x7EC]  }
0x12e: {  	[tilespmem:s1], [sflag:$0x1] =	stream.indirect.gather [hbm4b:s20+s23], $0x1, s29, s23, $0xb8;
	[tilespmem:$0x2C00] =	vst v63  }
0x12f: {  	s1 =	sld [smem:$0x7ED]  }
0x130: {  	[tilespmem:s0], [sflag:$0x1] =	stream.indirect.gather [hbm4b:s3+s23], $0x1, s30, s23, $0xb8;
	[tilespmem:$0x2C00] =	vst v63  }
0x131: {  	s0 =	sld [smem:$0x7EE]  }
0x132: {  	[tilespmem:s1], [sflag:$0x1] =	stream.indirect.gather [hbm4b:s4+s23], $0x1, s30, s23, $0xb8;
	[tilespmem:$0x2C00] =	vst v63  }
0x133: {  	s1 =	sld [smem:$0x7EF]  }
0x134: {  	[tilespmem:s0], [sflag:$0x1] =	stream.indirect.gather [hbm4b:s5+s23], $0x1, s30, s23, $0xb8;
	[tilespmem:$0x2C00] =	vst v63  }
0x135: {  	s0 =	sld [smem:$0x7F0]  }
0x136: {  	[tilespmem:s1], [sflag:$0x1] =	stream.indirect.gather [hbm4b:s6+s23], $0x1, s30, s23, $0xb8;
	[tilespmem:$0x2C00] =	vst v63  }
0x137: {  	s1 =	sld [smem:$0x7F1]  }
0x138: {  	[tilespmem:s0], [sflag:$0x1] =	stream.indirect.gather [hbm4b:s7+s23], $0x1, s30, s23, $0xb8;
	[tilespmem:$0x2C00] =	vst v63  }
0x139: {  	s0 =	sld [smem:$0x7F2]  }
0x13a: {  	[tilespmem:s1], [sflag:$0x1] =	stream.indirect.gather [hbm4b:s8+s23], $0x1, s30, s23, $0xb8;
	[tilespmem:$0x2C00] =	vst v63  }
0x13b: {  	s1 =	sld [smem:$0x7F3]  }
0x13c: {  	[tilespmem:s0], [sflag:$0x1] =	stream.indirect.gather [hbm4b:s9+s23], $0x1, s30, s23, $0xb8;
	[tilespmem:$0x2C00] =	vst v63  }
0x13d: {  	s0 =	sld [smem:$0x7F4]  }
0x13e: {  	[tilespmem:s1], [sflag:$0x1] =	stream.indirect.gather [hbm4b:s10+s23], $0x1, s30, s23, $0xb8;
	[tilespmem:$0x2C00] =	vst v63  }
0x13f: {  	s1 =	sld [smem:$0x7F5]  }
0x140: {  	[tilespmem:s0], [sflag:$0x1] =	stream.indirect.gather [hbm4b:s11+s23], $0x1, s30, s23, $0xb8;
	[tilespmem:$0x2C00] =	vst v63  }
0x141: {  	s0 =	sld [smem:$0x7F6]  }
0x142: {  	[tilespmem:s1], [sflag:$0x1] =	stream.indirect.gather [hbm4b:s12+s23], $0x1, s30, s23, $0xb8;
	[tilespmem:$0x2C00] =	vst v63  }
0x143: {  	s1 =	sld [smem:$0x7F7]  }
0x144: {  	[tilespmem:s0], [sflag:$0x1] =	stream.indirect.gather [hbm4b:s13+s23], $0x1, s30, s23, $0xb8;
	[tilespmem:$0x2C00] =	vst v63  }
0x145: {  	s0 =	sld [smem:$0x7F8]  }
0x146: {  	[tilespmem:s1], [sflag:$0x1] =	stream.indirect.gather [hbm4b:s14+s23], $0x1, s30, s23, $0xb8;
	[tilespmem:$0x2C00] =	vst v63  }
0x147: {  	s1 =	sld [smem:$0x7F9]  }
0x148: {  	[tilespmem:s0], [sflag:$0x1] =	stream.indirect.gather [hbm4b:s15+s23], $0x1, s30, s23, $0xb8;
	[tilespmem:$0x2C00] =	vst v63  }
0x149: {  	s0 =	sld [smem:$0x7FA]  }
0x14a: {  	[tilespmem:s1], [sflag:$0x1] =	stream.indirect.gather [hbm4b:s16+s23], $0x1, s30, s23, $0xb8;
	[tilespmem:$0x2C00] =	vst v63  }
0x14b: {  	s1 =	sld [smem:$0x7FB]  }
0x14c: {  	[tilespmem:s0], [sflag:$0x1] =	stream.indirect.gather [hbm4b:s17+s23], $0x1, s30, s23, $0xb8;
	[tilespmem:$0x2C00] =	vst v63  }
0x14d: {  	s0 =	sld [smem:$0x7FC]  }
0x14e: {  	[tilespmem:s1], [sflag:$0x1] =	stream.indirect.gather [hbm4b:s18+s23], $0x1, s30, s23, $0xb8;
	[tilespmem:$0x2C00] =	vst v63  }
0x14f: {  	s1 =	sld [smem:$0x7FD]  }
0x150: {  	[tilespmem:s0], [sflag:$0x1] =	stream.indirect.gather [hbm4b:s19+s23], $0x1, s30, s23, $0xb8;
	[tilespmem:$0x2C00] =	vst v63  }
0x151: {  	_ = 	snop  }
0x152: {  	[tilespmem:s1], [sflag:$0x1] =	stream.indirect.gather [hbm4b:s20+s23], $0x1, s30, s23, $0xb8;
	[tilespmem:$0x2C00] =	vst v63  }
0x153: {  	_ =	swait.ge [sflag:s31], $0x80  }
0x154: {  	[sflag:s31] =	ssyncset.done $0x0  }
0x155: {  	[sflag:s31] =	ssyncadd.s32 $0xFFFFFF80  }
0x156: {  	_ =	swait.ge [sflag:s31], $0x80  }
0x157: {  	[sflag:s31] =	ssyncset.done $0x0  }
0x158: {  	[sflag:s31] =	ssyncadd.s32 $0xFFFFFF80  }
0x159: {  	_ =	swait.ge [sflag:s31], $0x80  }
0x15a: {  	[sflag:s31] =	ssyncset.done $0x0  }
0x15b: {  	[sflag:s31] =	ssyncadd.s32 $0xFFFFFF80  }
0x15c: {  	_ =	swait.ge [sflag:s31], $0x80  }
0x15d: {  	[sflag:s31] =	ssyncset.done $0x0  }
0x15e: {  	[sflag:s31] =	ssyncadd.s32 $0xFFFFFF80  }
0x15f: {  	_ =	swait.ge [sflag:s31], $0x80  }
0x160: {  	[sflag:s31] =	ssyncset.done $0x0  }
0x161: {  	[sflag:s31] =	ssyncadd.s32 $0xFFFFFF80  }
0x162: {  	_ =	swait.ge [sflag:s31], $0x80  }
0x163: {  	[sflag:s31] =	ssyncset.done $0x0  }
0x164: {  	[sflag:s31] =	ssyncadd.s32 $0xFFFFFF80  }
0x165: {  	_ =	swait.ge [sflag:s31], $0x80  }
0x166: {  	[sflag:s31] =	ssyncset.done $0x0  }
0x167: {  	[sflag:s31] =	ssyncadd.s32 $0xFFFFFF80  }
0x168: {  	_ =	swait.ge [sflag:s31], $0x80  }
0x169: {  	[sflag:s31] =	ssyncset.done $0x0  }
0x16a: {  	[sflag:s31] =	ssyncadd.s32 $0xFFFFFF80  }
0x16b: {  	_ =	swait.ge [sflag:s31], $0x80  }
0x16c: {  	[sflag:s31] =	ssyncset.done $0x0  }
0x16d: {  	[sflag:s31] =	ssyncadd.s32 $0xFFFFFF80  }
0x16e: {  	_ =	swait.ge [sflag:s31], $0x80  }
0x16f: {  	[sflag:s31] =	ssyncset.done $0x0  }
0x170: {  	[sflag:s31] =	ssyncadd.s32 $0xFFFFFF80  }
0x171: {  	_ =	swait.ge [sflag:s31], $0x80  }
0x172: {  	[sflag:s31] =	ssyncset.done $0x0  }
0x173: {  	[sflag:s31] =	ssyncadd.s32 $0xFFFFFF80  }
0x174: {  	_ =	swait.ge [sflag:s31], $0x80  }
0x175: {  	[sflag:s31] =	ssyncset.done $0x0  }
0x176: {  	[sflag:s31] =	ssyncadd.s32 $0xFFFFFF80  }
0x177: {  	_ =	swait.ge [sflag:s31], $0x80  }
0x178: {  	[sflag:s31] =	ssyncset.done $0x0  }
0x179: {  	[sflag:s31] =	ssyncadd.s32 $0xFFFFFF80  }
0x17a: {  	_ =	swait.ge [sflag:s31], $0x80  }
0x17b: {  	[sflag:s31] =	ssyncset.done $0x0  }
0x17c: {  	[sflag:s31] =	ssyncadd.s32 $0xFFFFFF80  }
0x17d: {  	_ =	swait.ge [sflag:s31], $0x80  }
0x17e: {  	[sflag:s31] =	ssyncset.done $0x0  }
0x17f: {  	[sflag:s31] =	ssyncadd.s32 $0xFFFFFF80  }
0x180: {  	_ =	swait.ge [sflag:s31], $0x80  }
0x181: {  	[sflag:s31] =	ssyncset.done $0x0  }
0x182: {  	[sflag:s31] =	ssyncadd.s32 $0xFFFFFF80  }
0x183: {  	_ =	swait.ge [sflag:s31], $0x80  }
0x184: {  	[sflag:s31] =	ssyncset.done $0x0  }
0x185: {  	[sflag:s31] =	ssyncadd.s32 $0xFFFFFF80  }
0x186: {  	_ =	swait.ge [sflag:s31], $0x80  }
0x187: {  	[sflag:s31] =	ssyncset.done $0x0  }
0x188: {  	[sflag:s31] =	ssyncadd.s32 $0xFFFFFF80  }
0x189: {  	_ =	swait.ge [sflag:s31], $0x80  }
0x18a: {  	[sflag:s31] =	ssyncset.done $0x0  }
0x18b: {  	[sflag:s31] =	ssyncadd.s32 $0xFFFFFF80  }
0x18c: {  	_ =	swait.ge [sflag:s31], $0x80  }
0x18d: {  	[sflag:s31] =	ssyncset.done $0x0  }
0x18e: {  	[sflag:s31] =	ssyncadd.s32 $0xFFFFFF80  }
0x18f: {  	_ =	swait.ge [sflag:s31], $0x80  }
0x190: {  	[sflag:s31] =	ssyncset.done $0x0  }
0x191: {  	[sflag:s31] =	ssyncadd.s32 $0xFFFFFF80  }
0x192: {  	_ =	swait.ge [sflag:s31], $0x80  }
0x193: {  	[sflag:s31] =	ssyncset.done $0x0  }
0x194: {  	[sflag:s31] =	ssyncadd.s32 $0xFFFFFF80  }
0x195: {  	_ =	swait.ge [sflag:s31], $0x80  }
0x196: {  	[sflag:s31] =	ssyncset.done $0x0  }
0x197: {  	[sflag:s31] =	ssyncadd.s32 $0xFFFFFF80  }
0x198: {  	_ =	swait.ge [sflag:s31], $0x80  }
0x199: {  	[sflag:s31] =	ssyncset.done $0x0  }
0x19a: {  	[sflag:s31] =	ssyncadd.s32 $0xFFFFFF80  }
0x19b: {  	_ =	swait.ge [sflag:s31], $0x80  }
0x19c: {  	[sflag:s31] =	ssyncset.done $0x0  }
0x19d: {  	[sflag:s31] =	ssyncadd.s32 $0xFFFFFF80  }
0x19e: {  	_ =	swait.ge [sflag:s31], $0x80  }
0x19f: {  	[sflag:s31] =	ssyncset.done $0x0  }
0x1a0: {  	[sflag:s31] =	ssyncadd.s32 $0xFFFFFF80  }
0x1a1: {  	_ =	swait.ge [sflag:s31], $0x80  }
0x1a2: {  	[sflag:s31] =	ssyncset.done $0x0  }
0x1a3: {  	[sflag:s31] =	ssyncadd.s32 $0xFFFFFF80  }
0x1a4: {  	_ =	swait.ge [sflag:s31], $0x80  }
0x1a5: {  	[sflag:s31] =	ssyncset.done $0x0  }
0x1a6: {  	[sflag:s31] =	ssyncadd.s32 $0xFFFFFF80  }
0x1a7: {  	_ =	swait.ge [sflag:s31], $0x80  }
0x1a8: {  	[sflag:s31] =	ssyncset.done $0x0  }
0x1a9: {  	[sflag:s31] =	ssyncadd.s32 $0xFFFFFF80  }
0x1aa: {  	_ =	swait.ge [sflag:s31], $0x80  }
0x1ab: {  	[sflag:s31] =	ssyncset.done $0x0  }
0x1ac: {  	[sflag:s31] =	ssyncadd.s32 $0xFFFFFF80  }
0x1ad: {  	_ =	swait.ge [sflag:s31], $0x80  }
0x1ae: {  	[sflag:s31] =	ssyncset.done $0x0  }
0x1af: {  	[sflag:s31] =	ssyncadd.s32 $0xFFFFFF80  }
0x1b0: {  	_ =	swait.ge [sflag:s31], $0x80  }
0x1b1: {  	[sflag:s31] =	ssyncset.done $0x0  }
0x1b2: {  	[sflag:s31] =	ssyncadd.s32 $0xFFFFFF80  }
0x1b3: {  	_ =	swait.ge [sflag:s31], $0x80  }
0x1b4: {  	[sflag:s31] =	ssyncset.done $0x0  }
0x1b5: {  	[sflag:s31] =	ssyncadd.s32 $0xFFFFFF80  }
0x1b6: {  	_ =	swait.ge [sflag:s31], $0x80  }
0x1b7: {  	[sflag:s31] =	ssyncset.done $0x0  }
0x1b8: {  	[sflag:s31] =	ssyncadd.s32 $0xFFFFFF80  }
0x1b9: {  	_ =	swait.ge [sflag:s31], $0x80  }
0x1ba: {  	[sflag:s31] =	ssyncset.done $0x0  }
0x1bb: {  	[sflag:s31] =	ssyncadd.s32 $0xFFFFFF80  }
0x1bc: {  	_ =	swait.ge [sflag:s31], $0x80  }
0x1bd: {  	[sflag:s31] =	ssyncset.done $0x0  }
0x1be: {  	[sflag:s31] =	ssyncadd.s32 $0xFFFFFF80  }
0x1bf: {  	_ =	swait.ge [sflag:s31], $0x80  }
0x1c0: {  	[sflag:s31] =	ssyncset.done $0x0  }
0x1c1: {  	[sflag:s31] =	ssyncadd.s32 $0xFFFFFF80  }
0x1c2: {  	_ =	swait.ge [sflag:s31], $0x80  }
0x1c3: {  	[sflag:s31] =	ssyncset.done $0x0  }
0x1c4: {  	[sflag:s31] =	ssyncadd.s32 $0xFFFFFF80  }
0x1c5: {  	_ =	swait.ge [sflag:s31], $0x80  }
0x1c6: {  	[sflag:s31] =	ssyncset.done $0x0  }
0x1c7: {  	[sflag:s31] =	ssyncadd.s32 $0xFFFFFF80  }
0x1c8: {  	_ =	swait.ge [sflag:s31], $0x80  }
0x1c9: {  	[sflag:s31] =	ssyncset.done $0x0  }
0x1ca: {  	[sflag:s31] =	ssyncadd.s32 $0xFFFFFF80  }
0x1cb: {  	_ =	swait.ge [sflag:s31], $0x80  }
0x1cc: {  	[sflag:s31] =	ssyncset.done $0x0  }
0x1cd: {  	[sflag:s31] =	ssyncadd.s32 $0xFFFFFF80  }
0x1ce: {  	_ =	swait.ge [sflag:s31], $0x80  }
0x1cf: {  	[sflag:s31] =	ssyncset.done $0x0  }
0x1d0: {  	[sflag:s31] =	ssyncadd.s32 $0xFFFFFF80  }
0x1d1: {  	_ =	swait.ge [sflag:s31], $0x80  }
0x1d2: {  	[sflag:s31] =	ssyncset.done $0x0  }
0x1d3: {  	[sflag:s31] =	ssyncadd.s32 $0xFFFFFF80  }
0x1d4: {  	_ =	swait.ge [sflag:s31], $0x80  }
0x1d5: {  	[sflag:s31] =	ssyncset.done $0x0  }
0x1d6: {  	[sflag:s31] =	ssyncadd.s32 $0xFFFFFF80  }
0x1d7: {  	_ =	swait.ge [sflag:s31], $0x80  }
0x1d8: {  	[sflag:s31] =	ssyncset.done $0x0  }
0x1d9: {  	[sflag:s31] =	ssyncadd.s32 $0xFFFFFF80  }
0x1da: {  	_ =	swait.ge [sflag:s31], $0x80  }
0x1db: {  	[sflag:s31] =	ssyncset.done $0x0  }
0x1dc: {  	[sflag:s31] =	ssyncadd.s32 $0xFFFFFF80  }
0x1dd: {  	_ =	swait.ge [sflag:s31], $0x80  }
0x1de: {  	[sflag:s31] =	ssyncset.done $0x0  }
0x1df: {  	[sflag:s31] =	ssyncadd.s32 $0xFFFFFF80  }
0x1e0: {  	_ =	swait.ge [sflag:s31], $0x80  }
0x1e1: {  	[sflag:s31] =	ssyncset.done $0x0  }
0x1e2: {  	[sflag:s31] =	ssyncadd.s32 $0xFFFFFF80  }
0x1e3: {  	_ =	swait.ge [sflag:s31], $0x80  }
0x1e4: {  	[sflag:s31] =	ssyncset.done $0x0  }
0x1e5: {  	[sflag:s31] =	ssyncadd.s32 $0xFFFFFF80  }
0x1e6: {  	_ =	swait.ge [sflag:s31], $0x80  }
0x1e7: {  	[sflag:s31] =	ssyncset.done $0x0  }
0x1e8: {  	[sflag:s31] =	ssyncadd.s32 $0xFFFFFF80  }
0x1e9: {  	_ =	swait.ge [sflag:s31], $0x80  }
0x1ea: {  	[sflag:s31] =	ssyncset.done $0x0  }
0x1eb: {  	[sflag:s31] =	ssyncadd.s32 $0xFFFFFF80  }
0x1ec: {  	_ =	swait.ge [sflag:s31], $0x80  }
0x1ed: {  	[sflag:s31] =	ssyncset.done $0x0  }
0x1ee: {  	[sflag:s31] =	ssyncadd.s32 $0xFFFFFF80  }
0x1ef: {  	_ =	swait.ge [sflag:s31], $0x80  }
0x1f0: {  	[sflag:s31] =	ssyncset.done $0x0  }
0x1f1: {  	[sflag:s31] =	ssyncadd.s32 $0xFFFFFF80  }
0x1f2: {  	_ =	swait.ge [sflag:s31], $0x80  }
0x1f3: {  	[sflag:s31] =	ssyncset.done $0x0  }
0x1f4: {  	[sflag:s31] =	ssyncadd.s32 $0xFFFFFF80  }
0x1f5: {  	_ =	swait.ge [sflag:s31], $0x80  }
0x1f6: {  	[sflag:s31] =	ssyncset.done $0x0  }
0x1f7: {  	[sflag:s31] =	ssyncadd.s32 $0xFFFFFF80  }
0x1f8: {  	_ =	swait.ge [sflag:s31], $0x80  }
0x1f9: {  	[sflag:s31] =	ssyncset.done $0x0  }
0x1fa: {  	[sflag:s31] =	ssyncadd.s32 $0xFFFFFF80  }
0x1fb: {  	_ =	swait.ge [sflag:s31], $0x80  }
0x1fc: {  	[sflag:s31] =	ssyncset.done $0x0  }
0x1fd: {  	[sflag:s31] =	ssyncadd.s32 $0xFFFFFF80  }
0x1fe: {  	_ =	swait.ge [sflag:s31], $0x80  }
0x1ff: {  	[sflag:s31] =	ssyncset.done $0x0  }
0x200: {  	[sflag:s31] =	ssyncadd.s32 $0xFFFFFF80  }
0x201: {  	_ =	swait.ge [sflag:s31], $0x80  }
0x202: {  	[sflag:s31] =	ssyncset.done $0x0  }
0x203: {  	[sflag:s31] =	ssyncadd.s32 $0xFFFFFF80  }
0x204: {  	_ =	swait.ge [sflag:s31], $0x80  }
0x205: {  	[sflag:s31] =	ssyncset.done $0x0  }
0x206: {  	[sflag:s31] =	ssyncadd.s32 $0xFFFFFF80  }
0x207: {  	_ =	swait.ge [sflag:s31], $0x80  }
0x208: {  	[sflag:s31] =	ssyncset.done $0x0  }
0x209: {  	[sflag:s31] =	ssyncadd.s32 $0xFFFFFF80  }
0x20a: {  	_ =	swait.ge [sflag:s31], $0x80  }
0x20b: {  	[sflag:s31] =	ssyncset.done $0x0  }
0x20c: {  	[sflag:s31] =	ssyncadd.s32 $0xFFFFFF80  }
0x20d: {  	_ =	swait.ge [sflag:s31], $0x80  }
0x20e: {  	[sflag:s31] =	ssyncset.done $0x0  }
0x20f: {  	[sflag:s31] =	ssyncadd.s32 $0xFFFFFF80  }
0x210: {  	_ =	swait.ge [sflag:s31], $0x80  }
0x211: {  	[sflag:s31] =	ssyncset.done $0x0  }
0x212: {  	[sflag:s31] =	ssyncadd.s32 $0xFFFFFF80  }
0x213: {  	_ =	swait.ge [sflag:s31], $0x80  }
0x214: {  	[sflag:s31] =	ssyncset.done $0x0  }
0x215: {  	[sflag:s31] =	ssyncadd.s32 $0xFFFFFF80  }
0x216: {  	_ =	swait.ge [sflag:s31], $0x80  }
0x217: {  	[sflag:s31] =	ssyncset.done $0x0  }
0x218: {  	[sflag:s31] =	ssyncadd.s32 $0xFFFFFF80  }
0x219: {  	_ =	swait.ge [sflag:s31], $0x80  }
0x21a: {  	[sflag:s31] =	ssyncset.done $0x0  }
0x21b: {  	[sflag:s31] =	ssyncadd.s32 $0xFFFFFF80  }
0x21c: {  	_ =	swait.ge [sflag:s31], $0x80  }
0x21d: {  	[sflag:s31] =	ssyncset.done $0x0  }
0x21e: {  	[sflag:s31] =	ssyncadd.s32 $0xFFFFFF80  }
0x21f: {  	_ =	swait.ge [sflag:s31], $0x80  }
0x220: {  	[sflag:s31] =	ssyncset.done $0x0  }
0x221: {  	[sflag:s31] =	ssyncadd.s32 $0xFFFFFF80  }
0x222: {  	_ =	swait.ge [sflag:s31], $0x80  }
0x223: {  	[sflag:s31] =	ssyncset.done $0x0  }
0x224: {  	[sflag:s31] =	ssyncadd.s32 $0xFFFFFF80  }
0x225: {  	_ =	swait.ge [sflag:s31], $0x80  }
0x226: {  	[sflag:s31] =	ssyncset.done $0x0  }
0x227: {  	[sflag:s31] =	ssyncadd.s32 $0xFFFFFF80  }
0x228: {  	_ =	swait.ge [sflag:s31], $0x80  }
0x229: {  	[sflag:s31] =	ssyncset.done $0x0  }
0x22a: {  	s1 =	rddreg [dreg:$0x6];
	[sflag:s31] =	ssyncadd.s32 $0xFFFFFF80  }
0x22b: {  	[hbm4b:s1+s2] =	stream.linear.scatter [tilespmem:s25], [sflag:$0x2], $0x200, $0x38;
	[tilespmem:$0x2C00] =	vst v63  }
0x22c: {  	_ =	swait.ge [sflag:s22], $0x200  }
0x22d: {  	[sflag:s22] =	ssyncset.done $0x0  }
0x22e: {  	s1 =	rddreg [dreg:$0x7];
	[sflag:s22] =	ssyncadd.s32 $0xFFFFFE00  }
0x22f: {  	[hbm4b:s1+s2] =	stream.linear.scatter [tilespmem:s26], [sflag:$0x2], $0x200, $0x38;
	[tilespmem:$0x2C00] =	vst v63  }
0x230: {  	_ =	swait.ge [sflag:s22], $0x200  }
0x231: {  	[sflag:s22] =	ssyncset.done $0x0  }
0x232: {  	s1 =	simm.s32 $0xC00;
	s0 =	rddreg [dreg:$0x8];
	[sflag:s22] =	ssyncadd.s32 $0xFFFFFE00  }
0x233: {  	[hbm4b:s0+s2] =	stream.linear.scatter [tilespmem:s1], [sflag:$0x2], $0x200, $0x38;
	[tilespmem:$0x2C00] =	vst v63  }
0x234: {  	_ =	swait.ge [sflag:s22], $0x200  }
0x235: {  	[sflag:s22] =	ssyncset.done $0x0  }
0x236: {  	s1 =	simm.s32 $0xE00;
	s0 =	rddreg [dreg:$0x9];
	[sflag:s22] =	ssyncadd.s32 $0xFFFFFE00  }
0x237: {  	[hbm4b:s0+s2] =	stream.linear.scatter [tilespmem:s1], [sflag:$0x2], $0x200, $0x38;
	[tilespmem:$0x2C00] =	vst v63  }
0x238: {  	_ =	swait.ge [sflag:s22], $0x200  }
0x239: {  	[sflag:s22] =	ssyncset.done $0x0  }
0x23a: {  	s1 =	simm.s32 $0x1000;
	s0 =	rddreg [dreg:$0xa];
	[sflag:s22] =	ssyncadd.s32 $0xFFFFFE00  }
0x23b: {  	[hbm4b:s0+s2] =	stream.linear.scatter [tilespmem:s1], [sflag:$0x2], $0x200, $0x38;
	[tilespmem:$0x2C00] =	vst v63  }
0x23c: {  	_ =	swait.ge [sflag:s22], $0x200  }
0x23d: {  	[sflag:s22] =	ssyncset.done $0x0  }
0x23e: {  	s1 =	simm.s32 $0x1200;
	s0 =	rddreg [dreg:$0xb];
	[sflag:s22] =	ssyncadd.s32 $0xFFFFFE00  }
0x23f: {  	[hbm4b:s0+s2] =	stream.linear.scatter [tilespmem:s1], [sflag:$0x2], $0x200, $0x38;
	[tilespmem:$0x2C00] =	vst v63  }
0x240: {  	_ =	swait.ge [sflag:s22], $0x200  }
0x241: {  	[sflag:s22] =	ssyncset.done $0x0  }
0x242: {  	s1 =	simm.s32 $0x1400;
	s0 =	rddreg [dreg:$0xc];
	[sflag:s22] =	ssyncadd.s32 $0xFFFFFE00  }
0x243: {  	[hbm4b:s0+s2] =	stream.linear.scatter [tilespmem:s1], [sflag:$0x2], $0x200, $0x38;
	[tilespmem:$0x2C00] =	vst v63  }
0x244: {  	_ =	swait.ge [sflag:s22], $0x200  }
0x245: {  	[sflag:s22] =	ssyncset.done $0x0  }
0x246: {  	s1 =	simm.s32 $0x1600;
	s0 =	rddreg [dreg:$0xd];
	[sflag:s22] =	ssyncadd.s32 $0xFFFFFE00  }
0x247: {  	[hbm4b:s0+s2] =	stream.linear.scatter [tilespmem:s1], [sflag:$0x2], $0x200, $0x38;
	[tilespmem:$0x2C00] =	vst v63  }
0x248: {  	_ =	swait.ge [sflag:s22], $0x200  }
0x249: {  	[sflag:s22] =	ssyncset.done $0x0  }
0x24a: {  	s1 =	simm.s32 $0x1800;
	s0 =	rddreg [dreg:$0xe];
	[sflag:s22] =	ssyncadd.s32 $0xFFFFFE00  }
0x24b: {  	[hbm4b:s0+s2] =	stream.linear.scatter [tilespmem:s1], [sflag:$0x2], $0x200, $0x38;
	[tilespmem:$0x2C00] =	vst v63  }
0x24c: {  	_ =	swait.ge [sflag:s22], $0x200  }
0x24d: {  	[sflag:s22] =	ssyncset.done $0x0  }
0x24e: {  	s1 =	simm.s32 $0x1A00;
	s0 =	rddreg [dreg:$0xf];
	[sflag:s22] =	ssyncadd.s32 $0xFFFFFE00  }
0x24f: {  	[hbm4b:s0+s2] =	stream.linear.scatter [tilespmem:s1], [sflag:$0x2], $0x200, $0x38;
	[tilespmem:$0x2C00] =	vst v63  }
0x250: {  	_ =	swait.ge [sflag:s22], $0x200  }
0x251: {  	[sflag:s22] =	ssyncset.done $0x0  }
0x252: {  	s1 =	simm.s32 $0x1C00;
	s0 =	rddreg [dreg:$0x10];
	[sflag:s22] =	ssyncadd.s32 $0xFFFFFE00  }
0x253: {  	[hbm4b:s0+s2] =	stream.linear.scatter [tilespmem:s1], [sflag:$0x2], $0x200, $0x38;
	[tilespmem:$0x2C00] =	vst v63  }
0x254: {  	_ =	swait.ge [sflag:s22], $0x200  }
0x255: {  	[sflag:s22] =	ssyncset.done $0x0  }
0x256: {  	s1 =	simm.s32 $0x1E00;
	s0 =	rddreg [dreg:$0x11];
	[sflag:s22] =	ssyncadd.s32 $0xFFFFFE00  }
0x257: {  	[hbm4b:s0+s2] =	stream.linear.scatter [tilespmem:s1], [sflag:$0x2], $0x200, $0x38;
	[tilespmem:$0x2C00] =	vst v63  }
0x258: {  	_ =	swait.ge [sflag:s22], $0x200  }
0x259: {  	[sflag:s22] =	ssyncset.done $0x0  }
0x25a: {  	s1 =	simm.s32 $0x2000;
	s0 =	rddreg [dreg:$0x12];
	[sflag:s22] =	ssyncadd.s32 $0xFFFFFE00  }
0x25b: {  	[hbm4b:s0+s2] =	stream.linear.scatter [tilespmem:s1], [sflag:$0x2], $0x200, $0x38;
	[tilespmem:$0x2C00] =	vst v63  }
0x25c: {  	_ =	swait.ge [sflag:s22], $0x200  }
0x25d: {  	[sflag:s22] =	ssyncset.done $0x0  }
0x25e: {  	s1 =	simm.s32 $0x2200;
	s0 =	rddreg [dreg:$0x13];
	[sflag:s22] =	ssyncadd.s32 $0xFFFFFE00  }
0x25f: {  	[hbm4b:s0+s2] =	stream.linear.scatter [tilespmem:s1], [sflag:$0x2], $0x200, $0x38;
	[tilespmem:$0x2C00] =	vst v63  }
0x260: {  	_ =	swait.ge [sflag:s22], $0x200  }
0x261: {  	[sflag:s22] =	ssyncset.done $0x0  }
0x262: {  	s1 =	simm.s32 $0x2400;
	s0 =	rddreg [dreg:$0x14];
	[sflag:s22] =	ssyncadd.s32 $0xFFFFFE00  }
0x263: {  	[hbm4b:s0+s2] =	stream.linear.scatter [tilespmem:s1], [sflag:$0x2], $0x200, $0x38;
	[tilespmem:$0x2C00] =	vst v63  }
0x264: {  	_ =	swait.ge [sflag:s22], $0x200  }
0x265: {  	[sflag:s22] =	ssyncset.done $0x0  }
0x266: {  	s1 =	simm.s32 $0x2600;
	s0 =	rddreg [dreg:$0x15];
	[sflag:s22] =	ssyncadd.s32 $0xFFFFFE00  }
0x267: {  	[hbm4b:s0+s2] =	stream.linear.scatter [tilespmem:s1], [sflag:$0x2], $0x200, $0x38;
	[tilespmem:$0x2C00] =	vst v63  }
0x268: {  	_ =	swait.ge [sflag:s22], $0x200  }
0x269: {  	[sflag:s22] =	ssyncset.done $0x0  }
0x26a: {  	s1 =	simm.s32 $0x2800;
	s0 =	rddreg [dreg:$0x16];
	[sflag:s22] =	ssyncadd.s32 $0xFFFFFE00  }
0x26b: {  	[hbm4b:s0+s2] =	stream.linear.scatter [tilespmem:s1], [sflag:$0x2], $0x200, $0x38;
	[tilespmem:$0x2C00] =	vst v63  }
0x26c: {  	_ =	swait.ge [sflag:s22], $0x200  }
0x26d: {  	p0 =	sne.s32 s21, $0x1;
	s1 =	simm.s32 $0x2A00;
	[sflag:s22] =	ssyncset.done $0x0  }
.Ltmp0:
0x26e: {  	s0 =	rddreg [dreg:$0x17];
	[sflag:s22] =	ssyncadd.s32 $0xFFFFFE00;
	(pc) =	sbr.rel @p0 .LBB2_1-.Ltmp0, $4  }
0x26f: {  	[hbm4b:s0+s2] =	stream.linear.scatter [tilespmem:s1], [sflag:$0x2], $0x200, $0x38;
	[tilespmem:$0x2C00] =	vst v63  }
0x270: {  	_ =	swait.ge [sflag:s22], $0x200  }
0x271: {  	[sflag:s22] =	ssyncset.done $0x0  }
0x272: {  	s21 =	sadd.s32 $0xFFFFFFFF, s21;
	[sflag:s22] =	ssyncadd.s32 $0xFFFFFE00  }
0x273: {  	_ =	sfence.sel $0x180000  }
0x274: {  	[bflag:$0x0] =	sbarrier.arrive $0xFFFF  }
0x275: {  	_ =	strace $0x90000047  }
0x276: {  	s0 =	stileid.u32;
	[bflag:$0x2] =	sbarrier.arrive $0xFFFF  }
0x277: {  	p0 =	sne.s32 s0, $0x0;
	s0 =	rddreg [dreg:$0x2]  }
0x278: {  	s0 =	sadd.s32 @!p0 $0x100000, s0  }
0x279: {  	[sflag:s0] =	ssyncadd.tile.s32 @!p0 $0x1;
	_ =	shalt  }
.Lfunc_end2:
_tile_overlayer_lowered:
.L_overlay_start_2:
0x27a: {  	(tag) =	ssettag $0x2  }
0x27b: {  	s0 =	rddreg [dreg:$0x0];
	s2 =	stileid.u32  }
0x27c: {  	s1 =	rddreg [dreg:$0x1];
	p0 =	sne.s32 s2, $0x0  }
0x27d: {  	s3 =	rddreg [dreg:$0x2];
	[bflag:$0x3] =	sbarrier.arrive $0xFFFF;
	s2 =	simm.s32 @!p0 $0x1C02  }
0x27e: {  	[timem:s3], [sflag:s2] =	dma.local @!p0 [hbm:s0], s1  }
0x27f: {  	s0 =	simm.s32 @!p0 $0x2  }
0x280: {  	_ =	swait.ge @!p0 [sflag:s0], s1  }
0x281: {  	s1 =	ssub.s32 @!p0 $0x0, s1;
	[sflag:s0] =	ssyncset.done @!p0 $0x0  }
0x282: {  	[sflag:s0] =	ssyncadd.s32 @!p0 s1  }
0x283: {  	[bflag:$0x3] =	sbarrier.arrive $0xFFFF  }
0x284: {  	_ =	shalt  }

</sc_bundles>
